<compile_context>
chip_gen: v7x
topology: tpu7x:2x2x1
jax: 0.10.2.dev20260603
libtpu: 0.0.44.dev20260713+nightly
codegen_flags: <defaults>
</compile_context>

<pallas_src>
import functools

import jax
import jax.numpy as jnp
from jax import lax
from jax.experimental import pallas as pl
from jax.experimental.pallas import tpu as pltpu
from jax.experimental.pallas import tpu_sc as plsc

N = 16384
H = 64
HH = 32
NNZ = 2684354
NS = 16
SE = 512
RPT = 1312
NSTEP = RPT * 128 // SE
NNZ_PAD = NS * RPT * 128
RT_OUT = N // NS
BLK = 1024


def _interleave_half(yb, lo):
    a = yb[:, lo:lo + HH // 2]
    b = yb[:, lo + HH // 2:lo + HH]
    return jnp.stack([a, b], axis=-1).reshape(yb.shape[0], HH)


def _theta_diff_body(p_ref, lp_ref, w2t_ref, w3t_ref, bd_ref, out_ref):
    y = (
        jnp.dot(p_ref[...], w2t_ref[...], preferred_element_type=jnp.float32)
        - jnp.dot(lp_ref[...], w3t_ref[...], preferred_element_type=jnp.float32)
        + bd_ref[...]
    )
    yb = y.astype(jnp.bfloat16)
    out_ref[0] = _interleave_half(yb, 0)
    out_ref[1] = _interleave_half(yb, HH)


def _theta_diff(primal, last_primal, w2t, w3t, bd):
    return pl.pallas_call(
        _theta_diff_body,
        grid=(N // BLK,),
        in_specs=[
            pl.BlockSpec((BLK, H), lambda i: (i, 0)),
            pl.BlockSpec((BLK, H), lambda i: (i, 0)),
            pl.BlockSpec((H, H), lambda i: (0, 0)),
            pl.BlockSpec((H, H), lambda i: (0, 0)),
            pl.BlockSpec((1, H), lambda i: (0, 0)),
        ],
        out_specs=pl.BlockSpec((2, BLK, HH), lambda i: (0, i, 0)),
        out_shape=jax.ShapeDtypeStruct((2, N, HH), jnp.bfloat16),
    )(primal, last_primal, w2t, w3t, bd)


def _final_body(d_ref, rhs_ref, sp_ref, w1t_ref, b1_ref, sig_ref, out_ref):
    y = (
        jnp.dot(d_ref[...], w1t_ref[...], preferred_element_type=jnp.float32)
        + b1_ref[...]
    )
    s = jnp.concatenate([sp_ref[0], sp_ref[1]], axis=1)
    y = y + sig_ref[0] * (s - rhs_ref[...])
    out_ref[...] = jnp.where(y >= 0, y, 0.01 * y)


def _final(dual, rhs, spmm2, w1t, b1, sig):
    return pl.pallas_call(
        _final_body,
        grid=(N // BLK,),
        in_specs=[
            pl.BlockSpec((BLK, H), lambda i: (i, 0)),
            pl.BlockSpec((BLK, H), lambda i: (i, 0)),
            pl.BlockSpec((2, BLK, HH), lambda i: (0, i, 0)),
            pl.BlockSpec((H, H), lambda i: (0, 0)),
            pl.BlockSpec((1, H), lambda i: (0, 0)),
            pl.BlockSpec(memory_space=pltpu.SMEM),
        ],
        out_specs=pl.BlockSpec((BLK, H), lambda i: (i, 0)),
        out_shape=jax.ShapeDtypeStruct((N, H), jnp.float32),
    )(dual, rhs, spmm2, w1t, b1, sig)


def _sc_spmm_body(
    xs_hbm, cols_hbm, rows_hbm, vals_hbm, out_hbm,
    xs_sh, acc_sh, gb0, gb1, t_v, cols_v, rows_v, vals_v, gsem, ssem, isem,
):
    c = lax.axis_index("c")
    s = lax.axis_index("s")
    row0 = s * RT_OUT

    pltpu.sync_copy(
        xs_hbm.at[c, pl.ds(row0, RT_OUT)], xs_sh.at[pl.ds(row0, RT_OUT)]
    )

    zeros16 = jnp.zeros((16,), jnp.float32)

    def _zero_row(r, carry):
        t_v[r, pl.ds(0, 16)] = zeros16
        t_v[r, pl.ds(16, 16)] = zeros16
        return carry

    lax.fori_loop(0, SE, _zero_row, 0)
    for k in range(RT_OUT // SE):
        pltpu.sync_copy(t_v, acc_sh.at[pl.ds(row0 + k * SE, SE)])
    plsc.subcore_barrier()

    i_consts = [jnp.full((16,), i, jnp.int32) for i in range(16)]

    def _idx_copies(m, par):
        return (
            pltpu.make_async_copy(cols_hbm.at[s, m], cols_v.at[par], isem),
            pltpu.make_async_copy(rows_hbm.at[s, m], rows_v.at[par], isem),
            pltpu.make_async_copy(vals_hbm.at[s, m], vals_v.at[par], isem),
        )

    def _step(src_gb, dst_gb, m, par, drain_pred, fire_pred):
        @pl.when(drain_pred)
        def _drain_scatter():
            pltpu.make_async_copy(
                t_v, acc_sh.at[rows_v.at[1 - par]], ssem
            ).wait()

        @pl.when(fire_pred)
        def _fire_idx():
            for cp in _idx_copies(m + 1, 1 - par):
                cp.start()

        pltpu.make_async_copy(
            xs_sh.at[cols_v.at[par]], src_gb, gsem
        ).wait()

        vrow = vals_v.at[par]

        @plsc.parallel_loop(0, SE // 16, 1, unroll=2)
        def _mul16(k, vrow=vrow):
            ev = jnp.full((16,), k * 16, jnp.int32)
            for i in range(16):
                e = k * 16 + i
                vb = plsc.load_gather(vrow, [ev + i_consts[i]])
                g = src_gb[e, pl.ds(0, HH)]
                a, b = plsc.unpack(g, format=plsc.PackFormat.INTERLEAVED)
                t_v[e, pl.ds(0, 16)] = a * vb
                t_v[e, pl.ds(16, 16)] = b * vb

        pltpu.async_copy(t_v, acc_sh.at[rows_v.at[par]], ssem, add=True)

        @pl.when(fire_pred)
        def _fire_gather():
            for cp in _idx_copies(m + 1, 1 - par):
                cp.wait()
            pltpu.async_copy(xs_sh.at[cols_v.at[1 - par]], dst_gb, gsem)

    for cp in _idx_copies(0, 0):
        cp.start()
    for cp in _idx_copies(0, 0):
        cp.wait()
    pltpu.async_copy(xs_sh.at[cols_v.at[0]], gb0, gsem)

    true_p = jnp.bool_(True)

    def _two_steps(m2, carry):
        m = m2 * 2
        _step(gb0, gb1, m, 0, m2 > 0, true_p)
        _step(gb1, gb0, m + 1, 1, true_p, m + 2 < NSTEP)
        return carry

    lax.fori_loop(0, NSTEP // 2, _two_steps, 0)
    pltpu.make_async_copy(t_v, acc_sh.at[rows_v.at[1]], ssem).wait()

    plsc.subcore_barrier()
    pltpu.sync_copy(
        acc_sh.at[pl.ds(row0, RT_OUT)], out_hbm.at[c, pl.ds(row0, RT_OUT)]
    )


@functools.cache
def _sc_spmm():
    return pl.kernel(
        _sc_spmm_body,
        out_type=jax.ShapeDtypeStruct((2, N, HH), jnp.float32),
        mesh=plsc.VectorSubcoreMesh(core_axis_name="c", subcore_axis_name="s"),
        compiler_params=pltpu.CompilerParams(
            needs_layout_passes=False, use_tc_tiling_on_sc=False
        ),
        scratch_types=[
            pltpu.VMEM_SHARED((N, HH), jnp.bfloat16),
            pltpu.VMEM_SHARED((N, HH), jnp.float32),
            pltpu.VMEM((SE, HH), jnp.bfloat16),
            pltpu.VMEM((SE, HH), jnp.bfloat16),
            pltpu.VMEM((SE, HH), jnp.float32),
            pltpu.VMEM((2, SE), jnp.int32),
            pltpu.VMEM((2, SE), jnp.int32),
            pltpu.VMEM((2, SE), jnp.float32),
            pltpu.SemaphoreType.DMA,
            pltpu.SemaphoreType.DMA,
            pltpu.SemaphoreType.DMA,
        ],
    )


def kernel(primal, last_primal, dual, cons_indices, cons_values,
           right_hand_side, W1, b1, W2, b2, W3, b3, sigma):
    rows = cons_indices[0]
    cols = cons_indices[1]
    pad = NNZ_PAD - NNZ
    cols3 = jnp.pad(cols, (0, pad)).reshape(NS, NSTEP, SE)
    rows3 = jnp.pad(rows, (0, pad)).reshape(NS, NSTEP, SE)
    vals3 = jnp.pad(cons_values, (0, pad)).reshape(NS, NSTEP, SE)

    xs = _theta_diff(primal, last_primal, W2.T, W3.T, (b2 - b3).reshape(1, H))
    spmm2 = _sc_spmm()(xs, cols3, rows3, vals3)
    return _final(
        dual, right_hand_side, spmm2, W1.T, b1.reshape(1, H), sigma.reshape(1)
    )

# --- scband reference (transcript-rebuilt; emitter-appended) ---
"""Pipeline reference for scband-sub-dual-net-90142773608473 (READ-ONLY COPY).

The authoritative reference and input builder live on the scoring server;
editing this copy changes nothing except your own understanding.
"""

import jax, jax.numpy as jnp
import numpy as np

N = 16384
NNZ = 2684354
H = 64


def setup_inputs(seed: int = 0) -> dict:
    key = jax.random.key(seed)
    ks = jax.random.split(key, 13)
    primal = jax.random.normal(ks[0], (N, H), dtype=jnp.float32)
    last_primal = jax.random.normal(ks[1], (N, H), dtype=jnp.float32)
    dual = jax.random.normal(ks[2], (N, H), dtype=jnp.float32)
    cons_indices = jax.random.randint(ks[3], (2, NNZ), 0, N, dtype=jnp.int32)
    cons_values = jax.random.normal(ks[4], (NNZ,), dtype=jnp.float32)
    right_hand_side = jax.random.normal(ks[5], (N, H), dtype=jnp.float32)
    s = 1.0 / np.sqrt(H)
    W1 = jax.random.uniform(ks[6], (H, H), minval=-s, maxval=s, dtype=jnp.float32)
    b1 = jax.random.uniform(ks[7], (H,), minval=-s, maxval=s, dtype=jnp.float32)
    W2 = jax.random.uniform(ks[8], (H, H), minval=-s, maxval=s, dtype=jnp.float32)
    b2 = jax.random.uniform(ks[9], (H,), minval=-s, maxval=s, dtype=jnp.float32)
    W3 = jax.random.uniform(ks[10], (H, H), minval=-s, maxval=s, dtype=jnp.float32)
    b3 = jax.random.uniform(ks[11], (H,), minval=-s, maxval=s, dtype=jnp.float32)
    sigma = jnp.array(2.0, dtype=jnp.float32)
    return {
        "primal": primal,
        "last_primal": last_primal,
        "dual": dual,
        "cons_indices": cons_indices,
        "cons_values": cons_values,
        "right_hand_side": right_hand_side,
        "W1": W1, "b1": b1,
        "W2": W2, "b2": b2,
        "W3": W3, "b3": b3,
        "sigma": sigma,
    }


def reference(primal, last_primal, dual, cons_indices, cons_values, right_hand_side,
              W1, b1, W2, b2, W3, b3, sigma):
    rows = cons_indices[0]
    cols = cons_indices[1]
    # Theta2(primal) - Theta3(last_primal)
    x = (primal @ W2.T + b2) - (last_primal @ W3.T + b3)
    # torch.sparse.mm(cons_matrix, x): COO spmm via gather + scatter-add
    gathered = cons_values[:, None] * jnp.take(x, cols, axis=0)
    spmm = jnp.zeros((right_hand_side.shape[0], x.shape[1]), dtype=x.dtype).at[rows].add(gathered)
    d = dual @ W1.T + b1
    out = jax.nn.leaky_relu(d + sigma * (spmm - right_hand_side), negative_slope=0.01)
    return out

if __name__ == "__main__":
    import jax
    _d = setup_inputs()
    print(jax.jit(kernel)(*tuple(_d.values())))

</pallas_src>

<mosaic_0001>
#map = affine_map<(d0, d1) -> (0, 0, 0)>
module attributes {stable_mosaic.version = 14 : i64} {
  func.func @_sc_spmm_body(%arg0: i32, %arg1: i32, %arg2: memref<2x16384x32xbf16, #tpu.memory_space<hbm>>, %arg3: memref<16x328x512xi32, #tpu.memory_space<hbm>>, %arg4: memref<16x328x512xi32, #tpu.memory_space<hbm>>, %arg5: memref<16x328x512xf32, #tpu.memory_space<hbm>>, %arg6: memref<2x16384x32xf32, #tpu.memory_space<hbm>>, %arg7: memref<16384x32xbf16, #tpu.memory_space<vmem_shared>>, %arg8: memref<16384x32xf32, #tpu.memory_space<vmem_shared>>, %arg9: memref<512x32xbf16, #tpu.memory_space<vmem>>, %arg10: memref<512x32xbf16, #tpu.memory_space<vmem>>, %arg11: memref<512x32xf32, #tpu.memory_space<vmem>>, %arg12: memref<2x512xi32, #tpu.memory_space<vmem>>, %arg13: memref<2x512xi32, #tpu.memory_space<vmem>>, %arg14: memref<2x512xf32, #tpu.memory_space<vmem>>, %arg15: memref<!tpu.dma_semaphore, #tpu.memory_space<semaphore_mem>>, %arg16: memref<!tpu.dma_semaphore, #tpu.memory_space<semaphore_mem>>, %arg17: memref<!tpu.dma_semaphore, #tpu.memory_space<semaphore_mem>>) attributes {dimension_semantics = [#tpu.dimension_semantics<core_parallel>, #tpu.dimension_semantics<subcore_parallel>], iteration_bounds = array<i64: 2, 16>, scalar_prefetch = 0 : i64, scratch_operands = 11 : i64, tpu.core_type = #tpu.core_type<sc_vector_subcore>, window_params = [{transform_indices = #map}, {transform_indices = #map}, {transform_indices = #map}, {transform_indices = #map}, {transform_indices = #map}]} {
    %mul3A = arith.constant 1024 : i32
    %mul3A_0 = arith.muli %arg1, %mul3A : i32
    "tpu.region"() ({
      %run_scoped3A = tpu.sem_alloc : memref<!tpu.dma_semaphore, #tpu.memory_space<semaphore_mem>>
      %dma_start3A_146 = arith.constant 0 : i32
      %dma_start3A_147 = tpu.memref_slice %arg7[%mul3A_0, %dma_start3A_146] : memref<16384x32xbf16, #tpu.memory_space<vmem_shared>> -> memref<1024x32xbf16, #tpu.memory_space<vmem_shared>>
      %dma_start3A_148 = arith.constant 0 : i32
      %dma_start3A_149 = tpu.memref_slice %arg2[%arg0, %mul3A_0, %dma_start3A_148] : memref<2x16384x32xbf16, #tpu.memory_space<hbm>> -> memref<1x1024x32xbf16, #tpu.memory_space<hbm>>
      %dma_start3A_150 = tpu.memref_squeeze %dma_start3A_149 : memref<1x1024x32xbf16, #tpu.memory_space<hbm>> -> memref<1024x32xbf16, #tpu.memory_space<hbm>>
      tpu.enqueue_dma source(%dma_start3A_150 : memref<1024x32xbf16, #tpu.memory_space<hbm>>) target(%dma_start3A_147 : memref<1024x32xbf16, #tpu.memory_space<vmem_shared>>) target_semaphore(%run_scoped3A : memref<!tpu.dma_semaphore, #tpu.memory_space<semaphore_mem>>)
      %dma_wait3A_151 = arith.constant 0 : i32
      %dma_wait3A_152 = tpu.memref_slice %arg7[%mul3A_0, %dma_wait3A_151] : memref<16384x32xbf16, #tpu.memory_space<vmem_shared>> -> memref<1024x32xbf16, #tpu.memory_space<vmem_shared>>
      %dma_wait3A_153 = arith.constant 0 : i32
      %dma_wait3A_154 = tpu.memref_slice %arg2[%arg0, %mul3A_0, %dma_wait3A_153] : memref<2x16384x32xbf16, #tpu.memory_space<hbm>> -> memref<1x1024x32xbf16, #tpu.memory_space<hbm>>
      %dma_wait3A_155 = tpu.memref_squeeze %dma_wait3A_154 : memref<1x1024x32xbf16, #tpu.memory_space<hbm>> -> memref<1024x32xbf16, #tpu.memory_space<hbm>>
      tpu.wait_dma2 semaphore(%run_scoped3A : memref<!tpu.dma_semaphore, #tpu.memory_space<semaphore_mem>>) src(%dma_wait3A_155 : memref<1024x32xbf16, #tpu.memory_space<hbm>>) dst(%dma_wait3A_152 : memref<1024x32xbf16, #tpu.memory_space<vmem_shared>>)
      tpu.yield
    }) : () -> ()
    %broadcast_in_dim3A = arith.constant 0.000000e+00 : f32
    %broadcast_in_dim3A_1 = vector.broadcast %broadcast_in_dim3A : f32 to vector<16xf32>
    %scan3A = arith.constant 0 : i32
    %scan3A_2 = arith.constant 0 : i32
    %scan3A_3 = arith.constant 512 : i32
    %scan3A_4 = arith.addi %scan3A_2, %scan3A_3 : i32
    %scan3A_5 = arith.constant 1 : i32
    scf.for %scan3A_146 = %scan3A_2 to %scan3A_4 step %scan3A_5  : i32 {
      %swap3A = arith.index_cast %scan3A_146 : i32 to index
      %swap3A_147 = arith.constant 0 : index
      %swap3A_148 = tpu.vector_load %arg11[%swap3A, %swap3A_147] {strides = array<i32>} : memref<512x32xf32, #tpu.memory_space<vmem>>, vector<16xf32>,
      tpu.vector_store %arg11[%swap3A, %swap3A_147], %broadcast_in_dim3A_1 {strides = array<i32>} : memref<512x32xf32, #tpu.memory_space<vmem>>, vector<16xf32>,
      %swap3A_149 = arith.index_cast %scan3A_146 : i32 to index
      %swap3A_150 = arith.constant 16 : index
      %swap3A_151 = tpu.vector_load %arg11[%swap3A_149, %swap3A_150] {strides = array<i32>} : memref<512x32xf32, #tpu.memory_space<vmem>>, vector<16xf32>,
      tpu.vector_store %arg11[%swap3A_149, %swap3A_150], %broadcast_in_dim3A_1 {strides = array<i32>} : memref<512x32xf32, #tpu.memory_space<vmem>>, vector<16xf32>,
    }
    %scan3A_6 = arith.constant 512 : i32
    %add3A = arith.constant 0 : i32
    %add3A_7 = arith.addi %mul3A_0, %add3A : i32
    "tpu.region"() ({
      %run_scoped3A = tpu.sem_alloc : memref<!tpu.dma_semaphore, #tpu.memory_space<semaphore_mem>>
      %dma_start3A_146 = arith.constant 0 : i32
      %dma_start3A_147 = tpu.memref_slice %arg8[%add3A_7, %dma_start3A_146] : memref<16384x32xf32, #tpu.memory_space<vmem_shared>> -> memref<512x32xf32, #tpu.memory_space<vmem_shared>>
      %dma_start3A_148 = arith.constant 0 : i32
      %dma_start3A_149 = tpu.memref_slice %arg8[%add3A_7, %dma_start3A_148] : memref<16384x32xf32, #tpu.memory_space<vmem_shared>> -> memref<512x32xf32, #tpu.memory_space<vmem_shared>>
      tpu.enqueue_dma source(%arg11 : memref<512x32xf32, #tpu.memory_space<vmem>>) target(%dma_start3A_149 : memref<512x32xf32, #tpu.memory_space<vmem_shared>>) target_semaphore(%run_scoped3A : memref<!tpu.dma_semaphore, #tpu.memory_space<semaphore_mem>>)
      %dma_wait3A_150 = arith.constant 0 : i32
      %dma_wait3A_151 = tpu.memref_slice %arg8[%add3A_7, %dma_wait3A_150] : memref<16384x32xf32, #tpu.memory_space<vmem_shared>> -> memref<512x32xf32, #tpu.memory_space<vmem_shared>>
      %dma_wait3A_152 = arith.constant 0 : i32
      %dma_wait3A_153 = tpu.memref_slice %arg8[%add3A_7, %dma_wait3A_152] : memref<16384x32xf32, #tpu.memory_space<vmem_shared>> -> memref<512x32xf32, #tpu.memory_space<vmem_shared>>
      tpu.wait_dma2 semaphore(%run_scoped3A : memref<!tpu.dma_semaphore, #tpu.memory_space<semaphore_mem>>) src(%arg11 : memref<512x32xf32, #tpu.memory_space<vmem>>) dst(%dma_wait3A_153 : memref<512x32xf32, #tpu.memory_space<vmem_shared>>)
      tpu.yield
    }) : () -> ()
    %add3A_8 = arith.constant 512 : i32
    %add3A_9 = arith.addi %mul3A_0, %add3A_8 : i32
    "tpu.region"() ({
      %run_scoped3A = tpu.sem_alloc : memref<!tpu.dma_semaphore, #tpu.memory_space<semaphore_mem>>
      %dma_start3A_146 = arith.constant 0 : i32
      %dma_start3A_147 = tpu.memref_slice %arg8[%add3A_9, %dma_start3A_146] : memref<16384x32xf32, #tpu.memory_space<vmem_shared>> -> memref<512x32xf32, #tpu.memory_space<vmem_shared>>
      %dma_start3A_148 = arith.constant 0 : i32
      %dma_start3A_149 = tpu.memref_slice %arg8[%add3A_9, %dma_start3A_148] : memref<16384x32xf32, #tpu.memory_space<vmem_shared>> -> memref<512x32xf32, #tpu.memory_space<vmem_shared>>
      tpu.enqueue_dma source(%arg11 : memref<512x32xf32, #tpu.memory_space<vmem>>) target(%dma_start3A_149 : memref<512x32xf32, #tpu.memory_space<vmem_shared>>) target_semaphore(%run_scoped3A : memref<!tpu.dma_semaphore, #tpu.memory_space<semaphore_mem>>)
      %dma_wait3A_150 = arith.constant 0 : i32
      %dma_wait3A_151 = tpu.memref_slice %arg8[%add3A_9, %dma_wait3A_150] : memref<16384x32xf32, #tpu.memory_space<vmem_shared>> -> memref<512x32xf32, #tpu.memory_space<vmem_shared>>
      %dma_wait3A_152 = arith.constant 0 : i32
      %dma_wait3A_153 = tpu.memref_slice %arg8[%add3A_9, %dma_wait3A_152] : memref<16384x32xf32, #tpu.memory_space<vmem_shared>> -> memref<512x32xf32, #tpu.memory_space<vmem_shared>>
      tpu.wait_dma2 semaphore(%run_scoped3A : memref<!tpu.dma_semaphore, #tpu.memory_space<semaphore_mem>>) src(%arg11 : memref<512x32xf32, #tpu.memory_space<vmem>>) dst(%dma_wait3A_153 : memref<512x32xf32, #tpu.memory_space<vmem_shared>>)
      tpu.yield
    }) : () -> ()
    %barrier3A = arith.constant 0 : index
    tpu.barrier barrier_id(%barrier3A)
    %broadcast_in_dim3A_10 = arith.constant 0 : i32
    %broadcast_in_dim3A_11 = vector.broadcast %broadcast_in_dim3A_10 : i32 to vector<16xi32>
    %broadcast_in_dim3A_12 = arith.constant 1 : i32
    %broadcast_in_dim3A_13 = vector.broadcast %broadcast_in_dim3A_12 : i32 to vector<16xi32>
    %broadcast_in_dim3A_14 = arith.constant 2 : i32
    %broadcast_in_dim3A_15 = vector.broadcast %broadcast_in_dim3A_14 : i32 to vector<16xi32>
    %broadcast_in_dim3A_16 = arith.constant 3 : i32
    %broadcast_in_dim3A_17 = vector.broadcast %broadcast_in_dim3A_16 : i32 to vector<16xi32>
    %broadcast_in_dim3A_18 = arith.constant 4 : i32
    %broadcast_in_dim3A_19 = vector.broadcast %broadcast_in_dim3A_18 : i32 to vector<16xi32>
    %broadcast_in_dim3A_20 = arith.constant 5 : i32
    %broadcast_in_dim3A_21 = vector.broadcast %broadcast_in_dim3A_20 : i32 to vector<16xi32>
    %broadcast_in_dim3A_22 = arith.constant 6 : i32
    %broadcast_in_dim3A_23 = vector.broadcast %broadcast_in_dim3A_22 : i32 to vector<16xi32>
    %broadcast_in_dim3A_24 = arith.constant 7 : i32
    %broadcast_in_dim3A_25 = vector.broadcast %broadcast_in_dim3A_24 : i32 to vector<16xi32>
    %broadcast_in_dim3A_26 = arith.constant 8 : i32
    %broadcast_in_dim3A_27 = vector.broadcast %broadcast_in_dim3A_26 : i32 to vector<16xi32>
    %broadcast_in_dim3A_28 = arith.constant 9 : i32
    %broadcast_in_dim3A_29 = vector.broadcast %broadcast_in_dim3A_28 : i32 to vector<16xi32>
    %broadcast_in_dim3A_30 = arith.constant 10 : i32
    %broadcast_in_dim3A_31 = vector.broadcast %broadcast_in_dim3A_30 : i32 to vector<16xi32>
    %broadcast_in_dim3A_32 = arith.constant 11 : i32
    %broadcast_in_dim3A_33 = vector.broadcast %broadcast_in_dim3A_32 : i32 to vector<16xi32>
    %broadcast_in_dim3A_34 = arith.constant 12 : i32
    %broadcast_in_dim3A_35 = vector.broadcast %broadcast_in_dim3A_34 : i32 to vector<16xi32>
    %broadcast_in_dim3A_36 = arith.constant 13 : i32
    %broadcast_in_dim3A_37 = vector.broadcast %broadcast_in_dim3A_36 : i32 to vector<16xi32>
    %broadcast_in_dim3A_38 = arith.constant 14 : i32
    %broadcast_in_dim3A_39 = vector.broadcast %broadcast_in_dim3A_38 : i32 to vector<16xi32>
    %broadcast_in_dim3A_40 = arith.constant 15 : i32
    %broadcast_in_dim3A_41 = vector.broadcast %broadcast_in_dim3A_40 : i32 to vector<16xi32>
    %dma_start3A = arith.constant 0 : i32
    %dma_start3A_42 = arith.constant 0 : i32
    %dma_start3A_43 = arith.constant 0 : i32
    %dma_start3A_44 = tpu.memref_slice %arg12[%dma_start3A_42, %dma_start3A_43] : memref<2x512xi32, #tpu.memory_space<vmem>> -> memref<1x512xi32, #tpu.memory_space<vmem>>
    %dma_start3A_45 = tpu.memref_squeeze %dma_start3A_44 : memref<1x512xi32, #tpu.memory_space<vmem>> -> memref<512xi32, #tpu.memory_space<vmem>>
    %dma_start3A_46 = arith.constant 0 : i32
    %dma_start3A_47 = tpu.memref_slice %arg3[%arg1, %dma_start3A, %dma_start3A_46] : memref<16x328x512xi32, #tpu.memory_space<hbm>> -> memref<1x1x512xi32, #tpu.memory_space<hbm>>
    %dma_start3A_48 = tpu.memref_squeeze %dma_start3A_47 : memref<1x1x512xi32, #tpu.memory_space<hbm>> -> memref<512xi32, #tpu.memory_space<hbm>>
    %dma_start3A_49 = arith.constant 0 : i32
    %dma_start3A_50 = tpu.memref_slice %arg12[%dma_start3A_42, %dma_start3A_49] : memref<2x512xi32, #tpu.memory_space<vmem>> -> memref<1x512xi32, #tpu.memory_space<vmem>>
    %dma_start3A_51 = tpu.memref_squeeze %dma_start3A_50 : memref<1x512xi32, #tpu.memory_space<vmem>> -> memref<512xi32, #tpu.memory_space<vmem>>
    %dma_start3A_52 = arith.constant 0 : i32
    %dma_start3A_53 = tpu.memref_slice %arg3[%arg1, %dma_start3A, %dma_start3A_52] : memref<16x328x512xi32, #tpu.memory_space<hbm>> -> memref<1x1x512xi32, #tpu.memory_space<hbm>>
    %dma_start3A_54 = tpu.memref_squeeze %dma_start3A_53 : memref<1x1x512xi32, #tpu.memory_space<hbm>> -> memref<512xi32, #tpu.memory_space<hbm>>
    tpu.enqueue_dma source(%dma_start3A_54 : memref<512xi32, #tpu.memory_space<hbm>>) target(%dma_start3A_51 : memref<512xi32, #tpu.memory_space<vmem>>) target_semaphore(%arg17 : memref<!tpu.dma_semaphore, #tpu.memory_space<semaphore_mem>>)
    %dma_start3A_55 = arith.constant 0 : i32
    %dma_start3A_56 = arith.constant 0 : i32
    %dma_start3A_57 = arith.constant 0 : i32
    %dma_start3A_58 = tpu.memref_slice %arg13[%dma_start3A_56, %dma_start3A_57] : memref<2x512xi32, #tpu.memory_space<vmem>> -> memref<1x512xi32, #tpu.memory_space<vmem>>
    %dma_start3A_59 = tpu.memref_squeeze %dma_start3A_58 : memref<1x512xi32, #tpu.memory_space<vmem>> -> memref<512xi32, #tpu.memory_space<vmem>>
    %dma_start3A_60 = arith.constant 0 : i32
    %dma_start3A_61 = tpu.memref_slice %arg4[%arg1, %dma_start3A_55, %dma_start3A_60] : memref<16x328x512xi32, #tpu.memory_space<hbm>> -> memref<1x1x512xi32, #tpu.memory_space<hbm>>
    %dma_start3A_62 = tpu.memref_squeeze %dma_start3A_61 : memref<1x1x512xi32, #tpu.memory_space<hbm>> -> memref<512xi32, #tpu.memory_space<hbm>>
    %dma_start3A_63 = arith.constant 0 : i32
    %dma_start3A_64 = tpu.memref_slice %arg13[%dma_start3A_56, %dma_start3A_63] : memref<2x512xi32, #tpu.memory_space<vmem>> -> memref<1x512xi32, #tpu.memory_space<vmem>>
    %dma_start3A_65 = tpu.memref_squeeze %dma_start3A_64 : memref<1x512xi32, #tpu.memory_space<vmem>> -> memref<512xi32, #tpu.memory_space<vmem>>
    %dma_start3A_66 = arith.constant 0 : i32
    %dma_start3A_67 = tpu.memref_slice %arg4[%arg1, %dma_start3A_55, %dma_start3A_66] : memref<16x328x512xi32, #tpu.memory_space<hbm>> -> memref<1x1x512xi32, #tpu.memory_space<hbm>>
    %dma_start3A_68 = tpu.memref_squeeze %dma_start3A_67 : memref<1x1x512xi32, #tpu.memory_space<hbm>> -> memref<512xi32, #tpu.memory_space<hbm>>
    tpu.enqueue_dma source(%dma_start3A_68 : memref<512xi32, #tpu.memory_space<hbm>>) target(%dma_start3A_65 : memref<512xi32, #tpu.memory_space<vmem>>) target_semaphore(%arg17 : memref<!tpu.dma_semaphore, #tpu.memory_space<semaphore_mem>>)
    %dma_start3A_69 = arith.constant 0 : i32
    %dma_start3A_70 = arith.constant 0 : i32
    %dma_start3A_71 = arith.constant 0 : i32
    %dma_start3A_72 = tpu.memref_slice %arg14[%dma_start3A_70, %dma_start3A_71] : memref<2x512xf32, #tpu.memory_space<vmem>> -> memref<1x512xf32, #tpu.memory_space<vmem>>
    %dma_start3A_73 = tpu.memref_squeeze %dma_start3A_72 : memref<1x512xf32, #tpu.memory_space<vmem>> -> memref<512xf32, #tpu.memory_space<vmem>>
    %dma_start3A_74 = arith.constant 0 : i32
    %dma_start3A_75 = tpu.memref_slice %arg5[%arg1, %dma_start3A_69, %dma_start3A_74] : memref<16x328x512xf32, #tpu.memory_space<hbm>> -> memref<1x1x512xf32, #tpu.memory_space<hbm>>
    %dma_start3A_76 = tpu.memref_squeeze %dma_start3A_75 : memref<1x1x512xf32, #tpu.memory_space<hbm>> -> memref<512xf32, #tpu.memory_space<hbm>>
    %dma_start3A_77 = arith.constant 0 : i32
    %dma_start3A_78 = tpu.memref_slice %arg14[%dma_start3A_70, %dma_start3A_77] : memref<2x512xf32, #tpu.memory_space<vmem>> -> memref<1x512xf32, #tpu.memory_space<vmem>>
    %dma_start3A_79 = tpu.memref_squeeze %dma_start3A_78 : memref<1x512xf32, #tpu.memory_space<vmem>> -> memref<512xf32, #tpu.memory_space<vmem>>
    %dma_start3A_80 = arith.constant 0 : i32
    %dma_start3A_81 = tpu.memref_slice %arg5[%arg1, %dma_start3A_69, %dma_start3A_80] : memref<16x328x512xf32, #tpu.memory_space<hbm>> -> memref<1x1x512xf32, #tpu.memory_space<hbm>>
    %dma_start3A_82 = tpu.memref_squeeze %dma_start3A_81 : memref<1x1x512xf32, #tpu.memory_space<hbm>> -> memref<512xf32, #tpu.memory_space<hbm>>
    tpu.enqueue_dma source(%dma_start3A_82 : memref<512xf32, #tpu.memory_space<hbm>>) target(%dma_start3A_79 : memref<512xf32, #tpu.memory_space<vmem>>) target_semaphore(%arg17 : memref<!tpu.dma_semaphore, #tpu.memory_space<semaphore_mem>>)
    %dma_wait3A = arith.constant 0 : i32
    %dma_wait3A_83 = arith.constant 0 : i32
    %dma_wait3A_84 = arith.constant 0 : i32
    %dma_wait3A_85 = tpu.memref_slice %arg12[%dma_wait3A_83, %dma_wait3A_84] : memref<2x512xi32, #tpu.memory_space<vmem>> -> memref<1x512xi32, #tpu.memory_space<vmem>>
    %dma_wait3A_86 = tpu.memref_squeeze %dma_wait3A_85 : memref<1x512xi32, #tpu.memory_space<vmem>> -> memref<512xi32, #tpu.memory_space<vmem>>
    %dma_wait3A_87 = arith.constant 0 : i32
    %dma_wait3A_88 = tpu.memref_slice %arg3[%arg1, %dma_wait3A, %dma_wait3A_87] : memref<16x328x512xi32, #tpu.memory_space<hbm>> -> memref<1x1x512xi32, #tpu.memory_space<hbm>>
    %dma_wait3A_89 = tpu.memref_squeeze %dma_wait3A_88 : memref<1x1x512xi32, #tpu.memory_space<hbm>> -> memref<512xi32, #tpu.memory_space<hbm>>
    %dma_wait3A_90 = arith.constant 0 : i32
    %dma_wait3A_91 = tpu.memref_slice %arg12[%dma_wait3A_83, %dma_wait3A_90] : memref<2x512xi32, #tpu.memory_space<vmem>> -> memref<1x512xi32, #tpu.memory_space<vmem>>
    %dma_wait3A_92 = tpu.memref_squeeze %dma_wait3A_91 : memref<1x512xi32, #tpu.memory_space<vmem>> -> memref<512xi32, #tpu.memory_space<vmem>>
    %dma_wait3A_93 = arith.constant 0 : i32
    %dma_wait3A_94 = tpu.memref_slice %arg3[%arg1, %dma_wait3A, %dma_wait3A_93] : memref<16x328x512xi32, #tpu.memory_space<hbm>> -> memref<1x1x512xi32, #tpu.memory_space<hbm>>
    %dma_wait3A_95 = tpu.memref_squeeze %dma_wait3A_94 : memref<1x1x512xi32, #tpu.memory_space<hbm>> -> memref<512xi32, #tpu.memory_space<hbm>>
    tpu.wait_dma2 semaphore(%arg17 : memref<!tpu.dma_semaphore, #tpu.memory_space<semaphore_mem>>) src(%dma_wait3A_95 : memref<512xi32, #tpu.memory_space<hbm>>) dst(%dma_wait3A_92 : memref<512xi32, #tpu.memory_space<vmem>>)
    %dma_wait3A_96 = arith.constant 0 : i32
    %dma_wait3A_97 = arith.constant 0 : i32
    %dma_wait3A_98 = arith.constant 0 : i32
    %dma_wait3A_99 = tpu.memref_slice %arg13[%dma_wait3A_97, %dma_wait3A_98] : memref<2x512xi32, #tpu.memory_space<vmem>> -> memref<1x512xi32, #tpu.memory_space<vmem>>
    %dma_wait3A_100 = tpu.memref_squeeze %dma_wait3A_99 : memref<1x512xi32, #tpu.memory_space<vmem>> -> memref<512xi32, #tpu.memory_space<vmem>>
    %dma_wait3A_101 = arith.constant 0 : i32
    %dma_wait3A_102 = tpu.memref_slice %arg4[%arg1, %dma_wait3A_96, %dma_wait3A_101] : memref<16x328x512xi32, #tpu.memory_space<hbm>> -> memref<1x1x512xi32, #tpu.memory_space<hbm>>
    %dma_wait3A_103 = tpu.memref_squeeze %dma_wait3A_102 : memref<1x1x512xi32, #tpu.memory_space<hbm>> -> memref<512xi32, #tpu.memory_space<hbm>>
    %dma_wait3A_104 = arith.constant 0 : i32
    %dma_wait3A_105 = tpu.memref_slice %arg13[%dma_wait3A_97, %dma_wait3A_104] : memref<2x512xi32, #tpu.memory_space<vmem>> -> memref<1x512xi32, #tpu.memory_space<vmem>>
    %dma_wait3A_106 = tpu.memref_squeeze %dma_wait3A_105 : memref<1x512xi32, #tpu.memory_space<vmem>> -> memref<512xi32, #tpu.memory_space<vmem>>
    %dma_wait3A_107 = arith.constant 0 : i32
    %dma_wait3A_108 = tpu.memref_slice %arg4[%arg1, %dma_wait3A_96, %dma_wait3A_107] : memref<16x328x512xi32, #tpu.memory_space<hbm>> -> memref<1x1x512xi32, #tpu.memory_space<hbm>>
    %dma_wait3A_109 = tpu.memref_squeeze %dma_wait3A_108 : memref<1x1x512xi32, #tpu.memory_space<hbm>> -> memref<512xi32, #tpu.memory_space<hbm>>
    tpu.wait_dma2 semaphore(%arg17 : memref<!tpu.dma_semaphore, #tpu.memory_space<semaphore_mem>>) src(%dma_wait3A_109 : memref<512xi32, #tpu.memory_space<hbm>>) dst(%dma_wait3A_106 : memref<512xi32, #tpu.memory_space<vmem>>)
    %dma_wait3A_110 = arith.constant 0 : i32
    %dma_wait3A_111 = arith.constant 0 : i32
    %dma_wait3A_112 = arith.constant 0 : i32
    %dma_wait3A_113 = tpu.memref_slice %arg14[%dma_wait3A_111, %dma_wait3A_112] : memref<2x512xf32, #tpu.memory_space<vmem>> -> memref<1x512xf32, #tpu.memory_space<vmem>>
    %dma_wait3A_114 = tpu.memref_squeeze %dma_wait3A_113 : memref<1x512xf32, #tpu.memory_space<vmem>> -> memref<512xf32, #tpu.memory_space<vmem>>
    %dma_wait3A_115 = arith.constant 0 : i32
    %dma_wait3A_116 = tpu.memref_slice %arg5[%arg1, %dma_wait3A_110, %dma_wait3A_115] : memref<16x328x512xf32, #tpu.memory_space<hbm>> -> memref<1x1x512xf32, #tpu.memory_space<hbm>>
    %dma_wait3A_117 = tpu.memref_squeeze %dma_wait3A_116 : memref<1x1x512xf32, #tpu.memory_space<hbm>> -> memref<512xf32, #tpu.memory_space<hbm>>
    %dma_wait3A_118 = arith.constant 0 : i32
    %dma_wait3A_119 = tpu.memref_slice %arg14[%dma_wait3A_111, %dma_wait3A_118] : memref<2x512xf32, #tpu.memory_space<vmem>> -> memref<1x512xf32, #tpu.memory_space<vmem>>
    %dma_wait3A_120 = tpu.memref_squeeze %dma_wait3A_119 : memref<1x512xf32, #tpu.memory_space<vmem>> -> memref<512xf32, #tpu.memory_space<vmem>>
    %dma_wait3A_121 = arith.constant 0 : i32
    %dma_wait3A_122 = tpu.memref_slice %arg5[%arg1, %dma_wait3A_110, %dma_wait3A_121] : memref<16x328x512xf32, #tpu.memory_space<hbm>> -> memref<1x1x512xf32, #tpu.memory_space<hbm>>
    %dma_wait3A_123 = tpu.memref_squeeze %dma_wait3A_122 : memref<1x1x512xf32, #tpu.memory_space<hbm>> -> memref<512xf32, #tpu.memory_space<hbm>>
    tpu.wait_dma2 semaphore(%arg17 : memref<!tpu.dma_semaphore, #tpu.memory_space<semaphore_mem>>) src(%dma_wait3A_123 : memref<512xf32, #tpu.memory_space<hbm>>) dst(%dma_wait3A_120 : memref<512xf32, #tpu.memory_space<vmem>>)
    %dma_start3A_124 = arith.constant 0 : i32
    %dma_start3A_125 = arith.constant 0 : i32
    %dma_start3A_126 = tpu.memref_slice %arg12[%dma_start3A_124, %dma_start3A_125] : memref<2x512xi32, #tpu.memory_space<vmem>> -> memref<1x512xi32, #tpu.memory_space<vmem>>
    %dma_start3A_127 = tpu.memref_squeeze %dma_start3A_126 : memref<1x512xi32, #tpu.memory_space<vmem>> -> memref<512xi32, #tpu.memory_space<vmem>>
    %dma_start3A_128 = arith.constant 0 : i32
    %dma_start3A_129 = arith.constant 0 : i32
    %dma_start3A_130 = tpu.memref_slice %arg7[%dma_start3A_128, %dma_start3A_129] : memref<16384x32xbf16, #tpu.memory_space<vmem_shared>> -> memref<16384x32xbf16, #tpu.memory_space<vmem_shared>>
    tpu.enqueue_indirect_dma source(%dma_start3A_130 : memref<16384x32xbf16, #tpu.memory_space<vmem_shared>>) target(%arg9 : memref<512x32xbf16, #tpu.memory_space<vmem>>) offsets(%dma_start3A_127 : memref<512xi32, #tpu.memory_space<vmem>>) semaphore(%arg15 : memref<!tpu.dma_semaphore, #tpu.memory_space<semaphore_mem>>)
    %scan3A_131 = arith.constant 0 : i32
    %scan3A_132 = arith.constant true
    %scan3A_133 = arith.constant 0 : i32
    %scan3A_134 = arith.constant 164 : i32
    %scan3A_135 = arith.addi %scan3A_133, %scan3A_134 : i32
    %scan3A_136 = arith.constant 1 : i32
    scf.for %scan3A_146 = %scan3A_133 to %scan3A_135 step %scan3A_136  : i32 {
      %mul3A_147 = arith.constant 2 : i32
      %mul3A_148 = arith.muli %scan3A_146, %mul3A_147 : i32
      %gt3A = arith.constant 0 : i32
      %gt3A_149 = arith.cmpi sgt, %scan3A_146, %gt3A : i32
      %convert_element_type3A = arith.extui %gt3A_149 : i1 to i32
      %cond3A = arith.constant 0 : i32
      %cond3A_150 = arith.cmpi ne, %convert_element_type3A, %cond3A : i32
      scf.if %cond3A_150 {
        %dma_wait3A_206 = arith.constant 1 : i32
        %dma_wait3A_207 = arith.constant 0 : i32
        %dma_wait3A_208 = tpu.memref_slice %arg13[%dma_wait3A_206, %dma_wait3A_207] : memref<2x512xi32, #tpu.memory_space<vmem>> -> memref<1x512xi32, #tpu.memory_space<vmem>>
        %dma_wait3A_209 = tpu.memref_squeeze %dma_wait3A_208 : memref<1x512xi32, #tpu.memory_space<vmem>> -> memref<512xi32, #tpu.memory_space<vmem>>
        %dma_wait3A_210 = arith.constant 0 : i32
        %dma_wait3A_211 = arith.constant 0 : i32
        %dma_wait3A_212 = tpu.memref_slice %arg8[%dma_wait3A_210, %dma_wait3A_211] : memref<16384x32xf32, #tpu.memory_space<vmem_shared>> -> memref<16384x32xf32, #tpu.memory_space<vmem_shared>>
        tpu.wait_indirect_dma semaphore(%arg16 : memref<!tpu.dma_semaphore, #tpu.memory_space<semaphore_mem>>) src(%arg11 : memref<512x32xf32, #tpu.memory_space<vmem>>) dst(%dma_wait3A_212 : memref<16384x32xf32, #tpu.memory_space<vmem_shared>>)
      } else {
      }
      %convert_element_type3A_151 = arith.extui %scan3A_132 : i1 to i32
      %cond3A_152 = arith.constant 0 : i32
      %cond3A_153 = arith.cmpi ne, %convert_element_type3A_151, %cond3A_152 : i32
      scf.if %cond3A_153 {
        %add3A_206 = arith.constant 1 : i32
        %add3A_207 = arith.addi %mul3A_148, %add3A_206 : i32
        %dma_start3A_208 = arith.constant 1 : i32
        %dma_start3A_209 = arith.constant 0 : i32
        %dma_start3A_210 = tpu.memref_slice %arg12[%dma_start3A_208, %dma_start3A_209] : memref<2x512xi32, #tpu.memory_space<vmem>> -> memref<1x512xi32, #tpu.memory_space<vmem>>
        %dma_start3A_211 = tpu.memref_squeeze %dma_start3A_210 : memref<1x512xi32, #tpu.memory_space<vmem>> -> memref<512xi32, #tpu.memory_space<vmem>>
        %dma_start3A_212 = arith.constant 0 : i32
        %dma_start3A_213 = tpu.memref_slice %arg3[%arg1, %add3A_207, %dma_start3A_212] : memref<16x328x512xi32, #tpu.memory_space<hbm>> -> memref<1x1x512xi32, #tpu.memory_space<hbm>>
        %dma_start3A_214 = tpu.memref_squeeze %dma_start3A_213 : memref<1x1x512xi32, #tpu.memory_space<hbm>> -> memref<512xi32, #tpu.memory_space<hbm>>
        %dma_start3A_215 = arith.constant 0 : i32
        %dma_start3A_216 = tpu.memref_slice %arg12[%dma_start3A_208, %dma_start3A_215] : memref<2x512xi32, #tpu.memory_space<vmem>> -> memref<1x512xi32, #tpu.memory_space<vmem>>
        %dma_start3A_217 = tpu.memref_squeeze %dma_start3A_216 : memref<1x512xi32, #tpu.memory_space<vmem>> -> memref<512xi32, #tpu.memory_space<vmem>>
        %dma_start3A_218 = arith.constant 0 : i32
        %dma_start3A_219 = tpu.memref_slice %arg3[%arg1, %add3A_207, %dma_start3A_218] : memref<16x328x512xi32, #tpu.memory_space<hbm>> -> memref<1x1x512xi32, #tpu.memory_space<hbm>>
        %dma_start3A_220 = tpu.memref_squeeze %dma_start3A_219 : memref<1x1x512xi32, #tpu.memory_space<hbm>> -> memref<512xi32, #tpu.memory_space<hbm>>
        tpu.enqueue_dma source(%dma_start3A_220 : memref<512xi32, #tpu.memory_space<hbm>>) target(%dma_start3A_217 : memref<512xi32, #tpu.memory_space<vmem>>) target_semaphore(%arg17 : memref<!tpu.dma_semaphore, #tpu.memory_space<semaphore_mem>>)
        %dma_start3A_221 = arith.constant 1 : i32
        %dma_start3A_222 = arith.constant 0 : i32
        %dma_start3A_223 = tpu.memref_slice %arg13[%dma_start3A_221, %dma_start3A_222] : memref<2x512xi32, #tpu.memory_space<vmem>> -> memref<1x512xi32, #tpu.memory_space<vmem>>
        %dma_start3A_224 = tpu.memref_squeeze %dma_start3A_223 : memref<1x512xi32, #tpu.memory_space<vmem>> -> memref<512xi32, #tpu.memory_space<vmem>>
        %dma_start3A_225 = arith.constant 0 : i32
        %dma_start3A_226 = tpu.memref_slice %arg4[%arg1, %add3A_207, %dma_start3A_225] : memref<16x328x512xi32, #tpu.memory_space<hbm>> -> memref<1x1x512xi32, #tpu.memory_space<hbm>>
        %dma_start3A_227 = tpu.memref_squeeze %dma_start3A_226 : memref<1x1x512xi32, #tpu.memory_space<hbm>> -> memref<512xi32, #tpu.memory_space<hbm>>
        %dma_start3A_228 = arith.constant 0 : i32
        %dma_start3A_229 = tpu.memref_slice %arg13[%dma_start3A_221, %dma_start3A_228] : memref<2x512xi32, #tpu.memory_space<vmem>> -> memref<1x512xi32, #tpu.memory_space<vmem>>
        %dma_start3A_230 = tpu.memref_squeeze %dma_start3A_229 : memref<1x512xi32, #tpu.memory_space<vmem>> -> memref<512xi32, #tpu.memory_space<vmem>>
        %dma_start3A_231 = arith.constant 0 : i32
        %dma_start3A_232 = tpu.memref_slice %arg4[%arg1, %add3A_207, %dma_start3A_231] : memref<16x328x512xi32, #tpu.memory_space<hbm>> -> memref<1x1x512xi32, #tpu.memory_space<hbm>>
        %dma_start3A_233 = tpu.memref_squeeze %dma_start3A_232 : memref<1x1x512xi32, #tpu.memory_space<hbm>> -> memref<512xi32, #tpu.memory_space<hbm>>
        tpu.enqueue_dma source(%dma_start3A_233 : memref<512xi32, #tpu.memory_space<hbm>>) target(%dma_start3A_230 : memref<512xi32, #tpu.memory_space<vmem>>) target_semaphore(%arg17 : memref<!tpu.dma_semaphore, #tpu.memory_space<semaphore_mem>>)
        %dma_start3A_234 = arith.constant 1 : i32
        %dma_start3A_235 = arith.constant 0 : i32
        %dma_start3A_236 = tpu.memref_slice %arg14[%dma_start3A_234, %dma_start3A_235] : memref<2x512xf32, #tpu.memory_space<vmem>> -> memref<1x512xf32, #tpu.memory_space<vmem>>
        %dma_start3A_237 = tpu.memref_squeeze %dma_start3A_236 : memref<1x512xf32, #tpu.memory_space<vmem>> -> memref<512xf32, #tpu.memory_space<vmem>>
        %dma_start3A_238 = arith.constant 0 : i32
        %dma_start3A_239 = tpu.memref_slice %arg5[%arg1, %add3A_207, %dma_start3A_238] : memref<16x328x512xf32, #tpu.memory_space<hbm>> -> memref<1x1x512xf32, #tpu.memory_space<hbm>>
        %dma_start3A_240 = tpu.memref_squeeze %dma_start3A_239 : memref<1x1x512xf32, #tpu.memory_space<hbm>> -> memref<512xf32, #tpu.memory_space<hbm>>
        %dma_start3A_241 = arith.constant 0 : i32
        %dma_start3A_242 = tpu.memref_slice %arg14[%dma_start3A_234, %dma_start3A_241] : memref<2x512xf32, #tpu.memory_space<vmem>> -> memref<1x512xf32, #tpu.memory_space<vmem>>
        %dma_start3A_243 = tpu.memref_squeeze %dma_start3A_242 : memref<1x512xf32, #tpu.memory_space<vmem>> -> memref<512xf32, #tpu.memory_space<vmem>>
        %dma_start3A_244 = arith.constant 0 : i32
        %dma_start3A_245 = tpu.memref_slice %arg5[%arg1, %add3A_207, %dma_start3A_244] : memref<16x328x512xf32, #tpu.memory_space<hbm>> -> memref<1x1x512xf32, #tpu.memory_space<hbm>>
        %dma_start3A_246 = tpu.memref_squeeze %dma_start3A_245 : memref<1x1x512xf32, #tpu.memory_space<hbm>> -> memref<512xf32, #tpu.memory_space<hbm>>
        tpu.enqueue_dma source(%dma_start3A_246 : memref<512xf32, #tpu.memory_space<hbm>>) target(%dma_start3A_243 : memref<512xf32, #tpu.memory_space<vmem>>) target_semaphore(%arg17 : memref<!tpu.dma_semaphore, #tpu.memory_space<semaphore_mem>>)
      } else {
      }
      %dma_wait3A_154 = arith.constant 0 : i32
      %dma_wait3A_155 = arith.constant 0 : i32
      %dma_wait3A_156 = tpu.memref_slice %arg12[%dma_wait3A_154, %dma_wait3A_155] : memref<2x512xi32, #tpu.memory_space<vmem>> -> memref<1x512xi32, #tpu.memory_space<vmem>>
      %dma_wait3A_157 = tpu.memref_squeeze %dma_wait3A_156 : memref<1x512xi32, #tpu.memory_space<vmem>> -> memref<512xi32, #tpu.memory_space<vmem>>
      %dma_wait3A_158 = arith.constant 0 : i32
      %dma_wait3A_159 = arith.constant 0 : i32
      %dma_wait3A_160 = tpu.memref_slice %arg7[%dma_wait3A_158, %dma_wait3A_159] : memref<16384x32xbf16, #tpu.memory_space<vmem_shared>> -> memref<16384x32xbf16, #tpu.memory_space<vmem_shared>>
      tpu.wait_indirect_dma semaphore(%arg15 : memref<!tpu.dma_semaphore, #tpu.memory_space<semaphore_mem>>) src(%dma_wait3A_160 : memref<16384x32xbf16, #tpu.memory_space<vmem_shared>>) dst(%arg9 : memref<512x32xbf16, #tpu.memory_space<vmem>>)
      %parallel_loop3A = arith.constant 0 : i32
      %parallel_loop3A_161 = arith.constant 32 : i32
      %parallel_loop3A_162 = arith.constant 1 : i32
      %parallel_loop3A_163 = arith.constant 0 : i32
      scf.for %parallel_loop3A_206 = %parallel_loop3A to %parallel_loop3A_161 step %parallel_loop3A_162  : i32 {
        %parallel_loop3A_207 = arith.constant 16 : i32
        %parallel_loop3A_208 = arith.muli %parallel_loop3A_206, %parallel_loop3A_207 : i32
        %parallel_loop3A_209 = vector.broadcast %parallel_loop3A_208 : i32 to vector<16xi32>
        %parallel_loop3A_210 = arith.constant 16 : i32
        %parallel_loop3A_211 = arith.muli %parallel_loop3A_206, %parallel_loop3A_210 : i32
        %parallel_loop3A_212 = arith.constant 0 : i32
        %parallel_loop3A_213 = arith.addi %parallel_loop3A_211, %parallel_loop3A_212 : i32
        %parallel_loop3A_214 = arith.addi %parallel_loop3A_209, %broadcast_in_dim3A_11 : vector<16xi32>
        %parallel_loop3A_215 = arith.constant 0 : i32
        %parallel_loop3A_216 = tpu.memref_slice %arg14[%parallel_loop3A_163, %parallel_loop3A_215] : memref<2x512xf32, #tpu.memory_space<vmem>> -> memref<1x512xf32, #tpu.memory_space<vmem>>
        %parallel_loop3A_217 = tpu.memref_squeeze %parallel_loop3A_216 : memref<1x512xf32, #tpu.memory_space<vmem>> -> memref<512xf32, #tpu.memory_space<vmem>>
        %parallel_loop3A_218 = tpu.vector_load_idx %parallel_loop3A_217[%parallel_loop3A_214] : memref<512xf32, #tpu.memory_space<vmem>>[vector<16xi32>], vector<16xf32>,
        %parallel_loop3A_219 = arith.index_cast %parallel_loop3A_213 : i32 to index
        %parallel_loop3A_220 = arith.constant 0 : index
        %parallel_loop3A_221 = tpu.vector_load %arg9[%parallel_loop3A_219, %parallel_loop3A_220] {strides = array<i32>} : memref<512x32xbf16, #tpu.memory_space<vmem>>, vector<32xbf16>,
        %parallel_loop3A_222 = tpu.unpack_subelements %parallel_loop3A_221, 0 {pack_format = #tpu.pack_format<interleaved>} : vector<32xbf16> -> vector<16xf32>
        %parallel_loop3A_223 = tpu.unpack_subelements %parallel_loop3A_221, 1 {pack_format = #tpu.pack_format<interleaved>} : vector<32xbf16> -> vector<16xf32>
        %parallel_loop3A_224 = arith.mulf %parallel_loop3A_222, %parallel_loop3A_218 : vector<16xf32>
        %parallel_loop3A_225 = arith.index_cast %parallel_loop3A_213 : i32 to index
        %parallel_loop3A_226 = arith.constant 0 : index
        %parallel_loop3A_227 = tpu.vector_load %arg11[%parallel_loop3A_225, %parallel_loop3A_226] {strides = array<i32>} : memref<512x32xf32, #tpu.memory_space<vmem>>, vector<16xf32>,
        tpu.vector_store %arg11[%parallel_loop3A_225, %parallel_loop3A_226], %parallel_loop3A_224 {strides = array<i32>} : memref<512x32xf32, #tpu.memory_space<vmem>>, vector<16xf32>,
        %parallel_loop3A_228 = arith.mulf %parallel_loop3A_223, %parallel_loop3A_218 : vector<16xf32>
        %parallel_loop3A_229 = arith.index_cast %parallel_loop3A_213 : i32 to index
        %parallel_loop3A_230 = arith.constant 16 : index
        %parallel_loop3A_231 = tpu.vector_load %arg11[%parallel_loop3A_229, %parallel_loop3A_230] {strides = array<i32>} : memref<512x32xf32, #tpu.memory_space<vmem>>, vector<16xf32>,
        tpu.vector_store %arg11[%parallel_loop3A_229, %parallel_loop3A_230], %parallel_loop3A_228 {strides = array<i32>} : memref<512x32xf32, #tpu.memory_space<vmem>>, vector<16xf32>,
        %parallel_loop3A_232 = arith.constant 16 : i32
        %parallel_loop3A_233 = arith.muli %parallel_loop3A_206, %parallel_loop3A_232 : i32
        %parallel_loop3A_234 = arith.constant 1 : i32
        %parallel_loop3A_235 = arith.addi %parallel_loop3A_233, %parallel_loop3A_234 : i32
        %parallel_loop3A_236 = arith.addi %parallel_loop3A_209, %broadcast_in_dim3A_13 : vector<16xi32>
        %parallel_loop3A_237 = arith.constant 0 : i32
        %parallel_loop3A_238 = tpu.memref_slice %arg14[%parallel_loop3A_163, %parallel_loop3A_237] : memref<2x512xf32, #tpu.memory_space<vmem>> -> memref<1x512xf32, #tpu.memory_space<vmem>>
        %parallel_loop3A_239 = tpu.memref_squeeze %parallel_loop3A_238 : memref<1x512xf32, #tpu.memory_space<vmem>> -> memref<512xf32, #tpu.memory_space<vmem>>
        %parallel_loop3A_240 = tpu.vector_load_idx %parallel_loop3A_239[%parallel_loop3A_236] : memref<512xf32, #tpu.memory_space<vmem>>[vector<16xi32>], vector<16xf32>,
        %parallel_loop3A_241 = arith.index_cast %parallel_loop3A_235 : i32 to index
        %parallel_loop3A_242 = arith.constant 0 : index
        %parallel_loop3A_243 = tpu.vector_load %arg9[%parallel_loop3A_241, %parallel_loop3A_242] {strides = array<i32>} : memref<512x32xbf16, #tpu.memory_space<vmem>>, vector<32xbf16>,
        %parallel_loop3A_244 = tpu.unpack_subelements %parallel_loop3A_243, 0 {pack_format = #tpu.pack_format<interleaved>} : vector<32xbf16> -> vector<16xf32>
        %parallel_loop3A_245 = tpu.unpack_subelements %parallel_loop3A_243, 1 {pack_format = #tpu.pack_format<interleaved>} : vector<32xbf16> -> vector<16xf32>
        %parallel_loop3A_246 = arith.mulf %parallel_loop3A_244, %parallel_loop3A_240 : vector<16xf32>
        %parallel_loop3A_247 = arith.index_cast %parallel_loop3A_235 : i32 to index
        %parallel_loop3A_248 = arith.constant 0 : index
        %parallel_loop3A_249 = tpu.vector_load %arg11[%parallel_loop3A_247, %parallel_loop3A_248] {strides = array<i32>} : memref<512x32xf32, #tpu.memory_space<vmem>>, vector<16xf32>,
        tpu.vector_store %arg11[%parallel_loop3A_247, %parallel_loop3A_248], %parallel_loop3A_246 {strides = array<i32>} : memref<512x32xf32, #tpu.memory_space<vmem>>, vector<16xf32>,
        %parallel_loop3A_250 = arith.mulf %parallel_loop3A_245, %parallel_loop3A_240 : vector<16xf32>
        %parallel_loop3A_251 = arith.index_cast %parallel_loop3A_235 : i32 to index
        %parallel_loop3A_252 = arith.constant 16 : index
        %parallel_loop3A_253 = tpu.vector_load %arg11[%parallel_loop3A_251, %parallel_loop3A_252] {strides = array<i32>} : memref<512x32xf32, #tpu.memory_space<vmem>>, vector<16xf32>,
        tpu.vector_store %arg11[%parallel_loop3A_251, %parallel_loop3A_252], %parallel_loop3A_250 {strides = array<i32>} : memref<512x32xf32, #tpu.memory_space<vmem>>, vector<16xf32>,
        %parallel_loop3A_254 = arith.constant 16 : i32
        %parallel_loop3A_255 = arith.muli %parallel_loop3A_206, %parallel_loop3A_254 : i32
        %parallel_loop3A_256 = arith.constant 2 : i32
        %parallel_loop3A_257 = arith.addi %parallel_loop3A_255, %parallel_loop3A_256 : i32
        %parallel_loop3A_258 = arith.addi %parallel_loop3A_209, %broadcast_in_dim3A_15 : vector<16xi32>
        %parallel_loop3A_259 = arith.constant 0 : i32
        %parallel_loop3A_260 = tpu.memref_slice %arg14[%parallel_loop3A_163, %parallel_loop3A_259] : memref<2x512xf32, #tpu.memory_space<vmem>> -> memref<1x512xf32, #tpu.memory_space<vmem>>
        %parallel_loop3A_261 = tpu.memref_squeeze %parallel_loop3A_260 : memref<1x512xf32, #tpu.memory_space<vmem>> -> memref<512xf32, #tpu.memory_space<vmem>>
        %parallel_loop3A_262 = tpu.vector_load_idx %parallel_loop3A_261[%parallel_loop3A_258] : memref<512xf32, #tpu.memory_space<vmem>>[vector<16xi32>], vector<16xf32>,
        %parallel_loop3A_263 = arith.index_cast %parallel_loop3A_257 : i32 to index
        %parallel_loop3A_264 = arith.constant 0 : index
        %parallel_loop3A_265 = tpu.vector_load %arg9[%parallel_loop3A_263, %parallel_loop3A_264] {strides = array<i32>} : memref<512x32xbf16, #tpu.memory_space<vmem>>, vector<32xbf16>,
        %parallel_loop3A_266 = tpu.unpack_subelements %parallel_loop3A_265, 0 {pack_format = #tpu.pack_format<interleaved>} : vector<32xbf16> -> vector<16xf32>
        %parallel_loop3A_267 = tpu.unpack_subelements %parallel_loop3A_265, 1 {pack_format = #tpu.pack_format<interleaved>} : vector<32xbf16> -> vector<16xf32>
        %parallel_loop3A_268 = arith.mulf %parallel_loop3A_266, %parallel_loop3A_262 : vector<16xf32>
        %parallel_loop3A_269 = arith.index_cast %parallel_loop3A_257 : i32 to index
        %parallel_loop3A_270 = arith.constant 0 : index
        %parallel_loop3A_271 = tpu.vector_load %arg11[%parallel_loop3A_269, %parallel_loop3A_270] {strides = array<i32>} : memref<512x32xf32, #tpu.memory_space<vmem>>, vector<16xf32>,
        tpu.vector_store %arg11[%parallel_loop3A_269, %parallel_loop3A_270], %parallel_loop3A_268 {strides = array<i32>} : memref<512x32xf32, #tpu.memory_space<vmem>>, vector<16xf32>,
        %parallel_loop3A_272 = arith.mulf %parallel_loop3A_267, %parallel_loop3A_262 : vector<16xf32>
        %parallel_loop3A_273 = arith.index_cast %parallel_loop3A_257 : i32 to index
        %parallel_loop3A_274 = arith.constant 16 : index
        %parallel_loop3A_275 = tpu.vector_load %arg11[%parallel_loop3A_273, %parallel_loop3A_274] {strides = array<i32>} : memref<512x32xf32, #tpu.memory_space<vmem>>, vector<16xf32>,
        tpu.vector_store %arg11[%parallel_loop3A_273, %parallel_loop3A_274], %parallel_loop3A_272 {strides = array<i32>} : memref<512x32xf32, #tpu.memory_space<vmem>>, vector<16xf32>,
        %parallel_loop3A_276 = arith.constant 16 : i32
        %parallel_loop3A_277 = arith.muli %parallel_loop3A_206, %parallel_loop3A_276 : i32
        %parallel_loop3A_278 = arith.constant 3 : i32
        %parallel_loop3A_279 = arith.addi %parallel_loop3A_277, %parallel_loop3A_278 : i32
        %parallel_loop3A_280 = arith.addi %parallel_loop3A_209, %broadcast_in_dim3A_17 : vector<16xi32>
        %parallel_loop3A_281 = arith.constant 0 : i32
        %parallel_loop3A_282 = tpu.memref_slice %arg14[%parallel_loop3A_163, %parallel_loop3A_281] : memref<2x512xf32, #tpu.memory_space<vmem>> -> memref<1x512xf32, #tpu.memory_space<vmem>>
        %parallel_loop3A_283 = tpu.memref_squeeze %parallel_loop3A_282 : memref<1x512xf32, #tpu.memory_space<vmem>> -> memref<512xf32, #tpu.memory_space<vmem>>
        %parallel_loop3A_284 = tpu.vector_load_idx %parallel_loop3A_283[%parallel_loop3A_280] : memref<512xf32, #tpu.memory_space<vmem>>[vector<16xi32>], vector<16xf32>,
        %parallel_loop3A_285 = arith.index_cast %parallel_loop3A_279 : i32 to index
        %parallel_loop3A_286 = arith.constant 0 : index
        %parallel_loop3A_287 = tpu.vector_load %arg9[%parallel_loop3A_285, %parallel_loop3A_286] {strides = array<i32>} : memref<512x32xbf16, #tpu.memory_space<vmem>>, vector<32xbf16>,
        %parallel_loop3A_288 = tpu.unpack_subelements %parallel_loop3A_287, 0 {pack_format = #tpu.pack_format<interleaved>} : vector<32xbf16> -> vector<16xf32>
        %parallel_loop3A_289 = tpu.unpack_subelements %parallel_loop3A_287, 1 {pack_format = #tpu.pack_format<interleaved>} : vector<32xbf16> -> vector<16xf32>
        %parallel_loop3A_290 = arith.mulf %parallel_loop3A_288, %parallel_loop3A_284 : vector<16xf32>
        %parallel_loop3A_291 = arith.index_cast %parallel_loop3A_279 : i32 to index
        %parallel_loop3A_292 = arith.constant 0 : index
        %parallel_loop3A_293 = tpu.vector_load %arg11[%parallel_loop3A_291, %parallel_loop3A_292] {strides = array<i32>} : memref<512x32xf32, #tpu.memory_space<vmem>>, vector<16xf32>,
        tpu.vector_store %arg11[%parallel_loop3A_291, %parallel_loop3A_292], %parallel_loop3A_290 {strides = array<i32>} : memref<512x32xf32, #tpu.memory_space<vmem>>, vector<16xf32>,
        %parallel_loop3A_294 = arith.mulf %parallel_loop3A_289, %parallel_loop3A_284 : vector<16xf32>
        %parallel_loop3A_295 = arith.index_cast %parallel_loop3A_279 : i32 to index
        %parallel_loop3A_296 = arith.constant 16 : index
        %parallel_loop3A_297 = tpu.vector_load %arg11[%parallel_loop3A_295, %parallel_loop3A_296] {strides = array<i32>} : memref<512x32xf32, #tpu.memory_space<vmem>>, vector<16xf32>,
        tpu.vector_store %arg11[%parallel_loop3A_295, %parallel_loop3A_296], %parallel_loop3A_294 {strides = array<i32>} : memref<512x32xf32, #tpu.memory_space<vmem>>, vector<16xf32>,
        %parallel_loop3A_298 = arith.constant 16 : i32
        %parallel_loop3A_299 = arith.muli %parallel_loop3A_206, %parallel_loop3A_298 : i32
        %parallel_loop3A_300 = arith.constant 4 : i32
        %parallel_loop3A_301 = arith.addi %parallel_loop3A_299, %parallel_loop3A_300 : i32
        %parallel_loop3A_302 = arith.addi %parallel_loop3A_209, %broadcast_in_dim3A_19 : vector<16xi32>
        %parallel_loop3A_303 = arith.constant 0 : i32
        %parallel_loop3A_304 = tpu.memref_slice %arg14[%parallel_loop3A_163, %parallel_loop3A_303] : memref<2x512xf32, #tpu.memory_space<vmem>> -> memref<1x512xf32, #tpu.memory_space<vmem>>
        %parallel_loop3A_305 = tpu.memref_squeeze %parallel_loop3A_304 : memref<1x512xf32, #tpu.memory_space<vmem>> -> memref<512xf32, #tpu.memory_space<vmem>>
        %parallel_loop3A_306 = tpu.vector_load_idx %parallel_loop3A_305[%parallel_loop3A_302] : memref<512xf32, #tpu.memory_space<vmem>>[vector<16xi32>], vector<16xf32>,
        %parallel_loop3A_307 = arith.index_cast %parallel_loop3A_301 : i32 to index
        %parallel_loop3A_308 = arith.constant 0 : index
        %parallel_loop3A_309 = tpu.vector_load %arg9[%parallel_loop3A_307, %parallel_loop3A_308] {strides = array<i32>} : memref<512x32xbf16, #tpu.memory_space<vmem>>, vector<32xbf16>,
        %parallel_loop3A_310 = tpu.unpack_subelements %parallel_loop3A_309, 0 {pack_format = #tpu.pack_format<interleaved>} : vector<32xbf16> -> vector<16xf32>
        %parallel_loop3A_311 = tpu.unpack_subelements %parallel_loop3A_309, 1 {pack_format = #tpu.pack_format<interleaved>} : vector<32xbf16> -> vector<16xf32>
        %parallel_loop3A_312 = arith.mulf %parallel_loop3A_310, %parallel_loop3A_306 : vector<16xf32>
        %parallel_loop3A_313 = arith.index_cast %parallel_loop3A_301 : i32 to index
        %parallel_loop3A_314 = arith.constant 0 : index
        %parallel_loop3A_315 = tpu.vector_load %arg11[%parallel_loop3A_313, %parallel_loop3A_314] {strides = array<i32>} : memref<512x32xf32, #tpu.memory_space<vmem>>, vector<16xf32>,
        tpu.vector_store %arg11[%parallel_loop3A_313, %parallel_loop3A_314], %parallel_loop3A_312 {strides = array<i32>} : memref<512x32xf32, #tpu.memory_space<vmem>>, vector<16xf32>,
        %parallel_loop3A_316 = arith.mulf %parallel_loop3A_311, %parallel_loop3A_306 : vector<16xf32>
        %parallel_loop3A_317 = arith.index_cast %parallel_loop3A_301 : i32 to index
        %parallel_loop3A_318 = arith.constant 16 : index
        %parallel_loop3A_319 = tpu.vector_load %arg11[%parallel_loop3A_317, %parallel_loop3A_318] {strides = array<i32>} : memref<512x32xf32, #tpu.memory_space<vmem>>, vector<16xf32>,
        tpu.vector_store %arg11[%parallel_loop3A_317, %parallel_loop3A_318], %parallel_loop3A_316 {strides = array<i32>} : memref<512x32xf32, #tpu.memory_space<vmem>>, vector<16xf32>,
        %parallel_loop3A_320 = arith.constant 16 : i32
        %parallel_loop3A_321 = arith.muli %parallel_loop3A_206, %parallel_loop3A_320 : i32
        %parallel_loop3A_322 = arith.constant 5 : i32
        %parallel_loop3A_323 = arith.addi %parallel_loop3A_321, %parallel_loop3A_322 : i32
        %parallel_loop3A_324 = arith.addi %parallel_loop3A_209, %broadcast_in_dim3A_21 : vector<16xi32>
        %parallel_loop3A_325 = arith.constant 0 : i32
        %parallel_loop3A_326 = tpu.memref_slice %arg14[%parallel_loop3A_163, %parallel_loop3A_325] : memref<2x512xf32, #tpu.memory_space<vmem>> -> memref<1x512xf32, #tpu.memory_space<vmem>>
        %parallel_loop3A_327 = tpu.memref_squeeze %parallel_loop3A_326 : memref<1x512xf32, #tpu.memory_space<vmem>> -> memref<512xf32, #tpu.memory_space<vmem>>
        %parallel_loop3A_328 = tpu.vector_load_idx %parallel_loop3A_327[%parallel_loop3A_324] : memref<512xf32, #tpu.memory_space<vmem>>[vector<16xi32>], vector<16xf32>,
        %parallel_loop3A_329 = arith.index_cast %parallel_loop3A_323 : i32 to index
        %parallel_loop3A_330 = arith.constant 0 : index
        %parallel_loop3A_331 = tpu.vector_load %arg9[%parallel_loop3A_329, %parallel_loop3A_330] {strides = array<i32>} : memref<512x32xbf16, #tpu.memory_space<vmem>>, vector<32xbf16>,
        %parallel_loop3A_332 = tpu.unpack_subelements %parallel_loop3A_331, 0 {pack_format = #tpu.pack_format<interleaved>} : vector<32xbf16> -> vector<16xf32>
        %parallel_loop3A_333 = tpu.unpack_subelements %parallel_loop3A_331, 1 {pack_format = #tpu.pack_format<interleaved>} : vector<32xbf16> -> vector<16xf32>
        %parallel_loop3A_334 = arith.mulf %parallel_loop3A_332, %parallel_loop3A_328 : vector<16xf32>
        %parallel_loop3A_335 = arith.index_cast %parallel_loop3A_323 : i32 to index
        %parallel_loop3A_336 = arith.constant 0 : index
        %parallel_loop3A_337 = tpu.vector_load %arg11[%parallel_loop3A_335, %parallel_loop3A_336] {strides = array<i32>} : memref<512x32xf32, #tpu.memory_space<vmem>>, vector<16xf32>,
        tpu.vector_store %arg11[%parallel_loop3A_335, %parallel_loop3A_336], %parallel_loop3A_334 {strides = array<i32>} : memref<512x32xf32, #tpu.memory_space<vmem>>, vector<16xf32>,
        %parallel_loop3A_338 = arith.mulf %parallel_loop3A_333, %parallel_loop3A_328 : vector<16xf32>
        %parallel_loop3A_339 = arith.index_cast %parallel_loop3A_323 : i32 to index
        %parallel_loop3A_340 = arith.constant 16 : index
        %parallel_loop3A_341 = tpu.vector_load %arg11[%parallel_loop3A_339, %parallel_loop3A_340] {strides = array<i32>} : memref<512x32xf32, #tpu.memory_space<vmem>>, vector<16xf32>,
        tpu.vector_store %arg11[%parallel_loop3A_339, %parallel_loop3A_340], %parallel_loop3A_338 {strides = array<i32>} : memref<512x32xf32, #tpu.memory_space<vmem>>, vector<16xf32>,
        %parallel_loop3A_342 = arith.constant 16 : i32
        %parallel_loop3A_343 = arith.muli %parallel_loop3A_206, %parallel_loop3A_342 : i32
        %parallel_loop3A_344 = arith.constant 6 : i32
        %parallel_loop3A_345 = arith.addi %parallel_loop3A_343, %parallel_loop3A_344 : i32
        %parallel_loop3A_346 = arith.addi %parallel_loop3A_209, %broadcast_in_dim3A_23 : vector<16xi32>
        %parallel_loop3A_347 = arith.constant 0 : i32
        %parallel_loop3A_348 = tpu.memref_slice %arg14[%parallel_loop3A_163, %parallel_loop3A_347] : memref<2x512xf32, #tpu.memory_space<vmem>> -> memref<1x512xf32, #tpu.memory_space<vmem>>
        %parallel_loop3A_349 = tpu.memref_squeeze %parallel_loop3A_348 : memref<1x512xf32, #tpu.memory_space<vmem>> -> memref<512xf32, #tpu.memory_space<vmem>>
        %parallel_loop3A_350 = tpu.vector_load_idx %parallel_loop3A_349[%parallel_loop3A_346] : memref<512xf32, #tpu.memory_space<vmem>>[vector<16xi32>], vector<16xf32>,
        %parallel_loop3A_351 = arith.index_cast %parallel_loop3A_345 : i32 to index
        %parallel_loop3A_352 = arith.constant 0 : index
        %parallel_loop3A_353 = tpu.vector_load %arg9[%parallel_loop3A_351, %parallel_loop3A_352] {strides = array<i32>} : memref<512x32xbf16, #tpu.memory_space<vmem>>, vector<32xbf16>,
        %parallel_loop3A_354 = tpu.unpack_subelements %parallel_loop3A_353, 0 {pack_format = #tpu.pack_format<interleaved>} : vector<32xbf16> -> vector<16xf32>
        %parallel_loop3A_355 = tpu.unpack_subelements %parallel_loop3A_353, 1 {pack_format = #tpu.pack_format<interleaved>} : vector<32xbf16> -> vector<16xf32>
        %parallel_loop3A_356 = arith.mulf %parallel_loop3A_354, %parallel_loop3A_350 : vector<16xf32>
        %parallel_loop3A_357 = arith.index_cast %parallel_loop3A_345 : i32 to index
        %parallel_loop3A_358 = arith.constant 0 : index
        %parallel_loop3A_359 = tpu.vector_load %arg11[%parallel_loop3A_357, %parallel_loop3A_358] {strides = array<i32>} : memref<512x32xf32, #tpu.memory_space<vmem>>, vector<16xf32>,
        tpu.vector_store %arg11[%parallel_loop3A_357, %parallel_loop3A_358], %parallel_loop3A_356 {strides = array<i32>} : memref<512x32xf32, #tpu.memory_space<vmem>>, vector<16xf32>,
        %parallel_loop3A_360 = arith.mulf %parallel_loop3A_355, %parallel_loop3A_350 : vector<16xf32>
        %parallel_loop3A_361 = arith.index_cast %parallel_loop3A_345 : i32 to index
        %parallel_loop3A_362 = arith.constant 16 : index
        %parallel_loop3A_363 = tpu.vector_load %arg11[%parallel_loop3A_361, %parallel_loop3A_362] {strides = array<i32>} : memref<512x32xf32, #tpu.memory_space<vmem>>, vector<16xf32>,
        tpu.vector_store %arg11[%parallel_loop3A_361, %parallel_loop3A_362], %parallel_loop3A_360 {strides = array<i32>} : memref<512x32xf32, #tpu.memory_space<vmem>>, vector<16xf32>,
        %parallel_loop3A_364 = arith.constant 16 : i32
        %parallel_loop3A_365 = arith.muli %parallel_loop3A_206, %parallel_loop3A_364 : i32
        %parallel_loop3A_366 = arith.constant 7 : i32
        %parallel_loop3A_367 = arith.addi %parallel_loop3A_365, %parallel_loop3A_366 : i32
        %parallel_loop3A_368 = arith.addi %parallel_loop3A_209, %broadcast_in_dim3A_25 : vector<16xi32>
        %parallel_loop3A_369 = arith.constant 0 : i32
        %parallel_loop3A_370 = tpu.memref_slice %arg14[%parallel_loop3A_163, %parallel_loop3A_369] : memref<2x512xf32, #tpu.memory_space<vmem>> -> memref<1x512xf32, #tpu.memory_space<vmem>>
        %parallel_loop3A_371 = tpu.memref_squeeze %parallel_loop3A_370 : memref<1x512xf32, #tpu.memory_space<vmem>> -> memref<512xf32, #tpu.memory_space<vmem>>
        %parallel_loop3A_372 = tpu.vector_load_idx %parallel_loop3A_371[%parallel_loop3A_368] : memref<512xf32, #tpu.memory_space<vmem>>[vector<16xi32>], vector<16xf32>,
        %parallel_loop3A_373 = arith.index_cast %parallel_loop3A_367 : i32 to index
        %parallel_loop3A_374 = arith.constant 0 : index
        %parallel_loop3A_375 = tpu.vector_load %arg9[%parallel_loop3A_373, %parallel_loop3A_374] {strides = array<i32>} : memref<512x32xbf16, #tpu.memory_space<vmem>>, vector<32xbf16>,
        %parallel_loop3A_376 = tpu.unpack_subelements %parallel_loop3A_375, 0 {pack_format = #tpu.pack_format<interleaved>} : vector<32xbf16> -> vector<16xf32>
        %parallel_loop3A_377 = tpu.unpack_subelements %parallel_loop3A_375, 1 {pack_format = #tpu.pack_format<interleaved>} : vector<32xbf16> -> vector<16xf32>
        %parallel_loop3A_378 = arith.mulf %parallel_loop3A_376, %parallel_loop3A_372 : vector<16xf32>
        %parallel_loop3A_379 = arith.index_cast %parallel_loop3A_367 : i32 to index
        %parallel_loop3A_380 = arith.constant 0 : index
        %parallel_loop3A_381 = tpu.vector_load %arg11[%parallel_loop3A_379, %parallel_loop3A_380] {strides = array<i32>} : memref<512x32xf32, #tpu.memory_space<vmem>>, vector<16xf32>,
        tpu.vector_store %arg11[%parallel_loop3A_379, %parallel_loop3A_380], %parallel_loop3A_378 {strides = array<i32>} : memref<512x32xf32, #tpu.memory_space<vmem>>, vector<16xf32>,
        %parallel_loop3A_382 = arith.mulf %parallel_loop3A_377, %parallel_loop3A_372 : vector<16xf32>
        %parallel_loop3A_383 = arith.index_cast %parallel_loop3A_367 : i32 to index
        %parallel_loop3A_384 = arith.constant 16 : index
        %parallel_loop3A_385 = tpu.vector_load %arg11[%parallel_loop3A_383, %parallel_loop3A_384] {strides = array<i32>} : memref<512x32xf32, #tpu.memory_space<vmem>>, vector<16xf32>,
        tpu.vector_store %arg11[%parallel_loop3A_383, %parallel_loop3A_384], %parallel_loop3A_382 {strides = array<i32>} : memref<512x32xf32, #tpu.memory_space<vmem>>, vector<16xf32>,
        %parallel_loop3A_386 = arith.constant 16 : i32
        %parallel_loop3A_387 = arith.muli %parallel_loop3A_206, %parallel_loop3A_386 : i32
        %parallel_loop3A_388 = arith.constant 8 : i32
        %parallel_loop3A_389 = arith.addi %parallel_loop3A_387, %parallel_loop3A_388 : i32
        %parallel_loop3A_390 = arith.addi %parallel_loop3A_209, %broadcast_in_dim3A_27 : vector<16xi32>
        %parallel_loop3A_391 = arith.constant 0 : i32
        %parallel_loop3A_392 = tpu.memref_slice %arg14[%parallel_loop3A_163, %parallel_loop3A_391] : memref<2x512xf32, #tpu.memory_space<vmem>> -> memref<1x512xf32, #tpu.memory_space<vmem>>
        %parallel_loop3A_393 = tpu.memref_squeeze %parallel_loop3A_392 : memref<1x512xf32, #tpu.memory_space<vmem>> -> memref<512xf32, #tpu.memory_space<vmem>>
        %parallel_loop3A_394 = tpu.vector_load_idx %parallel_loop3A_393[%parallel_loop3A_390] : memref<512xf32, #tpu.memory_space<vmem>>[vector<16xi32>], vector<16xf32>,
        %parallel_loop3A_395 = arith.index_cast %parallel_loop3A_389 : i32 to index
        %parallel_loop3A_396 = arith.constant 0 : index
        %parallel_loop3A_397 = tpu.vector_load %arg9[%parallel_loop3A_395, %parallel_loop3A_396] {strides = array<i32>} : memref<512x32xbf16, #tpu.memory_space<vmem>>, vector<32xbf16>,
        %parallel_loop3A_398 = tpu.unpack_subelements %parallel_loop3A_397, 0 {pack_format = #tpu.pack_format<interleaved>} : vector<32xbf16> -> vector<16xf32>
        %parallel_loop3A_399 = tpu.unpack_subelements %parallel_loop3A_397, 1 {pack_format = #tpu.pack_format<interleaved>} : vector<32xbf16> -> vector<16xf32>
        %parallel_loop3A_400 = arith.mulf %parallel_loop3A_398, %parallel_loop3A_394 : vector<16xf32>
        %parallel_loop3A_401 = arith.index_cast %parallel_loop3A_389 : i32 to index
        %parallel_loop3A_402 = arith.constant 0 : index
        %parallel_loop3A_403 = tpu.vector_load %arg11[%parallel_loop3A_401, %parallel_loop3A_402] {strides = array<i32>} : memref<512x32xf32, #tpu.memory_space<vmem>>, vector<16xf32>,
        tpu.vector_store %arg11[%parallel_loop3A_401, %parallel_loop3A_402], %parallel_loop3A_400 {strides = array<i32>} : memref<512x32xf32, #tpu.memory_space<vmem>>, vector<16xf32>,
        %parallel_loop3A_404 = arith.mulf %parallel_loop3A_399, %parallel_loop3A_394 : vector<16xf32>
        %parallel_loop3A_405 = arith.index_cast %parallel_loop3A_389 : i32 to index
        %parallel_loop3A_406 = arith.constant 16 : index
        %parallel_loop3A_407 = tpu.vector_load %arg11[%parallel_loop3A_405, %parallel_loop3A_406] {strides = array<i32>} : memref<512x32xf32, #tpu.memory_space<vmem>>, vector<16xf32>,
        tpu.vector_store %arg11[%parallel_loop3A_405, %parallel_loop3A_406], %parallel_loop3A_404 {strides = array<i32>} : memref<512x32xf32, #tpu.memory_space<vmem>>, vector<16xf32>,
        %parallel_loop3A_408 = arith.constant 16 : i32
        %parallel_loop3A_409 = arith.muli %parallel_loop3A_206, %parallel_loop3A_408 : i32
        %parallel_loop3A_410 = arith.constant 9 : i32
        %parallel_loop3A_411 = arith.addi %parallel_loop3A_409, %parallel_loop3A_410 : i32
        %parallel_loop3A_412 = arith.addi %parallel_loop3A_209, %broadcast_in_dim3A_29 : vector<16xi32>
        %parallel_loop3A_413 = arith.constant 0 : i32
        %parallel_loop3A_414 = tpu.memref_slice %arg14[%parallel_loop3A_163, %parallel_loop3A_413] : memref<2x512xf32, #tpu.memory_space<vmem>> -> memref<1x512xf32, #tpu.memory_space<vmem>>
        %parallel_loop3A_415 = tpu.memref_squeeze %parallel_loop3A_414 : memref<1x512xf32, #tpu.memory_space<vmem>> -> memref<512xf32, #tpu.memory_space<vmem>>
        %parallel_loop3A_416 = tpu.vector_load_idx %parallel_loop3A_415[%parallel_loop3A_412] : memref<512xf32, #tpu.memory_space<vmem>>[vector<16xi32>], vector<16xf32>,
        %parallel_loop3A_417 = arith.index_cast %parallel_loop3A_411 : i32 to index
        %parallel_loop3A_418 = arith.constant 0 : index
        %parallel_loop3A_419 = tpu.vector_load %arg9[%parallel_loop3A_417, %parallel_loop3A_418] {strides = array<i32>} : memref<512x32xbf16, #tpu.memory_space<vmem>>, vector<32xbf16>,
        %parallel_loop3A_420 = tpu.unpack_subelements %parallel_loop3A_419, 0 {pack_format = #tpu.pack_format<interleaved>} : vector<32xbf16> -> vector<16xf32>
        %parallel_loop3A_421 = tpu.unpack_subelements %parallel_loop3A_419, 1 {pack_format = #tpu.pack_format<interleaved>} : vector<32xbf16> -> vector<16xf32>
        %parallel_loop3A_422 = arith.mulf %parallel_loop3A_420, %parallel_loop3A_416 : vector<16xf32>
        %parallel_loop3A_423 = arith.index_cast %parallel_loop3A_411 : i32 to index
        %parallel_loop3A_424 = arith.constant 0 : index
        %parallel_loop3A_425 = tpu.vector_load %arg11[%parallel_loop3A_423, %parallel_loop3A_424] {strides = array<i32>} : memref<512x32xf32, #tpu.memory_space<vmem>>, vector<16xf32>,
        tpu.vector_store %arg11[%parallel_loop3A_423, %parallel_loop3A_424], %parallel_loop3A_422 {strides = array<i32>} : memref<512x32xf32, #tpu.memory_space<vmem>>, vector<16xf32>,
        %parallel_loop3A_426 = arith.mulf %parallel_loop3A_421, %parallel_loop3A_416 : vector<16xf32>
        %parallel_loop3A_427 = arith.index_cast %parallel_loop3A_411 : i32 to index
        %parallel_loop3A_428 = arith.constant 16 : index
        %parallel_loop3A_429 = tpu.vector_load %arg11[%parallel_loop3A_427, %parallel_loop3A_428] {strides = array<i32>} : memref<512x32xf32, #tpu.memory_space<vmem>>, vector<16xf32>,
        tpu.vector_store %arg11[%parallel_loop3A_427, %parallel_loop3A_428], %parallel_loop3A_426 {strides = array<i32>} : memref<512x32xf32, #tpu.memory_space<vmem>>, vector<16xf32>,
        %parallel_loop3A_430 = arith.constant 16 : i32
        %parallel_loop3A_431 = arith.muli %parallel_loop3A_206, %parallel_loop3A_430 : i32
        %parallel_loop3A_432 = arith.constant 10 : i32
        %parallel_loop3A_433 = arith.addi %parallel_loop3A_431, %parallel_loop3A_432 : i32
        %parallel_loop3A_434 = arith.addi %parallel_loop3A_209, %broadcast_in_dim3A_31 : vector<16xi32>
        %parallel_loop3A_435 = arith.constant 0 : i32
        %parallel_loop3A_436 = tpu.memref_slice %arg14[%parallel_loop3A_163, %parallel_loop3A_435] : memref<2x512xf32, #tpu.memory_space<vmem>> -> memref<1x512xf32, #tpu.memory_space<vmem>>
        %parallel_loop3A_437 = tpu.memref_squeeze %parallel_loop3A_436 : memref<1x512xf32, #tpu.memory_space<vmem>> -> memref<512xf32, #tpu.memory_space<vmem>>
        %parallel_loop3A_438 = tpu.vector_load_idx %parallel_loop3A_437[%parallel_loop3A_434] : memref<512xf32, #tpu.memory_space<vmem>>[vector<16xi32>], vector<16xf32>,
        %parallel_loop3A_439 = arith.index_cast %parallel_loop3A_433 : i32 to index
        %parallel_loop3A_440 = arith.constant 0 : index
        %parallel_loop3A_441 = tpu.vector_load %arg9[%parallel_loop3A_439, %parallel_loop3A_440] {strides = array<i32>} : memref<512x32xbf16, #tpu.memory_space<vmem>>, vector<32xbf16>,
        %parallel_loop3A_442 = tpu.unpack_subelements %parallel_loop3A_441, 0 {pack_format = #tpu.pack_format<interleaved>} : vector<32xbf16> -> vector<16xf32>
        %parallel_loop3A_443 = tpu.unpack_subelements %parallel_loop3A_441, 1 {pack_format = #tpu.pack_format<interleaved>} : vector<32xbf16> -> vector<16xf32>
        %parallel_loop3A_444 = arith.mulf %parallel_loop3A_442, %parallel_loop3A_438 : vector<16xf32>
        %parallel_loop3A_445 = arith.index_cast %parallel_loop3A_433 : i32 to index
        %parallel_loop3A_446 = arith.constant 0 : index
        %parallel_loop3A_447 = tpu.vector_load %arg11[%parallel_loop3A_445, %parallel_loop3A_446] {strides = array<i32>} : memref<512x32xf32, #tpu.memory_space<vmem>>, vector<16xf32>,
        tpu.vector_store %arg11[%parallel_loop3A_445, %parallel_loop3A_446], %parallel_loop3A_444 {strides = array<i32>} : memref<512x32xf32, #tpu.memory_space<vmem>>, vector<16xf32>,
        %parallel_loop3A_448 = arith.mulf %parallel_loop3A_443, %parallel_loop3A_438 : vector<16xf32>
        %parallel_loop3A_449 = arith.index_cast %parallel_loop3A_433 : i32 to index
        %parallel_loop3A_450 = arith.constant 16 : index
        %parallel_loop3A_451 = tpu.vector_load %arg11[%parallel_loop3A_449, %parallel_loop3A_450] {strides = array<i32>} : memref<512x32xf32, #tpu.memory_space<vmem>>, vector<16xf32>,
        tpu.vector_store %arg11[%parallel_loop3A_449, %parallel_loop3A_450], %parallel_loop3A_448 {strides = array<i32>} : memref<512x32xf32, #tpu.memory_space<vmem>>, vector<16xf32>,
        %parallel_loop3A_452 = arith.constant 16 : i32
        %parallel_loop3A_453 = arith.muli %parallel_loop3A_206, %parallel_loop3A_452 : i32
        %parallel_loop3A_454 = arith.constant 11 : i32
        %parallel_loop3A_455 = arith.addi %parallel_loop3A_453, %parallel_loop3A_454 : i32
        %parallel_loop3A_456 = arith.addi %parallel_loop3A_209, %broadcast_in_dim3A_33 : vector<16xi32>
        %parallel_loop3A_457 = arith.constant 0 : i32
        %parallel_loop3A_458 = tpu.memref_slice %arg14[%parallel_loop3A_163, %parallel_loop3A_457] : memref<2x512xf32, #tpu.memory_space<vmem>> -> memref<1x512xf32, #tpu.memory_space<vmem>>
        %parallel_loop3A_459 = tpu.memref_squeeze %parallel_loop3A_458 : memref<1x512xf32, #tpu.memory_space<vmem>> -> memref<512xf32, #tpu.memory_space<vmem>>
        %parallel_loop3A_460 = tpu.vector_load_idx %parallel_loop3A_459[%parallel_loop3A_456] : memref<512xf32, #tpu.memory_space<vmem>>[vector<16xi32>], vector<16xf32>,
        %parallel_loop3A_461 = arith.index_cast %parallel_loop3A_455 : i32 to index
        %parallel_loop3A_462 = arith.constant 0 : index
        %parallel_loop3A_463 = tpu.vector_load %arg9[%parallel_loop3A_461, %parallel_loop3A_462] {strides = array<i32>} : memref<512x32xbf16, #tpu.memory_space<vmem>>, vector<32xbf16>,
        %parallel_loop3A_464 = tpu.unpack_subelements %parallel_loop3A_463, 0 {pack_format = #tpu.pack_format<interleaved>} : vector<32xbf16> -> vector<16xf32>
        %parallel_loop3A_465 = tpu.unpack_subelements %parallel_loop3A_463, 1 {pack_format = #tpu.pack_format<interleaved>} : vector<32xbf16> -> vector<16xf32>
        %parallel_loop3A_466 = arith.mulf %parallel_loop3A_464, %parallel_loop3A_460 : vector<16xf32>
        %parallel_loop3A_467 = arith.index_cast %parallel_loop3A_455 : i32 to index
        %parallel_loop3A_468 = arith.constant 0 : index
        %parallel_loop3A_469 = tpu.vector_load %arg11[%parallel_loop3A_467, %parallel_loop3A_468] {strides = array<i32>} : memref<512x32xf32, #tpu.memory_space<vmem>>, vector<16xf32>,
        tpu.vector_store %arg11[%parallel_loop3A_467, %parallel_loop3A_468], %parallel_loop3A_466 {strides = array<i32>} : memref<512x32xf32, #tpu.memory_space<vmem>>, vector<16xf32>,
        %parallel_loop3A_470 = arith.mulf %parallel_loop3A_465, %parallel_loop3A_460 : vector<16xf32>
        %parallel_loop3A_471 = arith.index_cast %parallel_loop3A_455 : i32 to index
        %parallel_loop3A_472 = arith.constant 16 : index
        %parallel_loop3A_473 = tpu.vector_load %arg11[%parallel_loop3A_471, %parallel_loop3A_472] {strides = array<i32>} : memref<512x32xf32, #tpu.memory_space<vmem>>, vector<16xf32>,
        tpu.vector_store %arg11[%parallel_loop3A_471, %parallel_loop3A_472], %parallel_loop3A_470 {strides = array<i32>} : memref<512x32xf32, #tpu.memory_space<vmem>>, vector<16xf32>,
        %parallel_loop3A_474 = arith.constant 16 : i32
        %parallel_loop3A_475 = arith.muli %parallel_loop3A_206, %parallel_loop3A_474 : i32
        %parallel_loop3A_476 = arith.constant 12 : i32
        %parallel_loop3A_477 = arith.addi %parallel_loop3A_475, %parallel_loop3A_476 : i32
        %parallel_loop3A_478 = arith.addi %parallel_loop3A_209, %broadcast_in_dim3A_35 : vector<16xi32>
        %parallel_loop3A_479 = arith.constant 0 : i32
        %parallel_loop3A_480 = tpu.memref_slice %arg14[%parallel_loop3A_163, %parallel_loop3A_479] : memref<2x512xf32, #tpu.memory_space<vmem>> -> memref<1x512xf32, #tpu.memory_space<vmem>>
        %parallel_loop3A_481 = tpu.memref_squeeze %parallel_loop3A_480 : memref<1x512xf32, #tpu.memory_space<vmem>> -> memref<512xf32, #tpu.memory_space<vmem>>
        %parallel_loop3A_482 = tpu.vector_load_idx %parallel_loop3A_481[%parallel_loop3A_478] : memref<512xf32, #tpu.memory_space<vmem>>[vector<16xi32>], vector<16xf32>,
        %parallel_loop3A_483 = arith.index_cast %parallel_loop3A_477 : i32 to index
        %parallel_loop3A_484 = arith.constant 0 : index
        %parallel_loop3A_485 = tpu.vector_load %arg9[%parallel_loop3A_483, %parallel_loop3A_484] {strides = array<i32>} : memref<512x32xbf16, #tpu.memory_space<vmem>>, vector<32xbf16>,
        %parallel_loop3A_486 = tpu.unpack_subelements %parallel_loop3A_485, 0 {pack_format = #tpu.pack_format<interleaved>} : vector<32xbf16> -> vector<16xf32>
        %parallel_loop3A_487 = tpu.unpack_subelements %parallel_loop3A_485, 1 {pack_format = #tpu.pack_format<interleaved>} : vector<32xbf16> -> vector<16xf32>
        %parallel_loop3A_488 = arith.mulf %parallel_loop3A_486, %parallel_loop3A_482 : vector<16xf32>
        %parallel_loop3A_489 = arith.index_cast %parallel_loop3A_477 : i32 to index
        %parallel_loop3A_490 = arith.constant 0 : index
        %parallel_loop3A_491 = tpu.vector_load %arg11[%parallel_loop3A_489, %parallel_loop3A_490] {strides = array<i32>} : memref<512x32xf32, #tpu.memory_space<vmem>>, vector<16xf32>,
        tpu.vector_store %arg11[%parallel_loop3A_489, %parallel_loop3A_490], %parallel_loop3A_488 {strides = array<i32>} : memref<512x32xf32, #tpu.memory_space<vmem>>, vector<16xf32>,
        %parallel_loop3A_492 = arith.mulf %parallel_loop3A_487, %parallel_loop3A_482 : vector<16xf32>
        %parallel_loop3A_493 = arith.index_cast %parallel_loop3A_477 : i32 to index
        %parallel_loop3A_494 = arith.constant 16 : index
        %parallel_loop3A_495 = tpu.vector_load %arg11[%parallel_loop3A_493, %parallel_loop3A_494] {strides = array<i32>} : memref<512x32xf32, #tpu.memory_space<vmem>>, vector<16xf32>,
        tpu.vector_store %arg11[%parallel_loop3A_493, %parallel_loop3A_494], %parallel_loop3A_492 {strides = array<i32>} : memref<512x32xf32, #tpu.memory_space<vmem>>, vector<16xf32>,
        %parallel_loop3A_496 = arith.constant 16 : i32
        %parallel_loop3A_497 = arith.muli %parallel_loop3A_206, %parallel_loop3A_496 : i32
        %parallel_loop3A_498 = arith.constant 13 : i32
        %parallel_loop3A_499 = arith.addi %parallel_loop3A_497, %parallel_loop3A_498 : i32
        %parallel_loop3A_500 = arith.addi %parallel_loop3A_209, %broadcast_in_dim3A_37 : vector<16xi32>
        %parallel_loop3A_501 = arith.constant 0 : i32
        %parallel_loop3A_502 = tpu.memref_slice %arg14[%parallel_loop3A_163, %parallel_loop3A_501] : memref<2x512xf32, #tpu.memory_space<vmem>> -> memref<1x512xf32, #tpu.memory_space<vmem>>
        %parallel_loop3A_503 = tpu.memref_squeeze %parallel_loop3A_502 : memref<1x512xf32, #tpu.memory_space<vmem>> -> memref<512xf32, #tpu.memory_space<vmem>>
        %parallel_loop3A_504 = tpu.vector_load_idx %parallel_loop3A_503[%parallel_loop3A_500] : memref<512xf32, #tpu.memory_space<vmem>>[vector<16xi32>], vector<16xf32>,
        %parallel_loop3A_505 = arith.index_cast %parallel_loop3A_499 : i32 to index
        %parallel_loop3A_506 = arith.constant 0 : index
        %parallel_loop3A_507 = tpu.vector_load %arg9[%parallel_loop3A_505, %parallel_loop3A_506] {strides = array<i32>} : memref<512x32xbf16, #tpu.memory_space<vmem>>, vector<32xbf16>,
        %parallel_loop3A_508 = tpu.unpack_subelements %parallel_loop3A_507, 0 {pack_format = #tpu.pack_format<interleaved>} : vector<32xbf16> -> vector<16xf32>
        %parallel_loop3A_509 = tpu.unpack_subelements %parallel_loop3A_507, 1 {pack_format = #tpu.pack_format<interleaved>} : vector<32xbf16> -> vector<16xf32>
        %parallel_loop3A_510 = arith.mulf %parallel_loop3A_508, %parallel_loop3A_504 : vector<16xf32>
        %parallel_loop3A_511 = arith.index_cast %parallel_loop3A_499 : i32 to index
        %parallel_loop3A_512 = arith.constant 0 : index
        %parallel_loop3A_513 = tpu.vector_load %arg11[%parallel_loop3A_511, %parallel_loop3A_512] {strides = array<i32>} : memref<512x32xf32, #tpu.memory_space<vmem>>, vector<16xf32>,
        tpu.vector_store %arg11[%parallel_loop3A_511, %parallel_loop3A_512], %parallel_loop3A_510 {strides = array<i32>} : memref<512x32xf32, #tpu.memory_space<vmem>>, vector<16xf32>,
        %parallel_loop3A_514 = arith.mulf %parallel_loop3A_509, %parallel_loop3A_504 : vector<16xf32>
        %parallel_loop3A_515 = arith.index_cast %parallel_loop3A_499 : i32 to index
        %parallel_loop3A_516 = arith.constant 16 : index
        %parallel_loop3A_517 = tpu.vector_load %arg11[%parallel_loop3A_515, %parallel_loop3A_516] {strides = array<i32>} : memref<512x32xf32, #tpu.memory_space<vmem>>, vector<16xf32>,
        tpu.vector_store %arg11[%parallel_loop3A_515, %parallel_loop3A_516], %parallel_loop3A_514 {strides = array<i32>} : memref<512x32xf32, #tpu.memory_space<vmem>>, vector<16xf32>,
        %parallel_loop3A_518 = arith.constant 16 : i32
        %parallel_loop3A_519 = arith.muli %parallel_loop3A_206, %parallel_loop3A_518 : i32
        %parallel_loop3A_520 = arith.constant 14 : i32
        %parallel_loop3A_521 = arith.addi %parallel_loop3A_519, %parallel_loop3A_520 : i32
        %parallel_loop3A_522 = arith.addi %parallel_loop3A_209, %broadcast_in_dim3A_39 : vector<16xi32>
        %parallel_loop3A_523 = arith.constant 0 : i32
        %parallel_loop3A_524 = tpu.memref_slice %arg14[%parallel_loop3A_163, %parallel_loop3A_523] : memref<2x512xf32, #tpu.memory_space<vmem>> -> memref<1x512xf32, #tpu.memory_space<vmem>>
        %parallel_loop3A_525 = tpu.memref_squeeze %parallel_loop3A_524 : memref<1x512xf32, #tpu.memory_space<vmem>> -> memref<512xf32, #tpu.memory_space<vmem>>
        %parallel_loop3A_526 = tpu.vector_load_idx %parallel_loop3A_525[%parallel_loop3A_522] : memref<512xf32, #tpu.memory_space<vmem>>[vector<16xi32>], vector<16xf32>,
        %parallel_loop3A_527 = arith.index_cast %parallel_loop3A_521 : i32 to index
        %parallel_loop3A_528 = arith.constant 0 : index
        %parallel_loop3A_529 = tpu.vector_load %arg9[%parallel_loop3A_527, %parallel_loop3A_528] {strides = array<i32>} : memref<512x32xbf16, #tpu.memory_space<vmem>>, vector<32xbf16>,
        %parallel_loop3A_530 = tpu.unpack_subelements %parallel_loop3A_529, 0 {pack_format = #tpu.pack_format<interleaved>} : vector<32xbf16> -> vector<16xf32>
        %parallel_loop3A_531 = tpu.unpack_subelements %parallel_loop3A_529, 1 {pack_format = #tpu.pack_format<interleaved>} : vector<32xbf16> -> vector<16xf32>
        %parallel_loop3A_532 = arith.mulf %parallel_loop3A_530, %parallel_loop3A_526 : vector<16xf32>
        %parallel_loop3A_533 = arith.index_cast %parallel_loop3A_521 : i32 to index
        %parallel_loop3A_534 = arith.constant 0 : index
        %parallel_loop3A_535 = tpu.vector_load %arg11[%parallel_loop3A_533, %parallel_loop3A_534] {strides = array<i32>} : memref<512x32xf32, #tpu.memory_space<vmem>>, vector<16xf32>,
        tpu.vector_store %arg11[%parallel_loop3A_533, %parallel_loop3A_534], %parallel_loop3A_532 {strides = array<i32>} : memref<512x32xf32, #tpu.memory_space<vmem>>, vector<16xf32>,
        %parallel_loop3A_536 = arith.mulf %parallel_loop3A_531, %parallel_loop3A_526 : vector<16xf32>
        %parallel_loop3A_537 = arith.index_cast %parallel_loop3A_521 : i32 to index
        %parallel_loop3A_538 = arith.constant 16 : index
        %parallel_loop3A_539 = tpu.vector_load %arg11[%parallel_loop3A_537, %parallel_loop3A_538] {strides = array<i32>} : memref<512x32xf32, #tpu.memory_space<vmem>>, vector<16xf32>,
        tpu.vector_store %arg11[%parallel_loop3A_537, %parallel_loop3A_538], %parallel_loop3A_536 {strides = array<i32>} : memref<512x32xf32, #tpu.memory_space<vmem>>, vector<16xf32>,
        %parallel_loop3A_540 = arith.constant 16 : i32
        %parallel_loop3A_541 = arith.muli %parallel_loop3A_206, %parallel_loop3A_540 : i32
        %parallel_loop3A_542 = arith.constant 15 : i32
        %parallel_loop3A_543 = arith.addi %parallel_loop3A_541, %parallel_loop3A_542 : i32
        %parallel_loop3A_544 = arith.addi %parallel_loop3A_209, %broadcast_in_dim3A_41 : vector<16xi32>
        %parallel_loop3A_545 = arith.constant 0 : i32
        %parallel_loop3A_546 = tpu.memref_slice %arg14[%parallel_loop3A_163, %parallel_loop3A_545] : memref<2x512xf32, #tpu.memory_space<vmem>> -> memref<1x512xf32, #tpu.memory_space<vmem>>
        %parallel_loop3A_547 = tpu.memref_squeeze %parallel_loop3A_546 : memref<1x512xf32, #tpu.memory_space<vmem>> -> memref<512xf32, #tpu.memory_space<vmem>>
        %parallel_loop3A_548 = tpu.vector_load_idx %parallel_loop3A_547[%parallel_loop3A_544] : memref<512xf32, #tpu.memory_space<vmem>>[vector<16xi32>], vector<16xf32>,
        %parallel_loop3A_549 = arith.index_cast %parallel_loop3A_543 : i32 to index
        %parallel_loop3A_550 = arith.constant 0 : index
        %parallel_loop3A_551 = tpu.vector_load %arg9[%parallel_loop3A_549, %parallel_loop3A_550] {strides = array<i32>} : memref<512x32xbf16, #tpu.memory_space<vmem>>, vector<32xbf16>,
        %parallel_loop3A_552 = tpu.unpack_subelements %parallel_loop3A_551, 0 {pack_format = #tpu.pack_format<interleaved>} : vector<32xbf16> -> vector<16xf32>
        %parallel_loop3A_553 = tpu.unpack_subelements %parallel_loop3A_551, 1 {pack_format = #tpu.pack_format<interleaved>} : vector<32xbf16> -> vector<16xf32>
        %parallel_loop3A_554 = arith.mulf %parallel_loop3A_552, %parallel_loop3A_548 : vector<16xf32>
        %parallel_loop3A_555 = arith.index_cast %parallel_loop3A_543 : i32 to index
        %parallel_loop3A_556 = arith.constant 0 : index
        %parallel_loop3A_557 = tpu.vector_load %arg11[%parallel_loop3A_555, %parallel_loop3A_556] {strides = array<i32>} : memref<512x32xf32, #tpu.memory_space<vmem>>, vector<16xf32>,
        tpu.vector_store %arg11[%parallel_loop3A_555, %parallel_loop3A_556], %parallel_loop3A_554 {strides = array<i32>} : memref<512x32xf32, #tpu.memory_space<vmem>>, vector<16xf32>,
        %parallel_loop3A_558 = arith.mulf %parallel_loop3A_553, %parallel_loop3A_548 : vector<16xf32>
        %parallel_loop3A_559 = arith.index_cast %parallel_loop3A_543 : i32 to index
        %parallel_loop3A_560 = arith.constant 16 : index
        %parallel_loop3A_561 = tpu.vector_load %arg11[%parallel_loop3A_559, %parallel_loop3A_560] {strides = array<i32>} : memref<512x32xf32, #tpu.memory_space<vmem>>, vector<16xf32>,
        tpu.vector_store %arg11[%parallel_loop3A_559, %parallel_loop3A_560], %parallel_loop3A_558 {strides = array<i32>} : memref<512x32xf32, #tpu.memory_space<vmem>>, vector<16xf32>,
      } {sc.loop_unroll_factor = 2 : i64, sc.parallel_access}
      %dma_start3A_164 = arith.constant 0 : i32
      %dma_start3A_165 = arith.constant 0 : i32
      %dma_start3A_166 = tpu.memref_slice %arg13[%dma_start3A_164, %dma_start3A_165] : memref<2x512xi32, #tpu.memory_space<vmem>> -> memref<1x512xi32, #tpu.memory_space<vmem>>
      %dma_start3A_167 = tpu.memref_squeeze %dma_start3A_166 : memref<1x512xi32, #tpu.memory_space<vmem>> -> memref<512xi32, #tpu.memory_space<vmem>>
      %dma_start3A_168 = arith.constant 0 : i32
      %dma_start3A_169 = arith.constant 0 : i32
      %dma_start3A_170 = tpu.memref_slice %arg8[%dma_start3A_168, %dma_start3A_169] : memref<16384x32xf32, #tpu.memory_space<vmem_shared>> -> memref<16384x32xf32, #tpu.memory_space<vmem_shared>>
      tpu.enqueue_indirect_dma source(%arg11 : memref<512x32xf32, #tpu.memory_space<vmem>>) target(%dma_start3A_170 : memref<16384x32xf32, #tpu.memory_space<vmem_shared>>) offsets(%dma_start3A_167 : memref<512xi32, #tpu.memory_space<vmem>>) semaphore(%arg16 : memref<!tpu.dma_semaphore, #tpu.memory_space<semaphore_mem>>) {add = true}
      %convert_element_type3A_171 = arith.extui %scan3A_132 : i1 to i32
      %cond3A_172 = arith.constant 0 : i32
      %cond3A_173 = arith.cmpi ne, %convert_element_type3A_171, %cond3A_172 : i32
      scf.if %cond3A_173 {
        %add3A_206 = arith.constant 1 : i32
        %add3A_207 = arith.addi %mul3A_148, %add3A_206 : i32
        %dma_wait3A_208 = arith.constant 1 : i32
        %dma_wait3A_209 = arith.constant 0 : i32
        %dma_wait3A_210 = tpu.memref_slice %arg12[%dma_wait3A_208, %dma_wait3A_209] : memref<2x512xi32, #tpu.memory_space<vmem>> -> memref<1x512xi32, #tpu.memory_space<vmem>>
        %dma_wait3A_211 = tpu.memref_squeeze %dma_wait3A_210 : memref<1x512xi32, #tpu.memory_space<vmem>> -> memref<512xi32, #tpu.memory_space<vmem>>
        %dma_wait3A_212 = arith.constant 0 : i32
        %dma_wait3A_213 = tpu.memref_slice %arg3[%arg1, %add3A_207, %dma_wait3A_212] : memref<16x328x512xi32, #tpu.memory_space<hbm>> -> memref<1x1x512xi32, #tpu.memory_space<hbm>>
        %dma_wait3A_214 = tpu.memref_squeeze %dma_wait3A_213 : memref<1x1x512xi32, #tpu.memory_space<hbm>> -> memref<512xi32, #tpu.memory_space<hbm>>
        %dma_wait3A_215 = arith.constant 0 : i32
        %dma_wait3A_216 = tpu.memref_slice %arg12[%dma_wait3A_208, %dma_wait3A_215] : memref<2x512xi32, #tpu.memory_space<vmem>> -> memref<1x512xi32, #tpu.memory_space<vmem>>
        %dma_wait3A_217 = tpu.memref_squeeze %dma_wait3A_216 : memref<1x512xi32, #tpu.memory_space<vmem>> -> memref<512xi32, #tpu.memory_space<vmem>>
        %dma_wait3A_218 = arith.constant 0 : i32
        %dma_wait3A_219 = tpu.memref_slice %arg3[%arg1, %add3A_207, %dma_wait3A_218] : memref<16x328x512xi32, #tpu.memory_space<hbm>> -> memref<1x1x512xi32, #tpu.memory_space<hbm>>
        %dma_wait3A_220 = tpu.memref_squeeze %dma_wait3A_219 : memref<1x1x512xi32, #tpu.memory_space<hbm>> -> memref<512xi32, #tpu.memory_space<hbm>>
        tpu.wait_dma2 semaphore(%arg17 : memref<!tpu.dma_semaphore, #tpu.memory_space<semaphore_mem>>) src(%dma_wait3A_220 : memref<512xi32, #tpu.memory_space<hbm>>) dst(%dma_wait3A_217 : memref<512xi32, #tpu.memory_space<vmem>>)
        %dma_wait3A_221 = arith.constant 1 : i32
        %dma_wait3A_222 = arith.constant 0 : i32
        %dma_wait3A_223 = tpu.memref_slice %arg13[%dma_wait3A_221, %dma_wait3A_222] : memref<2x512xi32, #tpu.memory_space<vmem>> -> memref<1x512xi32, #tpu.memory_space<vmem>>
        %dma_wait3A_224 = tpu.memref_squeeze %dma_wait3A_223 : memref<1x512xi32, #tpu.memory_space<vmem>> -> memref<512xi32, #tpu.memory_space<vmem>>
        %dma_wait3A_225 = arith.constant 0 : i32
        %dma_wait3A_226 = tpu.memref_slice %arg4[%arg1, %add3A_207, %dma_wait3A_225] : memref<16x328x512xi32, #tpu.memory_space<hbm>> -> memref<1x1x512xi32, #tpu.memory_space<hbm>>
        %dma_wait3A_227 = tpu.memref_squeeze %dma_wait3A_226 : memref<1x1x512xi32, #tpu.memory_space<hbm>> -> memref<512xi32, #tpu.memory_space<hbm>>
        %dma_wait3A_228 = arith.constant 0 : i32
        %dma_wait3A_229 = tpu.memref_slice %arg13[%dma_wait3A_221, %dma_wait3A_228] : memref<2x512xi32, #tpu.memory_space<vmem>> -> memref<1x512xi32, #tpu.memory_space<vmem>>
        %dma_wait3A_230 = tpu.memref_squeeze %dma_wait3A_229 : memref<1x512xi32, #tpu.memory_space<vmem>> -> memref<512xi32, #tpu.memory_space<vmem>>
        %dma_wait3A_231 = arith.constant 0 : i32
        %dma_wait3A_232 = tpu.memref_slice %arg4[%arg1, %add3A_207, %dma_wait3A_231] : memref<16x328x512xi32, #tpu.memory_space<hbm>> -> memref<1x1x512xi32, #tpu.memory_space<hbm>>
        %dma_wait3A_233 = tpu.memref_squeeze %dma_wait3A_232 : memref<1x1x512xi32, #tpu.memory_space<hbm>> -> memref<512xi32, #tpu.memory_space<hbm>>
        tpu.wait_dma2 semaphore(%arg17 : memref<!tpu.dma_semaphore, #tpu.memory_space<semaphore_mem>>) src(%dma_wait3A_233 : memref<512xi32, #tpu.memory_space<hbm>>) dst(%dma_wait3A_230 : memref<512xi32, #tpu.memory_space<vmem>>)
        %dma_wait3A_234 = arith.constant 1 : i32
        %dma_wait3A_235 = arith.constant 0 : i32
        %dma_wait3A_236 = tpu.memref_slice %arg14[%dma_wait3A_234, %dma_wait3A_235] : memref<2x512xf32, #tpu.memory_space<vmem>> -> memref<1x512xf32, #tpu.memory_space<vmem>>
        %dma_wait3A_237 = tpu.memref_squeeze %dma_wait3A_236 : memref<1x512xf32, #tpu.memory_space<vmem>> -> memref<512xf32, #tpu.memory_space<vmem>>
        %dma_wait3A_238 = arith.constant 0 : i32
        %dma_wait3A_239 = tpu.memref_slice %arg5[%arg1, %add3A_207, %dma_wait3A_238] : memref<16x328x512xf32, #tpu.memory_space<hbm>> -> memref<1x1x512xf32, #tpu.memory_space<hbm>>
        %dma_wait3A_240 = tpu.memref_squeeze %dma_wait3A_239 : memref<1x1x512xf32, #tpu.memory_space<hbm>> -> memref<512xf32, #tpu.memory_space<hbm>>
        %dma_wait3A_241 = arith.constant 0 : i32
        %dma_wait3A_242 = tpu.memref_slice %arg14[%dma_wait3A_234, %dma_wait3A_241] : memref<2x512xf32, #tpu.memory_space<vmem>> -> memref<1x512xf32, #tpu.memory_space<vmem>>
        %dma_wait3A_243 = tpu.memref_squeeze %dma_wait3A_242 : memref<1x512xf32, #tpu.memory_space<vmem>> -> memref<512xf32, #tpu.memory_space<vmem>>
        %dma_wait3A_244 = arith.constant 0 : i32
        %dma_wait3A_245 = tpu.memref_slice %arg5[%arg1, %add3A_207, %dma_wait3A_244] : memref<16x328x512xf32, #tpu.memory_space<hbm>> -> memref<1x1x512xf32, #tpu.memory_space<hbm>>
        %dma_wait3A_246 = tpu.memref_squeeze %dma_wait3A_245 : memref<1x1x512xf32, #tpu.memory_space<hbm>> -> memref<512xf32, #tpu.memory_space<hbm>>
        tpu.wait_dma2 semaphore(%arg17 : memref<!tpu.dma_semaphore, #tpu.memory_space<semaphore_mem>>) src(%dma_wait3A_246 : memref<512xf32, #tpu.memory_space<hbm>>) dst(%dma_wait3A_243 : memref<512xf32, #tpu.memory_space<vmem>>)
        %dma_start3A_247 = arith.constant 1 : i32
        %dma_start3A_248 = arith.constant 0 : i32
        %dma_start3A_249 = tpu.memref_slice %arg12[%dma_start3A_247, %dma_start3A_248] : memref<2x512xi32, #tpu.memory_space<vmem>> -> memref<1x512xi32, #tpu.memory_space<vmem>>
        %dma_start3A_250 = tpu.memref_squeeze %dma_start3A_249 : memref<1x512xi32, #tpu.memory_space<vmem>> -> memref<512xi32, #tpu.memory_space<vmem>>
        %dma_start3A_251 = arith.constant 0 : i32
        %dma_start3A_252 = arith.constant 0 : i32
        %dma_start3A_253 = tpu.memref_slice %arg7[%dma_start3A_251, %dma_start3A_252] : memref<16384x32xbf16, #tpu.memory_space<vmem_shared>> -> memref<16384x32xbf16, #tpu.memory_space<vmem_shared>>
        tpu.enqueue_indirect_dma source(%dma_start3A_253 : memref<16384x32xbf16, #tpu.memory_space<vmem_shared>>) target(%arg10 : memref<512x32xbf16, #tpu.memory_space<vmem>>) offsets(%dma_start3A_250 : memref<512xi32, #tpu.memory_space<vmem>>) semaphore(%arg15 : memref<!tpu.dma_semaphore, #tpu.memory_space<semaphore_mem>>)
      } else {
      }
      %add3A_174 = arith.constant 1 : i32
      %add3A_175 = arith.addi %mul3A_148, %add3A_174 : i32
      %add3A_176 = arith.constant 2 : i32
      %add3A_177 = arith.addi %mul3A_148, %add3A_176 : i32
      %lt3A = arith.constant 328 : i32
      %lt3A_178 = arith.cmpi slt, %add3A_177, %lt3A : i32
      %convert_element_type3A_179 = arith.extui %scan3A_132 : i1 to i32
      %cond3A_180 = arith.constant 0 : i32
      %cond3A_181 = arith.cmpi ne, %convert_element_type3A_179, %cond3A_180 : i32
      scf.if %cond3A_181 {
        %dma_wait3A_206 = arith.constant 0 : i32
        %dma_wait3A_207 = arith.constant 0 : i32
        %dma_wait3A_208 = tpu.memref_slice %arg13[%dma_wait3A_206, %dma_wait3A_207] : memref<2x512xi32, #tpu.memory_space<vmem>> -> memref<1x512xi32, #tpu.memory_space<vmem>>
        %dma_wait3A_209 = tpu.memref_squeeze %dma_wait3A_208 : memref<1x512xi32, #tpu.memory_space<vmem>> -> memref<512xi32, #tpu.memory_space<vmem>>
        %dma_wait3A_210 = arith.constant 0 : i32
        %dma_wait3A_211 = arith.constant 0 : i32
        %dma_wait3A_212 = tpu.memref_slice %arg8[%dma_wait3A_210, %dma_wait3A_211] : memref<16384x32xf32, #tpu.memory_space<vmem_shared>> -> memref<16384x32xf32, #tpu.memory_space<vmem_shared>>
        tpu.wait_indirect_dma semaphore(%arg16 : memref<!tpu.dma_semaphore, #tpu.memory_space<semaphore_mem>>) src(%arg11 : memref<512x32xf32, #tpu.memory_space<vmem>>) dst(%dma_wait3A_212 : memref<16384x32xf32, #tpu.memory_space<vmem_shared>>)
      } else {
      }
      %convert_element_type3A_182 = arith.extui %lt3A_178 : i1 to i32
      %cond3A_183 = arith.constant 0 : i32
      %cond3A_184 = arith.cmpi ne, %convert_element_type3A_182, %cond3A_183 : i32
      scf.if %cond3A_184 {
        %add3A_206 = arith.constant 1 : i32
        %add3A_207 = arith.addi %add3A_175, %add3A_206 : i32
        %dma_start3A_208 = arith.constant 0 : i32
        %dma_start3A_209 = arith.constant 0 : i32
        %dma_start3A_210 = tpu.memref_slice %arg12[%dma_start3A_208, %dma_start3A_209] : memref<2x512xi32, #tpu.memory_space<vmem>> -> memref<1x512xi32, #tpu.memory_space<vmem>>
        %dma_start3A_211 = tpu.memref_squeeze %dma_start3A_210 : memref<1x512xi32, #tpu.memory_space<vmem>> -> memref<512xi32, #tpu.memory_space<vmem>>
        %dma_start3A_212 = arith.constant 0 : i32
        %dma_start3A_213 = tpu.memref_slice %arg3[%arg1, %add3A_207, %dma_start3A_212] : memref<16x328x512xi32, #tpu.memory_space<hbm>> -> memref<1x1x512xi32, #tpu.memory_space<hbm>>
        %dma_start3A_214 = tpu.memref_squeeze %dma_start3A_213 : memref<1x1x512xi32, #tpu.memory_space<hbm>> -> memref<512xi32, #tpu.memory_space<hbm>>
        %dma_start3A_215 = arith.constant 0 : i32
        %dma_start3A_216 = tpu.memref_slice %arg12[%dma_start3A_208, %dma_start3A_215] : memref<2x512xi32, #tpu.memory_space<vmem>> -> memref<1x512xi32, #tpu.memory_space<vmem>>
        %dma_start3A_217 = tpu.memref_squeeze %dma_start3A_216 : memref<1x512xi32, #tpu.memory_space<vmem>> -> memref<512xi32, #tpu.memory_space<vmem>>
        %dma_start3A_218 = arith.constant 0 : i32
        %dma_start3A_219 = tpu.memref_slice %arg3[%arg1, %add3A_207, %dma_start3A_218] : memref<16x328x512xi32, #tpu.memory_space<hbm>> -> memref<1x1x512xi32, #tpu.memory_space<hbm>>
        %dma_start3A_220 = tpu.memref_squeeze %dma_start3A_219 : memref<1x1x512xi32, #tpu.memory_space<hbm>> -> memref<512xi32, #tpu.memory_space<hbm>>
        tpu.enqueue_dma source(%dma_start3A_220 : memref<512xi32, #tpu.memory_space<hbm>>) target(%dma_start3A_217 : memref<512xi32, #tpu.memory_space<vmem>>) target_semaphore(%arg17 : memref<!tpu.dma_semaphore, #tpu.memory_space<semaphore_mem>>)
        %dma_start3A_221 = arith.constant 0 : i32
        %dma_start3A_222 = arith.constant 0 : i32
        %dma_start3A_223 = tpu.memref_slice %arg13[%dma_start3A_221, %dma_start3A_222] : memref<2x512xi32, #tpu.memory_space<vmem>> -> memref<1x512xi32, #tpu.memory_space<vmem>>
        %dma_start3A_224 = tpu.memref_squeeze %dma_start3A_223 : memref<1x512xi32, #tpu.memory_space<vmem>> -> memref<512xi32, #tpu.memory_space<vmem>>
        %dma_start3A_225 = arith.constant 0 : i32
        %dma_start3A_226 = tpu.memref_slice %arg4[%arg1, %add3A_207, %dma_start3A_225] : memref<16x328x512xi32, #tpu.memory_space<hbm>> -> memref<1x1x512xi32, #tpu.memory_space<hbm>>
        %dma_start3A_227 = tpu.memref_squeeze %dma_start3A_226 : memref<1x1x512xi32, #tpu.memory_space<hbm>> -> memref<512xi32, #tpu.memory_space<hbm>>
        %dma_start3A_228 = arith.constant 0 : i32
        %dma_start3A_229 = tpu.memref_slice %arg13[%dma_start3A_221, %dma_start3A_228] : memref<2x512xi32, #tpu.memory_space<vmem>> -> memref<1x512xi32, #tpu.memory_space<vmem>>
        %dma_start3A_230 = tpu.memref_squeeze %dma_start3A_229 : memref<1x512xi32, #tpu.memory_space<vmem>> -> memref<512xi32, #tpu.memory_space<vmem>>
        %dma_start3A_231 = arith.constant 0 : i32
        %dma_start3A_232 = tpu.memref_slice %arg4[%arg1, %add3A_207, %dma_start3A_231] : memref<16x328x512xi32, #tpu.memory_space<hbm>> -> memref<1x1x512xi32, #tpu.memory_space<hbm>>
        %dma_start3A_233 = tpu.memref_squeeze %dma_start3A_232 : memref<1x1x512xi32, #tpu.memory_space<hbm>> -> memref<512xi32, #tpu.memory_space<hbm>>
        tpu.enqueue_dma source(%dma_start3A_233 : memref<512xi32, #tpu.memory_space<hbm>>) target(%dma_start3A_230 : memref<512xi32, #tpu.memory_space<vmem>>) target_semaphore(%arg17 : memref<!tpu.dma_semaphore, #tpu.memory_space<semaphore_mem>>)
        %dma_start3A_234 = arith.constant 0 : i32
        %dma_start3A_235 = arith.constant 0 : i32
        %dma_start3A_236 = tpu.memref_slice %arg14[%dma_start3A_234, %dma_start3A_235] : memref<2x512xf32, #tpu.memory_space<vmem>> -> memref<1x512xf32, #tpu.memory_space<vmem>>
        %dma_start3A_237 = tpu.memref_squeeze %dma_start3A_236 : memref<1x512xf32, #tpu.memory_space<vmem>> -> memref<512xf32, #tpu.memory_space<vmem>>
        %dma_start3A_238 = arith.constant 0 : i32
        %dma_start3A_239 = tpu.memref_slice %arg5[%arg1, %add3A_207, %dma_start3A_238] : memref<16x328x512xf32, #tpu.memory_space<hbm>> -> memref<1x1x512xf32, #tpu.memory_space<hbm>>
        %dma_start3A_240 = tpu.memref_squeeze %dma_start3A_239 : memref<1x1x512xf32, #tpu.memory_space<hbm>> -> memref<512xf32, #tpu.memory_space<hbm>>
        %dma_start3A_241 = arith.constant 0 : i32
        %dma_start3A_242 = tpu.memref_slice %arg14[%dma_start3A_234, %dma_start3A_241] : memref<2x512xf32, #tpu.memory_space<vmem>> -> memref<1x512xf32, #tpu.memory_space<vmem>>
        %dma_start3A_243 = tpu.memref_squeeze %dma_start3A_242 : memref<1x512xf32, #tpu.memory_space<vmem>> -> memref<512xf32, #tpu.memory_space<vmem>>
        %dma_start3A_244 = arith.constant 0 : i32
        %dma_start3A_245 = tpu.memref_slice %arg5[%arg1, %add3A_207, %dma_start3A_244] : memref<16x328x512xf32, #tpu.memory_space<hbm>> -> memref<1x1x512xf32, #tpu.memory_space<hbm>>
        %dma_start3A_246 = tpu.memref_squeeze %dma_start3A_245 : memref<1x1x512xf32, #tpu.memory_space<hbm>> -> memref<512xf32, #tpu.memory_space<hbm>>
        tpu.enqueue_dma source(%dma_start3A_246 : memref<512xf32, #tpu.memory_space<hbm>>) target(%dma_start3A_243 : memref<512xf32, #tpu.memory_space<vmem>>) target_semaphore(%arg17 : memref<!tpu.dma_semaphore, #tpu.memory_space<semaphore_mem>>)
      } else {
      }
      %dma_wait3A_185 = arith.constant 1 : i32
      %dma_wait3A_186 = arith.constant 0 : i32
      %dma_wait3A_187 = tpu.memref_slice %arg12[%dma_wait3A_185, %dma_wait3A_186] : memref<2x512xi32, #tpu.memory_space<vmem>> -> memref<1x512xi32, #tpu.memory_space<vmem>>
      %dma_wait3A_188 = tpu.memref_squeeze %dma_wait3A_187 : memref<1x512xi32, #tpu.memory_space<vmem>> -> memref<512xi32, #tpu.memory_space<vmem>>
      %dma_wait3A_189 = arith.constant 0 : i32
      %dma_wait3A_190 = arith.constant 0 : i32
      %dma_wait3A_191 = tpu.memref_slice %arg7[%dma_wait3A_189, %dma_wait3A_190] : memref<16384x32xbf16, #tpu.memory_space<vmem_shared>> -> memref<16384x32xbf16, #tpu.memory_space<vmem_shared>>
      tpu.wait_indirect_dma semaphore(%arg15 : memref<!tpu.dma_semaphore, #tpu.memory_space<semaphore_mem>>) src(%dma_wait3A_191 : memref<16384x32xbf16, #tpu.memory_space<vmem_shared>>) dst(%arg10 : memref<512x32xbf16, #tpu.memory_space<vmem>>)
      %parallel_loop3A_192 = arith.constant 0 : i32
      %parallel_loop3A_193 = arith.constant 32 : i32
      %parallel_loop3A_194 = arith.constant 1 : i32
      %parallel_loop3A_195 = arith.constant 1 : i32
      scf.for %parallel_loop3A_206 = %parallel_loop3A_192 to %parallel_loop3A_193 step %parallel_loop3A_194  : i32 {
        %parallel_loop3A_207 = arith.constant 16 : i32
        %parallel_loop3A_208 = arith.muli %parallel_loop3A_206, %parallel_loop3A_207 : i32
        %parallel_loop3A_209 = vector.broadcast %parallel_loop3A_208 : i32 to vector<16xi32>
        %parallel_loop3A_210 = arith.constant 16 : i32
        %parallel_loop3A_211 = arith.muli %parallel_loop3A_206, %parallel_loop3A_210 : i32
        %parallel_loop3A_212 = arith.constant 0 : i32
        %parallel_loop3A_213 = arith.addi %parallel_loop3A_211, %parallel_loop3A_212 : i32
        %parallel_loop3A_214 = arith.addi %parallel_loop3A_209, %broadcast_in_dim3A_11 : vector<16xi32>
        %parallel_loop3A_215 = arith.constant 0 : i32
        %parallel_loop3A_216 = tpu.memref_slice %arg14[%parallel_loop3A_195, %parallel_loop3A_215] : memref<2x512xf32, #tpu.memory_space<vmem>> -> memref<1x512xf32, #tpu.memory_space<vmem>>
        %parallel_loop3A_217 = tpu.memref_squeeze %parallel_loop3A_216 : memref<1x512xf32, #tpu.memory_space<vmem>> -> memref<512xf32, #tpu.memory_space<vmem>>
        %parallel_loop3A_218 = tpu.vector_load_idx %parallel_loop3A_217[%parallel_loop3A_214] : memref<512xf32, #tpu.memory_space<vmem>>[vector<16xi32>], vector<16xf32>,
        %parallel_loop3A_219 = arith.index_cast %parallel_loop3A_213 : i32 to index
        %parallel_loop3A_220 = arith.constant 0 : index
        %parallel_loop3A_221 = tpu.vector_load %arg10[%parallel_loop3A_219, %parallel_loop3A_220] {strides = array<i32>} : memref<512x32xbf16, #tpu.memory_space<vmem>>, vector<32xbf16>,
        %parallel_loop3A_222 = tpu.unpack_subelements %parallel_loop3A_221, 0 {pack_format = #tpu.pack_format<interleaved>} : vector<32xbf16> -> vector<16xf32>
        %parallel_loop3A_223 = tpu.unpack_subelements %parallel_loop3A_221, 1 {pack_format = #tpu.pack_format<interleaved>} : vector<32xbf16> -> vector<16xf32>
        %parallel_loop3A_224 = arith.mulf %parallel_loop3A_222, %parallel_loop3A_218 : vector<16xf32>
        %parallel_loop3A_225 = arith.index_cast %parallel_loop3A_213 : i32 to index
        %parallel_loop3A_226 = arith.constant 0 : index
        %parallel_loop3A_227 = tpu.vector_load %arg11[%parallel_loop3A_225, %parallel_loop3A_226] {strides = array<i32>} : memref<512x32xf32, #tpu.memory_space<vmem>>, vector<16xf32>,
        tpu.vector_store %arg11[%parallel_loop3A_225, %parallel_loop3A_226], %parallel_loop3A_224 {strides = array<i32>} : memref<512x32xf32, #tpu.memory_space<vmem>>, vector<16xf32>,
        %parallel_loop3A_228 = arith.mulf %parallel_loop3A_223, %parallel_loop3A_218 : vector<16xf32>
        %parallel_loop3A_229 = arith.index_cast %parallel_loop3A_213 : i32 to index
        %parallel_loop3A_230 = arith.constant 16 : index
        %parallel_loop3A_231 = tpu.vector_load %arg11[%parallel_loop3A_229, %parallel_loop3A_230] {strides = array<i32>} : memref<512x32xf32, #tpu.memory_space<vmem>>, vector<16xf32>,
        tpu.vector_store %arg11[%parallel_loop3A_229, %parallel_loop3A_230], %parallel_loop3A_228 {strides = array<i32>} : memref<512x32xf32, #tpu.memory_space<vmem>>, vector<16xf32>,
        %parallel_loop3A_232 = arith.constant 16 : i32
        %parallel_loop3A_233 = arith.muli %parallel_loop3A_206, %parallel_loop3A_232 : i32
        %parallel_loop3A_234 = arith.constant 1 : i32
        %parallel_loop3A_235 = arith.addi %parallel_loop3A_233, %parallel_loop3A_234 : i32
        %parallel_loop3A_236 = arith.addi %parallel_loop3A_209, %broadcast_in_dim3A_13 : vector<16xi32>
        %parallel_loop3A_237 = arith.constant 0 : i32
        %parallel_loop3A_238 = tpu.memref_slice %arg14[%parallel_loop3A_195, %parallel_loop3A_237] : memref<2x512xf32, #tpu.memory_space<vmem>> -> memref<1x512xf32, #tpu.memory_space<vmem>>
        %parallel_loop3A_239 = tpu.memref_squeeze %parallel_loop3A_238 : memref<1x512xf32, #tpu.memory_space<vmem>> -> memref<512xf32, #tpu.memory_space<vmem>>
        %parallel_loop3A_240 = tpu.vector_load_idx %parallel_loop3A_239[%parallel_loop3A_236] : memref<512xf32, #tpu.memory_space<vmem>>[vector<16xi32>], vector<16xf32>,
        %parallel_loop3A_241 = arith.index_cast %parallel_loop3A_235 : i32 to index
        %parallel_loop3A_242 = arith.constant 0 : index
        %parallel_loop3A_243 = tpu.vector_load %arg10[%parallel_loop3A_241, %parallel_loop3A_242] {strides = array<i32>} : memref<512x32xbf16, #tpu.memory_space<vmem>>, vector<32xbf16>,
        %parallel_loop3A_244 = tpu.unpack_subelements %parallel_loop3A_243, 0 {pack_format = #tpu.pack_format<interleaved>} : vector<32xbf16> -> vector<16xf32>
        %parallel_loop3A_245 = tpu.unpack_subelements %parallel_loop3A_243, 1 {pack_format = #tpu.pack_format<interleaved>} : vector<32xbf16> -> vector<16xf32>
        %parallel_loop3A_246 = arith.mulf %parallel_loop3A_244, %parallel_loop3A_240 : vector<16xf32>
        %parallel_loop3A_247 = arith.index_cast %parallel_loop3A_235 : i32 to index
        %parallel_loop3A_248 = arith.constant 0 : index
        %parallel_loop3A_249 = tpu.vector_load %arg11[%parallel_loop3A_247, %parallel_loop3A_248] {strides = array<i32>} : memref<512x32xf32, #tpu.memory_space<vmem>>, vector<16xf32>,
        tpu.vector_store %arg11[%parallel_loop3A_247, %parallel_loop3A_248], %parallel_loop3A_246 {strides = array<i32>} : memref<512x32xf32, #tpu.memory_space<vmem>>, vector<16xf32>,
        %parallel_loop3A_250 = arith.mulf %parallel_loop3A_245, %parallel_loop3A_240 : vector<16xf32>
        %parallel_loop3A_251 = arith.index_cast %parallel_loop3A_235 : i32 to index
        %parallel_loop3A_252 = arith.constant 16 : index
        %parallel_loop3A_253 = tpu.vector_load %arg11[%parallel_loop3A_251, %parallel_loop3A_252] {strides = array<i32>} : memref<512x32xf32, #tpu.memory_space<vmem>>, vector<16xf32>,
        tpu.vector_store %arg11[%parallel_loop3A_251, %parallel_loop3A_252], %parallel_loop3A_250 {strides = array<i32>} : memref<512x32xf32, #tpu.memory_space<vmem>>, vector<16xf32>,
        %parallel_loop3A_254 = arith.constant 16 : i32
        %parallel_loop3A_255 = arith.muli %parallel_loop3A_206, %parallel_loop3A_254 : i32
        %parallel_loop3A_256 = arith.constant 2 : i32
        %parallel_loop3A_257 = arith.addi %parallel_loop3A_255, %parallel_loop3A_256 : i32
        %parallel_loop3A_258 = arith.addi %parallel_loop3A_209, %broadcast_in_dim3A_15 : vector<16xi32>
        %parallel_loop3A_259 = arith.constant 0 : i32
        %parallel_loop3A_260 = tpu.memref_slice %arg14[%parallel_loop3A_195, %parallel_loop3A_259] : memref<2x512xf32, #tpu.memory_space<vmem>> -> memref<1x512xf32, #tpu.memory_space<vmem>>
        %parallel_loop3A_261 = tpu.memref_squeeze %parallel_loop3A_260 : memref<1x512xf32, #tpu.memory_space<vmem>> -> memref<512xf32, #tpu.memory_space<vmem>>
        %parallel_loop3A_262 = tpu.vector_load_idx %parallel_loop3A_261[%parallel_loop3A_258] : memref<512xf32, #tpu.memory_space<vmem>>[vector<16xi32>], vector<16xf32>,
        %parallel_loop3A_263 = arith.index_cast %parallel_loop3A_257 : i32 to index
        %parallel_loop3A_264 = arith.constant 0 : index
        %parallel_loop3A_265 = tpu.vector_load %arg10[%parallel_loop3A_263, %parallel_loop3A_264] {strides = array<i32>} : memref<512x32xbf16, #tpu.memory_space<vmem>>, vector<32xbf16>,
        %parallel_loop3A_266 = tpu.unpack_subelements %parallel_loop3A_265, 0 {pack_format = #tpu.pack_format<interleaved>} : vector<32xbf16> -> vector<16xf32>
        %parallel_loop3A_267 = tpu.unpack_subelements %parallel_loop3A_265, 1 {pack_format = #tpu.pack_format<interleaved>} : vector<32xbf16> -> vector<16xf32>
        %parallel_loop3A_268 = arith.mulf %parallel_loop3A_266, %parallel_loop3A_262 : vector<16xf32>
        %parallel_loop3A_269 = arith.index_cast %parallel_loop3A_257 : i32 to index
        %parallel_loop3A_270 = arith.constant 0 : index
        %parallel_loop3A_271 = tpu.vector_load %arg11[%parallel_loop3A_269, %parallel_loop3A_270] {strides = array<i32>} : memref<512x32xf32, #tpu.memory_space<vmem>>, vector<16xf32>,
        tpu.vector_store %arg11[%parallel_loop3A_269, %parallel_loop3A_270], %parallel_loop3A_268 {strides = array<i32>} : memref<512x32xf32, #tpu.memory_space<vmem>>, vector<16xf32>,
        %parallel_loop3A_272 = arith.mulf %parallel_loop3A_267, %parallel_loop3A_262 : vector<16xf32>
        %parallel_loop3A_273 = arith.index_cast %parallel_loop3A_257 : i32 to index
        %parallel_loop3A_274 = arith.constant 16 : index
        %parallel_loop3A_275 = tpu.vector_load %arg11[%parallel_loop3A_273, %parallel_loop3A_274] {strides = array<i32>} : memref<512x32xf32, #tpu.memory_space<vmem>>, vector<16xf32>,
        tpu.vector_store %arg11[%parallel_loop3A_273, %parallel_loop3A_274], %parallel_loop3A_272 {strides = array<i32>} : memref<512x32xf32, #tpu.memory_space<vmem>>, vector<16xf32>,
        %parallel_loop3A_276 = arith.constant 16 : i32
        %parallel_loop3A_277 = arith.muli %parallel_loop3A_206, %parallel_loop3A_276 : i32
        %parallel_loop3A_278 = arith.constant 3 : i32
        %parallel_loop3A_279 = arith.addi %parallel_loop3A_277, %parallel_loop3A_278 : i32
        %parallel_loop3A_280 = arith.addi %parallel_loop3A_209, %broadcast_in_dim3A_17 : vector<16xi32>
        %parallel_loop3A_281 = arith.constant 0 : i32
        %parallel_loop3A_282 = tpu.memref_slice %arg14[%parallel_loop3A_195, %parallel_loop3A_281] : memref<2x512xf32, #tpu.memory_space<vmem>> -> memref<1x512xf32, #tpu.memory_space<vmem>>
        %parallel_loop3A_283 = tpu.memref_squeeze %parallel_loop3A_282 : memref<1x512xf32, #tpu.memory_space<vmem>> -> memref<512xf32, #tpu.memory_space<vmem>>
        %parallel_loop3A_284 = tpu.vector_load_idx %parallel_loop3A_283[%parallel_loop3A_280] : memref<512xf32, #tpu.memory_space<vmem>>[vector<16xi32>], vector<16xf32>,
        %parallel_loop3A_285 = arith.index_cast %parallel_loop3A_279 : i32 to index
        %parallel_loop3A_286 = arith.constant 0 : index
        %parallel_loop3A_287 = tpu.vector_load %arg10[%parallel_loop3A_285, %parallel_loop3A_286] {strides = array<i32>} : memref<512x32xbf16, #tpu.memory_space<vmem>>, vector<32xbf16>,
        %parallel_loop3A_288 = tpu.unpack_subelements %parallel_loop3A_287, 0 {pack_format = #tpu.pack_format<interleaved>} : vector<32xbf16> -> vector<16xf32>
        %parallel_loop3A_289 = tpu.unpack_subelements %parallel_loop3A_287, 1 {pack_format = #tpu.pack_format<interleaved>} : vector<32xbf16> -> vector<16xf32>
        %parallel_loop3A_290 = arith.mulf %parallel_loop3A_288, %parallel_loop3A_284 : vector<16xf32>
        %parallel_loop3A_291 = arith.index_cast %parallel_loop3A_279 : i32 to index
        %parallel_loop3A_292 = arith.constant 0 : index
        %parallel_loop3A_293 = tpu.vector_load %arg11[%parallel_loop3A_291, %parallel_loop3A_292] {strides = array<i32>} : memref<512x32xf32, #tpu.memory_space<vmem>>, vector<16xf32>,
        tpu.vector_store %arg11[%parallel_loop3A_291, %parallel_loop3A_292], %parallel_loop3A_290 {strides = array<i32>} : memref<512x32xf32, #tpu.memory_space<vmem>>, vector<16xf32>,
        %parallel_loop3A_294 = arith.mulf %parallel_loop3A_289, %parallel_loop3A_284 : vector<16xf32>
        %parallel_loop3A_295 = arith.index_cast %parallel_loop3A_279 : i32 to index
        %parallel_loop3A_296 = arith.constant 16 : index
        %parallel_loop3A_297 = tpu.vector_load %arg11[%parallel_loop3A_295, %parallel_loop3A_296] {strides = array<i32>} : memref<512x32xf32, #tpu.memory_space<vmem>>, vector<16xf32>,
        tpu.vector_store %arg11[%parallel_loop3A_295, %parallel_loop3A_296], %parallel_loop3A_294 {strides = array<i32>} : memref<512x32xf32, #tpu.memory_space<vmem>>, vector<16xf32>,
        %parallel_loop3A_298 = arith.constant 16 : i32
        %parallel_loop3A_299 = arith.muli %parallel_loop3A_206, %parallel_loop3A_298 : i32
        %parallel_loop3A_300 = arith.constant 4 : i32
        %parallel_loop3A_301 = arith.addi %parallel_loop3A_299, %parallel_loop3A_300 : i32
        %parallel_loop3A_302 = arith.addi %parallel_loop3A_209, %broadcast_in_dim3A_19 : vector<16xi32>
        %parallel_loop3A_303 = arith.constant 0 : i32
        %parallel_loop3A_304 = tpu.memref_slice %arg14[%parallel_loop3A_195, %parallel_loop3A_303] : memref<2x512xf32, #tpu.memory_space<vmem>> -> memref<1x512xf32, #tpu.memory_space<vmem>>
        %parallel_loop3A_305 = tpu.memref_squeeze %parallel_loop3A_304 : memref<1x512xf32, #tpu.memory_space<vmem>> -> memref<512xf32, #tpu.memory_space<vmem>>
        %parallel_loop3A_306 = tpu.vector_load_idx %parallel_loop3A_305[%parallel_loop3A_302] : memref<512xf32, #tpu.memory_space<vmem>>[vector<16xi32>], vector<16xf32>,
        %parallel_loop3A_307 = arith.index_cast %parallel_loop3A_301 : i32 to index
        %parallel_loop3A_308 = arith.constant 0 : index
        %parallel_loop3A_309 = tpu.vector_load %arg10[%parallel_loop3A_307, %parallel_loop3A_308] {strides = array<i32>} : memref<512x32xbf16, #tpu.memory_space<vmem>>, vector<32xbf16>,
        %parallel_loop3A_310 = tpu.unpack_subelements %parallel_loop3A_309, 0 {pack_format = #tpu.pack_format<interleaved>} : vector<32xbf16> -> vector<16xf32>
        %parallel_loop3A_311 = tpu.unpack_subelements %parallel_loop3A_309, 1 {pack_format = #tpu.pack_format<interleaved>} : vector<32xbf16> -> vector<16xf32>
        %parallel_loop3A_312 = arith.mulf %parallel_loop3A_310, %parallel_loop3A_306 : vector<16xf32>
        %parallel_loop3A_313 = arith.index_cast %parallel_loop3A_301 : i32 to index
        %parallel_loop3A_314 = arith.constant 0 : index
        %parallel_loop3A_315 = tpu.vector_load %arg11[%parallel_loop3A_313, %parallel_loop3A_314] {strides = array<i32>} : memref<512x32xf32, #tpu.memory_space<vmem>>, vector<16xf32>,
        tpu.vector_store %arg11[%parallel_loop3A_313, %parallel_loop3A_314], %parallel_loop3A_312 {strides = array<i32>} : memref<512x32xf32, #tpu.memory_space<vmem>>, vector<16xf32>,
        %parallel_loop3A_316 = arith.mulf %parallel_loop3A_311, %parallel_loop3A_306 : vector<16xf32>
        %parallel_loop3A_317 = arith.index_cast %parallel_loop3A_301 : i32 to index
        %parallel_loop3A_318 = arith.constant 16 : index
        %parallel_loop3A_319 = tpu.vector_load %arg11[%parallel_loop3A_317, %parallel_loop3A_318] {strides = array<i32>} : memref<512x32xf32, #tpu.memory_space<vmem>>, vector<16xf32>,
        tpu.vector_store %arg11[%parallel_loop3A_317, %parallel_loop3A_318], %parallel_loop3A_316 {strides = array<i32>} : memref<512x32xf32, #tpu.memory_space<vmem>>, vector<16xf32>,
        %parallel_loop3A_320 = arith.constant 16 : i32
        %parallel_loop3A_321 = arith.muli %parallel_loop3A_206, %parallel_loop3A_320 : i32
        %parallel_loop3A_322 = arith.constant 5 : i32
        %parallel_loop3A_323 = arith.addi %parallel_loop3A_321, %parallel_loop3A_322 : i32
        %parallel_loop3A_324 = arith.addi %parallel_loop3A_209, %broadcast_in_dim3A_21 : vector<16xi32>
        %parallel_loop3A_325 = arith.constant 0 : i32
        %parallel_loop3A_326 = tpu.memref_slice %arg14[%parallel_loop3A_195, %parallel_loop3A_325] : memref<2x512xf32, #tpu.memory_space<vmem>> -> memref<1x512xf32, #tpu.memory_space<vmem>>
        %parallel_loop3A_327 = tpu.memref_squeeze %parallel_loop3A_326 : memref<1x512xf32, #tpu.memory_space<vmem>> -> memref<512xf32, #tpu.memory_space<vmem>>
        %parallel_loop3A_328 = tpu.vector_load_idx %parallel_loop3A_327[%parallel_loop3A_324] : memref<512xf32, #tpu.memory_space<vmem>>[vector<16xi32>], vector<16xf32>,
        %parallel_loop3A_329 = arith.index_cast %parallel_loop3A_323 : i32 to index
        %parallel_loop3A_330 = arith.constant 0 : index
        %parallel_loop3A_331 = tpu.vector_load %arg10[%parallel_loop3A_329, %parallel_loop3A_330] {strides = array<i32>} : memref<512x32xbf16, #tpu.memory_space<vmem>>, vector<32xbf16>,
        %parallel_loop3A_332 = tpu.unpack_subelements %parallel_loop3A_331, 0 {pack_format = #tpu.pack_format<interleaved>} : vector<32xbf16> -> vector<16xf32>
        %parallel_loop3A_333 = tpu.unpack_subelements %parallel_loop3A_331, 1 {pack_format = #tpu.pack_format<interleaved>} : vector<32xbf16> -> vector<16xf32>
        %parallel_loop3A_334 = arith.mulf %parallel_loop3A_332, %parallel_loop3A_328 : vector<16xf32>
        %parallel_loop3A_335 = arith.index_cast %parallel_loop3A_323 : i32 to index
        %parallel_loop3A_336 = arith.constant 0 : index
        %parallel_loop3A_337 = tpu.vector_load %arg11[%parallel_loop3A_335, %parallel_loop3A_336] {strides = array<i32>} : memref<512x32xf32, #tpu.memory_space<vmem>>, vector<16xf32>,
        tpu.vector_store %arg11[%parallel_loop3A_335, %parallel_loop3A_336], %parallel_loop3A_334 {strides = array<i32>} : memref<512x32xf32, #tpu.memory_space<vmem>>, vector<16xf32>,
        %parallel_loop3A_338 = arith.mulf %parallel_loop3A_333, %parallel_loop3A_328 : vector<16xf32>
        %parallel_loop3A_339 = arith.index_cast %parallel_loop3A_323 : i32 to index
        %parallel_loop3A_340 = arith.constant 16 : index
        %parallel_loop3A_341 = tpu.vector_load %arg11[%parallel_loop3A_339, %parallel_loop3A_340] {strides = array<i32>} : memref<512x32xf32, #tpu.memory_space<vmem>>, vector<16xf32>,
        tpu.vector_store %arg11[%parallel_loop3A_339, %parallel_loop3A_340], %parallel_loop3A_338 {strides = array<i32>} : memref<512x32xf32, #tpu.memory_space<vmem>>, vector<16xf32>,
        %parallel_loop3A_342 = arith.constant 16 : i32
        %parallel_loop3A_343 = arith.muli %parallel_loop3A_206, %parallel_loop3A_342 : i32
        %parallel_loop3A_344 = arith.constant 6 : i32
        %parallel_loop3A_345 = arith.addi %parallel_loop3A_343, %parallel_loop3A_344 : i32
        %parallel_loop3A_346 = arith.addi %parallel_loop3A_209, %broadcast_in_dim3A_23 : vector<16xi32>
        %parallel_loop3A_347 = arith.constant 0 : i32
        %parallel_loop3A_348 = tpu.memref_slice %arg14[%parallel_loop3A_195, %parallel_loop3A_347] : memref<2x512xf32, #tpu.memory_space<vmem>> -> memref<1x512xf32, #tpu.memory_space<vmem>>
        %parallel_loop3A_349 = tpu.memref_squeeze %parallel_loop3A_348 : memref<1x512xf32, #tpu.memory_space<vmem>> -> memref<512xf32, #tpu.memory_space<vmem>>
        %parallel_loop3A_350 = tpu.vector_load_idx %parallel_loop3A_349[%parallel_loop3A_346] : memref<512xf32, #tpu.memory_space<vmem>>[vector<16xi32>], vector<16xf32>,
        %parallel_loop3A_351 = arith.index_cast %parallel_loop3A_345 : i32 to index
        %parallel_loop3A_352 = arith.constant 0 : index
        %parallel_loop3A_353 = tpu.vector_load %arg10[%parallel_loop3A_351, %parallel_loop3A_352] {strides = array<i32>} : memref<512x32xbf16, #tpu.memory_space<vmem>>, vector<32xbf16>,
        %parallel_loop3A_354 = tpu.unpack_subelements %parallel_loop3A_353, 0 {pack_format = #tpu.pack_format<interleaved>} : vector<32xbf16> -> vector<16xf32>
        %parallel_loop3A_355 = tpu.unpack_subelements %parallel_loop3A_353, 1 {pack_format = #tpu.pack_format<interleaved>} : vector<32xbf16> -> vector<16xf32>
        %parallel_loop3A_356 = arith.mulf %parallel_loop3A_354, %parallel_loop3A_350 : vector<16xf32>
        %parallel_loop3A_357 = arith.index_cast %parallel_loop3A_345 : i32 to index
        %parallel_loop3A_358 = arith.constant 0 : index
        %parallel_loop3A_359 = tpu.vector_load %arg11[%parallel_loop3A_357, %parallel_loop3A_358] {strides = array<i32>} : memref<512x32xf32, #tpu.memory_space<vmem>>, vector<16xf32>,
        tpu.vector_store %arg11[%parallel_loop3A_357, %parallel_loop3A_358], %parallel_loop3A_356 {strides = array<i32>} : memref<512x32xf32, #tpu.memory_space<vmem>>, vector<16xf32>,
        %parallel_loop3A_360 = arith.mulf %parallel_loop3A_355, %parallel_loop3A_350 : vector<16xf32>
        %parallel_loop3A_361 = arith.index_cast %parallel_loop3A_345 : i32 to index
        %parallel_loop3A_362 = arith.constant 16 : index
        %parallel_loop3A_363 = tpu.vector_load %arg11[%parallel_loop3A_361, %parallel_loop3A_362] {strides = array<i32>} : memref<512x32xf32, #tpu.memory_space<vmem>>, vector<16xf32>,
        tpu.vector_store %arg11[%parallel_loop3A_361, %parallel_loop3A_362], %parallel_loop3A_360 {strides = array<i32>} : memref<512x32xf32, #tpu.memory_space<vmem>>, vector<16xf32>,
        %parallel_loop3A_364 = arith.constant 16 : i32
        %parallel_loop3A_365 = arith.muli %parallel_loop3A_206, %parallel_loop3A_364 : i32
        %parallel_loop3A_366 = arith.constant 7 : i32
        %parallel_loop3A_367 = arith.addi %parallel_loop3A_365, %parallel_loop3A_366 : i32
        %parallel_loop3A_368 = arith.addi %parallel_loop3A_209, %broadcast_in_dim3A_25 : vector<16xi32>
        %parallel_loop3A_369 = arith.constant 0 : i32
        %parallel_loop3A_370 = tpu.memref_slice %arg14[%parallel_loop3A_195, %parallel_loop3A_369] : memref<2x512xf32, #tpu.memory_space<vmem>> -> memref<1x512xf32, #tpu.memory_space<vmem>>
        %parallel_loop3A_371 = tpu.memref_squeeze %parallel_loop3A_370 : memref<1x512xf32, #tpu.memory_space<vmem>> -> memref<512xf32, #tpu.memory_space<vmem>>
        %parallel_loop3A_372 = tpu.vector_load_idx %parallel_loop3A_371[%parallel_loop3A_368] : memref<512xf32, #tpu.memory_space<vmem>>[vector<16xi32>], vector<16xf32>,
        %parallel_loop3A_373 = arith.index_cast %parallel_loop3A_367 : i32 to index
        %parallel_loop3A_374 = arith.constant 0 : index
        %parallel_loop3A_375 = tpu.vector_load %arg10[%parallel_loop3A_373, %parallel_loop3A_374] {strides = array<i32>} : memref<512x32xbf16, #tpu.memory_space<vmem>>, vector<32xbf16>,
        %parallel_loop3A_376 = tpu.unpack_subelements %parallel_loop3A_375, 0 {pack_format = #tpu.pack_format<interleaved>} : vector<32xbf16> -> vector<16xf32>
        %parallel_loop3A_377 = tpu.unpack_subelements %parallel_loop3A_375, 1 {pack_format = #tpu.pack_format<interleaved>} : vector<32xbf16> -> vector<16xf32>
        %parallel_loop3A_378 = arith.mulf %parallel_loop3A_376, %parallel_loop3A_372 : vector<16xf32>
        %parallel_loop3A_379 = arith.index_cast %parallel_loop3A_367 : i32 to index
        %parallel_loop3A_380 = arith.constant 0 : index
        %parallel_loop3A_381 = tpu.vector_load %arg11[%parallel_loop3A_379, %parallel_loop3A_380] {strides = array<i32>} : memref<512x32xf32, #tpu.memory_space<vmem>>, vector<16xf32>,
        tpu.vector_store %arg11[%parallel_loop3A_379, %parallel_loop3A_380], %parallel_loop3A_378 {strides = array<i32>} : memref<512x32xf32, #tpu.memory_space<vmem>>, vector<16xf32>,
        %parallel_loop3A_382 = arith.mulf %parallel_loop3A_377, %parallel_loop3A_372 : vector<16xf32>
        %parallel_loop3A_383 = arith.index_cast %parallel_loop3A_367 : i32 to index
        %parallel_loop3A_384 = arith.constant 16 : index
        %parallel_loop3A_385 = tpu.vector_load %arg11[%parallel_loop3A_383, %parallel_loop3A_384] {strides = array<i32>} : memref<512x32xf32, #tpu.memory_space<vmem>>, vector<16xf32>,
        tpu.vector_store %arg11[%parallel_loop3A_383, %parallel_loop3A_384], %parallel_loop3A_382 {strides = array<i32>} : memref<512x32xf32, #tpu.memory_space<vmem>>, vector<16xf32>,
        %parallel_loop3A_386 = arith.constant 16 : i32
        %parallel_loop3A_387 = arith.muli %parallel_loop3A_206, %parallel_loop3A_386 : i32
        %parallel_loop3A_388 = arith.constant 8 : i32
        %parallel_loop3A_389 = arith.addi %parallel_loop3A_387, %parallel_loop3A_388 : i32
        %parallel_loop3A_390 = arith.addi %parallel_loop3A_209, %broadcast_in_dim3A_27 : vector<16xi32>
        %parallel_loop3A_391 = arith.constant 0 : i32
        %parallel_loop3A_392 = tpu.memref_slice %arg14[%parallel_loop3A_195, %parallel_loop3A_391] : memref<2x512xf32, #tpu.memory_space<vmem>> -> memref<1x512xf32, #tpu.memory_space<vmem>>
        %parallel_loop3A_393 = tpu.memref_squeeze %parallel_loop3A_392 : memref<1x512xf32, #tpu.memory_space<vmem>> -> memref<512xf32, #tpu.memory_space<vmem>>
        %parallel_loop3A_394 = tpu.vector_load_idx %parallel_loop3A_393[%parallel_loop3A_390] : memref<512xf32, #tpu.memory_space<vmem>>[vector<16xi32>], vector<16xf32>,
        %parallel_loop3A_395 = arith.index_cast %parallel_loop3A_389 : i32 to index
        %parallel_loop3A_396 = arith.constant 0 : index
        %parallel_loop3A_397 = tpu.vector_load %arg10[%parallel_loop3A_395, %parallel_loop3A_396] {strides = array<i32>} : memref<512x32xbf16, #tpu.memory_space<vmem>>, vector<32xbf16>,
        %parallel_loop3A_398 = tpu.unpack_subelements %parallel_loop3A_397, 0 {pack_format = #tpu.pack_format<interleaved>} : vector<32xbf16> -> vector<16xf32>
        %parallel_loop3A_399 = tpu.unpack_subelements %parallel_loop3A_397, 1 {pack_format = #tpu.pack_format<interleaved>} : vector<32xbf16> -> vector<16xf32>
        %parallel_loop3A_400 = arith.mulf %parallel_loop3A_398, %parallel_loop3A_394 : vector<16xf32>
        %parallel_loop3A_401 = arith.index_cast %parallel_loop3A_389 : i32 to index
        %parallel_loop3A_402 = arith.constant 0 : index
        %parallel_loop3A_403 = tpu.vector_load %arg11[%parallel_loop3A_401, %parallel_loop3A_402] {strides = array<i32>} : memref<512x32xf32, #tpu.memory_space<vmem>>, vector<16xf32>,
        tpu.vector_store %arg11[%parallel_loop3A_401, %parallel_loop3A_402], %parallel_loop3A_400 {strides = array<i32>} : memref<512x32xf32, #tpu.memory_space<vmem>>, vector<16xf32>,
        %parallel_loop3A_404 = arith.mulf %parallel_loop3A_399, %parallel_loop3A_394 : vector<16xf32>
        %parallel_loop3A_405 = arith.index_cast %parallel_loop3A_389 : i32 to index
        %parallel_loop3A_406 = arith.constant 16 : index
        %parallel_loop3A_407 = tpu.vector_load %arg11[%parallel_loop3A_405, %parallel_loop3A_406] {strides = array<i32>} : memref<512x32xf32, #tpu.memory_space<vmem>>, vector<16xf32>,
        tpu.vector_store %arg11[%parallel_loop3A_405, %parallel_loop3A_406], %parallel_loop3A_404 {strides = array<i32>} : memref<512x32xf32, #tpu.memory_space<vmem>>, vector<16xf32>,
        %parallel_loop3A_408 = arith.constant 16 : i32
        %parallel_loop3A_409 = arith.muli %parallel_loop3A_206, %parallel_loop3A_408 : i32
        %parallel_loop3A_410 = arith.constant 9 : i32
        %parallel_loop3A_411 = arith.addi %parallel_loop3A_409, %parallel_loop3A_410 : i32
        %parallel_loop3A_412 = arith.addi %parallel_loop3A_209, %broadcast_in_dim3A_29 : vector<16xi32>
        %parallel_loop3A_413 = arith.constant 0 : i32
        %parallel_loop3A_414 = tpu.memref_slice %arg14[%parallel_loop3A_195, %parallel_loop3A_413] : memref<2x512xf32, #tpu.memory_space<vmem>> -> memref<1x512xf32, #tpu.memory_space<vmem>>
        %parallel_loop3A_415 = tpu.memref_squeeze %parallel_loop3A_414 : memref<1x512xf32, #tpu.memory_space<vmem>> -> memref<512xf32, #tpu.memory_space<vmem>>
        %parallel_loop3A_416 = tpu.vector_load_idx %parallel_loop3A_415[%parallel_loop3A_412] : memref<512xf32, #tpu.memory_space<vmem>>[vector<16xi32>], vector<16xf32>,
        %parallel_loop3A_417 = arith.index_cast %parallel_loop3A_411 : i32 to index
        %parallel_loop3A_418 = arith.constant 0 : index
        %parallel_loop3A_419 = tpu.vector_load %arg10[%parallel_loop3A_417, %parallel_loop3A_418] {strides = array<i32>} : memref<512x32xbf16, #tpu.memory_space<vmem>>, vector<32xbf16>,
        %parallel_loop3A_420 = tpu.unpack_subelements %parallel_loop3A_419, 0 {pack_format = #tpu.pack_format<interleaved>} : vector<32xbf16> -> vector<16xf32>
        %parallel_loop3A_421 = tpu.unpack_subelements %parallel_loop3A_419, 1 {pack_format = #tpu.pack_format<interleaved>} : vector<32xbf16> -> vector<16xf32>
        %parallel_loop3A_422 = arith.mulf %parallel_loop3A_420, %parallel_loop3A_416 : vector<16xf32>
        %parallel_loop3A_423 = arith.index_cast %parallel_loop3A_411 : i32 to index
        %parallel_loop3A_424 = arith.constant 0 : index
        %parallel_loop3A_425 = tpu.vector_load %arg11[%parallel_loop3A_423, %parallel_loop3A_424] {strides = array<i32>} : memref<512x32xf32, #tpu.memory_space<vmem>>, vector<16xf32>,
        tpu.vector_store %arg11[%parallel_loop3A_423, %parallel_loop3A_424], %parallel_loop3A_422 {strides = array<i32>} : memref<512x32xf32, #tpu.memory_space<vmem>>, vector<16xf32>,
        %parallel_loop3A_426 = arith.mulf %parallel_loop3A_421, %parallel_loop3A_416 : vector<16xf32>
        %parallel_loop3A_427 = arith.index_cast %parallel_loop3A_411 : i32 to index
        %parallel_loop3A_428 = arith.constant 16 : index
        %parallel_loop3A_429 = tpu.vector_load %arg11[%parallel_loop3A_427, %parallel_loop3A_428] {strides = array<i32>} : memref<512x32xf32, #tpu.memory_space<vmem>>, vector<16xf32>,
        tpu.vector_store %arg11[%parallel_loop3A_427, %parallel_loop3A_428], %parallel_loop3A_426 {strides = array<i32>} : memref<512x32xf32, #tpu.memory_space<vmem>>, vector<16xf32>,
        %parallel_loop3A_430 = arith.constant 16 : i32
        %parallel_loop3A_431 = arith.muli %parallel_loop3A_206, %parallel_loop3A_430 : i32
        %parallel_loop3A_432 = arith.constant 10 : i32
        %parallel_loop3A_433 = arith.addi %parallel_loop3A_431, %parallel_loop3A_432 : i32
        %parallel_loop3A_434 = arith.addi %parallel_loop3A_209, %broadcast_in_dim3A_31 : vector<16xi32>
        %parallel_loop3A_435 = arith.constant 0 : i32
        %parallel_loop3A_436 = tpu.memref_slice %arg14[%parallel_loop3A_195, %parallel_loop3A_435] : memref<2x512xf32, #tpu.memory_space<vmem>> -> memref<1x512xf32, #tpu.memory_space<vmem>>
        %parallel_loop3A_437 = tpu.memref_squeeze %parallel_loop3A_436 : memref<1x512xf32, #tpu.memory_space<vmem>> -> memref<512xf32, #tpu.memory_space<vmem>>
        %parallel_loop3A_438 = tpu.vector_load_idx %parallel_loop3A_437[%parallel_loop3A_434] : memref<512xf32, #tpu.memory_space<vmem>>[vector<16xi32>], vector<16xf32>,
        %parallel_loop3A_439 = arith.index_cast %parallel_loop3A_433 : i32 to index
        %parallel_loop3A_440 = arith.constant 0 : index
        %parallel_loop3A_441 = tpu.vector_load %arg10[%parallel_loop3A_439, %parallel_loop3A_440] {strides = array<i32>} : memref<512x32xbf16, #tpu.memory_space<vmem>>, vector<32xbf16>,
        %parallel_loop3A_442 = tpu.unpack_subelements %parallel_loop3A_441, 0 {pack_format = #tpu.pack_format<interleaved>} : vector<32xbf16> -> vector<16xf32>
        %parallel_loop3A_443 = tpu.unpack_subelements %parallel_loop3A_441, 1 {pack_format = #tpu.pack_format<interleaved>} : vector<32xbf16> -> vector<16xf32>
        %parallel_loop3A_444 = arith.mulf %parallel_loop3A_442, %parallel_loop3A_438 : vector<16xf32>
        %parallel_loop3A_445 = arith.index_cast %parallel_loop3A_433 : i32 to index
        %parallel_loop3A_446 = arith.constant 0 : index
        %parallel_loop3A_447 = tpu.vector_load %arg11[%parallel_loop3A_445, %parallel_loop3A_446] {strides = array<i32>} : memref<512x32xf32, #tpu.memory_space<vmem>>, vector<16xf32>,
        tpu.vector_store %arg11[%parallel_loop3A_445, %parallel_loop3A_446], %parallel_loop3A_444 {strides = array<i32>} : memref<512x32xf32, #tpu.memory_space<vmem>>, vector<16xf32>,
        %parallel_loop3A_448 = arith.mulf %parallel_loop3A_443, %parallel_loop3A_438 : vector<16xf32>
        %parallel_loop3A_449 = arith.index_cast %parallel_loop3A_433 : i32 to index
        %parallel_loop3A_450 = arith.constant 16 : index
        %parallel_loop3A_451 = tpu.vector_load %arg11[%parallel_loop3A_449, %parallel_loop3A_450] {strides = array<i32>} : memref<512x32xf32, #tpu.memory_space<vmem>>, vector<16xf32>,
        tpu.vector_store %arg11[%parallel_loop3A_449, %parallel_loop3A_450], %parallel_loop3A_448 {strides = array<i32>} : memref<512x32xf32, #tpu.memory_space<vmem>>, vector<16xf32>,
        %parallel_loop3A_452 = arith.constant 16 : i32
        %parallel_loop3A_453 = arith.muli %parallel_loop3A_206, %parallel_loop3A_452 : i32
        %parallel_loop3A_454 = arith.constant 11 : i32
        %parallel_loop3A_455 = arith.addi %parallel_loop3A_453, %parallel_loop3A_454 : i32
        %parallel_loop3A_456 = arith.addi %parallel_loop3A_209, %broadcast_in_dim3A_33 : vector<16xi32>
        %parallel_loop3A_457 = arith.constant 0 : i32
        %parallel_loop3A_458 = tpu.memref_slice %arg14[%parallel_loop3A_195, %parallel_loop3A_457] : memref<2x512xf32, #tpu.memory_space<vmem>> -> memref<1x512xf32, #tpu.memory_space<vmem>>
        %parallel_loop3A_459 = tpu.memref_squeeze %parallel_loop3A_458 : memref<1x512xf32, #tpu.memory_space<vmem>> -> memref<512xf32, #tpu.memory_space<vmem>>
        %parallel_loop3A_460 = tpu.vector_load_idx %parallel_loop3A_459[%parallel_loop3A_456] : memref<512xf32, #tpu.memory_space<vmem>>[vector<16xi32>], vector<16xf32>,
        %parallel_loop3A_461 = arith.index_cast %parallel_loop3A_455 : i32 to index
        %parallel_loop3A_462 = arith.constant 0 : index
        %parallel_loop3A_463 = tpu.vector_load %arg10[%parallel_loop3A_461, %parallel_loop3A_462] {strides = array<i32>} : memref<512x32xbf16, #tpu.memory_space<vmem>>, vector<32xbf16>,
        %parallel_loop3A_464 = tpu.unpack_subelements %parallel_loop3A_463, 0 {pack_format = #tpu.pack_format<interleaved>} : vector<32xbf16> -> vector<16xf32>
        %parallel_loop3A_465 = tpu.unpack_subelements %parallel_loop3A_463, 1 {pack_format = #tpu.pack_format<interleaved>} : vector<32xbf16> -> vector<16xf32>
        %parallel_loop3A_466 = arith.mulf %parallel_loop3A_464, %parallel_loop3A_460 : vector<16xf32>
        %parallel_loop3A_467 = arith.index_cast %parallel_loop3A_455 : i32 to index
        %parallel_loop3A_468 = arith.constant 0 : index
        %parallel_loop3A_469 = tpu.vector_load %arg11[%parallel_loop3A_467, %parallel_loop3A_468] {strides = array<i32>} : memref<512x32xf32, #tpu.memory_space<vmem>>, vector<16xf32>,
        tpu.vector_store %arg11[%parallel_loop3A_467, %parallel_loop3A_468], %parallel_loop3A_466 {strides = array<i32>} : memref<512x32xf32, #tpu.memory_space<vmem>>, vector<16xf32>,
        %parallel_loop3A_470 = arith.mulf %parallel_loop3A_465, %parallel_loop3A_460 : vector<16xf32>
        %parallel_loop3A_471 = arith.index_cast %parallel_loop3A_455 : i32 to index
        %parallel_loop3A_472 = arith.constant 16 : index
        %parallel_loop3A_473 = tpu.vector_load %arg11[%parallel_loop3A_471, %parallel_loop3A_472] {strides = array<i32>} : memref<512x32xf32, #tpu.memory_space<vmem>>, vector<16xf32>,
        tpu.vector_store %arg11[%parallel_loop3A_471, %parallel_loop3A_472], %parallel_loop3A_470 {strides = array<i32>} : memref<512x32xf32, #tpu.memory_space<vmem>>, vector<16xf32>,
        %parallel_loop3A_474 = arith.constant 16 : i32
        %parallel_loop3A_475 = arith.muli %parallel_loop3A_206, %parallel_loop3A_474 : i32
        %parallel_loop3A_476 = arith.constant 12 : i32
        %parallel_loop3A_477 = arith.addi %parallel_loop3A_475, %parallel_loop3A_476 : i32
        %parallel_loop3A_478 = arith.addi %parallel_loop3A_209, %broadcast_in_dim3A_35 : vector<16xi32>
        %parallel_loop3A_479 = arith.constant 0 : i32
        %parallel_loop3A_480 = tpu.memref_slice %arg14[%parallel_loop3A_195, %parallel_loop3A_479] : memref<2x512xf32, #tpu.memory_space<vmem>> -> memref<1x512xf32, #tpu.memory_space<vmem>>
        %parallel_loop3A_481 = tpu.memref_squeeze %parallel_loop3A_480 : memref<1x512xf32, #tpu.memory_space<vmem>> -> memref<512xf32, #tpu.memory_space<vmem>>
        %parallel_loop3A_482 = tpu.vector_load_idx %parallel_loop3A_481[%parallel_loop3A_478] : memref<512xf32, #tpu.memory_space<vmem>>[vector<16xi32>], vector<16xf32>,
        %parallel_loop3A_483 = arith.index_cast %parallel_loop3A_477 : i32 to index
        %parallel_loop3A_484 = arith.constant 0 : index
        %parallel_loop3A_485 = tpu.vector_load %arg10[%parallel_loop3A_483, %parallel_loop3A_484] {strides = array<i32>} : memref<512x32xbf16, #tpu.memory_space<vmem>>, vector<32xbf16>,
        %parallel_loop3A_486 = tpu.unpack_subelements %parallel_loop3A_485, 0 {pack_format = #tpu.pack_format<interleaved>} : vector<32xbf16> -> vector<16xf32>
        %parallel_loop3A_487 = tpu.unpack_subelements %parallel_loop3A_485, 1 {pack_format = #tpu.pack_format<interleaved>} : vector<32xbf16> -> vector<16xf32>
        %parallel_loop3A_488 = arith.mulf %parallel_loop3A_486, %parallel_loop3A_482 : vector<16xf32>
        %parallel_loop3A_489 = arith.index_cast %parallel_loop3A_477 : i32 to index
        %parallel_loop3A_490 = arith.constant 0 : index
        %parallel_loop3A_491 = tpu.vector_load %arg11[%parallel_loop3A_489, %parallel_loop3A_490] {strides = array<i32>} : memref<512x32xf32, #tpu.memory_space<vmem>>, vector<16xf32>,
        tpu.vector_store %arg11[%parallel_loop3A_489, %parallel_loop3A_490], %parallel_loop3A_488 {strides = array<i32>} : memref<512x32xf32, #tpu.memory_space<vmem>>, vector<16xf32>,
        %parallel_loop3A_492 = arith.mulf %parallel_loop3A_487, %parallel_loop3A_482 : vector<16xf32>
        %parallel_loop3A_493 = arith.index_cast %parallel_loop3A_477 : i32 to index
        %parallel_loop3A_494 = arith.constant 16 : index
        %parallel_loop3A_495 = tpu.vector_load %arg11[%parallel_loop3A_493, %parallel_loop3A_494] {strides = array<i32>} : memref<512x32xf32, #tpu.memory_space<vmem>>, vector<16xf32>,
        tpu.vector_store %arg11[%parallel_loop3A_493, %parallel_loop3A_494], %parallel_loop3A_492 {strides = array<i32>} : memref<512x32xf32, #tpu.memory_space<vmem>>, vector<16xf32>,
        %parallel_loop3A_496 = arith.constant 16 : i32
        %parallel_loop3A_497 = arith.muli %parallel_loop3A_206, %parallel_loop3A_496 : i32
        %parallel_loop3A_498 = arith.constant 13 : i32
        %parallel_loop3A_499 = arith.addi %parallel_loop3A_497, %parallel_loop3A_498 : i32
        %parallel_loop3A_500 = arith.addi %parallel_loop3A_209, %broadcast_in_dim3A_37 : vector<16xi32>
        %parallel_loop3A_501 = arith.constant 0 : i32
        %parallel_loop3A_502 = tpu.memref_slice %arg14[%parallel_loop3A_195, %parallel_loop3A_501] : memref<2x512xf32, #tpu.memory_space<vmem>> -> memref<1x512xf32, #tpu.memory_space<vmem>>
        %parallel_loop3A_503 = tpu.memref_squeeze %parallel_loop3A_502 : memref<1x512xf32, #tpu.memory_space<vmem>> -> memref<512xf32, #tpu.memory_space<vmem>>
        %parallel_loop3A_504 = tpu.vector_load_idx %parallel_loop3A_503[%parallel_loop3A_500] : memref<512xf32, #tpu.memory_space<vmem>>[vector<16xi32>], vector<16xf32>,
        %parallel_loop3A_505 = arith.index_cast %parallel_loop3A_499 : i32 to index
        %parallel_loop3A_506 = arith.constant 0 : index
        %parallel_loop3A_507 = tpu.vector_load %arg10[%parallel_loop3A_505, %parallel_loop3A_506] {strides = array<i32>} : memref<512x32xbf16, #tpu.memory_space<vmem>>, vector<32xbf16>,
        %parallel_loop3A_508 = tpu.unpack_subelements %parallel_loop3A_507, 0 {pack_format = #tpu.pack_format<interleaved>} : vector<32xbf16> -> vector<16xf32>
        %parallel_loop3A_509 = tpu.unpack_subelements %parallel_loop3A_507, 1 {pack_format = #tpu.pack_format<interleaved>} : vector<32xbf16> -> vector<16xf32>
        %parallel_loop3A_510 = arith.mulf %parallel_loop3A_508, %parallel_loop3A_504 : vector<16xf32>
        %parallel_loop3A_511 = arith.index_cast %parallel_loop3A_499 : i32 to index
        %parallel_loop3A_512 = arith.constant 0 : index
        %parallel_loop3A_513 = tpu.vector_load %arg11[%parallel_loop3A_511, %parallel_loop3A_512] {strides = array<i32>} : memref<512x32xf32, #tpu.memory_space<vmem>>, vector<16xf32>,
        tpu.vector_store %arg11[%parallel_loop3A_511, %parallel_loop3A_512], %parallel_loop3A_510 {strides = array<i32>} : memref<512x32xf32, #tpu.memory_space<vmem>>, vector<16xf32>,
        %parallel_loop3A_514 = arith.mulf %parallel_loop3A_509, %parallel_loop3A_504 : vector<16xf32>
        %parallel_loop3A_515 = arith.index_cast %parallel_loop3A_499 : i32 to index
        %parallel_loop3A_516 = arith.constant 16 : index
        %parallel_loop3A_517 = tpu.vector_load %arg11[%parallel_loop3A_515, %parallel_loop3A_516] {strides = array<i32>} : memref<512x32xf32, #tpu.memory_space<vmem>>, vector<16xf32>,
        tpu.vector_store %arg11[%parallel_loop3A_515, %parallel_loop3A_516], %parallel_loop3A_514 {strides = array<i32>} : memref<512x32xf32, #tpu.memory_space<vmem>>, vector<16xf32>,
        %parallel_loop3A_518 = arith.constant 16 : i32
        %parallel_loop3A_519 = arith.muli %parallel_loop3A_206, %parallel_loop3A_518 : i32
        %parallel_loop3A_520 = arith.constant 14 : i32
        %parallel_loop3A_521 = arith.addi %parallel_loop3A_519, %parallel_loop3A_520 : i32
        %parallel_loop3A_522 = arith.addi %parallel_loop3A_209, %broadcast_in_dim3A_39 : vector<16xi32>
        %parallel_loop3A_523 = arith.constant 0 : i32
        %parallel_loop3A_524 = tpu.memref_slice %arg14[%parallel_loop3A_195, %parallel_loop3A_523] : memref<2x512xf32, #tpu.memory_space<vmem>> -> memref<1x512xf32, #tpu.memory_space<vmem>>
        %parallel_loop3A_525 = tpu.memref_squeeze %parallel_loop3A_524 : memref<1x512xf32, #tpu.memory_space<vmem>> -> memref<512xf32, #tpu.memory_space<vmem>>
        %parallel_loop3A_526 = tpu.vector_load_idx %parallel_loop3A_525[%parallel_loop3A_522] : memref<512xf32, #tpu.memory_space<vmem>>[vector<16xi32>], vector<16xf32>,
        %parallel_loop3A_527 = arith.index_cast %parallel_loop3A_521 : i32 to index
        %parallel_loop3A_528 = arith.constant 0 : index
        %parallel_loop3A_529 = tpu.vector_load %arg10[%parallel_loop3A_527, %parallel_loop3A_528] {strides = array<i32>} : memref<512x32xbf16, #tpu.memory_space<vmem>>, vector<32xbf16>,
        %parallel_loop3A_530 = tpu.unpack_subelements %parallel_loop3A_529, 0 {pack_format = #tpu.pack_format<interleaved>} : vector<32xbf16> -> vector<16xf32>
        %parallel_loop3A_531 = tpu.unpack_subelements %parallel_loop3A_529, 1 {pack_format = #tpu.pack_format<interleaved>} : vector<32xbf16> -> vector<16xf32>
        %parallel_loop3A_532 = arith.mulf %parallel_loop3A_530, %parallel_loop3A_526 : vector<16xf32>
        %parallel_loop3A_533 = arith.index_cast %parallel_loop3A_521 : i32 to index
        %parallel_loop3A_534 = arith.constant 0 : index
        %parallel_loop3A_535 = tpu.vector_load %arg11[%parallel_loop3A_533, %parallel_loop3A_534] {strides = array<i32>} : memref<512x32xf32, #tpu.memory_space<vmem>>, vector<16xf32>,
        tpu.vector_store %arg11[%parallel_loop3A_533, %parallel_loop3A_534], %parallel_loop3A_532 {strides = array<i32>} : memref<512x32xf32, #tpu.memory_space<vmem>>, vector<16xf32>,
        %parallel_loop3A_536 = arith.mulf %parallel_loop3A_531, %parallel_loop3A_526 : vector<16xf32>
        %parallel_loop3A_537 = arith.index_cast %parallel_loop3A_521 : i32 to index
        %parallel_loop3A_538 = arith.constant 16 : index
        %parallel_loop3A_539 = tpu.vector_load %arg11[%parallel_loop3A_537, %parallel_loop3A_538] {strides = array<i32>} : memref<512x32xf32, #tpu.memory_space<vmem>>, vector<16xf32>,
        tpu.vector_store %arg11[%parallel_loop3A_537, %parallel_loop3A_538], %parallel_loop3A_536 {strides = array<i32>} : memref<512x32xf32, #tpu.memory_space<vmem>>, vector<16xf32>,
        %parallel_loop3A_540 = arith.constant 16 : i32
        %parallel_loop3A_541 = arith.muli %parallel_loop3A_206, %parallel_loop3A_540 : i32
        %parallel_loop3A_542 = arith.constant 15 : i32
        %parallel_loop3A_543 = arith.addi %parallel_loop3A_541, %parallel_loop3A_542 : i32
        %parallel_loop3A_544 = arith.addi %parallel_loop3A_209, %broadcast_in_dim3A_41 : vector<16xi32>
        %parallel_loop3A_545 = arith.constant 0 : i32
        %parallel_loop3A_546 = tpu.memref_slice %arg14[%parallel_loop3A_195, %parallel_loop3A_545] : memref<2x512xf32, #tpu.memory_space<vmem>> -> memref<1x512xf32, #tpu.memory_space<vmem>>
        %parallel_loop3A_547 = tpu.memref_squeeze %parallel_loop3A_546 : memref<1x512xf32, #tpu.memory_space<vmem>> -> memref<512xf32, #tpu.memory_space<vmem>>
        %parallel_loop3A_548 = tpu.vector_load_idx %parallel_loop3A_547[%parallel_loop3A_544] : memref<512xf32, #tpu.memory_space<vmem>>[vector<16xi32>], vector<16xf32>,
        %parallel_loop3A_549 = arith.index_cast %parallel_loop3A_543 : i32 to index
        %parallel_loop3A_550 = arith.constant 0 : index
        %parallel_loop3A_551 = tpu.vector_load %arg10[%parallel_loop3A_549, %parallel_loop3A_550] {strides = array<i32>} : memref<512x32xbf16, #tpu.memory_space<vmem>>, vector<32xbf16>,
        %parallel_loop3A_552 = tpu.unpack_subelements %parallel_loop3A_551, 0 {pack_format = #tpu.pack_format<interleaved>} : vector<32xbf16> -> vector<16xf32>
        %parallel_loop3A_553 = tpu.unpack_subelements %parallel_loop3A_551, 1 {pack_format = #tpu.pack_format<interleaved>} : vector<32xbf16> -> vector<16xf32>
        %parallel_loop3A_554 = arith.mulf %parallel_loop3A_552, %parallel_loop3A_548 : vector<16xf32>
        %parallel_loop3A_555 = arith.index_cast %parallel_loop3A_543 : i32 to index
        %parallel_loop3A_556 = arith.constant 0 : index
        %parallel_loop3A_557 = tpu.vector_load %arg11[%parallel_loop3A_555, %parallel_loop3A_556] {strides = array<i32>} : memref<512x32xf32, #tpu.memory_space<vmem>>, vector<16xf32>,
        tpu.vector_store %arg11[%parallel_loop3A_555, %parallel_loop3A_556], %parallel_loop3A_554 {strides = array<i32>} : memref<512x32xf32, #tpu.memory_space<vmem>>, vector<16xf32>,
        %parallel_loop3A_558 = arith.mulf %parallel_loop3A_553, %parallel_loop3A_548 : vector<16xf32>
        %parallel_loop3A_559 = arith.index_cast %parallel_loop3A_543 : i32 to index
        %parallel_loop3A_560 = arith.constant 16 : index
        %parallel_loop3A_561 = tpu.vector_load %arg11[%parallel_loop3A_559, %parallel_loop3A_560] {strides = array<i32>} : memref<512x32xf32, #tpu.memory_space<vmem>>, vector<16xf32>,
        tpu.vector_store %arg11[%parallel_loop3A_559, %parallel_loop3A_560], %parallel_loop3A_558 {strides = array<i32>} : memref<512x32xf32, #tpu.memory_space<vmem>>, vector<16xf32>,
      } {sc.loop_unroll_factor = 2 : i64, sc.parallel_access}
      %dma_start3A_196 = arith.constant 1 : i32
      %dma_start3A_197 = arith.constant 0 : i32
      %dma_start3A_198 = tpu.memref_slice %arg13[%dma_start3A_196, %dma_start3A_197] : memref<2x512xi32, #tpu.memory_space<vmem>> -> memref<1x512xi32, #tpu.memory_space<vmem>>
      %dma_start3A_199 = tpu.memref_squeeze %dma_start3A_198 : memref<1x512xi32, #tpu.memory_space<vmem>> -> memref<512xi32, #tpu.memory_space<vmem>>
      %dma_start3A_200 = arith.constant 0 : i32
      %dma_start3A_201 = arith.constant 0 : i32
      %dma_start3A_202 = tpu.memref_slice %arg8[%dma_start3A_200, %dma_start3A_201] : memref<16384x32xf32, #tpu.memory_space<vmem_shared>> -> memref<16384x32xf32, #tpu.memory_space<vmem_shared>>
      tpu.enqueue_indirect_dma source(%arg11 : memref<512x32xf32, #tpu.memory_space<vmem>>) target(%dma_start3A_202 : memref<16384x32xf32, #tpu.memory_space<vmem_shared>>) offsets(%dma_start3A_199 : memref<512xi32, #tpu.memory_space<vmem>>) semaphore(%arg16 : memref<!tpu.dma_semaphore, #tpu.memory_space<semaphore_mem>>) {add = true}
      %convert_element_type3A_203 = arith.extui %lt3A_178 : i1 to i32
      %cond3A_204 = arith.constant 0 : i32
      %cond3A_205 = arith.cmpi ne, %convert_element_type3A_203, %cond3A_204 : i32
      scf.if %cond3A_205 {
        %add3A_206 = arith.constant 1 : i32
        %add3A_207 = arith.addi %add3A_175, %add3A_206 : i32
        %dma_wait3A_208 = arith.constant 0 : i32
        %dma_wait3A_209 = arith.constant 0 : i32
        %dma_wait3A_210 = tpu.memref_slice %arg12[%dma_wait3A_208, %dma_wait3A_209] : memref<2x512xi32, #tpu.memory_space<vmem>> -> memref<1x512xi32, #tpu.memory_space<vmem>>
        %dma_wait3A_211 = tpu.memref_squeeze %dma_wait3A_210 : memref<1x512xi32, #tpu.memory_space<vmem>> -> memref<512xi32, #tpu.memory_space<vmem>>
        %dma_wait3A_212 = arith.constant 0 : i32
        %dma_wait3A_213 = tpu.memref_slice %arg3[%arg1, %add3A_207, %dma_wait3A_212] : memref<16x328x512xi32, #tpu.memory_space<hbm>> -> memref<1x1x512xi32, #tpu.memory_space<hbm>>
        %dma_wait3A_214 = tpu.memref_squeeze %dma_wait3A_213 : memref<1x1x512xi32, #tpu.memory_space<hbm>> -> memref<512xi32, #tpu.memory_space<hbm>>
        %dma_wait3A_215 = arith.constant 0 : i32
        %dma_wait3A_216 = tpu.memref_slice %arg12[%dma_wait3A_208, %dma_wait3A_215] : memref<2x512xi32, #tpu.memory_space<vmem>> -> memref<1x512xi32, #tpu.memory_space<vmem>>
        %dma_wait3A_217 = tpu.memref_squeeze %dma_wait3A_216 : memref<1x512xi32, #tpu.memory_space<vmem>> -> memref<512xi32, #tpu.memory_space<vmem>>
        %dma_wait3A_218 = arith.constant 0 : i32
        %dma_wait3A_219 = tpu.memref_slice %arg3[%arg1, %add3A_207, %dma_wait3A_218] : memref<16x328x512xi32, #tpu.memory_space<hbm>> -> memref<1x1x512xi32, #tpu.memory_space<hbm>>
        %dma_wait3A_220 = tpu.memref_squeeze %dma_wait3A_219 : memref<1x1x512xi32, #tpu.memory_space<hbm>> -> memref<512xi32, #tpu.memory_space<hbm>>
        tpu.wait_dma2 semaphore(%arg17 : memref<!tpu.dma_semaphore, #tpu.memory_space<semaphore_mem>>) src(%dma_wait3A_220 : memref<512xi32, #tpu.memory_space<hbm>>) dst(%dma_wait3A_217 : memref<512xi32, #tpu.memory_space<vmem>>)
        %dma_wait3A_221 = arith.constant 0 : i32
        %dma_wait3A_222 = arith.constant 0 : i32
        %dma_wait3A_223 = tpu.memref_slice %arg13[%dma_wait3A_221, %dma_wait3A_222] : memref<2x512xi32, #tpu.memory_space<vmem>> -> memref<1x512xi32, #tpu.memory_space<vmem>>
        %dma_wait3A_224 = tpu.memref_squeeze %dma_wait3A_223 : memref<1x512xi32, #tpu.memory_space<vmem>> -> memref<512xi32, #tpu.memory_space<vmem>>
        %dma_wait3A_225 = arith.constant 0 : i32
        %dma_wait3A_226 = tpu.memref_slice %arg4[%arg1, %add3A_207, %dma_wait3A_225] : memref<16x328x512xi32, #tpu.memory_space<hbm>> -> memref<1x1x512xi32, #tpu.memory_space<hbm>>
        %dma_wait3A_227 = tpu.memref_squeeze %dma_wait3A_226 : memref<1x1x512xi32, #tpu.memory_space<hbm>> -> memref<512xi32, #tpu.memory_space<hbm>>
        %dma_wait3A_228 = arith.constant 0 : i32
        %dma_wait3A_229 = tpu.memref_slice %arg13[%dma_wait3A_221, %dma_wait3A_228] : memref<2x512xi32, #tpu.memory_space<vmem>> -> memref<1x512xi32, #tpu.memory_space<vmem>>
        %dma_wait3A_230 = tpu.memref_squeeze %dma_wait3A_229 : memref<1x512xi32, #tpu.memory_space<vmem>> -> memref<512xi32, #tpu.memory_space<vmem>>
        %dma_wait3A_231 = arith.constant 0 : i32
        %dma_wait3A_232 = tpu.memref_slice %arg4[%arg1, %add3A_207, %dma_wait3A_231] : memref<16x328x512xi32, #tpu.memory_space<hbm>> -> memref<1x1x512xi32, #tpu.memory_space<hbm>>
        %dma_wait3A_233 = tpu.memref_squeeze %dma_wait3A_232 : memref<1x1x512xi32, #tpu.memory_space<hbm>> -> memref<512xi32, #tpu.memory_space<hbm>>
        tpu.wait_dma2 semaphore(%arg17 : memref<!tpu.dma_semaphore, #tpu.memory_space<semaphore_mem>>) src(%dma_wait3A_233 : memref<512xi32, #tpu.memory_space<hbm>>) dst(%dma_wait3A_230 : memref<512xi32, #tpu.memory_space<vmem>>)
        %dma_wait3A_234 = arith.constant 0 : i32
        %dma_wait3A_235 = arith.constant 0 : i32
        %dma_wait3A_236 = tpu.memref_slice %arg14[%dma_wait3A_234, %dma_wait3A_235] : memref<2x512xf32, #tpu.memory_space<vmem>> -> memref<1x512xf32, #tpu.memory_space<vmem>>
        %dma_wait3A_237 = tpu.memref_squeeze %dma_wait3A_236 : memref<1x512xf32, #tpu.memory_space<vmem>> -> memref<512xf32, #tpu.memory_space<vmem>>
        %dma_wait3A_238 = arith.constant 0 : i32
        %dma_wait3A_239 = tpu.memref_slice %arg5[%arg1, %add3A_207, %dma_wait3A_238] : memref<16x328x512xf32, #tpu.memory_space<hbm>> -> memref<1x1x512xf32, #tpu.memory_space<hbm>>
        %dma_wait3A_240 = tpu.memref_squeeze %dma_wait3A_239 : memref<1x1x512xf32, #tpu.memory_space<hbm>> -> memref<512xf32, #tpu.memory_space<hbm>>
        %dma_wait3A_241 = arith.constant 0 : i32
        %dma_wait3A_242 = tpu.memref_slice %arg14[%dma_wait3A_234, %dma_wait3A_241] : memref<2x512xf32, #tpu.memory_space<vmem>> -> memref<1x512xf32, #tpu.memory_space<vmem>>
        %dma_wait3A_243 = tpu.memref_squeeze %dma_wait3A_242 : memref<1x512xf32, #tpu.memory_space<vmem>> -> memref<512xf32, #tpu.memory_space<vmem>>
        %dma_wait3A_244 = arith.constant 0 : i32
        %dma_wait3A_245 = tpu.memref_slice %arg5[%arg1, %add3A_207, %dma_wait3A_244] : memref<16x328x512xf32, #tpu.memory_space<hbm>> -> memref<1x1x512xf32, #tpu.memory_space<hbm>>
        %dma_wait3A_246 = tpu.memref_squeeze %dma_wait3A_245 : memref<1x1x512xf32, #tpu.memory_space<hbm>> -> memref<512xf32, #tpu.memory_space<hbm>>
        tpu.wait_dma2 semaphore(%arg17 : memref<!tpu.dma_semaphore, #tpu.memory_space<semaphore_mem>>) src(%dma_wait3A_246 : memref<512xf32, #tpu.memory_space<hbm>>) dst(%dma_wait3A_243 : memref<512xf32, #tpu.memory_space<vmem>>)
        %dma_start3A_247 = arith.constant 0 : i32
        %dma_start3A_248 = arith.constant 0 : i32
        %dma_start3A_249 = tpu.memref_slice %arg12[%dma_start3A_247, %dma_start3A_248] : memref<2x512xi32, #tpu.memory_space<vmem>> -> memref<1x512xi32, #tpu.memory_space<vmem>>
        %dma_start3A_250 = tpu.memref_squeeze %dma_start3A_249 : memref<1x512xi32, #tpu.memory_space<vmem>> -> memref<512xi32, #tpu.memory_space<vmem>>
        %dma_start3A_251 = arith.constant 0 : i32
        %dma_start3A_252 = arith.constant 0 : i32
        %dma_start3A_253 = tpu.memref_slice %arg7[%dma_start3A_251, %dma_start3A_252] : memref<16384x32xbf16, #tpu.memory_space<vmem_shared>> -> memref<16384x32xbf16, #tpu.memory_space<vmem_shared>>
        tpu.enqueue_indirect_dma source(%dma_start3A_253 : memref<16384x32xbf16, #tpu.memory_space<vmem_shared>>) target(%arg9 : memref<512x32xbf16, #tpu.memory_space<vmem>>) offsets(%dma_start3A_250 : memref<512xi32, #tpu.memory_space<vmem>>) semaphore(%arg15 : memref<!tpu.dma_semaphore, #tpu.memory_space<semaphore_mem>>)
      } else {
      }
    }
    %scan3A_137 = arith.constant 164 : i32
    %dma_wait3A_138 = arith.constant 1 : i32
    %dma_wait3A_139 = arith.constant 0 : i32
    %dma_wait3A_140 = tpu.memref_slice %arg13[%dma_wait3A_138, %dma_wait3A_139] : memref<2x512xi32, #tpu.memory_space<vmem>> -> memref<1x512xi32, #tpu.memory_space<vmem>>
    %dma_wait3A_141 = tpu.memref_squeeze %dma_wait3A_140 : memref<1x512xi32, #tpu.memory_space<vmem>> -> memref<512xi32, #tpu.memory_space<vmem>>
    %dma_wait3A_142 = arith.constant 0 : i32
    %dma_wait3A_143 = arith.constant 0 : i32
    %dma_wait3A_144 = tpu.memref_slice %arg8[%dma_wait3A_142, %dma_wait3A_143] : memref<16384x32xf32, #tpu.memory_space<vmem_shared>> -> memref<16384x32xf32, #tpu.memory_space<vmem_shared>>
    tpu.wait_indirect_dma semaphore(%arg16 : memref<!tpu.dma_semaphore, #tpu.memory_space<semaphore_mem>>) src(%arg11 : memref<512x32xf32, #tpu.memory_space<vmem>>) dst(%dma_wait3A_144 : memref<16384x32xf32, #tpu.memory_space<vmem_shared>>)
    %barrier3A_145 = arith.constant 0 : index
    tpu.barrier barrier_id(%barrier3A_145)
    "tpu.region"() ({
      %run_scoped3A = tpu.sem_alloc : memref<!tpu.dma_semaphore, #tpu.memory_space<semaphore_mem>>
      %dma_start3A_146 = arith.constant 0 : i32
      %dma_start3A_147 = tpu.memref_slice %arg6[%arg0, %mul3A_0, %dma_start3A_146] : memref<2x16384x32xf32, #tpu.memory_space<hbm>> -> memref<1x1024x32xf32, #tpu.memory_space<hbm>>
      %dma_start3A_148 = tpu.memref_squeeze %dma_start3A_147 : memref<1x1024x32xf32, #tpu.memory_space<hbm>> -> memref<1024x32xf32, #tpu.memory_space<hbm>>
      %dma_start3A_149 = arith.constant 0 : i32
      %dma_start3A_150 = tpu.memref_slice %arg8[%mul3A_0, %dma_start3A_149] : memref<16384x32xf32, #tpu.memory_space<vmem_shared>> -> memref<1024x32xf32, #tpu.memory_space<vmem_shared>>
      tpu.enqueue_dma source(%dma_start3A_150 : memref<1024x32xf32, #tpu.memory_space<vmem_shared>>) target(%dma_start3A_148 : memref<1024x32xf32, #tpu.memory_space<hbm>>) target_semaphore(%run_scoped3A : memref<!tpu.dma_semaphore, #tpu.memory_space<semaphore_mem>>)
      %dma_wait3A_151 = arith.constant 0 : i32
      %dma_wait3A_152 = tpu.memref_slice %arg6[%arg0, %mul3A_0, %dma_wait3A_151] : memref<2x16384x32xf32, #tpu.memory_space<hbm>> -> memref<1x1024x32xf32, #tpu.memory_space<hbm>>
      %dma_wait3A_153 = tpu.memref_squeeze %dma_wait3A_152 : memref<1x1024x32xf32, #tpu.memory_space<hbm>> -> memref<1024x32xf32, #tpu.memory_space<hbm>>
      %dma_wait3A_154 = arith.constant 0 : i32
      %dma_wait3A_155 = tpu.memref_slice %arg8[%mul3A_0, %dma_wait3A_154] : memref<16384x32xf32, #tpu.memory_space<vmem_shared>> -> memref<1024x32xf32, #tpu.memory_space<vmem_shared>>
      tpu.wait_dma2 semaphore(%run_scoped3A : memref<!tpu.dma_semaphore, #tpu.memory_space<semaphore_mem>>) src(%dma_wait3A_155 : memref<1024x32xf32, #tpu.memory_space<vmem_shared>>) dst(%dma_wait3A_153 : memref<1024x32xf32, #tpu.memory_space<hbm>>)
      tpu.yield
    }) : () -> ()
    return
  }
}

module attributes {stable_mosaic.version = 14 : i64} {
  func.func @_theta_diff_body(%arg0: i32, %arg1: memref<1024x64xf32, #tpu.memory_space<vmem>>, %arg2: memref<1024x64xf32, #tpu.memory_space<vmem>>, %arg3: memref<64x64xf32, #tpu.memory_space<vmem>>, %arg4: memref<64x64xf32, #tpu.memory_space<vmem>>, %arg5: memref<1x64xf32, #tpu.memory_space<vmem>>, %arg6: memref<2x1024x32xbf16, #tpu.memory_space<vmem>>) attributes {dimension_semantics = [#tpu.dimension_semantics<arbitrary>], iteration_bounds = array<i64: 16>, scalar_prefetch = 0 : i64, scratch_operands = 0 : i64, tpu.core_type = #tpu.core_type<tc>, window_params = [{transform_indices = @transform_0, window_bounds = array<i64: 1024, 64>}, {transform_indices = @transform_1, window_bounds = array<i64: 1024, 64>}, {pipeline_mode = #tpu.pipeline_mode<synchronous>, transform_indices = @transform_2, window_bounds = array<i64: 64, 64>}, {pipeline_mode = #tpu.pipeline_mode<synchronous>, transform_indices = @transform_3, window_bounds = array<i64: 64, 64>}, {pipeline_mode = #tpu.pipeline_mode<synchronous>, transform_indices = @transform_4, window_bounds = array<i64: 1, 64>}, {transform_indices = @transform_5, window_bounds = array<i64: 2, 1024, 32>}]} {
    %get3A = arith.constant 0 : index
    %get3A_0 = arith.constant 0 : index
    %get3A_1 = vector.load %arg1[%get3A, %get3A_0] : memref<1024x64xf32, #tpu.memory_space<vmem>>, vector<1024x64xf32>
    %get3A_2 = arith.constant 0 : index
    %get3A_3 = arith.constant 0 : index
    %get3A_4 = vector.load %arg3[%get3A_2, %get3A_3] : memref<64x64xf32, #tpu.memory_space<vmem>>, vector<64x64xf32>
    %dot_general3A = arith.constant dense<0.000000e+00> : vector<1024x64xf32>
    %dot_general3A_5 = tpu.matmul %get3A_1, %get3A_4, %dot_general3A {dimension_numbers = #tpu.dot_dimension_numbers<[1], [0], [0], [1], [0, 0, 1, 1], [], []>, transpose_lhs_hint = false} : vector<1024x64xf32>, vector<64x64xf32>, vector<1024x64xf32> -> vector<1024x64xf32>
    %get3A_6 = arith.constant 0 : index
    %get3A_7 = arith.constant 0 : index
    %get3A_8 = vector.load %arg2[%get3A_6, %get3A_7] : memref<1024x64xf32, #tpu.memory_space<vmem>>, vector<1024x64xf32>
    %get3A_9 = arith.constant 0 : index
    %get3A_10 = arith.constant 0 : index
    %get3A_11 = vector.load %arg4[%get3A_9, %get3A_10] : memref<64x64xf32, #tpu.memory_space<vmem>>, vector<64x64xf32>
    %dot_general3A_12 = arith.constant dense<0.000000e+00> : vector<1024x64xf32>
    %dot_general3A_13 = tpu.matmul %get3A_8, %get3A_11, %dot_general3A_12 {dimension_numbers = #tpu.dot_dimension_numbers<[1], [0], [0], [1], [0, 0, 1, 1], [], []>, transpose_lhs_hint = false} : vector<1024x64xf32>, vector<64x64xf32>, vector<1024x64xf32> -> vector<1024x64xf32>
    %sub3A = arith.subf %dot_general3A_5, %dot_general3A_13 : vector<1024x64xf32>
    %get3A_14 = arith.constant 0 : index
    %get3A_15 = arith.constant 0 : index
    %get3A_16 = vector.load %arg5[%get3A_14, %get3A_15] : memref<1x64xf32, #tpu.memory_space<vmem>>, vector<1x64xf32>
    %add3A = vector.broadcast %get3A_16 : vector<1x64xf32> to vector<1024x64xf32>
    %add3A_17 = arith.addf %sub3A, %add3A : vector<1024x64xf32>
    %convert_element_type3A = arith.truncf %add3A_17 : vector<1024x64xf32> to vector<1024x64xbf16>
    %slice3A = vector.extract_strided_slice %convert_element_type3A {offsets = [0, 0], sizes = [1024, 16], strides = [1, 1]} : vector<1024x64xbf16> to vector<1024x16xbf16>
    %slice3A_18 = vector.extract_strided_slice %convert_element_type3A {offsets = [0, 16], sizes = [1024, 16], strides = [1, 1]} : vector<1024x64xbf16> to vector<1024x16xbf16>
    %stack3A = vector.shape_cast %slice3A : vector<1024x16xbf16> to vector<1024x16x1xbf16>
    %stack3A_19 = vector.shape_cast %slice3A_18 : vector<1024x16xbf16> to vector<1024x16x1xbf16>
    %stack3A_20 = tpu.concatenate %stack3A, %stack3A_19 in 2 : vector<1024x16x1xbf16>, vector<1024x16x1xbf16> -> vector<1024x16x2xbf16>
    %reshape3A = vector.shape_cast %stack3A_20 : vector<1024x16x2xbf16> to vector<1024x32xbf16>
    %swap3A = arith.constant 0 : index
    %swap3A_21 = arith.constant 0 : index
    %swap3A_22 = arith.constant 0 : index
    %swap3A_23 = vector.load %arg6[%swap3A, %swap3A_21, %swap3A_22] : memref<2x1024x32xbf16, #tpu.memory_space<vmem>>, vector<1x1024x32xbf16>
    %swap3A_24 = vector.shape_cast %swap3A_23 : vector<1x1024x32xbf16> to vector<1024x32xbf16>
    %swap3A_25 = vector.shape_cast %reshape3A : vector<1024x32xbf16> to vector<1x1024x32xbf16>
    tpu.vector_store %arg6[%swap3A, %swap3A_21, %swap3A_22], %swap3A_25 {strides = array<i32>} : memref<2x1024x32xbf16, #tpu.memory_space<vmem>>, vector<1x1024x32xbf16>,
    %slice3A_26 = vector.extract_strided_slice %convert_element_type3A {offsets = [0, 32], sizes = [1024, 16], strides = [1, 1]} : vector<1024x64xbf16> to vector<1024x16xbf16>
    %slice3A_27 = vector.extract_strided_slice %convert_element_type3A {offsets = [0, 48], sizes = [1024, 16], strides = [1, 1]} : vector<1024x64xbf16> to vector<1024x16xbf16>
    %stack3A_28 = vector.shape_cast %slice3A_26 : vector<1024x16xbf16> to vector<1024x16x1xbf16>
    %stack3A_29 = vector.shape_cast %slice3A_27 : vector<1024x16xbf16> to vector<1024x16x1xbf16>
    %stack3A_30 = tpu.concatenate %stack3A_28, %stack3A_29 in 2 : vector<1024x16x1xbf16>, vector<1024x16x1xbf16> -> vector<1024x16x2xbf16>
    %reshape3A_31 = vector.shape_cast %stack3A_30 : vector<1024x16x2xbf16> to vector<1024x32xbf16>
    %swap3A_32 = arith.constant 1 : index
    %swap3A_33 = arith.constant 0 : index
    %swap3A_34 = arith.constant 0 : index
    %swap3A_35 = vector.load %arg6[%swap3A_32, %swap3A_33, %swap3A_34] : memref<2x1024x32xbf16, #tpu.memory_space<vmem>>, vector<1x1024x32xbf16>
    %swap3A_36 = vector.shape_cast %swap3A_35 : vector<1x1024x32xbf16> to vector<1024x32xbf16>
    %swap3A_37 = vector.shape_cast %reshape3A_31 : vector<1024x32xbf16> to vector<1x1024x32xbf16>
    tpu.vector_store %arg6[%swap3A_32, %swap3A_33, %swap3A_34], %swap3A_37 {strides = array<i32>} : memref<2x1024x32xbf16, #tpu.memory_space<vmem>>, vector<1x1024x32xbf16>,
    return
  }
  func.func @transform_0(%arg0: i32) -> (i32, i32) {
    %c0_i32 = arith.constant 0 : i32
    %c0_i32_0 = arith.constant 0 : i32
    return %arg0, %c0_i32 : i32, i32
  }
  func.func @transform_1(%arg0: i32) -> (i32, i32) {
    %c0_i32 = arith.constant 0 : i32
    %c0_i32_0 = arith.constant 0 : i32
    return %arg0, %c0_i32 : i32, i32
  }
  func.func @transform_2(%arg0: i32) -> (i32, i32) {
    %c0_i32 = arith.constant 0 : i32
    %c0_i32_0 = arith.constant 0 : i32
    %c0_i32_1 = arith.constant 0 : i32
    return %c0_i32, %c0_i32_0 : i32, i32
  }
  func.func @transform_3(%arg0: i32) -> (i32, i32) {
    %c0_i32 = arith.constant 0 : i32
    %c0_i32_0 = arith.constant 0 : i32
    %c0_i32_1 = arith.constant 0 : i32
    return %c0_i32, %c0_i32_0 : i32, i32
  }
  func.func @transform_4(%arg0: i32) -> (i32, i32) {
    %c0_i32 = arith.constant 0 : i32
    %c0_i32_0 = arith.constant 0 : i32
    %c0_i32_1 = arith.constant 0 : i32
    return %c0_i32, %c0_i32_0 : i32, i32
  }
  func.func @transform_5(%arg0: i32) -> (i32, i32, i32) {
    %c0_i32 = arith.constant 0 : i32
    %c0_i32_0 = arith.constant 0 : i32
    %c0_i32_1 = arith.constant 0 : i32
    return %c0_i32, %arg0, %c0_i32_0 : i32, i32, i32
  }
}

module attributes {stable_mosaic.version = 14 : i64} {
  func.func @_final_body(%arg0: i32, %arg1: memref<1024x64xf32, #tpu.memory_space<vmem>>, %arg2: memref<1024x64xf32, #tpu.memory_space<vmem>>, %arg3: memref<2x1024x32xf32, #tpu.memory_space<vmem>>, %arg4: memref<64x64xf32, #tpu.memory_space<vmem>>, %arg5: memref<1x64xf32, #tpu.memory_space<vmem>>, %arg6: memref<1xf32, #tpu.memory_space<smem>>, %arg7: memref<1024x64xf32, #tpu.memory_space<vmem>>) attributes {dimension_semantics = [#tpu.dimension_semantics<arbitrary>], iteration_bounds = array<i64: 16>, scalar_prefetch = 0 : i64, scratch_operands = 0 : i64, tpu.core_type = #tpu.core_type<tc>, window_params = [{transform_indices = @transform_0, window_bounds = array<i64: 1024, 64>}, {transform_indices = @transform_1, window_bounds = array<i64: 1024, 64>}, {transform_indices = @transform_2, window_bounds = array<i64: 2, 1024, 32>}, {pipeline_mode = #tpu.pipeline_mode<synchronous>, transform_indices = @transform_3, window_bounds = array<i64: 64, 64>}, {pipeline_mode = #tpu.pipeline_mode<synchronous>, transform_indices = @transform_4, window_bounds = array<i64: 1, 64>}, {transform_indices = @transform_5, window_bounds = array<i64: 1>}, {transform_indices = @transform_6, window_bounds = array<i64: 1024, 64>}]} {
    %get3A = arith.constant 0 : index
    %get3A_0 = arith.constant 0 : index
    %get3A_1 = vector.load %arg1[%get3A, %get3A_0] : memref<1024x64xf32, #tpu.memory_space<vmem>>, vector<1024x64xf32>
    %get3A_2 = arith.constant 0 : index
    %get3A_3 = arith.constant 0 : index
    %get3A_4 = vector.load %arg4[%get3A_2, %get3A_3] : memref<64x64xf32, #tpu.memory_space<vmem>>, vector<64x64xf32>
    %dot_general3A = arith.constant dense<0.000000e+00> : vector<1024x64xf32>
    %dot_general3A_5 = tpu.matmul %get3A_1, %get3A_4, %dot_general3A {dimension_numbers = #tpu.dot_dimension_numbers<[1], [0], [0], [1], [0, 0, 1, 1], [], []>, transpose_lhs_hint = false} : vector<1024x64xf32>, vector<64x64xf32>, vector<1024x64xf32> -> vector<1024x64xf32>
    %get3A_6 = arith.constant 0 : index
    %get3A_7 = arith.constant 0 : index
    %get3A_8 = vector.load %arg5[%get3A_6, %get3A_7] : memref<1x64xf32, #tpu.memory_space<vmem>>, vector<1x64xf32>
    %add3A = vector.broadcast %get3A_8 : vector<1x64xf32> to vector<1024x64xf32>
    %add3A_9 = arith.addf %dot_general3A_5, %add3A : vector<1024x64xf32>
    %get3A_10 = arith.constant 0 : index
    %get3A_11 = arith.constant 0 : index
    %get3A_12 = arith.constant 0 : index
    %get3A_13 = vector.load %arg3[%get3A_10, %get3A_11, %get3A_12] : memref<2x1024x32xf32, #tpu.memory_space<vmem>>, vector<1x1024x32xf32>
    %get3A_14 = vector.shape_cast %get3A_13 : vector<1x1024x32xf32> to vector<1024x32xf32>
    %get3A_15 = arith.constant 1 : index
    %get3A_16 = arith.constant 0 : index
    %get3A_17 = arith.constant 0 : index
    %get3A_18 = vector.load %arg3[%get3A_15, %get3A_16, %get3A_17] : memref<2x1024x32xf32, #tpu.memory_space<vmem>>, vector<1x1024x32xf32>
    %get3A_19 = vector.shape_cast %get3A_18 : vector<1x1024x32xf32> to vector<1024x32xf32>
    %concatenate3A = tpu.concatenate %get3A_14, %get3A_19 in 1 : vector<1024x32xf32>, vector<1024x32xf32> -> vector<1024x64xf32>
    %get3A_20 = arith.constant 0 : index
    %get3A_21 = memref.load %arg6[%get3A_20] : memref<1xf32, #tpu.memory_space<smem>>
    %get3A_22 = arith.constant 0 : index
    %get3A_23 = arith.constant 0 : index
    %get3A_24 = vector.load %arg2[%get3A_22, %get3A_23] : memref<1024x64xf32, #tpu.memory_space<vmem>>, vector<1024x64xf32>
    %sub3A = arith.subf %concatenate3A, %get3A_24 : vector<1024x64xf32>
    %mul3A = vector.broadcast %get3A_21 : f32 to vector<1024x64xf32>
    %mul3A_25 = arith.mulf %mul3A, %sub3A : vector<1024x64xf32>
    %add3A_26 = arith.addf %add3A_9, %mul3A_25 : vector<1024x64xf32>
    %ge3A = arith.constant 0.000000e+00 : f32
    %ge3A_27 = vector.broadcast %ge3A : f32 to vector<1024x64xf32>
    %ge3A_28 = arith.cmpf oge, %add3A_26, %ge3A_27 : vector<1024x64xf32>
    %mul3A_29 = arith.constant 0.00999999977 : f32
    %mul3A_30 = vector.broadcast %mul3A_29 : f32 to vector<1024x64xf32>
    %mul3A_31 = arith.mulf %mul3A_30, %add3A_26 : vector<1024x64xf32>
    %select_n3A = arith.select %ge3A_28, %add3A_26, %mul3A_31 : vector<1024x64xi1>, vector<1024x64xf32>
    %swap3A = arith.constant 0 : index
    %swap3A_32 = arith.constant 0 : index
    %swap3A_33 = vector.load %arg7[%swap3A, %swap3A_32] : memref<1024x64xf32, #tpu.memory_space<vmem>>, vector<1024x64xf32>
    tpu.vector_store %arg7[%swap3A, %swap3A_32], %select_n3A {strides = array<i32>} : memref<1024x64xf32, #tpu.memory_space<vmem>>, vector<1024x64xf32>,
    return
  }
  func.func @transform_0(%arg0: i32) -> (i32, i32) {
    %c0_i32 = arith.constant 0 : i32
    %c0_i32_0 = arith.constant 0 : i32
    return %arg0, %c0_i32 : i32, i32
  }
  func.func @transform_1(%arg0: i32) -> (i32, i32) {
    %c0_i32 = arith.constant 0 : i32
    %c0_i32_0 = arith.constant 0 : i32
    return %arg0, %c0_i32 : i32, i32
  }
  func.func @transform_2(%arg0: i32) -> (i32, i32, i32) {
    %c0_i32 = arith.constant 0 : i32
    %c0_i32_0 = arith.constant 0 : i32
    %c0_i32_1 = arith.constant 0 : i32
    return %c0_i32, %arg0, %c0_i32_0 : i32, i32, i32
  }
  func.func @transform_3(%arg0: i32) -> (i32, i32) {
    %c0_i32 = arith.constant 0 : i32
    %c0_i32_0 = arith.constant 0 : i32
    %c0_i32_1 = arith.constant 0 : i32
    return %c0_i32, %c0_i32_0 : i32, i32
  }
  func.func @transform_4(%arg0: i32) -> (i32, i32) {
    %c0_i32 = arith.constant 0 : i32
    %c0_i32_0 = arith.constant 0 : i32
    %c0_i32_1 = arith.constant 0 : i32
    return %c0_i32, %c0_i32_0 : i32, i32
  }
  func.func @transform_5(%arg0: i32) -> i32 {
    %c0_i32 = arith.constant 0 : i32
    %c0_i32_0 = arith.constant 0 : i32
    return %c0_i32 : i32
  }
  func.func @transform_6(%arg0: i32) -> (i32, i32) {
    %c0_i32 = arith.constant 0 : i32
    %c0_i32_0 = arith.constant 0 : i32
    return %arg0, %c0_i32 : i32, i32
  }
}

</mosaic_0001>

<sc_bundles>
// kernel: kernel.5.cloned.1.call-start
scs
__scs_entry_jumppad:
0x0: {  	(pc) =	sbr.rel $0x88, $3  }
0x1: {  	(tag) =	ssettag $0x0;
	lr =	simm.s32 $0x1  }
0x2: {  	[smem:$0x3F94] =	sst lr;
	_ =	strace $0xD0000000  }
0x3: {  	_ = 	snop  }
0x4: {  	_ = 	snop  }
0x5: {  	_ = 	snop  }
0x6: {  	_ = 	snop  }
0x7: {  	_ = 	snop  }
__scs_overlays_trampoline_lowered:
0x8: {  	[smem:$0x3FA3] =	sst s0  }
0x9: {  	[smem:$0x3FA4] =	sst s1  }
0xa: {  	[smem:$0x3FA5] =	sst s2  }
0xb: {  	[smem:$0x3FA6] =	sst s3  }
0xc: {  	[smem:$0x3FA7] =	sst s4  }
0xd: {  	[smem:$0x3FA8] =	sst s5  }
0xe: {  	[smem:$0x3FA9] =	sst s6  }
0xf: {  	[smem:$0x3FAA] =	sst s7  }
0x10: {  	[smem:$0x3FAB] =	sst s8  }
0x11: {  	[smem:$0x3FAC] =	sst s9;
	s0 =	simm.s32 @!p0 $0x0  }
0x12: {  	s1 =	sld [smem:$0x3F92];
	s0 =	simm.s32 @p0 $0x1  }
0x13: {  	[smem:$0x3FAD] =	sst s0;
	s0 =	simm.s32 @!p1 $0x0  }
0x14: {  	s2 =	sld [smem:$0x3F91];
	s0 =	simm.s32 @p1 $0x1  }
0x15: {  	[smem:$0x3FAE] =	sst s0;
	s0 =	simm.s32 @!p2 $0x0  }
0x16: {  	s3 =	sld [smem:$0x3FDB];
	s0 =	simm.s32 @p2 $0x1  }
0x17: {  	s4 =	simm.s32 $0x1BF5;
	[smem:$0x3FB0] =	sst s0  }
0x18: {  	s0 =	sld [smem:$0x3F93];
	_ =	swait.ge [sflag:s4], $0x0  }
0x19: {  	s7 =	sld [smem:$0x3F94]  }
0x1a: {  	s8 =	sadd.s32 $0xFFFFE003, lr  }
0x1b: {  	s9 =	sadd.s32 $0xFFFFFEF7, lr;
	s5 =	simm.s32 $0xFFFFFFFF;
	p2 =	slt.u32 s8, $0xFFFFF086  }
0x1c: {  	p1 =	slt.u32 s9, $0xF7A;
	s5 =	simm.s32 @!p2 $0x0  }
0x1d: {  	s5 =	simm.s32 @p1 $0x1;
	p0 =	seq.s32 s7, s2  }
0x1e: {  	s7 =	smul.u32 @!p0 $0xF7A, s2;
	p2 =	seq.s32 @!p0 s5, $0x0  }
0x1f: {  	s9 =	smul.u32 $0xF7A, s1;
	s8 =	simm.s32 @!p0 $0x1BF5;
	p2 =	por !p2, p0  }
0x20: {  	[sflag:s8] =	ssyncset.s32 @!p0 $0xFFFFF086;
	s6 =	sadd.s32 @!p0 s3, s7;
	s7 =	simm.s32 @!p0 $0x108  }
0x21: {  	s3 =	sadd.s32 s3, s9;
	s6 =	sadd.s32 @!p0 $0x88, s6;
	s7 =	simm.s32 @p2 $0x1082  }
0x22: {  	[simem:s7], [sflag:s8] =	dma.local @!p0 [hbm:s6], $0xF7A  }
0x23: {  	s9 =	sor.u32 $0xD0000000, s2;
	s6 =	simm.s32 $0x108;
	_ =	swait.ge @!p0 [sflag:s8], $0x0  }
0x24: {  	s3 =	sadd.s32 $0x88, s3;
	s6 =	simm.s32 @!p1 $0x1082;
	[sflag:s4] =	ssyncset.s32 $0xFFFFF086  }
0x25: {  	[simem:s6], [sflag:s4] =	dma.local [hbm:s3], $0xF7A  }
0x26: {  	[smem:$0x3F94] =	sst s1;
	(tag) =	ssettag s2;
	_ =	strace s9  }
0x27: {  	s1 =	sld [smem:$0x3FA4]  }
0x28: {  	s2 =	sld [smem:$0x3FA5]  }
0x29: {  	s4 =	sld [smem:$0x3FA7]  }
0x2a: {  	p0 =	seq.s32 s5, $0x0;
	s5 =	sld [smem:$0x3FA8]  }
0x2b: {  	s6 =	sld [smem:$0x3FA9]  }
0x2c: {  	s7 =	sld [smem:$0x3FAA]  }
0x2d: {  	s3 =	simm.s32 $0x108;
	s8 =	sld [smem:$0x3FAB]  }
0x2e: {  	s3 =	simm.s32 @!p0 $0x1082;
	s9 =	sld [smem:$0x3FAC]  }
0x2f: {  	lr =	sadd.s32 s0, s3;
	s0 =	sld [smem:$0x3FA3]  }
0x30: {  	s3 =	sld [smem:$0x3FA6]  }
0x31: {  	[smem:$0x3FAF] =	sst s10  }
0x32: {  	s10 =	sld [smem:$0x3FAD];
	_ =	sdelay $0x3  }
0x33: {  	p0 =	seq.s32 s10, $0x1;
	s10 =	sld [smem:$0x3FAF];
	_ =	sdelay $0x3  }
0x34: {  	[smem:$0x3FAF] =	sst s10  }
0x35: {  	s10 =	sld [smem:$0x3FAE];
	_ =	sdelay $0x3  }
0x36: {  	p1 =	seq.s32 s10, $0x1;
	s10 =	sld [smem:$0x3FAF];
	_ =	sdelay $0x3  }
0x37: {  	[smem:$0x3FAF] =	sst s10  }
0x38: {  	s10 =	sld [smem:$0x3FB0]  }
0x39: {  	_ = 	snop;
	(pc) =	sbr.ind lr, $3  }
0x3a: {  	_ = 	snop  }
0x3b: {  	_ = 	snop  }
0x3c: {  	p2 =	seq.s32 s10, $0x1;
	s10 =	sld [smem:$0x3FAF]  }
0x3d: {  	_ =	shalt  }
0x3e: {  	_ =	shalt  }
0x3f: {  	_ =	shalt  }
0x40: {  	_ =	shalt  }
0x41: {  	_ =	shalt  }
0x42: {  	_ =	shalt  }
0x43: {  	_ =	shalt  }
0x44: {  	_ =	shalt  }
0x45: {  	_ =	shalt  }
0x46: {  	_ =	shalt  }
0x47: {  	_ =	shalt  }
0x48: {  	_ =	shalt  }
0x49: {  	_ =	shalt  }
0x4a: {  	_ =	shalt  }
0x4b: {  	_ =	shalt  }
0x4c: {  	_ =	shalt  }
0x4d: {  	_ =	shalt  }
0x4e: {  	_ =	shalt  }
0x4f: {  	_ =	shalt  }
0x50: {  	_ =	shalt  }
0x51: {  	_ =	shalt  }
0x52: {  	_ =	shalt  }
0x53: {  	_ =	shalt  }
0x54: {  	_ =	shalt  }
0x55: {  	_ =	shalt  }
0x56: {  	_ =	shalt  }
0x57: {  	_ =	shalt  }
0x58: {  	_ =	shalt  }
0x59: {  	_ =	shalt  }
0x5a: {  	_ =	shalt  }
0x5b: {  	_ =	shalt  }
0x5c: {  	_ =	shalt  }
0x5d: {  	_ =	shalt  }
0x5e: {  	_ =	shalt  }
0x5f: {  	_ =	shalt  }
0x60: {  	_ =	shalt  }
0x61: {  	_ =	shalt  }
0x62: {  	_ =	shalt  }
0x63: {  	_ =	shalt  }
0x64: {  	_ =	shalt  }
0x65: {  	_ =	shalt  }
0x66: {  	_ =	shalt  }
0x67: {  	_ =	shalt  }
0x68: {  	_ =	shalt  }
0x69: {  	_ =	shalt  }
0x6a: {  	_ =	shalt  }
0x6b: {  	_ =	shalt  }
0x6c: {  	_ =	shalt  }
0x6d: {  	_ =	shalt  }
0x6e: {  	_ =	shalt  }
0x6f: {  	_ =	shalt  }
0x70: {  	_ =	shalt  }
0x71: {  	_ =	shalt  }
0x72: {  	_ =	shalt  }
0x73: {  	_ =	shalt  }
0x74: {  	_ =	shalt  }
0x75: {  	_ =	shalt  }
0x76: {  	_ =	shalt  }
0x77: {  	_ =	shalt  }
0x78: {  	_ =	shalt  }
0x79: {  	_ =	shalt  }
0x7a: {  	_ =	shalt  }
0x7b: {  	_ =	shalt  }
0x7c: {  	_ =	shalt  }
0x7d: {  	_ =	shalt  }
0x7e: {  	_ =	shalt  }
0x7f: {  	_ =	shalt  }
0x80: {  	_ =	shalt  }
0x81: {  	_ =	shalt  }
0x82: {  	_ =	shalt  }
0x83: {  	_ =	shalt  }
0x84: {  	_ =	shalt  }
0x85: {  	_ =	shalt  }
0x86: {  	_ =	shalt  }
0x87: {  	_ =	shalt  }
.Lfunc_end0:
.L_simem_size_0:
called_computation_lowered:
.L_overlay_start_0:
0x88: {  	s2 =	sld [smem:$0x3FD9]  }
0x89: {  	s3 =	sld [smem:$0x3FFE];
	_ =	sdelay $0x1  }
0x8a: {  	s1 =	srdreg.scid  }
0x8b: {  	s0 =	sand.u32 $0x1, s1  }
0x8c: {  	s17 =	sshll.u32 s0, $0xA;
	s2 =	sadd.s32 s3, s2  }
0x8d: {  	s2 =	sadd.s32 s2, s17  }
0x8e: {  	[smem:$0x3FBB] =	sst s2  }
0x8f: {  	_ = 	snop  }
0x90: {  	s2 =	sld [smem:$0x3FD0];
	(tm) =	ssettm $0x1  }
0x91: {  	s18 =	sld [smem:$0x3FFB];
	_ =	sdelay $0x3  }
0x92: {  	_ =	strace s18  }
0x93: {  	s3 =	sld [smem:$0x3FFC];
	_ =	sdelay $0x3  }
0x94: {  	_ =	strace s3  }
0x95: {  	s3 =	sld [smem:$0x3FFD];
	_ =	sdelay $0x3  }
0x96: {  	_ =	strace s3  }
0x97: {  	_ =	strace $0x8FFFFFFF  }
0x98: {  	s19 =	sld [smem:$0x3FDB];
	_ =	sdelay $0x1  }
0x99: {  	s4 =	simm.s32 $_scs_section_size  }
0x9a: {  	s5 =	simm.s32 $_size__tile_overlayer_lowered;
	s6 =	simm.s32 $_tile_overlayer_lowered  }
0x9b: {  	s22 =	simm.s32 $0x1BFF;
	s21 =	sshll.u32 s6, $0x1;
	s3 =	sadd.s32 s4, s19  }
0x9c: {  	s7 =	simm.s32 $0x0;
	s20 =	sshll.u32 s5, $0x1;
	s5 =	sadd.s32 s21, s3  }
0x9d: {  	[timem:s7], [sflag:s22] =	dma.local [hbm:s5], s20  }
0x9e: {  	_ =	swait.ge [sflag:s22], s20  }
0x9f: {  	s4 =	ssub.s32 $0x0, s20;
	[sflag:s22] =	ssyncset.done $0x0  }
0xa0: {  	[sflag:s22] =	ssyncadd.s32 s4;
	_ =	sdelay $0x1  }
0xa1: {  	s23 =	simm.s32 $0x1B8B  }
0xa2: {  	_ =	swait.ge [sflag:s23], $0x1  }
0xa3: {  	[sflag:s23] =	ssyncset.done $0x0  }
0xa4: {  	s25 =	simm.s32 $0x1B8E;
	s24 =	sld [smem:$0x3FFE];
	[sflag:s23] =	ssyncadd.s32 $0xFFFFFFFF  }
0xa5: {  	s26 =	simm.s32 $execute0_lowered;
	[smem:$0x3FD2] =	sst s25  }
0xa6: {  	s5 =	sshll.u32 s26, $0x1;
	_ =	strace $0x80000046;
	[dreg:$0x1] =	wrdreg $0xFFFFFFFF  }
0xa7: {  	s28 =	simm.s32 $_size_execute0_lowered;
	s3 =	sadd.s32 s3, s5;
	[dreg:$0x0] =	wrdreg $0x0  }
0xa8: {  	s5 =	sshll.u32 s28, $0x1;
	[dreg:$0x2] =	wrdreg s3  }
0xa9: {  	[dreg:$0x3] =	wrdreg s5  }
0xaa: {  	[dreg:$0x4] =	wrdreg $0xC0  }
0xab: {  	_ =	task [dreg:s7], $0x5FFFF  }
0xac: {  	[dreg:$0x1] =	wrdreg $0xFFFFFFFF  }
0xad: {  	[dreg:$0x0] =	wrdreg $0x60  }
0xae: {  	[dreg:$0x2] =	wrdreg s24  }
0xaf: {  	[dreg:$0x3] =	wrdreg s2  }
0xb0: {  	[dreg:$0x4] =	wrdreg $0x0  }
0xb1: {  	[dreg:$0x5] =	wrdreg $0x40000  }
0xb2: {  	[dreg:$0x6] =	wrdreg $0x9  }
0xb3: {  	_ =	task.clear_ibuf [dreg:s7], $0x7FFFF;
	_ =	strace $0x90000046  }
0xb4: {  	s29 =	simm.s32 $0x9;
	_ =	strace $0x80000048  }
0xb5: {  	_ =	swait.ge [sflag:s29], $0x1  }
0xb6: {  	[sflag:s29] =	ssyncadd.s32 $0xFFFFFFFF  }
0xb7: {  	_ =	strace $0x90000048  }
0xb8: {  	_ =	sfence  }
0xb9: {  	s30 =	sld [smem:$0x0];
	_ =	sdelay $0x2  }
0xba: {  	s31 =	sshll.u32 s1, $0xD;
	s1 =	sshrl.u32 s1, $0x2  }
0xbb: {  	s3 =	sand.u32 $0x4000, s31;
	s1 =	sadd.s32 s1, s30  }
0xbc: {  	s0 =	sor.u32 s3, s0;
	s1 =	sshll.u32 s1, $0x11  }
0xbd: {  	s0 =	sor.u32 s1, s0  }
0xbe: {  	s0 =	sadd.s32 $0x8F2B, s0  }
0xbf: {  	[sflag:s0] =	ssyncadd.remote.s32 $0x1  }
0xc0: {  	_ =	sfence.sel $0xFFFF  }
0xc1: {  	[dreg:$0x0] =	wrdreg $0xFFFFFFFF;
	(pc) =	sbr.abs _section_cstart, $3  }
0xc2: {  	[dreg:$0x1] =	wrdreg $0xFFFFFFFF  }
0xc3: {  	_ =	task.clear_ibuf [dreg:s7], $0x2FFFF;
	_ =	strace $0x9FFFFFFF  }
0xc4: {  	(tm) =	ssettm $0x7FFFFFFF  }
0xc5: {  	_ =	shalt  }
tec
execute0_lowered:
.L_overlay_start_1:
0x0: {  	(tag) =	ssettag $0x1  }
0x1: {  	s0 =	rddreg [dreg:$0x0]  }
0x2: {  	s1 =	rddreg [dreg:$0x1]  }
0x3: {  	s11 =	rddreg [dreg:$0x2]  }
0x4: {  	s12 =	rddreg [dreg:$0x3];
	s2 =	srdreg.scid  }
0x5: {  	s10 =	stileid.u32;
	s13 =	simm.s32 $0x0;
	s2 =	sand.u32 $0x1, s2  }
0x6: {  	s3 =	sshll.u32 s10, $0xF;
	[smem:$0x7FF] =	sst s13;
	s6 =	sadd.s32 $0x1C00, s0  }
0x7: {  	s7 =	sadd.s32 $0xB5C00, s0;
	s9 =	smul.u32 $0x29000, s10;
	s16 =	smov.u32 s11  }
0x8: {  	s19 =	sshll.u32 s10, $0x6;
	s4 =	sshll.u32 s2, $0x13;
	_ =	strace $0x80000047  }
0x9: {  	s2 =	ssub.s32 $0x2, s2;
	s18 =	sshrl.u32 s3, $0x1;
	s10 =	sor.u32 $0x1C04, s19  }
0xa: {  	s4 =	sor.u32 s3, s4;
	s17 =	sshrl.u32 s2, $0x1;
	s20 =	sshrl.u32 s9, $0x3  }
0xb: {  	s24 =	sor.u32 $0x200, s9;
	s26 =	sor.u32 $0x400, s9;
	[dreg:$0x7] =	wrdreg s10  }
0xc: {  	s5 =	sshrl.u32 s4, $0x4;
	s23 =	sadd.s32 s6, s20;
	[dreg:$0xd] =	wrdreg s24  }
0xd: {  	s25 =	sshrl.u32 s4, $0x3;
	[dreg:$0xe] =	wrdreg s26;
	s8 =	sadd.s32 s5, s0  }
0xe: {  	s5 =	sadd.s32 $0x53C00, s0;
	s0 =	ssub.s32 s2, s17;
	s2 =	sadd.s32 s18, s11  }
0xf: {  	s11 =	sadd.s32 s3, s12;
	[dreg:$0xb] =	wrdreg s23;
	s3 =	sadd.s32 s7, s20  }
0x10: {  	s1 =	sadd.s32 s1, s25;
	[dreg:$0xc] =	wrdreg s3  }
0x11: {  	s30 =	simm.s32 $0x14600;
	[dreg:$0xf] =	wrdreg s1  }
0x12: {  	s31 =	simm.s32 $0x14A00;
	s8 =	sadd.s32 $0xA5C00, s8;
	[dreg:$0x8] =	wrdreg s11  }
0x13: {  	s29 =	smov.u32 s12;
	s21 =	sadd.s32 $0x4000, s11;
	[dreg:$0x6] =	wrdreg s8  }
.Ltmp0:
0x14: {  	s22 =	sadd.s32 s5, s20;
	[dreg:$0x9] =	wrdreg s21;
	(pc) =	sbr.rel .LBB2_1-.Ltmp0, $4  }
0x15: {  	s4 =	simm.s32 $0x4;
	s0 =	smax.u32 s0, $0x1;
	[dreg:$0xa] =	wrdreg s22  }
0x16: {  	s24 =	simm.s32 $0x14800;
	s28 =	sshrl.u32 s2, $0x3;
	[dreg:$0x10] =	wrdreg s0  }
0x17: {  	s26 =	simm.s32 $0x200;
	s25 =	simm.s32 $0x3;
	[dreg:$0x11] =	wrdreg s28  }
0x18: {  	v0 =	vimm.f32 $0.0e+00;
	s21 =	simm.s32 $0x10000;
	s0 =	simm.s32 $0x1;
	s8 =	simm.s32 $0x2  }
.LBB2_10:
0x19: {  	_ =	swait.ge [sflag:s8], $0x4000  }
0x1a: {  	[sflag:s8] =	ssyncset.done $0x0  }
0x1b: {  	[sflag:s8] =	ssyncadd.s32 $0xFFFFC000  }
0x1c: {  	[bflag:$0x0] =	sbarrier.arrive $0xFFFF  }
0x1d: {  	s11 =	rddreg [dreg:$0x8]  }
0x1e: {  	s10 =	rddreg [dreg:$0x7]  }
0x1f: {  	s4 =	simm.s32 $0x4;
	s2 =	rddreg [dreg:$0xf];
	s1 =	sshrl.u32 s11, $0x3  }
0x20: {  	[hbm:s2], [sflag:s10] =	dma.local [spmem:s1], $0x1000  }
0x21: {  	_ =	swait.ge [sflag:s4], $0x1000  }
0x22: {  	s13 =	rddreg [dreg:$0x5]  }
0x23: {  	s28 =	rddreg [dreg:$0x10];
	s13 =	sadd.s32 $0x1, s13  }
0x24: {  	p0 =	sne.s32 s13, s28  }
.Ltmp1:
0x25: {  	_ = 	snop;
	(pc) =	sbr.rel @!p0 .LBB2_11-.Ltmp1, $3  }
0x26: {  	_ =	sdelay $0x1  }
0x27: {  	[sflag:s4] =	ssyncset.done $0x0  }
0x28: {  	[sflag:s4] =	ssyncadd.s32 $0xFFFFF000  }
.LBB2_1:
0x29: {  	s1 =	rddreg [dreg:$0x6]  }
0x2a: {  	s2 =	rddreg [dreg:$0x11]  }
0x2b: {  	[spmem:s2], [sflag:s10] =	dma.local [hbm:s1], $0x800  }
0x2c: {  	_ =	swait.ge [sflag:s4], $0x800  }
0x2d: {  	[sflag:s4] =	ssyncset.done $0x0  }
0x2e: {  	s1 =	simm.s32 $0x80;
	s2 =	simm.s32 $0x0;
	[sflag:s4] =	ssyncadd.s32 $0xFFFFF800  }
.LBB2_2:
0x2f: {  	p0 =	sne.s32 s1, $0xFF80;
	[tilespmem:s2+$0x10000] =	vst v0;
	s3 =	smov.u32 s1;
	s1 =	sadd.s32 $0x80, s1  }
.Ltmp2:
0x30: {  	[tilespmem:s2+$0x10010] =	vst v0;
	(pc) =	sbr.rel @p0 .LBB2_2-.Ltmp2, $2  }
0x31: {  	_ =	sdelay $0x2  }
0x32: {  	s2 =	sshra.s32 s3, $0x2  }
0x33: {  	[tilespmem:s2+$0x10000] =	vst v0  }
0x34: {  	[dreg:$0x5] =	wrdreg s13;
	[tilespmem:s2+$0x10010] =	vst v0  }
0x35: {  	[spmem:s11] =	stream.linear.scatter [tilespmem:s21], [sflag:$0x4], $0x4000, $0x38;
	[tilespmem:$0x14C00] =	vst v63  }
0x36: {  	_ =	swait.ge [sflag:s4], $0x4000  }
0x37: {  	[sflag:s4] =	ssyncset.done $0x0  }
0x38: {  	s1 =	rddreg [dreg:$0x9];
	[sflag:s4] =	ssyncadd.s32 $0xFFFFC000  }
0x39: {  	[spmem:s1] =	stream.linear.scatter [tilespmem:s21], [sflag:$0x4], $0x4000, $0x38;
	[tilespmem:$0x14C00] =	vst v63  }
0x3a: {  	_ =	swait.ge [sflag:s4], $0x4000  }
0x3b: {  	[sflag:s4] =	ssyncset.done $0x0  }
0x3c: {  	[sflag:s4] =	ssyncadd.s32 $0xFFFFC000  }
0x3d: {  	[bflag:$0x0] =	sbarrier.arrive $0xFFFF  }
0x3e: {  	s20 =	simm.s32 $0x14000;
	s11 =	simm.s32 $0x0;
	s19 =	rddreg [dreg:$0xa]  }
0x3f: {  	[tilespmem:s20], [sflag:$0x3] =	stream.linear.gather [hbm4b:s19+s11], $0x200, $0x38;
	[tilespmem:$0x14C00] =	vst v63  }
0x40: {  	s3 =	simm.s32 $0x14400;
	s22 =	rddreg [dreg:$0xb]  }
0x41: {  	[tilespmem:s3], [sflag:$0x3] =	stream.linear.gather [hbm4b:s22+s11], $0x200, $0x38;
	[tilespmem:$0x14C00] =	vst v63  }
0x42: {  	s23 =	rddreg [dreg:$0xc]  }
0x43: {  	[tilespmem:s24], [sflag:$0x3] =	stream.linear.gather [hbm4b:s23+s11], $0x200, $0x38;
	[tilespmem:$0x14C00] =	vst v63  }
0x44: {  	_ =	swait.ge [sflag:s25], $0x200  }
0x45: {  	[sflag:s25] =	ssyncset.done $0x0  }
0x46: {  	[sflag:s25] =	ssyncadd.s32 $0xFFFFFE00  }
0x47: {  	_ =	swait.ge [sflag:s25], $0x200  }
0x48: {  	[sflag:s25] =	ssyncset.done $0x0  }
0x49: {  	[sflag:s25] =	ssyncadd.s32 $0xFFFFFE00  }
0x4a: {  	_ =	swait.ge [sflag:s25], $0x200  }
0x4b: {  	[sflag:s25] =	ssyncset.done $0x0  }
0x4c: {  	s28 =	simm.s32 $0xC000;
	s12 =	simm.s32 $0x0;
	[sflag:s25] =	ssyncadd.s32 $0xFFFFFE00  }
0x4d: {  	[tilespmem:s28], [sflag:$0x1] =	stream.indirect.gather [spmem:s16], $0x10, s20, s26, $0xb8;
	[tilespmem:$0x14C00] =	vst v63  }
.LBB2_4:
0x4e: {  	p0 =	seq.s32 s12, $0x0  }
0x4f: {  	s1 =	simm.s32 @!p0 $0x2  }
0x50: {  	_ =	swait.ge @!p0 [sflag:s1], $0x4000  }
0x51: {  	s13 =	sshll.u32 s12, $0xA;
	s2 =	rddreg [dreg:$0xd]  }
0x52: {  	s2 =	sadd.s32 s13, s2  }
0x53: {  	[sflag:s1] =	ssyncset.done @!p0 $0x0;
	s2 =	sshrl.u32 s2, $0x3  }
0x54: {  	s3 =	simm.s32 $0x14200;
	[sflag:s1] =	ssyncadd.s32 @!p0 $0xFFFFC000;
	s10 =	sadd.s32 s5, s2  }
0x55: {  	[tilespmem:s3], [sflag:$0x3] =	stream.linear.gather [hbm4b:s10+s11], $0x200, $0x38;
	[tilespmem:$0x14C00] =	vst v63  }
0x56: {  	s14 =	sadd.s32 s6, s2  }
0x57: {  	[tilespmem:s30], [sflag:$0x3] =	stream.linear.gather [hbm4b:s14+s11], $0x200, $0x38;
	[tilespmem:$0x14C00] =	vst v63  }
0x58: {  	s17 =	simm.s32 $0x10;
	s15 =	sadd.s32 s7, s2  }
0x59: {  	v6 =	vmov s17;
	[tilespmem:s31], [sflag:$0x3] =	stream.linear.gather [hbm4b:s15+s11], $0x200, $0x38;
	[tilespmem:$0x14C00] =	vst v63  }
0x5a: {  	_ =	swait.ge [sflag:s0], $0x2000  }
0x5b: {  	[sflag:s0] =	ssyncset.done $0x0  }
0x5c: {  	s1 =	simm.s32 $0xC100;
	[sflag:s0] =	ssyncadd.s32 $0xFFFFE000  }
0x5d: {  	v1 =	vld [tilespmem:s1+$0x0]  }
0x5e: {  	v3 =	vld.idx.msk [tilespmem:v6+s24+$0x0], $0xffff  }
0x5f: {  	v2 =	vmov s11;
	_ =	sdelay $0x2  }
0x60: {  	v5 =	vunpack.i.l.bf16.f32 v1  }
0x61: {  	v7 =	vor.u32 $0x1, v6;
	v4 =	vld [tilespmem:s1+$0xFFFFFF00];
	v1 =	vunpack.i.u.bf16.f32 v1;
	v5 =	vmul.f32 v5, v3  }
0x62: {  	s14 =	simm.s32 $0x10200;
	v8 =	vld.idx.msk [tilespmem:v2+s24+$0x0], $0xffff;
	v1 =	vmul.f32 v1, v3  }
0x63: {  	[tilespmem:s14+$0x0] =	vst v5  }
0x64: {  	[tilespmem:s14+$0x10] =	vst v1  }
0x65: {  	v3 =	vld [tilespmem:s1+$0x10]  }
0x66: {  	v1 =	vunpack.i.l.bf16.f32 v4;
	v7 =	vld.idx.msk [tilespmem:v7+s24+$0x0], $0xffff  }
0x67: {  	v5 =	vor.u32 $0x1, v2;
	v4 =	vunpack.i.u.bf16.f32 v4;
	v1 =	vmul.f32 v1, v8  }
0x68: {  	v4 =	vmul.f32 v4, v8  }
0x69: {  	[tilespmem:s14+$0xFFFFFE00] =	vst v1  }
0x6a: {  	[tilespmem:s14+$0xFFFFFE10] =	vst v4;
	v4 =	vunpack.i.l.bf16.f32 v3  }
0x6b: {  	v8 =	vor.u32 $0x2, v6;
	v1 =	vld [tilespmem:s1+$0xFFFFFF10];
	v3 =	vunpack.i.u.bf16.f32 v3;
	v4 =	vmul.f32 v4, v7  }
0x6c: {  	v5 =	vld.idx.msk [tilespmem:v5+s24+$0x0], $0xffff;
	v3 =	vmul.f32 v3, v7  }
0x6d: {  	[tilespmem:s14+$0x20] =	vst v4  }
0x6e: {  	[tilespmem:s14+$0x30] =	vst v3  }
0x6f: {  	v4 =	vld [tilespmem:s1+$0x20]  }
0x70: {  	v3 =	vunpack.i.l.bf16.f32 v1;
	v8 =	vld.idx.msk [tilespmem:v8+s24+$0x0], $0xffff  }
0x71: {  	v7 =	vor.u32 $0x2, v2;
	v1 =	vunpack.i.u.bf16.f32 v1;
	v3 =	vmul.f32 v3, v5  }
0x72: {  	v1 =	vmul.f32 v1, v5  }
0x73: {  	[tilespmem:s14+$0xFFFFFE20] =	vst v3  }
0x74: {  	[tilespmem:s14+$0xFFFFFE30] =	vst v1;
	v3 =	vunpack.i.l.bf16.f32 v4  }
0x75: {  	v5 =	vor.u32 $0x3, v6;
	v1 =	vld [tilespmem:s1+$0xFFFFFF20];
	v4 =	vunpack.i.u.bf16.f32 v4;
	v3 =	vmul.f32 v3, v8  }
0x76: {  	v7 =	vld.idx.msk [tilespmem:v7+s24+$0x0], $0xffff;
	v4 =	vmul.f32 v4, v8  }
0x77: {  	[tilespmem:s14+$0x40] =	vst v3  }
0x78: {  	[tilespmem:s14+$0x50] =	vst v4  }
0x79: {  	v4 =	vld [tilespmem:s1+$0x30]  }
0x7a: {  	v3 =	vunpack.i.l.bf16.f32 v1;
	v5 =	vld.idx.msk [tilespmem:v5+s24+$0x0], $0xffff  }
0x7b: {  	v8 =	vor.u32 $0x3, v2;
	v1 =	vunpack.i.u.bf16.f32 v1;
	v3 =	vmul.f32 v3, v7  }
0x7c: {  	v1 =	vmul.f32 v1, v7  }
0x7d: {  	[tilespmem:s14+$0xFFFFFE40] =	vst v3  }
0x7e: {  	[tilespmem:s14+$0xFFFFFE50] =	vst v1;
	v3 =	vunpack.i.l.bf16.f32 v4  }
0x7f: {  	v7 =	vor.u32 $0x4, v6;
	v1 =	vld [tilespmem:s1+$0xFFFFFF30];
	v4 =	vunpack.i.u.bf16.f32 v4;
	v3 =	vmul.f32 v3, v5  }
0x80: {  	v8 =	vld.idx.msk [tilespmem:v8+s24+$0x0], $0xffff;
	v4 =	vmul.f32 v4, v5  }
0x81: {  	[tilespmem:s14+$0x60] =	vst v3  }
0x82: {  	[tilespmem:s14+$0x70] =	vst v4  }
0x83: {  	v4 =	vld [tilespmem:s1+$0x40]  }
0x84: {  	v3 =	vunpack.i.l.bf16.f32 v1;
	v7 =	vld.idx.msk [tilespmem:v7+s24+$0x0], $0xffff  }
0x85: {  	v5 =	vor.u32 $0x4, v2;
	v1 =	vunpack.i.u.bf16.f32 v1;
	v3 =	vmul.f32 v3, v8  }
0x86: {  	v1 =	vmul.f32 v1, v8  }
0x87: {  	[tilespmem:s14+$0xFFFFFE60] =	vst v3  }
0x88: {  	[tilespmem:s14+$0xFFFFFE70] =	vst v1;
	v3 =	vunpack.i.l.bf16.f32 v4  }
0x89: {  	v8 =	vor.u32 $0x5, v6;
	v1 =	vld [tilespmem:s1+$0xFFFFFF40];
	v4 =	vunpack.i.u.bf16.f32 v4;
	v3 =	vmul.f32 v3, v7  }
0x8a: {  	v5 =	vld.idx.msk [tilespmem:v5+s24+$0x0], $0xffff;
	v4 =	vmul.f32 v4, v7  }
0x8b: {  	[tilespmem:s14+$0x80] =	vst v3  }
0x8c: {  	[tilespmem:s14+$0x90] =	vst v4  }
0x8d: {  	v4 =	vld [tilespmem:s1+$0x50]  }
0x8e: {  	v3 =	vunpack.i.l.bf16.f32 v1;
	v8 =	vld.idx.msk [tilespmem:v8+s24+$0x0], $0xffff  }
0x8f: {  	v7 =	vor.u32 $0x5, v2;
	v1 =	vunpack.i.u.bf16.f32 v1;
	v3 =	vmul.f32 v3, v5  }
0x90: {  	s18 =	simm.s32 $0x30;
	v5 =	vmul.f32 v1, v5  }
0x91: {  	v1 =	vmov s18;
	[tilespmem:s14+$0xFFFFFE80] =	vst v3  }
0x92: {  	[tilespmem:s14+$0xFFFFFE90] =	vst v5;
	v3 =	vunpack.i.l.bf16.f32 v4  }
0x93: {  	v9 =	vor.u32 $0x6, v6;
	v5 =	vld [tilespmem:s1+$0xFFFFFF50];
	v4 =	vunpack.i.u.bf16.f32 v4;
	v3 =	vmul.f32 v3, v8  }
0x94: {  	s28 =	simm.s32 $0xC300;
	v7 =	vld.idx.msk [tilespmem:v7+s24+$0x0], $0xffff;
	v4 =	vmul.f32 v4, v8  }
0x95: {  	v8 =	vld [tilespmem:s28+$0x0];
	[tilespmem:s14+$0xA0] =	vst v3  }
0x96: {  	s19 =	simm.s32 $0x20;
	v10 =	vld.idx.msk [tilespmem:v1+s24+$0x0], $0xffff;
	[tilespmem:s14+$0xB0] =	vst v4  }
0x97: {  	v3 =	vmov s19;
	v11 =	vld [tilespmem:s1+$0x60]  }
0x98: {  	v4 =	vunpack.i.l.bf16.f32 v5;
	v9 =	vld.idx.msk [tilespmem:v9+s24+$0x0], $0xffff  }
0x99: {  	v12 =	vor.u32 $0x6, v2;
	v5 =	vunpack.i.u.bf16.f32 v5;
	v4 =	vmul.f32 v4, v7  }
0x9a: {  	v5 =	vmul.f32 v5, v7;
	v13 =	vunpack.i.l.bf16.f32 v8  }
0x9b: {  	v7 =	vld [tilespmem:s28+$0xFFFFFF00];
	[tilespmem:s14+$0xFFFFFEA0] =	vst v4;
	v4 =	vor.u32 $0x1, v1;
	v8 =	vunpack.i.u.bf16.f32 v8;
	v13 =	vmul.f32 v13, v10  }
0x9c: {  	s17 =	simm.s32 $0x10600;
	[tilespmem:s14+$0xFFFFFEB0] =	vst v5;
	v5 =	vmul.f32 v8, v10;
	v14 =	vld.idx.msk [tilespmem:v3+s24+$0x0], $0xffff;
	v10 =	vunpack.i.l.bf16.f32 v11  }
0x9d: {  	v15 =	vor.u32 $0x7, v6;
	v8 =	vld [tilespmem:s1+$0xFFFFFF60];
	[tilespmem:s17+$0x0] =	vst v13;
	v11 =	vunpack.i.u.bf16.f32 v11;
	v10 =	vmul.f32 v10, v9  }
0x9e: {  	v12 =	vld.idx.msk [tilespmem:v12+s24+$0x0], $0xffff;
	[tilespmem:s17+$0x10] =	vst v5;
	v5 =	vmul.f32 v11, v9  }
0x9f: {  	[tilespmem:s14+$0xC0] =	vst v10;
	v10 =	vld [tilespmem:s28+$0x10]  }
0xa0: {  	v9 =	vunpack.i.l.bf16.f32 v7;
	v4 =	vld.idx.msk [tilespmem:v4+s24+$0x0], $0xffff;
	[tilespmem:s14+$0xD0] =	vst v5  }
0xa1: {  	v11 =	vor.u32 $0x1, v3;
	v7 =	vunpack.i.u.bf16.f32 v7;
	v5 =	vmul.f32 v9, v14;
	v13 =	vld [tilespmem:s1+$0x70]  }
0xa2: {  	v7 =	vmul.f32 v7, v14;
	v9 =	vunpack.i.l.bf16.f32 v8;
	v15 =	vld.idx.msk [tilespmem:v15+s24+$0x0], $0xffff  }
0xa3: {  	v14 =	vor.u32 $0x7, v2;
	v8 =	vunpack.i.u.bf16.f32 v8;
	[tilespmem:s17+$0xFFFFFE00] =	vst v5;
	v5 =	vmul.f32 v9, v12  }
0xa4: {  	v8 =	vmul.f32 v8, v12;
	[tilespmem:s17+$0xFFFFFE10] =	vst v7;
	v9 =	vunpack.i.l.bf16.f32 v10  }
0xa5: {  	v7 =	vld [tilespmem:s28+$0xFFFFFF10];
	[tilespmem:s14+$0xFFFFFEC0] =	vst v5;
	v5 =	vor.u32 $0x2, v1;
	v10 =	vunpack.i.u.bf16.f32 v10;
	v9 =	vmul.f32 v9, v4  }
0xa6: {  	v11 =	vld.idx.msk [tilespmem:v11+s24+$0x0], $0xffff;
	[tilespmem:s14+$0xFFFFFED0] =	vst v8;
	v4 =	vmul.f32 v10, v4;
	v10 =	vunpack.i.l.bf16.f32 v13  }
0xa7: {  	v12 =	vor.u32 $0x8, v6;
	v8 =	vld [tilespmem:s1+$0xFFFFFF70];
	v13 =	vunpack.i.u.bf16.f32 v13;
	v10 =	vmul.f32 v10, v15;
	[tilespmem:s17+$0x20] =	vst v9  }
0xa8: {  	v9 =	vld.idx.msk [tilespmem:v14+s24+$0x0], $0xffff;
	[tilespmem:s17+$0x30] =	vst v4;
	v4 =	vmul.f32 v13, v15  }
0xa9: {  	[tilespmem:s14+$0xE0] =	vst v10;
	v13 =	vld [tilespmem:s28+$0x20]  }
0xaa: {  	v10 =	vunpack.i.l.bf16.f32 v7;
	v7 =	vunpack.i.u.bf16.f32 v7;
	v5 =	vld.idx.msk [tilespmem:v5+s24+$0x0], $0xffff;
	[tilespmem:s14+$0xF0] =	vst v4  }
0xab: {  	v14 =	vor.u32 $0x2, v3;
	v4 =	vmul.f32 v10, v11;
	v7 =	vmul.f32 v7, v11;
	v11 =	vld [tilespmem:s1+$0x80]  }
0xac: {  	v10 =	vunpack.i.l.bf16.f32 v8;
	v12 =	vld.idx.msk [tilespmem:v12+s24+$0x0], $0xffff  }
0xad: {  	v15 =	vor.u32 $0x8, v2;
	v8 =	vunpack.i.u.bf16.f32 v8;
	[tilespmem:s17+$0xFFFFFE20] =	vst v4;
	v4 =	vmul.f32 v10, v9  }
0xae: {  	[tilespmem:s17+$0xFFFFFE30] =	vst v7;
	v8 =	vmul.f32 v8, v9;
	v9 =	vunpack.i.l.bf16.f32 v13  }
0xaf: {  	v7 =	vld [tilespmem:s28+$0xFFFFFF20];
	v13 =	vunpack.i.u.bf16.f32 v13;
	[tilespmem:s14+$0xFFFFFEE0] =	vst v4;
	v4 =	vor.u32 $0x3, v1;
	v9 =	vmul.f32 v9, v5  }
0xb0: {  	v10 =	vld.idx.msk [tilespmem:v14+s24+$0x0], $0xffff;
	[tilespmem:s14+$0xFFFFFEF0] =	vst v8;
	v5 =	vmul.f32 v13, v5;
	v13 =	vunpack.i.l.bf16.f32 v11  }
0xb1: {  	v14 =	vor.u32 $0x9, v6;
	v8 =	vld [tilespmem:s1+$0xFFFFFF80];
	v11 =	vunpack.i.u.bf16.f32 v11;
	[tilespmem:s17+$0x40] =	vst v9;
	v13 =	vmul.f32 v13, v12  }
0xb2: {  	v9 =	vld.idx.msk [tilespmem:v15+s24+$0x0], $0xffff;
	[tilespmem:s17+$0x50] =	vst v5;
	v5 =	vmul.f32 v11, v12  }
0xb3: {  	v12 =	vld [tilespmem:s28+$0x30];
	[tilespmem:s14+$0x100] =	vst v13  }
0xb4: {  	v11 =	vunpack.i.l.bf16.f32 v7;
	[tilespmem:s14+$0x110] =	vst v5;
	v4 =	vld.idx.msk [tilespmem:v4+s24+$0x0], $0xffff  }
0xb5: {  	v7 =	vunpack.i.u.bf16.f32 v7;
	v13 =	vor.u32 $0x3, v3;
	v5 =	vmul.f32 v11, v10;
	v11 =	vld [tilespmem:s1+$0x90]  }
0xb6: {  	v7 =	vmul.f32 v7, v10;
	v14 =	vld.idx.msk [tilespmem:v14+s24+$0x0], $0xffff;
	v10 =	vunpack.i.l.bf16.f32 v8  }
0xb7: {  	v15 =	vor.u32 $0x9, v2;
	v8 =	vunpack.i.u.bf16.f32 v8;
	[tilespmem:s17+$0xFFFFFE40] =	vst v5;
	v5 =	vmul.f32 v10, v9  }
0xb8: {  	[tilespmem:s17+$0xFFFFFE50] =	vst v7;
	v8 =	vmul.f32 v8, v9;
	v9 =	vunpack.i.l.bf16.f32 v12  }
0xb9: {  	v7 =	vld [tilespmem:s28+$0xFFFFFF30];
	v12 =	vunpack.i.u.bf16.f32 v12;
	[tilespmem:s14+$0xFFFFFF00] =	vst v5;
	v5 =	vor.u32 $0x4, v1;
	v9 =	vmul.f32 v9, v4  }
0xba: {  	v10 =	vld.idx.msk [tilespmem:v13+s24+$0x0], $0xffff;
	[tilespmem:s14+$0xFFFFFF10] =	vst v8;
	v4 =	vmul.f32 v12, v4;
	v12 =	vunpack.i.l.bf16.f32 v11  }
0xbb: {  	v13 =	vor.u32 $0xA, v6;
	v8 =	vld [tilespmem:s1+$0xFFFFFF90];
	v11 =	vunpack.i.u.bf16.f32 v11;
	v12 =	vmul.f32 v12, v14;
	[tilespmem:s17+$0x60] =	vst v9  }
0xbc: {  	v9 =	vld.idx.msk [tilespmem:v15+s24+$0x0], $0xffff;
	[tilespmem:s17+$0x70] =	vst v4;
	v4 =	vmul.f32 v11, v14  }
0xbd: {  	[tilespmem:s14+$0x120] =	vst v12;
	v12 =	vld [tilespmem:s28+$0x40]  }
0xbe: {  	v11 =	vunpack.i.l.bf16.f32 v7;
	v5 =	vld.idx.msk [tilespmem:v5+s24+$0x0], $0xffff;
	[tilespmem:s14+$0x130] =	vst v4  }
0xbf: {  	v14 =	vor.u32 $0x4, v3;
	v7 =	vunpack.i.u.bf16.f32 v7;
	v4 =	vmul.f32 v11, v10;
	v11 =	vld [tilespmem:s1+$0xA0]  }
0xc0: {  	v7 =	vmul.f32 v7, v10;
	v10 =	vunpack.i.l.bf16.f32 v8;
	v13 =	vld.idx.msk [tilespmem:v13+s24+$0x0], $0xffff  }
0xc1: {  	v15 =	vor.u32 $0xA, v2;
	v8 =	vunpack.i.u.bf16.f32 v8;
	[tilespmem:s17+$0xFFFFFE60] =	vst v4;
	v4 =	vmul.f32 v10, v9  }
0xc2: {  	[tilespmem:s17+$0xFFFFFE70] =	vst v7;
	v8 =	vmul.f32 v8, v9;
	v9 =	vunpack.i.l.bf16.f32 v12  }
0xc3: {  	v7 =	vld [tilespmem:s28+$0xFFFFFF40];
	v12 =	vunpack.i.u.bf16.f32 v12;
	[tilespmem:s14+$0xFFFFFF20] =	vst v4;
	v4 =	vor.u32 $0x5, v1;
	v9 =	vmul.f32 v9, v5  }
0xc4: {  	v10 =	vld.idx.msk [tilespmem:v14+s24+$0x0], $0xffff;
	[tilespmem:s14+$0xFFFFFF30] =	vst v8;
	v5 =	vmul.f32 v12, v5;
	v12 =	vunpack.i.l.bf16.f32 v11  }
0xc5: {  	v14 =	vor.u32 $0xB, v6;
	v8 =	vld [tilespmem:s1+$0xFFFFFFA0];
	v11 =	vunpack.i.u.bf16.f32 v11;
	[tilespmem:s17+$0x80] =	vst v9;
	v12 =	vmul.f32 v12, v13  }
0xc6: {  	v9 =	vld.idx.msk [tilespmem:v15+s24+$0x0], $0xffff;
	[tilespmem:s17+$0x90] =	vst v5;
	v5 =	vmul.f32 v11, v13  }
0xc7: {  	[tilespmem:s14+$0x140] =	vst v12;
	v12 =	vld [tilespmem:s28+$0x50]  }
0xc8: {  	v11 =	vunpack.i.l.bf16.f32 v7;
	[tilespmem:s14+$0x150] =	vst v5;
	v4 =	vld.idx.msk [tilespmem:v4+s24+$0x0], $0xffff  }
0xc9: {  	v13 =	vor.u32 $0x5, v3;
	v7 =	vunpack.i.u.bf16.f32 v7;
	v5 =	vmul.f32 v11, v10;
	v11 =	vld [tilespmem:s1+$0xB0]  }
0xca: {  	s20 =	simm.s32 $0x50;
	v7 =	vmul.f32 v7, v10;
	v14 =	vld.idx.msk [tilespmem:v14+s24+$0x0], $0xffff;
	v10 =	vunpack.i.l.bf16.f32 v8  }
0xcb: {  	s18 =	simm.s32 $0xC500;
	v8 =	vunpack.i.u.bf16.f32 v8;
	[tilespmem:s17+$0xFFFFFE80] =	vst v5;
	v5 =	vmov s20;
	v10 =	vmul.f32 v10, v9  }
0xcc: {  	v16 =	vld [tilespmem:s18+$0x0];
	[tilespmem:s17+$0xFFFFFE90] =	vst v7;
	v8 =	vmul.f32 v8, v9;
	v9 =	vunpack.i.l.bf16.f32 v12  }
0xcd: {  	v7 =	vld [tilespmem:s28+$0xFFFFFF50];
	[tilespmem:s14+$0xFFFFFF40] =	vst v10;
	v10 =	vor.u32 $0x6, v1;
	v12 =	vunpack.i.u.bf16.f32 v12;
	v9 =	vmul.f32 v9, v4  }
0xce: {  	v13 =	vld.idx.msk [tilespmem:v13+s24+$0x0], $0xffff;
	v4 =	vmul.f32 v12, v4;
	v12 =	vunpack.i.l.bf16.f32 v11  }
0xcf: {  	v19 =	vld [tilespmem:s18+$0xFFFFFF00];
	v15 =	vor.u32 $0xC, v6;
	[tilespmem:s17+$0xA0] =	vst v9;
	v9 =	vunpack.i.u.bf16.f32 v11;
	v11 =	vmul.f32 v12, v14  }
0xd0: {  	s22 =	simm.s32 $0x40;
	v12 =	vld.idx.msk [tilespmem:v5+s24+$0x0], $0xffff;
	[tilespmem:s17+$0xB0] =	vst v4;
	v9 =	vmul.f32 v9, v14  }
0xd1: {  	v4 =	vmov s22;
	[tilespmem:s14+$0x160] =	vst v11;
	v11 =	vld [tilespmem:s28+$0x60]  }
0xd2: {  	v14 =	vunpack.i.l.bf16.f32 v7;
	v10 =	vld.idx.msk [tilespmem:v10+s24+$0x0], $0xffff;
	[tilespmem:s14+$0x170] =	vst v9  }
0xd3: {  	v7 =	vunpack.i.u.bf16.f32 v7;
	v14 =	vmul.f32 v14, v13;
	v9 =	vor.u32 $0x6, v3;
	v17 =	vld [tilespmem:s1+$0xC0]  }
0xd4: {  	v18 =	vor.u32 $0xB, v2;
	[tilespmem:s14+$0xFFFFFF50] =	vst v8;
	v7 =	vmul.f32 v7, v13;
	v13 =	vld.idx.msk [tilespmem:v15+s24+$0x0], $0xffff;
	v15 =	vunpack.i.l.bf16.f32 v16  }
0xd5: {  	v8 =	vld [tilespmem:s1+$0xFFFFFFB0];
	[tilespmem:s17+$0xFFFFFEA0] =	vst v14;
	v14 =	vunpack.i.u.bf16.f32 v16;
	v15 =	vmul.f32 v15, v12  }
0xd6: {  	s19 =	simm.s32 $0x10A00;
	v16 =	vor.u32 $0x1, v5;
	[tilespmem:s17+$0xFFFFFEB0] =	vst v7;
	v20 =	vld.idx.msk [tilespmem:v4+s24+$0x0], $0xffff;
	v7 =	vmul.f32 v14, v12;
	v12 =	vunpack.i.l.bf16.f32 v11  }
0xd7: {  	v14 =	vld [tilespmem:s28+$0xFFFFFF60];
	[tilespmem:s19+$0x0] =	vst v15;
	v11 =	vunpack.i.u.bf16.f32 v11;
	v12 =	vmul.f32 v12, v10  }
0xd8: {  	v15 =	vor.u32 $0x7, v1;
	[tilespmem:s19+$0x10] =	vst v7;
	v9 =	vld.idx.msk [tilespmem:v9+s24+$0x0], $0xffff;
	v7 =	vmul.f32 v11, v10;
	v10 =	vunpack.i.l.bf16.f32 v17  }
0xd9: {  	v11 =	vld.idx.msk [tilespmem:v18+s24+$0x0], $0xffff;
	[tilespmem:s17+$0xC0] =	vst v12;
	v12 =	vunpack.i.u.bf16.f32 v17;
	v10 =	vmul.f32 v10, v13  }
0xda: {  	v18 =	vunpack.i.l.bf16.f32 v19;
	v21 =	vld [tilespmem:s18+$0x10];
	v17 =	vor.u32 $0xD, v6;
	[tilespmem:s17+$0xD0] =	vst v7;
	v7 =	vmul.f32 v12, v13  }
0xdb: {  	v12 =	vunpack.i.u.bf16.f32 v19;
	v13 =	vld.idx.msk [tilespmem:v16+s24+$0x0], $0xffff;
	v16 =	vmul.f32 v18, v20;
	[tilespmem:s14+$0x180] =	vst v10  }
0xdc: {  	v18 =	vunpack.i.l.bf16.f32 v14;
	v19 =	vld [tilespmem:s28+$0x70];
	v10 =	vor.u32 $0x1, v4;
	v12 =	vmul.f32 v12, v20;
	[tilespmem:s14+$0x190] =	vst v7  }
0xdd: {  	v7 =	vunpack.i.u.bf16.f32 v14;
	v14 =	vld.idx.msk [tilespmem:v15+s24+$0x0], $0xffff;
	[tilespmem:s19+$0xFFFFFE00] =	vst v16;
	v15 =	vmul.f32 v18, v9  }
0xde: {  	v18 =	vunpack.i.l.bf16.f32 v8;
	v7 =	vmul.f32 v7, v9;
	[tilespmem:s19+$0xFFFFFE10] =	vst v12;
	v9 =	vld [tilespmem:s1+$0xD0]  }
0xdf: {  	v16 =	vor.u32 $0x7, v3;
	v12 =	vld.idx.msk [tilespmem:v17+s24+$0x0], $0xffff;
	v17 =	vmul.f32 v18, v11;
	v18 =	vunpack.i.l.bf16.f32 v21;
	[tilespmem:s17+$0xFFFFFEC0] =	vst v15  }
0xe0: {  	v20 =	vunpack.i.u.bf16.f32 v21;
	v15 =	vld [tilespmem:s18+$0xFFFFFF10];
	v18 =	vmul.f32 v18, v13;
	[tilespmem:s17+$0xFFFFFED0] =	vst v7  }
0xe1: {  	v7 =	vor.u32 $0x2, v5;
	v13 =	vmul.f32 v20, v13;
	v20 =	vunpack.i.l.bf16.f32 v19;
	v10 =	vld.idx.msk [tilespmem:v10+s24+$0x0], $0xffff;
	[tilespmem:s14+$0xFFFFFF60] =	vst v17  }
0xe2: {  	[tilespmem:s19+$0x20] =	vst v18;
	v18 =	vunpack.i.u.bf16.f32 v19;
	v19 =	vmul.f32 v20, v14  }
0xe3: {  	v17 =	vld [tilespmem:s28+$0xFFFFFF70];
	v20 =	vor.u32 $0x8, v1;
	[tilespmem:s19+$0x30] =	vst v13;
	v13 =	vmul.f32 v18, v14;
	v14 =	vunpack.i.l.bf16.f32 v9  }
0xe4: {  	v16 =	vld.idx.msk [tilespmem:v16+s24+$0x0], $0xffff;
	v9 =	vunpack.i.u.bf16.f32 v9;
	[tilespmem:s17+$0xE0] =	vst v19;
	v14 =	vmul.f32 v14, v12  }
0xe5: {  	v18 =	vor.u32 $0xE, v6;
	v21 =	vld [tilespmem:s18+$0x20];
	v19 =	vunpack.i.l.bf16.f32 v15;
	v9 =	vmul.f32 v9, v12;
	[tilespmem:s17+$0xF0] =	vst v13  }
0xe6: {  	v12 =	vunpack.i.u.bf16.f32 v15;
	v7 =	vld.idx.msk [tilespmem:v7+s24+$0x0], $0xffff;
	v13 =	vmul.f32 v19, v10;
	[tilespmem:s14+$0x1A0] =	vst v14  }
0xe7: {  	v8 =	vunpack.i.u.bf16.f32 v8;
	v14 =	vor.u32 $0x2, v4;
	v10 =	vmul.f32 v12, v10;
	v15 =	vld [tilespmem:s28+$0x80];
	[tilespmem:s14+$0x1B0] =	vst v9  }
0xe8: {  	v8 =	vmul.f32 v8, v11;
	v12 =	vunpack.i.l.bf16.f32 v17;
	v9 =	vunpack.i.u.bf16.f32 v17;
	v17 =	vld.idx.msk [tilespmem:v20+s24+$0x0], $0xffff;
	[tilespmem:s19+$0xFFFFFE20] =	vst v13  }
0xe9: {  	v12 =	vmul.f32 v12, v16;
	v13 =	vor.u32 $0x8, v3;
	[tilespmem:s19+$0xFFFFFE30] =	vst v10;
	v10 =	vld [tilespmem:s1+$0xE0]  }
0xea: {  	[tilespmem:s14+$0xFFFFFF70] =	vst v8;
	v9 =	vmul.f32 v9, v16;
	v11 =	vld.idx.msk [tilespmem:v18+s24+$0x0], $0xffff;
	v16 =	vunpack.i.l.bf16.f32 v21  }
0xeb: {  	v18 =	vor.u32 $0x3, v5;
	v19 =	vunpack.i.u.bf16.f32 v21;
	[tilespmem:s17+$0xFFFFFEE0] =	vst v12;
	v12 =	vld [tilespmem:s18+$0xFFFFFF20];
	v16 =	vmul.f32 v16, v7  }
0xec: {  	[tilespmem:s17+$0xFFFFFEF0] =	vst v9;
	v7 =	vmul.f32 v19, v7;
	v9 =	vld.idx.msk [tilespmem:v14+s24+$0x0], $0xffff;
	v14 =	vunpack.i.l.bf16.f32 v15  }
0xed: {  	v8 =	vld [tilespmem:s28+$0xFFFFFF80];
	v19 =	vor.u32 $0x9, v1;
	v15 =	vunpack.i.u.bf16.f32 v15;
	[tilespmem:s19+$0x40] =	vst v16;
	v14 =	vmul.f32 v14, v17  }
0xee: {  	[tilespmem:s19+$0x50] =	vst v7;
	v7 =	vmul.f32 v15, v17;
	v13 =	vld.idx.msk [tilespmem:v13+s24+$0x0], $0xffff;
	v15 =	vunpack.i.l.bf16.f32 v10  }
0xef: {  	v10 =	vunpack.i.u.bf16.f32 v10;
	[tilespmem:s17+$0x100] =	vst v14;
	v14 =	vmul.f32 v15, v11;
	v15 =	vld [tilespmem:s18+$0x30]  }
0xf0: {  	v16 =	vld.idx.msk [tilespmem:v18+s24+$0x0], $0xffff;
	v17 =	vunpack.i.l.bf16.f32 v12;
	[tilespmem:s17+$0x110] =	vst v7;
	v7 =	vmul.f32 v10, v11  }
0xf1: {  	v10 =	vor.u32 $0x3, v4;
	v11 =	vunpack.i.u.bf16.f32 v12;
	v12 =	vmul.f32 v17, v9;
	[tilespmem:s14+$0x1C0] =	vst v14;
	v14 =	vld [tilespmem:s28+$0x90]  }
0xf2: {  	s9 =	simm.s32 $0xC700;
	v9 =	vmul.f32 v11, v9;
	v11 =	vld.idx.msk [tilespmem:v19+s24+$0x0], $0xffff;
	v17 =	vunpack.i.l.bf16.f32 v8;
	[tilespmem:s14+$0x1D0] =	vst v7  }
0xf3: {  	v24 =	vld [tilespmem:s9+$0xFFFFFF00];
	v7 =	vor.u32 $0x9, v3;
	v8 =	vunpack.i.u.bf16.f32 v8;
	[tilespmem:s19+$0xFFFFFE40] =	vst v12;
	v12 =	vmul.f32 v17, v13  }
0xf4: {  	v21 =	vld [tilespmem:s9+$0x0];
	v8 =	vmul.f32 v8, v13;
	[tilespmem:s19+$0xFFFFFE50] =	vst v9;
	v9 =	vunpack.i.l.bf16.f32 v15  }
0xf5: {  	v17 =	vor.u32 $0x4, v5;
	v13 =	vld [tilespmem:s18+$0xFFFFFF30];
	[tilespmem:s17+$0xFFFFFF00] =	vst v12;
	v12 =	vunpack.i.u.bf16.f32 v15;
	v9 =	vmul.f32 v9, v16  }
0xf6: {  	v10 =	vld.idx.msk [tilespmem:v10+s24+$0x0], $0xffff;
	[tilespmem:s17+$0xFFFFFF10] =	vst v8;
	v8 =	vmul.f32 v12, v16;
	v12 =	vunpack.i.l.bf16.f32 v14  }
0xf7: {  	v15 =	vld [tilespmem:s28+$0xFFFFFF90];
	v16 =	vor.u32 $0xA, v1;
	[tilespmem:s19+$0x60] =	vst v9;
	v9 =	vunpack.i.u.bf16.f32 v14;
	v12 =	vmul.f32 v12, v11  }
0xf8: {  	v7 =	vld.idx.msk [tilespmem:v7+s24+$0x0], $0xffff;
	[tilespmem:s19+$0x70] =	vst v8;
	v8 =	vmul.f32 v9, v11  }
0xf9: {  	v9 =	vor.u32 $0xC, v2;
	[tilespmem:s17+$0x120] =	vst v12;
	v11 =	vld [tilespmem:s18+$0x40]  }
0xfa: {  	v12 =	vunpack.i.l.bf16.f32 v13;
	v14 =	vld.idx.msk [tilespmem:v17+s24+$0x0], $0xffff;
	[tilespmem:s17+$0x130] =	vst v8  }
0xfb: {  	v17 =	vor.u32 $0x4, v4;
	v8 =	vunpack.i.u.bf16.f32 v13;
	v12 =	vmul.f32 v12, v10;
	v13 =	vld [tilespmem:s28+$0xA0]  }
0xfc: {  	v6 =	vor.u32 $0xF, v6;
	v10 =	vmul.f32 v8, v10;
	v16 =	vld.idx.msk [tilespmem:v16+s24+$0x0], $0xffff;
	v19 =	vunpack.i.l.bf16.f32 v15  }
0xfd: {  	v18 =	vld [tilespmem:s1+$0xFFFFFFC0];
	v15 =	vunpack.i.u.bf16.f32 v15;
	[tilespmem:s19+$0xFFFFFE60] =	vst v12;
	v12 =	vmul.f32 v19, v7  }
0xfe: {  	v20 =	vor.u32 $0xA, v3;
	v7 =	vmul.f32 v15, v7;
	v9 =	vld.idx.msk [tilespmem:v9+s24+$0x0], $0xffff;
	[tilespmem:s19+$0xFFFFFE70] =	vst v10;
	v10 =	vunpack.i.l.bf16.f32 v11  }
0xff: {  	v19 =	vld [tilespmem:s18+$0xFFFFFF40];
	[tilespmem:s17+$0xFFFFFF20] =	vst v12;
	v11 =	vunpack.i.u.bf16.f32 v11;
	v10 =	vmul.f32 v10, v14  }
0x100: {  	v15 =	vor.u32 $0x5, v5;
	v12 =	vld.idx.msk [tilespmem:v17+s24+$0x0], $0xffff;
	[tilespmem:s17+$0xFFFFFF30] =	vst v7;
	v7 =	vmul.f32 v11, v14;
	v11 =	vunpack.i.l.bf16.f32 v13  }
0x101: {  	v6 =	vld.idx.msk [tilespmem:v6+s24+$0x0], $0xffff;
	[tilespmem:s19+$0x80] =	vst v10;
	v10 =	vunpack.i.u.bf16.f32 v13;
	v11 =	vmul.f32 v11, v16  }
0x102: {  	v14 =	vor.u32 $0xB, v1;
	v17 =	vld [tilespmem:s28+$0xFFFFFFA0];
	v13 =	vunpack.i.l.bf16.f32 v18;
	[tilespmem:s19+$0x90] =	vst v7;
	v7 =	vmul.f32 v10, v16  }
0x103: {  	v20 =	vld.idx.msk [tilespmem:v20+s24+$0x0], $0xffff;
	v16 =	vor.u32 $0xD, v2;
	v10 =	vunpack.i.u.bf16.f32 v18;
	v13 =	vmul.f32 v13, v9;
	[tilespmem:s17+$0x140] =	vst v11  }
0x104: {  	v9 =	vmul.f32 v10, v9;
	v10 =	vunpack.i.l.bf16.f32 v19;
	v11 =	vld [tilespmem:s18+$0x50];
	[tilespmem:s17+$0x150] =	vst v7  }
0x105: {  	v15 =	vld.idx.msk [tilespmem:v15+s24+$0x0], $0xffff;
	v7 =	vor.u32 $0x5, v4;
	[tilespmem:s14+$0xFFFFFF80] =	vst v13;
	v13 =	vunpack.i.u.bf16.f32 v19;
	v10 =	vmul.f32 v10, v12  }
0x106: {  	v13 =	vmul.f32 v13, v12;
	[tilespmem:s14+$0xFFFFFF90] =	vst v9;
	v18 =	vld [tilespmem:s28+$0xB0]  }
0x107: {  	s23 =	simm.s32 $0x70;
	v14 =	vld.idx.msk [tilespmem:v14+s24+$0x0], $0xffff;
	v9 =	vunpack.i.l.bf16.f32 v17;
	[tilespmem:s19+$0xFFFFFE80] =	vst v10  }
0x108: {  	v17 =	vunpack.i.u.bf16.f32 v17;
	v9 =	vmul.f32 v9, v20;
	v10 =	vmov s23;
	[tilespmem:s19+$0xFFFFFE90] =	vst v13;
	v13 =	vld.idx.msk [tilespmem:v16+s24+$0x0], $0xffff  }
0x109: {  	v17 =	vmul.f32 v17, v20;
	v16 =	vld [tilespmem:s18+$0xFFFFFF50];
	v19 =	vunpack.i.l.bf16.f32 v11  }
0x10a: {  	[tilespmem:s17+$0xFFFFFF40] =	vst v9;
	v9 =	vor.u32 $0x6, v5;
	v20 =	vld.idx.msk [tilespmem:v7+s24+$0x0], $0xffff;
	v7 =	vunpack.i.u.bf16.f32 v11;
	v11 =	vmul.f32 v19, v15  }
0x10b: {  	v8 =	vld [tilespmem:s1+$0xF0];
	[tilespmem:s17+$0xFFFFFF50] =	vst v17;
	v7 =	vmul.f32 v7, v15;
	v17 =	vunpack.i.l.bf16.f32 v18  }
0x10c: {  	v12 =	vld [tilespmem:s1+$0xFFFFFFD0];
	v19 =	vor.u32 $0xC, v1;
	[tilespmem:s19+$0xA0] =	vst v11;
	v11 =	vunpack.i.u.bf16.f32 v18;
	v17 =	vmul.f32 v17, v14  }
0x10d: {  	s3 =	simm.s32 $0x60;
	v18 =	vld.idx.msk [tilespmem:v10+s24+$0x0], $0xffff;
	[tilespmem:s19+$0xB0] =	vst v7;
	v11 =	vmul.f32 v11, v14  }
0x10e: {  	v7 =	vmov s3;
	[tilespmem:s17+$0x160] =	vst v17;
	v14 =	vld [tilespmem:s18+$0x60]  }
0x10f: {  	v17 =	vunpack.i.l.bf16.f32 v16;
	v9 =	vld.idx.msk [tilespmem:v9+s24+$0x0], $0xffff;
	[tilespmem:s17+$0x170] =	vst v11  }
0x110: {  	v16 =	vunpack.i.u.bf16.f32 v16;
	v11 =	vor.u32 $0x6, v4;
	v17 =	vmul.f32 v17, v20;
	v22 =	vld [tilespmem:s28+$0xC0]  }
0x111: {  	v23 =	vor.u32 $0xB, v3;
	v16 =	vmul.f32 v16, v20;
	v20 =	vunpack.i.l.bf16.f32 v21;
	v19 =	vld.idx.msk [tilespmem:v19+s24+$0x0], $0xffff  }
0x112: {  	v15 =	vld [tilespmem:s28+$0xFFFFFFB0];
	[tilespmem:s19+$0xFFFFFEA0] =	vst v17;
	v17 =	vunpack.i.u.bf16.f32 v21;
	v20 =	vmul.f32 v20, v18  }
0x113: {  	s10 =	simm.s32 $0x10E00;
	v21 =	vor.u32 $0x1, v10;
	[tilespmem:s19+$0xFFFFFEB0] =	vst v16;
	v25 =	vld.idx.msk [tilespmem:v7+s24+$0x0], $0xffff;
	v16 =	vmul.f32 v17, v18;
	v17 =	vunpack.i.l.bf16.f32 v14  }
0x114: {  	v18 =	vld [tilespmem:s18+$0xFFFFFF60];
	[tilespmem:s10+$0x0] =	vst v20;
	v14 =	vunpack.i.u.bf16.f32 v14;
	v17 =	vmul.f32 v17, v9  }
0x115: {  	v20 =	vor.u32 $0x7, v5;
	v11 =	vld.idx.msk [tilespmem:v11+s24+$0x0], $0xffff;
	[tilespmem:s10+$0x10] =	vst v16;
	v9 =	vmul.f32 v14, v9;
	v14 =	vunpack.i.l.bf16.f32 v22  }
0x116: {  	v16 =	vld.idx.msk [tilespmem:v23+s24+$0x0], $0xffff;
	[tilespmem:s19+$0xC0] =	vst v17;
	v17 =	vunpack.i.u.bf16.f32 v22;
	v14 =	vmul.f32 v14, v19  }
0x117: {  	v23 =	vunpack.i.l.bf16.f32 v24;
	v26 =	vld [tilespmem:s9+$0x10];
	v22 =	vor.u32 $0xD, v1;
	[tilespmem:s19+$0xD0] =	vst v9;
	v9 =	vmul.f32 v17, v19  }
0x118: {  	v17 =	vunpack.i.u.bf16.f32 v24;
	v19 =	vld.idx.msk [tilespmem:v21+s24+$0x0], $0xffff;
	v21 =	vmul.f32 v23, v25;
	[tilespmem:s17+$0x180] =	vst v14  }
0x119: {  	v23 =	vunpack.i.l.bf16.f32 v18;
	v24 =	vld [tilespmem:s18+$0x70];
	v14 =	vor.u32 $0x1, v7;
	v17 =	vmul.f32 v17, v25;
	[tilespmem:s17+$0x190] =	vst v9  }
0x11a: {  	v9 =	vunpack.i.u.bf16.f32 v18;
	v18 =	vld.idx.msk [tilespmem:v20+s24+$0x0], $0xffff;
	[tilespmem:s10+$0xFFFFFE00] =	vst v21;
	v20 =	vmul.f32 v23, v11  }
0x11b: {  	v21 =	vor.u32 $0x7, v4;
	v23 =	vunpack.i.l.bf16.f32 v15;
	v9 =	vmul.f32 v9, v11;
	[tilespmem:s10+$0xFFFFFE10] =	vst v17;
	v11 =	vld [tilespmem:s28+$0xD0]  }
0x11c: {  	v25 =	vor.u32 $0x2, v10;
	v17 =	vld.idx.msk [tilespmem:v22+s24+$0x0], $0xffff;
	v22 =	vmul.f32 v23, v16;
	v23 =	vunpack.i.l.bf16.f32 v26;
	[tilespmem:s19+$0xFFFFFEC0] =	vst v20  }
0x11d: {  	v20 =	vld [tilespmem:s9+$0xFFFFFF10];
	v26 =	vunpack.i.u.bf16.f32 v26;
	v23 =	vmul.f32 v23, v19;
	[tilespmem:s19+$0xFFFFFED0] =	vst v9  }
0x11e: {  	v9 =	vld.idx.msk [tilespmem:v14+s24+$0x0], $0xffff;
	v14 =	vmul.f32 v26, v19;
	v19 =	vunpack.i.l.bf16.f32 v24;
	v26 =	vor.u32 $0x8, v5;
	[tilespmem:s17+$0xFFFFFF60] =	vst v22  }
0x11f: {  	v22 =	vld [tilespmem:s18+$0xFFFFFF70];
	[tilespmem:s10+$0x20] =	vst v23;
	v23 =	vunpack.i.u.bf16.f32 v24;
	v19 =	vmul.f32 v19, v18  }
0x120: {  	v21 =	vld.idx.msk [tilespmem:v21+s24+$0x0], $0xffff;
	[tilespmem:s10+$0x30] =	vst v14;
	v14 =	vmul.f32 v23, v18;
	v18 =	vunpack.i.l.bf16.f32 v11;
	v23 =	vor.u32 $0xE, v1  }
0x121: {  	v11 =	vunpack.i.u.bf16.f32 v11;
	v24 =	vld.idx.msk [tilespmem:v25+s24+$0x0], $0xffff;
	[tilespmem:s19+$0xE0] =	vst v19;
	v18 =	vmul.f32 v18, v17  }
0x122: {  	v19 =	vunpack.i.l.bf16.f32 v20;
	v25 =	vld [tilespmem:s9+$0x20];
	v11 =	vmul.f32 v11, v17;
	[tilespmem:s19+$0xF0] =	vst v14  }
0x123: {  	v17 =	vunpack.i.u.bf16.f32 v20;
	v14 =	vor.u32 $0x2, v7;
	v19 =	vmul.f32 v19, v9;
	v20 =	vld.idx.msk [tilespmem:v26+s24+$0x0], $0xffff;
	[tilespmem:s17+$0x1A0] =	vst v18  }
0x124: {  	v9 =	vmul.f32 v17, v9;
	v17 =	vunpack.i.l.bf16.f32 v22;
	v18 =	vld [tilespmem:s18+$0x80];
	[tilespmem:s17+$0x1B0] =	vst v11  }
0x125: {  	v11 =	vor.u32 $0x8, v4;
	v22 =	vunpack.i.u.bf16.f32 v22;
	v17 =	vmul.f32 v17, v21;
	[tilespmem:s10+$0xFFFFFE20] =	vst v19;
	v19 =	vld.idx.msk [tilespmem:v23+s24+$0x0], $0xffff  }
0x126: {  	v15 =	vunpack.i.u.bf16.f32 v15;
	v21 =	vmul.f32 v22, v21;
	[tilespmem:s10+$0xFFFFFE30] =	vst v9;
	v9 =	vld [tilespmem:s28+$0xE0]  }
0x127: {  	v15 =	vmul.f32 v15, v16;
	v23 =	vor.u32 $0x3, v10;
	v16 =	vld [tilespmem:s9+$0xFFFFFF20];
	v22 =	vunpack.i.l.bf16.f32 v25;
	[tilespmem:s19+$0xFFFFFEE0] =	vst v17  }
0x128: {  	v17 =	vunpack.i.u.bf16.f32 v25;
	[tilespmem:s19+$0xFFFFFEF0] =	vst v21;
	v14 =	vld.idx.msk [tilespmem:v14+s24+$0x0], $0xffff;
	v22 =	vmul.f32 v22, v24  }
0x129: {  	[tilespmem:s17+$0xFFFFFF70] =	vst v15;
	v25 =	vor.u32 $0x9, v5;
	v17 =	vmul.f32 v17, v24;
	v21 =	vld [tilespmem:s18+$0xFFFFFF80];
	v24 =	vunpack.i.l.bf16.f32 v18  }
0x12a: {  	v11 =	vld.idx.msk [tilespmem:v11+s24+$0x0], $0xffff;
	v15 =	vunpack.i.u.bf16.f32 v18;
	[tilespmem:s10+$0x40] =	vst v22;
	v18 =	vmul.f32 v24, v20  }
0x12b: {  	v1 =	vor.u32 $0xF, v1;
	[tilespmem:s10+$0x50] =	vst v17;
	v15 =	vmul.f32 v15, v20;
	v17 =	vld [tilespmem:s28+$0xFFFFFFC0];
	v20 =	vunpack.i.l.bf16.f32 v9  }
0x12c: {  	v22 =	vld.idx.msk [tilespmem:v23+s24+$0x0], $0xffff;
	v9 =	vunpack.i.u.bf16.f32 v9;
	[tilespmem:s19+$0x100] =	vst v18;
	v18 =	vmul.f32 v20, v19  }
0x12d: {  	v23 =	vld [tilespmem:s9+$0x30];
	v20 =	vunpack.i.l.bf16.f32 v16;
	[tilespmem:s19+$0x110] =	vst v15;
	v9 =	vmul.f32 v9, v19  }
0x12e: {  	v15 =	vor.u32 $0x3, v7;
	v16 =	vunpack.i.u.bf16.f32 v16;
	v19 =	vmul.f32 v20, v14;
	v20 =	vld.idx.msk [tilespmem:v25+s24+$0x0], $0xffff;
	[tilespmem:s17+$0x1C0] =	vst v18  }
0x12f: {  	v14 =	vmul.f32 v16, v14;
	v16 =	vunpack.i.l.bf16.f32 v21;
	v18 =	vld [tilespmem:s18+$0x90];
	[tilespmem:s17+$0x1D0] =	vst v9  }
0x130: {  	v24 =	vor.u32 $0x9, v4;
	v21 =	vunpack.i.u.bf16.f32 v21;
	v16 =	vmul.f32 v16, v11;
	[tilespmem:s10+$0xFFFFFE40] =	vst v19;
	v9 =	vld.idx.msk [tilespmem:v1+s24+$0x0], $0xffff  }
0x131: {  	v1 =	vor.u32 $0xC, v3;
	v19 =	vmul.f32 v21, v11;
	[tilespmem:s10+$0xFFFFFE50] =	vst v14;
	v11 =	vld [tilespmem:s28+$0xF0]  }
0x132: {  	v14 =	vld [tilespmem:s9+$0xFFFFFF30];
	v21 =	vunpack.i.l.bf16.f32 v23;
	[tilespmem:s19+$0xFFFFFF00] =	vst v16  }
0x133: {  	v16 =	vor.u32 $0x4, v10;
	v23 =	vunpack.i.u.bf16.f32 v23;
	v15 =	vld.idx.msk [tilespmem:v15+s24+$0x0], $0xffff;
	v21 =	vmul.f32 v21, v22;
	[tilespmem:s19+$0xFFFFFF10] =	vst v19  }
0x134: {  	v19 =	vmul.f32 v23, v22;
	v22 =	vld [tilespmem:s18+$0xFFFFFF90];
	v23 =	vunpack.i.l.bf16.f32 v18  }
0x135: {  	v25 =	vor.u32 $0xA, v5;
	[tilespmem:s10+$0x60] =	vst v21;
	v21 =	vld.idx.msk [tilespmem:v24+s24+$0x0], $0xffff;
	v18 =	vunpack.i.u.bf16.f32 v18;
	v23 =	vmul.f32 v23, v20  }
0x136: {  	v24 =	vunpack.i.l.bf16.f32 v12;
	[tilespmem:s10+$0x70] =	vst v19;
	v18 =	vmul.f32 v18, v20;
	v1 =	vld.idx.msk [tilespmem:v1+s24+$0x0], $0xffff  }
0x137: {  	v19 =	vor.u32 $0xE, v2;
	v12 =	vunpack.i.u.bf16.f32 v12;
	v20 =	vmul.f32 v24, v13;
	[tilespmem:s19+$0x120] =	vst v23;
	v23 =	vld [tilespmem:s9+$0x40]  }
0x138: {  	v12 =	vmul.f32 v12, v13;
	v13 =	vunpack.i.l.bf16.f32 v14;
	v16 =	vld.idx.msk [tilespmem:v16+s24+$0x0], $0xffff;
	[tilespmem:s19+$0x130] =	vst v18  }
0x139: {  	v14 =	vunpack.i.u.bf16.f32 v14;
	v18 =	vor.u32 $0x4, v7;
	[tilespmem:s14+$0xFFFFFFA0] =	vst v20;
	v13 =	vmul.f32 v13, v15;
	v20 =	vld [tilespmem:s18+$0xA0]  }
0x13a: {  	v14 =	vmul.f32 v14, v15;
	[tilespmem:s14+$0xFFFFFFB0] =	vst v12;
	v15 =	vld.idx.msk [tilespmem:v25+s24+$0x0], $0xffff;
	v24 =	vunpack.i.l.bf16.f32 v22  }
0x13b: {  	v12 =	vor.u32 $0xA, v4;
	v22 =	vunpack.i.u.bf16.f32 v22;
	[tilespmem:s10+$0xFFFFFE60] =	vst v13;
	v13 =	vmul.f32 v24, v21;
	v24 =	vld [tilespmem:s1+$0xFFFFFFE0]  }
0x13c: {  	v21 =	vmul.f32 v22, v21;
	[tilespmem:s10+$0xFFFFFE70] =	vst v14;
	v14 =	vld.idx.msk [tilespmem:v19+s24+$0x0], $0xffff;
	v22 =	vor.u32 $0x5, v10;
	v19 =	vunpack.i.l.bf16.f32 v23  }
0x13d: {  	v25 =	vld [tilespmem:s9+$0xFFFFFF40];
	[tilespmem:s19+$0xFFFFFF20] =	vst v13;
	v13 =	vunpack.i.u.bf16.f32 v23;
	v19 =	vmul.f32 v19, v16  }
0x13e: {  	[tilespmem:s19+$0xFFFFFF30] =	vst v21;
	v21 =	vor.u32 $0xB, v5;
	v18 =	vld.idx.msk [tilespmem:v18+s24+$0x0], $0xffff;
	v13 =	vmul.f32 v13, v16;
	v16 =	vunpack.i.l.bf16.f32 v20  }
0x13f: {  	v23 =	vld [tilespmem:s18+$0xFFFFFFA0];
	v16 =	vmul.f32 v16, v15;
	[tilespmem:s10+$0x80] =	vst v19;
	v19 =	vunpack.i.u.bf16.f32 v20  }
0x140: {  	v12 =	vld.idx.msk [tilespmem:v12+s24+$0x0], $0xffff;
	v20 =	vunpack.i.l.bf16.f32 v17;
	[tilespmem:s10+$0x90] =	vst v13;
	v13 =	vmul.f32 v19, v15  }
0x141: {  	v17 =	vunpack.i.u.bf16.f32 v17;
	v15 =	vor.u32 $0xD, v3;
	v19 =	vmul.f32 v20, v1;
	v20 =	vld.idx.msk [tilespmem:v22+s24+$0x0], $0xffff;
	[tilespmem:s19+$0x140] =	vst v16  }
0x142: {  	v1 =	vmul.f32 v17, v1;
	v16 =	vunpack.i.l.bf16.f32 v25;
	v17 =	vld [tilespmem:s9+$0x50];
	[tilespmem:s19+$0x150] =	vst v13  }
0x143: {  	v22 =	vor.u32 $0x5, v7;
	v16 =	vmul.f32 v16, v18;
	[tilespmem:s17+$0xFFFFFF80] =	vst v19;
	v13 =	vunpack.i.u.bf16.f32 v25;
	v19 =	vld.idx.msk [tilespmem:v21+s24+$0x0], $0xffff  }
0x144: {  	[tilespmem:s17+$0xFFFFFF90] =	vst v1;
	v1 =	vunpack.i.l.bf16.f32 v23;
	v18 =	vmul.f32 v13, v18;
	v21 =	vld [tilespmem:s18+$0xB0]  }
0x145: {  	s4 =	simm.s32 $0x90;
	v23 =	vunpack.i.u.bf16.f32 v23;
	[tilespmem:s10+$0xFFFFFE80] =	vst v16;
	v16 =	vmul.f32 v1, v12;
	v13 =	vld [tilespmem:s28+$0xFFFFFFD0]  }
0x146: {  	v25 =	vunpack.i.u.bf16.f32 v8;
	v12 =	vmul.f32 v23, v12;
	v1 =	vmov s4;
	[tilespmem:s10+$0xFFFFFE90] =	vst v18;
	v15 =	vld.idx.msk [tilespmem:v15+s24+$0x0], $0xffff  }
0x147: {  	v26 =	vor.u32 $0x6, v10;
	v18 =	vmul.f32 v25, v6;
	v25 =	vunpack.i.l.bf16.f32 v17;
	[tilespmem:s19+$0xFFFFFF40] =	vst v16;
	v23 =	vld [tilespmem:s9+$0xFFFFFF50]  }
0x148: {  	v17 =	vunpack.i.u.bf16.f32 v17;
	[tilespmem:s19+$0xFFFFFF50] =	vst v12;
	v16 =	vld.idx.msk [tilespmem:v22+s24+$0x0], $0xffff;
	v22 =	vmul.f32 v25, v20  }
0x149: {  	s20 =	simm.s32 $0xC900;
	v12 =	vmul.f32 v17, v20;
	v17 =	vld [tilespmem:s18+$0xFFFFFFB0];
	v20 =	vor.u32 $0xC, v5;
	[tilespmem:s14+$0x1F0] =	vst v18;
	v18 =	vunpack.i.l.bf16.f32 v21  }
0x14a: {  	v25 =	vld [tilespmem:s20+$0x0];
	[tilespmem:s10+$0xA0] =	vst v22;
	v21 =	vunpack.i.u.bf16.f32 v21;
	v18 =	vmul.f32 v18, v19  }
0x14b: {  	s15 =	simm.s32 $0x80;
	v8 =	vunpack.i.l.bf16.f32 v8;
	v22 =	vld.idx.msk [tilespmem:v1+s24+$0x0], $0xffff;
	[tilespmem:s10+$0xB0] =	vst v12;
	v19 =	vmul.f32 v21, v19  }
0x14c: {  	v6 =	vmul.f32 v8, v6;
	v8 =	vunpack.i.l.bf16.f32 v24;
	v12 =	vmov s15;
	v21 =	vld.idx.msk [tilespmem:v26+s24+$0x0], $0xffff;
	[tilespmem:s19+$0x160] =	vst v18  }
0x14d: {  	v8 =	vmul.f32 v8, v14;
	v26 =	vld [tilespmem:s9+$0x60];
	v18 =	vunpack.i.l.bf16.f32 v23;
	[tilespmem:s19+$0x170] =	vst v19  }
0x14e: {  	[tilespmem:s14+$0x1E0] =	vst v6;
	v19 =	vor.u32 $0x6, v7;
	v6 =	vunpack.i.u.bf16.f32 v23;
	v18 =	vmul.f32 v18, v16;
	v20 =	vld.idx.msk [tilespmem:v20+s24+$0x0], $0xffff  }
0x14f: {  	v24 =	vunpack.i.u.bf16.f32 v24;
	[tilespmem:s14+$0xFFFFFFC0] =	vst v8;
	v23 =	vor.u32 $0xB, v4;
	v6 =	vmul.f32 v6, v16;
	v8 =	vld [tilespmem:s18+$0xC0]  }
0x150: {  	v27 =	vor.u32 $0x1, v1;
	v14 =	vmul.f32 v24, v14;
	v24 =	vunpack.i.l.bf16.f32 v25;
	v16 =	vld [tilespmem:s20+$0xFFFFFF00];
	[tilespmem:s10+$0xFFFFFEA0] =	vst v18  }
0x151: {  	v25 =	vunpack.i.u.bf16.f32 v25;
	v24 =	vmul.f32 v24, v22;
	v18 =	vld.idx.msk [tilespmem:v12+s24+$0x0], $0xffff;
	[tilespmem:s10+$0xFFFFFEB0] =	vst v6  }
0x152: {  	s4 =	simm.s32 $0x11200;
	[tilespmem:s14+$0xFFFFFFD0] =	vst v14;
	v6 =	vmul.f32 v25, v22;
	v22 =	vunpack.i.l.bf16.f32 v26;
	v25 =	vor.u32 $0x7, v10;
	v14 =	vld [tilespmem:s9+$0xFFFFFF60]  }
0x153: {  	[tilespmem:s4+$0x0] =	vst v24;
	v24 =	vunpack.i.u.bf16.f32 v26;
	v22 =	vmul.f32 v22, v21;
	v19 =	vld.idx.msk [tilespmem:v19+s24+$0x0], $0xffff  }
0x154: {  	[tilespmem:s4+$0x10] =	vst v6;
	v6 =	vmul.f32 v24, v21;
	v21 =	vld.idx.msk [tilespmem:v23+s24+$0x0], $0xffff;
	v24 =	vor.u32 $0xD, v5;
	v23 =	vunpack.i.l.bf16.f32 v8  }
0x155: {  	v26 =	vld.idx.msk [tilespmem:v27+s24+$0x0], $0xffff;
	[tilespmem:s10+$0xC0] =	vst v22;
	v8 =	vunpack.i.u.bf16.f32 v8;
	v22 =	vmul.f32 v23, v20  }
0x156: {  	v27 =	vld [tilespmem:s20+$0x10];
	v23 =	vunpack.i.l.bf16.f32 v16;
	[tilespmem:s10+$0xD0] =	vst v6;
	v6 =	vmul.f32 v8, v20  }
0x157: {  	v8 =	vor.u32 $0x1, v12;
	v16 =	vunpack.i.u.bf16.f32 v16;
	v20 =	vmul.f32 v23, v18;
	v23 =	vld.idx.msk [tilespmem:v25+s24+$0x0], $0xffff;
	[tilespmem:s19+$0x180] =	vst v22  }
0x158: {  	v16 =	vmul.f32 v16, v18;
	v18 =	vunpack.i.l.bf16.f32 v14;
	v22 =	vld [tilespmem:s9+$0x70];
	[tilespmem:s19+$0x190] =	vst v6  }
0x159: {  	v6 =	vor.u32 $0x7, v7;
	v14 =	vunpack.i.u.bf16.f32 v14;
	[tilespmem:s4+$0xFFFFFE00] =	vst v20;
	v18 =	vmul.f32 v18, v19;
	v20 =	vld.idx.msk [tilespmem:v24+s24+$0x0], $0xffff  }
0x15a: {  	v24 =	vunpack.i.l.bf16.f32 v17;
	v14 =	vmul.f32 v14, v19;
	[tilespmem:s4+$0xFFFFFE10] =	vst v16;
	v16 =	vld [tilespmem:s18+$0xD0]  }
0x15b: {  	v28 =	vor.u32 $0x2, v1;
	v19 =	vmul.f32 v24, v21;
	v24 =	vld [tilespmem:s20+$0xFFFFFF10];
	v25 =	vunpack.i.l.bf16.f32 v27;
	[tilespmem:s10+$0xFFFFFEC0] =	vst v18  }
0x15c: {  	v8 =	vld.idx.msk [tilespmem:v8+s24+$0x0], $0xffff;
	v18 =	vunpack.i.u.bf16.f32 v27;
	v25 =	vmul.f32 v25, v26;
	[tilespmem:s10+$0xFFFFFED0] =	vst v14  }
0x15d: {  	v17 =	vunpack.i.u.bf16.f32 v17;
	v14 =	vmul.f32 v18, v26;
	v18 =	vld [tilespmem:s9+$0xFFFFFF70];
	[tilespmem:s19+$0xFFFFFF60] =	vst v19  }
0x15e: {  	v17 =	vmul.f32 v17, v21;
	v26 =	vunpack.i.l.bf16.f32 v22;
	[tilespmem:s4+$0x20] =	vst v25;
	v6 =	vld.idx.msk [tilespmem:v6+s24+$0x0], $0xffff  }
0x15f: {  	v27 =	vor.u32 $0x8, v10;
	v19 =	vunpack.i.u.bf16.f32 v22;
	v22 =	vmul.f32 v26, v23;
	[tilespmem:s4+$0x30] =	vst v14;
	v14 =	vld [tilespmem:s1+$0xFFFFFFF0]  }
0x160: {  	[tilespmem:s19+$0xFFFFFF70] =	vst v17;
	v19 =	vmul.f32 v19, v23;
	v23 =	vunpack.i.l.bf16.f32 v16;
	v26 =	vld.idx.msk [tilespmem:v28+s24+$0x0], $0xffff  }
0x161: {  	v25 =	vor.u32 $0xE, v5;
	v16 =	vunpack.i.u.bf16.f32 v16;
	s1 =	simm.s32 $0xCB00;
	v28 =	vld [tilespmem:s20+$0x20];
	[tilespmem:s10+$0xE0] =	vst v22;
	v22 =	vmul.f32 v23, v20  }
0x162: {  	v16 =	vmul.f32 v16, v20;
	v29 =	vld [tilespmem:s1+$0xFFFFFF00];
	v23 =	vunpack.i.l.bf16.f32 v24;
	[tilespmem:s10+$0xF0] =	vst v19;
	v20 =	vunpack.i.u.bf16.f32 v24  }
0x163: {  	v19 =	vor.u32 $0x2, v12;
	v23 =	vmul.f32 v23, v8;
	v8 =	vmul.f32 v20, v8;
	[tilespmem:s19+$0x1A0] =	vst v22;
	v22 =	vld [tilespmem:s9+$0x80]  }
0x164: {  	v24 =	vld.idx.msk [tilespmem:v27+s24+$0x0], $0xffff;
	v20 =	vunpack.i.l.bf16.f32 v18;
	[tilespmem:s19+$0x1B0] =	vst v16  }
0x165: {  	v16 =	vor.u32 $0x8, v7;
	v18 =	vunpack.i.u.bf16.f32 v18;
	v20 =	vmul.f32 v20, v6;
	[tilespmem:s4+$0xFFFFFE30] =	vst v8;
	v8 =	vld [tilespmem:s18+$0xE0]  }
0x166: {  	v6 =	vmul.f32 v18, v6;
	[tilespmem:s4+$0xFFFFFE20] =	vst v23;
	v23 =	vld.idx.msk [tilespmem:v25+s24+$0x0], $0xffff;
	v25 =	vor.u32 $0x3, v1;
	v21 =	vunpack.i.l.bf16.f32 v28  }
0x167: {  	v18 =	vld [tilespmem:s20+$0xFFFFFF20];
	[tilespmem:s10+$0xFFFFFEE0] =	vst v20;
	v20 =	vunpack.i.u.bf16.f32 v28;
	v21 =	vmul.f32 v21, v26  }
0x168: {  	[tilespmem:s10+$0xFFFFFEF0] =	vst v6;
	v19 =	vld.idx.msk [tilespmem:v19+s24+$0x0], $0xffff;
	v6 =	vmul.f32 v20, v26;
	v26 =	vunpack.i.l.bf16.f32 v22  }
0x169: {  	v20 =	vld [tilespmem:s9+$0xFFFFFF80];
	[tilespmem:s4+$0x40] =	vst v21;
	v17 =	vunpack.i.u.bf16.f32 v22;
	v21 =	vmul.f32 v26, v24  }
0x16a: {  	v27 =	vor.u32 $0x9, v10;
	v16 =	vld.idx.msk [tilespmem:v16+s24+$0x0], $0xffff;
	[tilespmem:s4+$0x50] =	vst v6;
	v6 =	vmul.f32 v17, v24;
	v22 =	vunpack.i.l.bf16.f32 v8  }
0x16b: {  	v5 =	vor.u32 $0xF, v5;
	v24 =	vld.idx.msk [tilespmem:v25+s24+$0x0], $0xffff;
	v8 =	vunpack.i.u.bf16.f32 v8;
	[tilespmem:s10+$0x100] =	vst v21;
	v21 =	vmul.f32 v22, v23  }
0x16c: {  	v25 =	vld [tilespmem:s20+$0x30];
	v22 =	vunpack.i.l.bf16.f32 v18;
	[tilespmem:s10+$0x110] =	vst v6;
	v6 =	vmul.f32 v8, v23  }
0x16d: {  	v17 =	vld [tilespmem:s18+$0xFFFFFFC0];
	v18 =	vunpack.i.u.bf16.f32 v18;
	v22 =	vmul.f32 v22, v19;
	[tilespmem:s19+$0x1C0] =	vst v21  }
0x16e: {  	v8 =	vor.u32 $0x3, v12;
	v18 =	vmul.f32 v18, v19;
	v19 =	vunpack.i.l.bf16.f32 v20;
	v21 =	vld [tilespmem:s9+$0x90];
	[tilespmem:s19+$0x1D0] =	vst v6  }
0x16f: {  	v23 =	vld.idx.msk [tilespmem:v27+s24+$0x0], $0xffff;
	v6 =	vunpack.i.u.bf16.f32 v20;
	v19 =	vmul.f32 v19, v16;
	[tilespmem:s4+$0xFFFFFE40] =	vst v22  }
0x170: {  	v26 =	vor.u32 $0x9, v7;
	v5 =	vld.idx.msk [tilespmem:v5+s24+$0x0], $0xffff;
	v22 =	vunpack.i.u.bf16.f32 v11;
	v16 =	vmul.f32 v6, v16;
	[tilespmem:s4+$0xFFFFFE50] =	vst v18  }
0x171: {  	v28 =	vor.u32 $0x4, v1;
	v6 =	vld [tilespmem:s18+$0xF0];
	v27 =	vunpack.i.l.bf16.f32 v25;
	v18 =	vmul.f32 v22, v9;
	[tilespmem:s10+$0xFFFFFF00] =	vst v19  }
0x172: {  	v22 =	vld [tilespmem:s20+$0xFFFFFF30];
	v19 =	vunpack.i.u.bf16.f32 v25;
	v25 =	vmul.f32 v27, v24;
	[tilespmem:s10+$0xFFFFFF10] =	vst v16  }
0x173: {  	v8 =	vld.idx.msk [tilespmem:v8+s24+$0x0], $0xffff;
	v16 =	vmul.f32 v19, v24;
	v24 =	vor.u32 $0xA, v10;
	[tilespmem:s17+$0x1F0] =	vst v18;
	v19 =	vunpack.i.l.bf16.f32 v21  }
0x174: {  	v18 =	vld [tilespmem:s9+$0xFFFFFF90];
	[tilespmem:s4+$0x60] =	vst v25;
	v21 =	vunpack.i.u.bf16.f32 v21;
	v19 =	vmul.f32 v19, v23  }
0x175: {  	v20 =	vor.u32 $0xC, v4;
	v25 =	vld.idx.msk [tilespmem:v26+s24+$0x0], $0xffff;
	v26 =	vunpack.i.l.bf16.f32 v13;
	[tilespmem:s4+$0x70] =	vst v16;
	v16 =	vmul.f32 v21, v23  }
0x176: {  	v11 =	vunpack.i.l.bf16.f32 v11;
	v23 =	vmul.f32 v26, v15;
	v26 =	vld.idx.msk [tilespmem:v28+s24+$0x0], $0xffff;
	[tilespmem:s10+$0x120] =	vst v19  }
0x177: {  	v9 =	vmul.f32 v11, v9;
	v13 =	vunpack.i.u.bf16.f32 v13;
	v21 =	vor.u32 $0xE, v3;
	v19 =	vld [tilespmem:s20+$0x40];
	[tilespmem:s10+$0x130] =	vst v16  }
0x178: {  	v13 =	vmul.f32 v13, v15;
	v15 =	vunpack.i.l.bf16.f32 v22;
	[tilespmem:s17+$0xFFFFFFA0] =	vst v23;
	v23 =	vld.idx.msk [tilespmem:v24+s24+$0x0], $0xffff  }
0x179: {  	[tilespmem:s17+$0x1E0] =	vst v9;
	v22 =	vunpack.i.u.bf16.f32 v22;
	v16 =	vor.u32 $0x4, v12;
	v15 =	vmul.f32 v15, v8;
	v24 =	vld [tilespmem:s9+$0xA0]  }
0x17a: {  	v20 =	vld.idx.msk [tilespmem:v20+s24+$0x0], $0xffff;
	[tilespmem:s17+$0xFFFFFFB0] =	vst v13;
	v8 =	vmul.f32 v22, v8;
	v22 =	vunpack.i.l.bf16.f32 v18  }
0x17b: {  	v2 =	vor.u32 $0xF, v2;
	v18 =	vunpack.i.u.bf16.f32 v18;
	[tilespmem:s4+$0xFFFFFE60] =	vst v15;
	v15 =	vmul.f32 v22, v25;
	v22 =	vld [tilespmem:s28+$0xFFFFFFE0]  }
0x17c: {  	v13 =	vor.u32 $0xA, v7;
	v18 =	vmul.f32 v18, v25;
	[tilespmem:s4+$0xFFFFFE70] =	vst v8;
	v8 =	vld.idx.msk [tilespmem:v21+s24+$0x0], $0xffff;
	v21 =	vunpack.i.l.bf16.f32 v19  }
0x17d: {  	v25 =	vor.u32 $0x5, v1;
	v11 =	vld [tilespmem:s20+$0xFFFFFF40];
	[tilespmem:s10+$0xFFFFFF20] =	vst v15;
	v15 =	vunpack.i.u.bf16.f32 v19;
	v19 =	vmul.f32 v21, v26  }
0x17e: {  	[tilespmem:s10+$0xFFFFFF30] =	vst v18;
	v16 =	vld.idx.msk [tilespmem:v16+s24+$0x0], $0xffff;
	v9 =	vmul.f32 v15, v26;
	v15 =	vunpack.i.l.bf16.f32 v24;
	v21 =	vor.u32 $0xB, v10  }
0x17f: {  	v18 =	vld [tilespmem:s9+$0xFFFFFFA0];
	v26 =	vunpack.i.l.bf16.f32 v17;
	[tilespmem:s4+$0x80] =	vst v19;
	v19 =	vunpack.i.u.bf16.f32 v24;
	v24 =	vmul.f32 v15, v23  }
0x180: {  	[tilespmem:s4+$0x90] =	vst v9;
	v15 =	vld.idx.msk [tilespmem:v2+s24+$0x0], $0xffff;
	v2 =	vunpack.i.u.bf16.f32 v17;
	v17 =	vmul.f32 v26, v20  }
0x181: {  	v13 =	vld.idx.msk [tilespmem:v13+s24+$0x0], $0xffff;
	v9 =	vmul.f32 v19, v23;
	[tilespmem:s10+$0x140] =	vst v24  }
0x182: {  	v27 =	vor.u32 $0xF, v3;
	v23 =	vld.idx.msk [tilespmem:v25+s24+$0x0], $0xffff;
	v2 =	vmul.f32 v2, v20;
	v20 =	vunpack.i.l.bf16.f32 v11;
	[tilespmem:s19+$0xFFFFFF80] =	vst v17  }
0x183: {  	v19 =	vor.u32 $0xD, v4;
	v11 =	vunpack.i.u.bf16.f32 v11;
	v24 =	vld [tilespmem:s20+$0x50];
	v17 =	vmul.f32 v20, v16;
	[tilespmem:s10+$0x150] =	vst v9  }
0x184: {  	v3 =	vunpack.i.l.bf16.f32 v22;
	v11 =	vmul.f32 v11, v16;
	v9 =	vor.u32 $0x5, v12;
	[tilespmem:s19+$0xFFFFFF90] =	vst v2;
	v20 =	vld.idx.msk [tilespmem:v21+s24+$0x0], $0xffff  }
0x185: {  	v3 =	vmul.f32 v3, v8;
	v2 =	vunpack.i.l.bf16.f32 v18;
	v21 =	vld [tilespmem:s9+$0xB0];
	[tilespmem:s4+$0xFFFFFE80] =	vst v17  }
0x186: {  	s22 =	simm.s32 $0xB0;
	v26 =	vunpack.i.u.bf16.f32 v6;
	v18 =	vunpack.i.u.bf16.f32 v18;
	v25 =	vmul.f32 v2, v13;
	v16 =	vld [tilespmem:s18+$0xFFFFFFD0];
	[tilespmem:s4+$0xFFFFFE90] =	vst v11  }
0x187: {  	[tilespmem:s17+$0xFFFFFFC0] =	vst v3;
	v13 =	vmul.f32 v18, v13;
	v2 =	vmov s22;
	v11 =	vmul.f32 v26, v5;
	v26 =	vld [tilespmem:s20+$0xFFFFFF50]  }
0x188: {  	v17 =	vld.idx.msk [tilespmem:v19+s24+$0x0], $0xffff;
	[tilespmem:s10+$0xFFFFFF40] =	vst v25;
	v18 =	vunpack.i.l.bf16.f32 v24  }
0x189: {  	v28 =	vor.u32 $0x6, v1;
	[tilespmem:s10+$0xFFFFFF50] =	vst v13;
	v19 =	vunpack.i.u.bf16.f32 v24;
	v9 =	vld.idx.msk [tilespmem:v9+s24+$0x0], $0xffff;
	v24 =	vmul.f32 v18, v23  }
0x18a: {  	[tilespmem:s19+$0x1F0] =	vst v11;
	v25 =	vld [tilespmem:s1+$0x0];
	v11 =	vmul.f32 v19, v23;
	v13 =	vunpack.i.l.bf16.f32 v21  }
0x18b: {  	s23 =	simm.s32 $0xA0;
	v18 =	vld [tilespmem:s9+$0xFFFFFFB0];
	v23 =	vor.u32 $0xC, v10;
	v19 =	vunpack.i.u.bf16.f32 v21;
	[tilespmem:s4+$0xA0] =	vst v24;
	v13 =	vmul.f32 v13, v20  }
0x18c: {  	v21 =	vld.idx.msk [tilespmem:v2+s24+$0x0], $0xffff;
	[tilespmem:s4+$0xB0] =	vst v11;
	v11 =	vmul.f32 v19, v20;
	v20 =	vunpack.i.u.bf16.f32 v22;
	v19 =	vmov s23  }
0x18d: {  	v6 =	vunpack.i.l.bf16.f32 v6;
	v8 =	vmul.f32 v20, v8;
	v24 =	vld [tilespmem:s20+$0x60];
	[tilespmem:s10+$0x160] =	vst v13;
	v13 =	vunpack.i.l.bf16.f32 v26  }
0x18e: {  	v3 =	vunpack.i.u.bf16.f32 v26;
	v22 =	vld.idx.msk [tilespmem:v28+s24+$0x0], $0xffff;
	[tilespmem:s10+$0x170] =	vst v11;
	v11 =	vor.u32 $0x6, v12;
	v13 =	vmul.f32 v13, v9  }
0x18f: {  	v5 =	vmul.f32 v6, v5;
	v26 =	vor.u32 $0xB, v7;
	[tilespmem:s17+$0xFFFFFFD0] =	vst v8;
	v8 =	vmul.f32 v3, v9;
	v9 =	vld [tilespmem:s9+$0xC0]  }
0x190: {  	v30 =	vor.u32 $0x1, v2;
	v28 =	vor.u32 $0xE, v4;
	v6 =	vunpack.i.l.bf16.f32 v25;
	v23 =	vld.idx.msk [tilespmem:v23+s24+$0x0], $0xffff;
	[tilespmem:s4+$0xFFFFFEA0] =	vst v13  }
0x191: {  	v3 =	vor.u32 $0xF, v4;
	v4 =	vunpack.i.u.bf16.f32 v25;
	v6 =	vmul.f32 v6, v21;
	v13 =	vld.idx.msk [tilespmem:v19+s24+$0x0], $0xffff;
	[tilespmem:s4+$0xFFFFFEB0] =	vst v8  }
0x192: {  	[tilespmem:s19+$0x1E0] =	vst v5;
	s23 =	simm.s32 $0x11600;
	v4 =	vmul.f32 v4, v21;
	v21 =	vor.u32 $0x7, v1;
	v5 =	vld [tilespmem:s20+$0xFFFFFF60];
	v8 =	vunpack.i.l.bf16.f32 v24  }
0x193: {  	v20 =	vor.u32 $0xC, v7;
	[tilespmem:s23+$0x0] =	vst v6;
	v6 =	vunpack.i.u.bf16.f32 v24;
	v11 =	vld.idx.msk [tilespmem:v11+s24+$0x0], $0xffff;
	v24 =	vmul.f32 v8, v22  }
0x194: {  	v25 =	vor.u32 $0xD, v10;
	[tilespmem:s23+$0x10] =	vst v4;
	v4 =	vmul.f32 v6, v22;
	v22 =	vld.idx.msk [tilespmem:v26+s24+$0x0], $0xffff;
	v6 =	vunpack.i.l.bf16.f32 v9  }
0x195: {  	v8 =	vor.u32 $0xD, v7;
	v26 =	vld.idx.msk [tilespmem:v30+s24+$0x0], $0xffff;
	v9 =	vunpack.i.u.bf16.f32 v9;
	[tilespmem:s4+$0xC0] =	vst v24;
	v24 =	vmul.f32 v6, v23  }
0x196: {  	v30 =	vunpack.i.l.bf16.f32 v29;
	v31 =	vld [tilespmem:s1+$0x10];
	v29 =	vunpack.i.u.bf16.f32 v29;
	[tilespmem:s4+$0xD0] =	vst v4;
	v9 =	vmul.f32 v9, v23  }
0x197: {  	v6 =	vor.u32 $0xE, v7;
	v23 =	vor.u32 $0x1, v19;
	v30 =	vmul.f32 v30, v13;
	v21 =	vld.idx.msk [tilespmem:v21+s24+$0x0], $0xffff;
	[tilespmem:s10+$0x180] =	vst v24  }
0x198: {  	v4 =	vor.u32 $0xF, v7;
	v7 =	vmul.f32 v29, v13;
	v13 =	vunpack.i.l.bf16.f32 v5;
	v24 =	vld [tilespmem:s20+$0x70];
	[tilespmem:s10+$0x190] =	vst v9  }
0x199: {  	v9 =	vor.u32 $0x7, v12;
	v5 =	vunpack.i.u.bf16.f32 v5;
	[tilespmem:s23+$0xFFFFFE00] =	vst v30;
	v13 =	vmul.f32 v13, v11;
	v25 =	vld.idx.msk [tilespmem:v25+s24+$0x0], $0xffff  }
0x19a: {  	v32 =	vor.u32 $0x8, v12;
	v29 =	vunpack.i.l.bf16.f32 v18;
	v5 =	vmul.f32 v5, v11;
	[tilespmem:s23+$0xFFFFFE10] =	vst v7;
	v7 =	vld [tilespmem:s9+$0xD0]  }
0x19b: {  	v34 =	vor.u32 $0x2, v2;
	v11 =	vmul.f32 v29, v22;
	v29 =	vunpack.i.l.bf16.f32 v31;
	v33 =	vld [tilespmem:s1+$0xFFFFFF10];
	[tilespmem:s4+$0xFFFFFEC0] =	vst v13  }
0x19c: {  	v35 =	vor.u32 $0x9, v12;
	v30 =	vmul.f32 v29, v26;
	v23 =	vld.idx.msk [tilespmem:v23+s24+$0x0], $0xffff;
	v13 =	vunpack.i.u.bf16.f32 v31;
	[tilespmem:s4+$0xFFFFFED0] =	vst v5  }
0x19d: {  	v31 =	vor.u32 $0x8, v1;
	[tilespmem:s10+$0xFFFFFF60] =	vst v11;
	v5 =	vmul.f32 v13, v26;
	v26 =	vld [tilespmem:s20+$0xFFFFFF70];
	v13 =	vunpack.i.l.bf16.f32 v24  }
0x19e: {  	v29 =	vor.u32 $0xA, v12;
	[tilespmem:s23+$0x20] =	vst v30;
	v36 =	vld.idx.msk [tilespmem:v9+s24+$0x0], $0xffff;
	v9 =	vunpack.i.u.bf16.f32 v24;
	v11 =	vmul.f32 v13, v21  }
0x19f: {  	v30 =	vld [tilespmem:s28+$0xFFFFFFF0];
	[tilespmem:s23+$0x30] =	vst v5;
	v5 =	vmul.f32 v9, v21;
	v9 =	vunpack.i.l.bf16.f32 v7;
	v21 =	vor.u32 $0xE, v10  }
0x1a0: {  	v13 =	vor.u32 $0xB, v12;
	v7 =	vunpack.i.u.bf16.f32 v7;
	v24 =	vld.idx.msk [tilespmem:v34+s24+$0x0], $0xffff;
	v9 =	vmul.f32 v9, v25;
	[tilespmem:s4+$0xE0] =	vst v11  }
0x1a1: {  	v48 =	vunpack.i.l.bf16.f32 v33;
	v37 =	vld [tilespmem:s1+$0x20];
	v11 =	vor.u32 $0xC, v12;
	[tilespmem:s4+$0xF0] =	vst v5;
	v5 =	vmul.f32 v7, v25  }
0x1a2: {  	v25 =	vor.u32 $0x2, v19;
	v7 =	vunpack.i.u.bf16.f32 v33;
	v49 =	vmul.f32 v48, v23;
	v31 =	vld.idx.msk [tilespmem:v31+s24+$0x0], $0xffff;
	[tilespmem:s10+$0x1A0] =	vst v9  }
0x1a3: {  	v9 =	vor.u32 $0xD, v12;
	v23 =	vmul.f32 v7, v23;
	v50 =	vunpack.i.l.bf16.f32 v26;
	v38 =	vld [tilespmem:s20+$0x80];
	[tilespmem:s10+$0x1B0] =	vst v5  }
0x1a4: {  	v7 =	vor.u32 $0xE, v12;
	v26 =	vunpack.i.u.bf16.f32 v26;
	[tilespmem:s23+$0xFFFFFE20] =	vst v49;
	v51 =	vmul.f32 v50, v36;
	v21 =	vld.idx.msk [tilespmem:v21+s24+$0x0], $0xffff  }
0x1a5: {  	v5 =	vor.u32 $0xF, v12;
	v12 =	vunpack.i.u.bf16.f32 v18;
	v18 =	vmul.f32 v26, v36;
	[tilespmem:s23+$0xFFFFFE30] =	vst v23;
	v23 =	vld [tilespmem:s9+$0xE0]  }
0x1a6: {  	v60 =	vor.u32 $0xA, v1;
	v12 =	vmul.f32 v12, v22;
	v22 =	vld [tilespmem:s1+$0xFFFFFF20];
	v26 =	vunpack.i.l.bf16.f32 v37;
	[tilespmem:s4+$0xFFFFFEE0] =	vst v51  }
0x1a7: {  	v52 =	vor.u32 $0x3, v2;
	[tilespmem:s4+$0xFFFFFEF0] =	vst v18;
	v54 =	vld.idx.msk [tilespmem:v25+s24+$0x0], $0xffff;
	v25 =	vunpack.i.u.bf16.f32 v37;
	v26 =	vmul.f32 v26, v24  }
0x1a8: {  	v53 =	vunpack.i.u.bf16.f32 v14;
	v55 =	vld [tilespmem:s20+$0xFFFFFF80];
	[tilespmem:s10+$0xFFFFFF70] =	vst v12;
	v18 =	vmul.f32 v25, v24;
	v24 =	vunpack.i.l.bf16.f32 v38  }
0x1a9: {  	v39 =	vunpack.i.l.bf16.f32 v14;
	v12 =	vld.idx.msk [tilespmem:v32+s24+$0x0], $0xffff;
	v14 =	vunpack.i.u.bf16.f32 v38;
	[tilespmem:s23+$0x40] =	vst v26;
	v24 =	vmul.f32 v24, v31  }
0x1aa: {  	v25 =	vor.u32 $0x9, v1;
	v62 =	vld.idx.msk [tilespmem:v20+s24+$0x0], $0xffff;
	v14 =	vmul.f32 v14, v31;
	[tilespmem:s23+$0x50] =	vst v18;
	v18 =	vunpack.i.l.bf16.f32 v23  }
0x1ab: {  	v10 =	vor.u32 $0xF, v10;
	v31 =	vld [tilespmem:s9+$0xFFFFFFC0];
	v23 =	vunpack.i.u.bf16.f32 v23;
	[tilespmem:s4+$0x100] =	vst v24;
	v18 =	vmul.f32 v18, v21  }
0x1ac: {  	v44 =	vor.u32 $0x4, v2;
	v34 =	vld.idx.msk [tilespmem:v52+s24+$0x0], $0xffff;
	v24 =	vunpack.i.l.bf16.f32 v22;
	[tilespmem:s4+$0x110] =	vst v14;
	v14 =	vmul.f32 v23, v21  }
0x1ad: {  	v56 =	vor.u32 $0x3, v19;
	v40 =	vld [tilespmem:s1+$0x30];
	v21 =	vunpack.i.u.bf16.f32 v22;
	v22 =	vmul.f32 v24, v54;
	[tilespmem:s10+$0x1C0] =	vst v18  }
0x1ae: {  	v57 =	vor.u32 $0x4, v19;
	v58 =	vld [tilespmem:s20+$0x90];
	v18 =	vmul.f32 v21, v54;
	v21 =	vunpack.i.l.bf16.f32 v55;
	[tilespmem:s10+$0x1D0] =	vst v14  }
0x1af: {  	v20 =	vunpack.i.u.bf16.f32 v16;
	v41 =	vld.idx.msk [tilespmem:v25+s24+$0x0], $0xffff;
	v14 =	vunpack.i.u.bf16.f32 v55;
	[tilespmem:s23+$0xFFFFFE40] =	vst v22;
	v21 =	vmul.f32 v21, v12  }
0x1b0: {  	v26 =	vor.u32 $0x5, v19;
	v37 =	vld.idx.msk [tilespmem:v10+s24+$0x0], $0xffff;
	v10 =	vunpack.i.l.bf16.f32 v16;
	v12 =	vmul.f32 v14, v12;
	[tilespmem:s23+$0xFFFFFE50] =	vst v18  }
0x1b1: {  	v23 =	vor.u32 $0x8, v19;
	v24 =	vor.u32 $0x7, v19;
	v42 =	vld [tilespmem:s9+$0xF0];
	v10 =	vmul.f32 v10, v17;
	[tilespmem:s4+$0xFFFFFF00] =	vst v21  }
0x1b2: {  	v25 =	vor.u32 $0x6, v19;
	v17 =	vmul.f32 v20, v17;
	v43 =	vld [tilespmem:s1+$0xFFFFFF30];
	v14 =	vunpack.i.l.bf16.f32 v40;
	[tilespmem:s4+$0xFFFFFF10] =	vst v12  }
0x1b3: {  	v22 =	vor.u32 $0x9, v19;
	v32 =	vld.idx.msk [tilespmem:v56+s24+$0x0], $0xffff;
	v18 =	vunpack.i.u.bf16.f32 v40;
	v14 =	vmul.f32 v14, v34;
	[tilespmem:s19+$0xFFFFFFA0] =	vst v10  }
0x1b4: {  	v16 =	vor.u32 $0xD, v19;
	v12 =	vmul.f32 v18, v34;
	v59 =	vld [tilespmem:s20+$0xFFFFFF90];
	v18 =	vunpack.i.l.bf16.f32 v58;
	[tilespmem:s19+$0xFFFFFFB0] =	vst v17  }
0x1b5: {  	v21 =	vor.u32 $0xA, v19;
	v35 =	vld.idx.msk [tilespmem:v35+s24+$0x0], $0xffff;
	v10 =	vunpack.i.u.bf16.f32 v58;
	v61 =	vmul.f32 v18, v41;
	[tilespmem:s23+$0x60] =	vst v14  }
0x1b6: {  	v18 =	vor.u32 $0xB, v19;
	v10 =	vmul.f32 v10, v41;
	v50 =	vld [tilespmem:s18+$0xFFFFFFE0];
	[tilespmem:s23+$0x70] =	vst v12;
	v12 =	vunpack.i.u.bf16.f32 v42  }
0x1b7: {  	v14 =	vor.u32 $0xC, v19;
	[tilespmem:s4+$0x120] =	vst v61;
	v63 =	vmul.f32 v12, v37;
	v45 =	vld [tilespmem:s1+$0x40];
	v20 =	vunpack.i.l.bf16.f32 v43  }
0x1b8: {  	v44 =	vld.idx.msk [tilespmem:v44+s24+$0x0], $0xffff;
	[tilespmem:s4+$0x130] =	vst v10;
	v12 =	vor.u32 $0xE, v19;
	v43 =	vunpack.i.u.bf16.f32 v43;
	v46 =	vmul.f32 v20, v32  }
0x1b9: {  	v10 =	vor.u32 $0xF, v19;
	v48 =	vld [tilespmem:s20+$0xA0];
	[tilespmem:s10+$0x1F0] =	vst v63;
	v32 =	vmul.f32 v43, v32;
	v19 =	vunpack.i.l.bf16.f32 v59  }
0x1ba: {  	v40 =	vld.idx.msk [tilespmem:v60+s24+$0x0], $0xffff;
	v20 =	vmul.f32 v39, v15;
	v17 =	vunpack.i.u.bf16.f32 v59;
	v49 =	vmul.f32 v19, v35;
	[tilespmem:s23+$0xFFFFFE60] =	vst v46  }
0x1bb: {  	v51 =	vld.idx.msk [tilespmem:v28+s24+$0x0], $0xffff;
	v19 =	vmul.f32 v53, v15;
	v15 =	vunpack.i.l.bf16.f32 v31;
	v17 =	vmul.f32 v17, v35;
	[tilespmem:s23+$0xFFFFFE70] =	vst v32  }
0x1bc: {  	v54 =	vor.u32 $0x5, v2;
	v28 =	vmul.f32 v15, v62;
	v52 =	vld [tilespmem:s1+$0xFFFFFF40];
	v53 =	vunpack.i.l.bf16.f32 v45;
	[tilespmem:s4+$0xFFFFFF20] =	vst v49  }
0x1bd: {  	v58 =	vor.u32 $0xB, v1;
	v46 =	vld.idx.msk [tilespmem:v57+s24+$0x0], $0xffff;
	v55 =	vunpack.i.u.bf16.f32 v45;
	[tilespmem:s4+$0xFFFFFF30] =	vst v17;
	v35 =	vmul.f32 v53, v44  }
0x1be: {  	v15 =	vunpack.i.u.bf16.f32 v30;
	v34 =	vmul.f32 v55, v44;
	v56 =	vld [tilespmem:s20+$0xFFFFFFA0];
	v57 =	vunpack.i.l.bf16.f32 v48;
	[tilespmem:s10+$0xFFFFFF80] =	vst v28  }
0x1bf: {  	v17 =	vunpack.i.l.bf16.f32 v30;
	v28 =	vld.idx.msk [tilespmem:v29+s24+$0x0], $0xffff;
	v29 =	vunpack.i.u.bf16.f32 v48;
	v30 =	vmul.f32 v57, v40;
	[tilespmem:s23+$0x80] =	vst v35  }
0x1c0: {  	v27 =	vld.idx.msk [tilespmem:v27+s24+$0x0], $0xffff;
	v59 =	vunpack.i.l.bf16.f32 v42;
	v31 =	vunpack.i.u.bf16.f32 v31;
	v60 =	vmul.f32 v29, v40;
	[tilespmem:s23+$0x90] =	vst v34  }
0x1c1: {  	v61 =	vunpack.i.l.bf16.f32 v50;
	v31 =	vmul.f32 v31, v62;
	v29 =	vmul.f32 v59, v37;
	v37 =	vld.idx.msk [tilespmem:v54+s24+$0x0], $0xffff;
	[tilespmem:s4+$0x140] =	vst v30  }
0x1c2: {  	v63 =	vmul.f32 v61, v51;
	v30 =	vunpack.i.u.bf16.f32 v50;
	v38 =	vld [tilespmem:s1+$0x50];
	[tilespmem:s4+$0x150] =	vst v60;
	v62 =	vunpack.i.l.bf16.f32 v52  }
0x1c3: {  	s2 =	simm.s32 $0xA;
	[tilespmem:s10+$0xFFFFFF90] =	vst v31;
	v33 =	vunpack.i.u.bf16.f32 v52;
	v30 =	vmul.f32 v30, v51;
	v32 =	vld.idx.msk [tilespmem:v58+s24+$0x0], $0xffff;
	v34 =	vmul.f32 v62, v46  }
0x1c4: {  	s3 =	simm.s32 $0xC0;
	s22 =	simm.s32 $0xCB00;
	s28 =	simm.s32 $0x11600;
	[tilespmem:s19+$0xFFFFFFC0] =	vst v63;
	v35 =	vld [tilespmem:s20+$0xB0];
	v39 =	vmul.f32 v33, v46;
	v31 =	vunpack.i.u.bf16.f32 v56;
	v33 =	vunpack.i.l.bf16.f32 v56  }
.LBB2_5:
0x1c5: {  	v41 =	vmov s3;
	s15 =	sadd.s32 $0x10, s3;
	[tilespmem:s23+$0xFFFFFE80] =	vst v34;
	v33 =	vmul.f32 v33, v28;
	v42 =	vmul.f32 v31, v28;
	v43 =	vld [tilespmem:s9+$0xFFFFFFD0]  }
0x1c6: {  	v40 =	vor.u32 $0x1, v41;
	v36 =	vor.u32 $0x2, v41;
	v34 =	vmov s15;
	[tilespmem:s23+$0xFFFFFE90] =	vst v39;
	v44 =	vld.idx.msk [tilespmem:v8+s24+$0x0], $0xffff;
	v8 =	vmovc v9;
	v9 =	vmovc v16  }
0x1c7: {  	v45 =	vor.u32 $0x6, v2;
	v31 =	vor.u32 $0x3, v41;
	v16 =	vld [tilespmem:s1+$0xFFFFFF50];
	v39 =	vunpack.i.l.bf16.f32 v38;
	[tilespmem:s4+$0xFFFFFF40] =	vst v33  }
0x1c8: {  	v28 =	vor.u32 $0x4, v41;
	v46 =	vld.idx.msk [tilespmem:v26+s24+$0x0], $0xffff;
	v26 =	vunpack.i.u.bf16.f32 v38;
	v33 =	vmul.f32 v39, v37;
	[tilespmem:s4+$0xFFFFFF50] =	vst v42  }
0x1c9: {  	s1 =	sadd.s32 $0x200, s1;
	v42 =	vor.u32 $0xC, v1;
	v37 =	vmul.f32 v26, v37;
	v38 =	vld [tilespmem:s20+$0xFFFFFFB0];
	v39 =	vunpack.i.l.bf16.f32 v35;
	[tilespmem:s19+$0xFFFFFFD0] =	vst v30  }
0x1ca: {  	v26 =	vor.u32 $0x5, v41;
	v30 =	vunpack.i.u.bf16.f32 v35;
	v47 =	vld [tilespmem:s1+$0x0];
	[tilespmem:s23+$0xA0] =	vst v33;
	v33 =	vmul.f32 v39, v32  }
0x1cb: {  	v48 =	vor.u32 $0x7, v41;
	v35 =	vor.u32 $0x6, v41;
	v32 =	vmul.f32 v30, v32;
	v49 =	vld.idx.msk [tilespmem:v34+s24+$0x0], $0xffff;
	[tilespmem:s23+$0xB0] =	vst v37  }
0x1cc: {  	v39 =	vor.u32 $0x8, v41;
	v37 =	vunpack.i.u.bf16.f32 v16;
	v16 =	vunpack.i.l.bf16.f32 v16;
	v45 =	vld.idx.msk [tilespmem:v45+s24+$0x0], $0xffff;
	[tilespmem:s4+$0x160] =	vst v33  }
0x1cd: {  	v50 =	vor.u32 $0xB, v41;
	v30 =	vor.u32 $0xA, v41;
	v33 =	vor.u32 $0x9, v41;
	v51 =	vld [tilespmem:s22+$0x60];
	[tilespmem:s4+$0x170] =	vst v32  }
0x1ce: {  	v32 =	vmul.f32 v16, v46;
	v37 =	vmul.f32 v37, v46;
	v46 =	vunpack.i.u.bf16.f32 v38;
	v42 =	vld.idx.msk [tilespmem:v42+s24+$0x0], $0xffff;
	[tilespmem:s10+$0x1E0] =	vst v29  }
0x1cf: {  	v16 =	vor.u32 $0xD, v41;
	v29 =	vor.u32 $0xC, v41;
	v52 =	vunpack.i.l.bf16.f32 v38;
	v53 =	vld [tilespmem:s20+$0xC0];
	[tilespmem:s14+$0xFFFFFFE0] =	vst v20  }
0x1d0: {  	v54 =	vor.u32 $0x1, v34;
	v38 =	vunpack.i.l.bf16.f32 v47;
	v20 =	vld [tilespmem:s1+$0xFFFFFF00];
	[tilespmem:s23+$0xFFFFFEA0] =	vst v32;
	v32 =	vunpack.i.u.bf16.f32 v43  }
0x1d1: {  	v47 =	vunpack.i.u.bf16.f32 v47;
	v38 =	vmul.f32 v38, v49;
	v55 =	vld.idx.msk [tilespmem:v41+s24+$0x0], $0xffff;
	[tilespmem:s23+$0xFFFFFEB0] =	vst v37;
	v37 =	vunpack.i.l.bf16.f32 v43  }
0x1d2: {  	v56 =	vor.u32 $0x7, v2;
	v43 =	vmul.f32 v47, v49;
	s23 =	sadd.s32 $0x400, s23;
	v47 =	vld [tilespmem:s22+$0xFFFFFF60];
	v49 =	vunpack.i.l.bf16.f32 v51;
	[tilespmem:s14+$0xFFFFFFF0] =	vst v19;
	s14 =	smov.u32 s17;
	s17 =	smov.u32 s19  }
0x1d3: {  	v51 =	vunpack.i.u.bf16.f32 v51;
	s19 =	smov.u32 s10;
	s10 =	smov.u32 s4;
	s4 =	smov.u32 s28;
	[tilespmem:s23+$0x0] =	vst v38;
	v19 =	vld.idx.msk [tilespmem:v25+s24+$0x0], $0xffff;
	v49 =	vmul.f32 v49, v45;
	v38 =	vmul.f32 v37, v44  }
0x1d4: {  	s28 =	smov.u32 s23;
	v37 =	vmul.f32 v51, v45;
	v45 =	vor.u32 $0xD, v1;
	v25 =	vmovc v35;
	[tilespmem:s23+$0x10] =	vst v43;
	v43 =	vld.idx.msk [tilespmem:v13+s24+$0x0], $0xffff;
	v57 =	vunpack.i.l.bf16.f32 v53  }
0x1d5: {  	v13 =	vmovc v18;
	v35 =	vunpack.i.u.bf16.f32 v20;
	v51 =	vld.idx.msk [tilespmem:v54+s24+$0x0], $0xffff;
	[tilespmem:s4+$0xC0] =	vst v49;
	v49 =	vunpack.i.u.bf16.f32 v53;
	v53 =	vmul.f32 v57, v42  }
0x1d6: {  	v18 =	vmovc v50;
	v20 =	vunpack.i.l.bf16.f32 v20;
	v54 =	vld [tilespmem:s1+$0x10];
	[tilespmem:s4+$0xD0] =	vst v37;
	v42 =	vmul.f32 v49, v42;
	v37 =	vmul.f32 v32, v44  }
0x1d7: {  	v20 =	vmul.f32 v20, v55;
	v44 =	vmul.f32 v35, v55;
	v49 =	vunpack.i.u.bf16.f32 v47;
	v50 =	vld.idx.msk [tilespmem:v56+s24+$0x0], $0xffff;
	[tilespmem:s10+$0x180] =	vst v53  }
0x1d8: {  	v35 =	vor.u32 $0xE, v41;
	v32 =	vor.u32 $0xF, v41;
	v41 =	vunpack.i.l.bf16.f32 v47;
	v47 =	vld [tilespmem:s22+$0x70];
	[tilespmem:s10+$0x190] =	vst v42  }
0x1d9: {  	[tilespmem:s23+$0xFFFFFE00] =	vst v20;
	v20 =	vmul.f32 v41, v19;
	v19 =	vmul.f32 v49, v19;
	v41 =	vld.idx.msk [tilespmem:v45+s24+$0x0], $0xffff  }
0x1da: {  	v42 =	vmul.f32 v52, v43;
	v43 =	vmul.f32 v46, v43;
	[tilespmem:s23+$0xFFFFFE10] =	vst v44;
	v44 =	vld [tilespmem:s20+$0xD0]  }
0x1db: {  	v49 =	vor.u32 $0x2, v34;
	v45 =	vld [tilespmem:s1+$0xFFFFFF10];
	v46 =	vunpack.i.l.bf16.f32 v54;
	[tilespmem:s4+$0xFFFFFEC0] =	vst v20;
	v20 =	vmul.f32 v17, v27  }
0x1dc: {  	v17 =	vld.idx.msk [tilespmem:v40+s24+$0x0], $0xffff;
	v40 =	vunpack.i.u.bf16.f32 v54;
	v46 =	vmul.f32 v46, v51;
	[tilespmem:s4+$0xFFFFFED0] =	vst v19;
	v19 =	vmul.f32 v15, v27  }
0x1dd: {  	v15 =	vmul.f32 v40, v51;
	v27 =	vld [tilespmem:s22+$0xFFFFFF70];
	v40 =	vunpack.i.l.bf16.f32 v47;
	v51 =	vor.u32 $0x8, v2;
	[tilespmem:s10+$0xFFFFFF60] =	vst v42  }
0x1de: {  	[tilespmem:s23+$0x20] =	vst v46;
	v42 =	vld.idx.msk [tilespmem:v24+s24+$0x0], $0xffff;
	v46 =	vunpack.i.u.bf16.f32 v47;
	v40 =	vmul.f32 v40, v50;
	v24 =	vmov v48  }
0x1df: {  	v47 =	vor.u32 $0xE, v1;
	[tilespmem:s23+$0x30] =	vst v15;
	v15 =	vmul.f32 v46, v50;
	v46 =	vunpack.i.l.bf16.f32 v44;
	v48 =	vld [tilespmem:s18+$0xFFFFFFF0];
	s18 =	smov.u32 s9;
	s9 =	smov.u32 s20;
	s20 =	smov.u32 s22  }
0x1e0: {  	s22 =	smov.u32 s1;
	v50 =	vunpack.i.u.bf16.f32 v45;
	v49 =	vld.idx.msk [tilespmem:v49+s24+$0x0], $0xffff;
	[tilespmem:s4+$0xE0] =	vst v40;
	v40 =	vunpack.i.u.bf16.f32 v44;
	v44 =	vmul.f32 v46, v41  }
0x1e1: {  	v45 =	vunpack.i.l.bf16.f32 v45;
	v46 =	vld [tilespmem:s1+$0x20];
	[tilespmem:s4+$0xF0] =	vst v15;
	v15 =	vmul.f32 v40, v41  }
0x1e2: {  	v40 =	vmul.f32 v45, v17;
	v17 =	vmul.f32 v50, v17;
	v41 =	vunpack.i.u.bf16.f32 v27;
	v45 =	vld.idx.msk [tilespmem:v51+s24+$0x0], $0xffff;
	[tilespmem:s10+$0x1A0] =	vst v44  }
0x1e3: {  	s2 =	sadd.s32 $0x2, s2;
	v27 =	vunpack.i.l.bf16.f32 v27;
	v44 =	vld [tilespmem:s20+$0x80];
	[tilespmem:s10+$0x1B0] =	vst v15  }
0x1e4: {  	p0 =	slt.u32 s2, $0x1E;
	v27 =	vmul.f32 v27, v42;
	[tilespmem:s23+$0xFFFFFE20] =	vst v40;
	v40 =	vmul.f32 v41, v42;
	v41 =	vld.idx.msk [tilespmem:v47+s24+$0x0], $0xffff;
	v15 =	vunpack.i.u.bf16.f32 v48  }
0x1e5: {  	[tilespmem:s23+$0xFFFFFE30] =	vst v17;
	v42 =	vld [tilespmem:s9+$0xE0];
	v17 =	vunpack.i.l.bf16.f32 v48  }
0x1e6: {  	v50 =	vor.u32 $0x3, v34;
	v47 =	vld [tilespmem:s1+$0xFFFFFF20];
	v48 =	vunpack.i.l.bf16.f32 v46;
	[tilespmem:s4+$0xFFFFFEE0] =	vst v27  }
0x1e7: {  	v27 =	vld.idx.msk [tilespmem:v36+s24+$0x0], $0xffff;
	v36 =	vunpack.i.u.bf16.f32 v46;
	v46 =	vmul.f32 v48, v49;
	[tilespmem:s4+$0xFFFFFEF0] =	vst v40  }
0x1e8: {  	v36 =	vmul.f32 v36, v49;
	v40 =	vld [tilespmem:s20+$0xFFFFFF80];
	v48 =	vunpack.i.l.bf16.f32 v44;
	v49 =	vor.u32 $0x9, v2;
	[tilespmem:s10+$0xFFFFFF70] =	vst v43  }
0x1e9: {  	v44 =	vunpack.i.u.bf16.f32 v44;
	[tilespmem:s23+$0x40] =	vst v46;
	v43 =	vld.idx.msk [tilespmem:v23+s24+$0x0], $0xffff;
	v46 =	vmul.f32 v48, v45;
	v23 =	vmov v39  }
0x1ea: {  	[tilespmem:s23+$0x50] =	vst v36;
	v36 =	vmul.f32 v44, v45;
	v39 =	vld [tilespmem:s9+$0xFFFFFFC0];
	v44 =	vunpack.i.l.bf16.f32 v42;
	v45 =	vor.u32 $0xF, v1;
	v1 =	vmovc v2;
	v2 =	vmovc v34  }
0x1eb: {  	v42 =	vunpack.i.u.bf16.f32 v42;
	v34 =	vunpack.i.u.bf16.f32 v47;
	v48 =	vld.idx.msk [tilespmem:v50+s24+$0x0], $0xffff;
	[tilespmem:s4+$0x100] =	vst v46;
	v44 =	vmul.f32 v44, v41  }
0x1ec: {  	v46 =	vunpack.i.l.bf16.f32 v47;
	v47 =	vld [tilespmem:s1+$0x30];
	[tilespmem:s4+$0x110] =	vst v36;
	v36 =	vmul.f32 v42, v41  }
0x1ed: {  	v41 =	vmul.f32 v46, v27;
	v27 =	vmul.f32 v34, v27;
	v34 =	vunpack.i.u.bf16.f32 v40;
	v42 =	vld.idx.msk [tilespmem:v49+s24+$0x0], $0xffff;
	[tilespmem:s10+$0x1C0] =	vst v44  }
0x1ee: {  	v40 =	vunpack.i.l.bf16.f32 v40;
	v44 =	vld [tilespmem:s20+$0x90];
	[tilespmem:s10+$0x1D0] =	vst v36  }
0x1ef: {  	v36 =	vmul.f32 v40, v43;
	v34 =	vmul.f32 v34, v43;
	[tilespmem:s23+$0xFFFFFE40] =	vst v41;
	v40 =	vunpack.i.u.bf16.f32 v39;
	v41 =	vld.idx.msk [tilespmem:v45+s24+$0x0], $0xffff  }
0x1f0: {  	[tilespmem:s23+$0xFFFFFE50] =	vst v27;
	v27 =	vunpack.i.l.bf16.f32 v39;
	v39 =	vld [tilespmem:s9+$0xF0]  }
0x1f1: {  	v46 =	vor.u32 $0x4, v2;
	v43 =	vld [tilespmem:s1+$0xFFFFFF30];
	v45 =	vunpack.i.l.bf16.f32 v47;
	[tilespmem:s4+$0xFFFFFF00] =	vst v36  }
0x1f2: {  	v36 =	vunpack.i.u.bf16.f32 v47;
	v31 =	vld.idx.msk [tilespmem:v31+s24+$0x0], $0xffff;
	v45 =	vmul.f32 v45, v48;
	[tilespmem:s4+$0xFFFFFF10] =	vst v34  }
0x1f3: {  	v34 =	vmul.f32 v36, v48;
	v48 =	vor.u32 $0xA, v1;
	v36 =	vld [tilespmem:s20+$0xFFFFFF90];
	v47 =	vunpack.i.l.bf16.f32 v44;
	[tilespmem:s19+$0xFFFFFFA0] =	vst v38  }
0x1f4: {  	v44 =	vunpack.i.u.bf16.f32 v44;
	[tilespmem:s23+$0x60] =	vst v45;
	v38 =	vld.idx.msk [tilespmem:v22+s24+$0x0], $0xffff;
	v45 =	vmul.f32 v47, v42;
	v22 =	vmov v33  }
0x1f5: {  	v33 =	vmul.f32 v44, v42;
	[tilespmem:s23+$0x70] =	vst v34;
	v34 =	vld.idx.msk [tilespmem:v11+s24+$0x0], $0xffff;
	v42 =	vunpack.i.u.bf16.f32 v39;
	v39 =	vunpack.i.l.bf16.f32 v39;
	v11 =	vmovc v14  }
0x1f6: {  	v14 =	vmovc v29;
	v44 =	vunpack.i.u.bf16.f32 v43;
	v43 =	vunpack.i.l.bf16.f32 v43;
	v46 =	vld.idx.msk [tilespmem:v46+s24+$0x0], $0xffff;
	[tilespmem:s4+$0x120] =	vst v45;
	v42 =	vmul.f32 v42, v41  }
0x1f7: {  	v29 =	vmul.f32 v39, v41;
	v45 =	vld [tilespmem:s1+$0x40];
	[tilespmem:s4+$0x130] =	vst v33  }
0x1f8: {  	v33 =	vmul.f32 v43, v31;
	v31 =	vmul.f32 v44, v31;
	v39 =	vunpack.i.u.bf16.f32 v36;
	v41 =	vld.idx.msk [tilespmem:v48+s24+$0x0], $0xffff;
	[tilespmem:s10+$0x1F0] =	vst v42  }
0x1f9: {  	v36 =	vunpack.i.l.bf16.f32 v36;
	v42 =	vld [tilespmem:s20+$0xA0];
	[tilespmem:s19+$0xFFFFFFB0] =	vst v37  }
0x1fa: {  	[tilespmem:s23+$0xFFFFFE60] =	vst v33;
	v33 =	vmul.f32 v36, v38;
	v36 =	vmul.f32 v39, v38;
	v37 =	vld [tilespmem:s18+$0xFFFFFFE0]  }
0x1fb: {  	v27 =	vmul.f32 v27, v34;
	v40 =	vmul.f32 v40, v34;
	[tilespmem:s23+$0xFFFFFE70] =	vst v31;
	v31 =	vld.idx.msk [tilespmem:v6+s24+$0x0], $0xffff;
	v6 =	vmov v7  }
0x1fc: {  	v39 =	vor.u32 $0x5, v2;
	v7 =	vmovc v12;
	v12 =	vmov v35;
	v34 =	vld [tilespmem:s1+$0xFFFFFF40];
	v38 =	vunpack.i.l.bf16.f32 v45;
	[tilespmem:s4+$0xFFFFFF20] =	vst v33  }
0x1fd: {  	v33 =	vld.idx.msk [tilespmem:v28+s24+$0x0], $0xffff;
	v28 =	vunpack.i.u.bf16.f32 v45;
	v35 =	vmul.f32 v38, v46;
	[tilespmem:s4+$0xFFFFFF30] =	vst v36  }
0x1fe: {  	v44 =	vor.u32 $0xB, v1;
	v36 =	vmul.f32 v28, v46;
	v43 =	vld [tilespmem:s20+$0xFFFFFFA0];
	v38 =	vunpack.i.l.bf16.f32 v42;
	[tilespmem:s10+$0xFFFFFF80] =	vst v27  }
0x1ff: {  	v27 =	vunpack.i.u.bf16.f32 v42;
	[tilespmem:s23+$0x80] =	vst v35;
	v28 =	vld.idx.msk [tilespmem:v21+s24+$0x0], $0xffff;
	v35 =	vmul.f32 v38, v41;
	v42 =	vunpack.i.u.bf16.f32 v37;
	v21 =	vmovc v30  }
.Ltmp3:
0x200: {  	v30 =	vmul.f32 v27, v41;
	[tilespmem:s23+$0x90] =	vst v36;
	v36 =	vunpack.i.l.bf16.f32 v37;
	v27 =	vld.idx.msk [tilespmem:v3+s24+$0x0], $0xffff;
	v3 =	vmovc v4;
	v4 =	vmov v5;
	(pc) =	sbr.rel @p0 .LBB2_5-.Ltmp3, $4  }
0x201: {  	v5 =	vmovc v10;
	v41 =	vunpack.i.u.bf16.f32 v34;
	v34 =	vunpack.i.l.bf16.f32 v34;
	v37 =	vld.idx.msk [tilespmem:v39+s24+$0x0], $0xffff;
	[tilespmem:s4+$0x140] =	vst v35;
	v36 =	vmul.f32 v36, v31  }
0x202: {  	v10 =	vmov v32;
	v38 =	vld [tilespmem:s1+$0x50];
	[tilespmem:s4+$0x150] =	vst v30;
	v30 =	vmul.f32 v42, v31  }
0x203: {  	v34 =	vmul.f32 v34, v33;
	v39 =	vmul.f32 v41, v33;
	v31 =	vunpack.i.u.bf16.f32 v43;
	v32 =	vld.idx.msk [tilespmem:v44+s24+$0x0], $0xffff;
	[tilespmem:s10+$0xFFFFFF90] =	vst v40  }
0x204: {  	s3 =	sadd.s32 $0x20, s3;
	v33 =	vunpack.i.l.bf16.f32 v43;
	v35 =	vld [tilespmem:s20+$0xB0];
	[tilespmem:s19+$0xFFFFFFC0] =	vst v36  }
0x205: {  	_ =	sdelay $0x1  }
0x206: {  	v36 =	vunpack.i.l.bf16.f32 v38  }
0x207: {  	[tilespmem:s23+$0xFFFFFE80] =	vst v34;
	v57 =	vor.u32 $0x6, v2;
	v58 =	vunpack.i.u.bf16.f32 v38;
	v36 =	vmul.f32 v36, v37  }
0x208: {  	[tilespmem:s23+$0xFFFFFE90] =	vst v39;
	v59 =	vmul.f32 v58, v37  }
0x209: {  	v60 =	vld [tilespmem:s1+$0xFFFFFF50];
	[tilespmem:s23+$0xA0] =	vst v36  }
0x20a: {  	v26 =	vld.idx.msk [tilespmem:v26+s24+$0x0], $0xffff;
	[tilespmem:s23+$0xB0] =	vst v59  }
0x20b: {  	v36 =	vld [tilespmem:s22+$0x60]  }
0x20c: {  	v34 =	vld.idx.msk [tilespmem:v57+s24+$0x0], $0xffff;
	_ =	sdelay $0x1  }
0x20d: {  	v61 =	vunpack.i.l.bf16.f32 v60  }
0x20e: {  	v38 =	vunpack.i.u.bf16.f32 v60;
	v37 =	vmul.f32 v61, v26  }
0x20f: {  	v26 =	vmul.f32 v38, v26;
	v62 =	vunpack.i.l.bf16.f32 v36  }
0x210: {  	v63 =	vor.u32 $0x7, v2;
	[tilespmem:s23+$0xFFFFFEA0] =	vst v37;
	v36 =	vunpack.i.u.bf16.f32 v36;
	v38 =	vmul.f32 v62, v34  }
0x211: {  	[tilespmem:s23+$0xFFFFFEB0] =	vst v26;
	v26 =	vmul.f32 v36, v34  }
0x212: {  	v40 =	vld [tilespmem:s22+$0xFFFFFF60];
	[tilespmem:s28+$0xC0] =	vst v38  }
0x213: {  	v25 =	vld.idx.msk [tilespmem:v25+s24+$0x0], $0xffff;
	[tilespmem:s28+$0xD0] =	vst v26  }
0x214: {  	v26 =	vld [tilespmem:s22+$0x70]  }
0x215: {  	v41 =	vld.idx.msk [tilespmem:v63+s24+$0x0], $0xffff;
	_ =	sdelay $0x1  }
0x216: {  	v42 =	vunpack.i.l.bf16.f32 v40  }
0x217: {  	v34 =	vunpack.i.u.bf16.f32 v40;
	v37 =	vmul.f32 v42, v25  }
0x218: {  	v25 =	vmul.f32 v34, v25;
	v43 =	vunpack.i.l.bf16.f32 v26  }
0x219: {  	v44 =	vor.u32 $0x8, v2;
	[tilespmem:s28+$0xFFFFFEC0] =	vst v37;
	v26 =	vunpack.i.u.bf16.f32 v26;
	v34 =	vmul.f32 v43, v41  }
0x21a: {  	[tilespmem:s28+$0xFFFFFED0] =	vst v25;
	v25 =	vmul.f32 v26, v41  }
0x21b: {  	v26 =	vld [tilespmem:s22+$0xFFFFFF70];
	[tilespmem:s28+$0xE0] =	vst v34  }
0x21c: {  	v24 =	vld.idx.msk [tilespmem:v24+s24+$0x0], $0xffff;
	[tilespmem:s28+$0xF0] =	vst v25  }
0x21d: {  	v25 =	vld [tilespmem:s22+$0x80]  }
0x21e: {  	v34 =	vld.idx.msk [tilespmem:v44+s24+$0x0], $0xffff;
	_ =	sdelay $0x1  }
0x21f: {  	v45 =	vunpack.i.l.bf16.f32 v26  }
0x220: {  	v26 =	vunpack.i.u.bf16.f32 v26;
	v36 =	vmul.f32 v45, v24  }
0x221: {  	v24 =	vmul.f32 v26, v24;
	v26 =	vunpack.i.l.bf16.f32 v25  }
0x222: {  	v46 =	vor.u32 $0x9, v2;
	[tilespmem:s28+$0xFFFFFEE0] =	vst v36;
	v25 =	vunpack.i.u.bf16.f32 v25;
	v26 =	vmul.f32 v26, v34  }
0x223: {  	[tilespmem:s28+$0xFFFFFEF0] =	vst v24;
	v24 =	vmul.f32 v25, v34  }
0x224: {  	v25 =	vld [tilespmem:s22+$0xFFFFFF80];
	[tilespmem:s28+$0x100] =	vst v26  }
0x225: {  	v23 =	vld.idx.msk [tilespmem:v23+s24+$0x0], $0xffff;
	[tilespmem:s28+$0x110] =	vst v24  }
0x226: {  	v24 =	vld [tilespmem:s22+$0x90]  }
0x227: {  	v26 =	vld.idx.msk [tilespmem:v46+s24+$0x0], $0xffff;
	_ =	sdelay $0x1  }
0x228: {  	v47 =	vunpack.i.l.bf16.f32 v25  }
0x229: {  	v25 =	vunpack.i.u.bf16.f32 v25;
	v34 =	vmul.f32 v47, v23  }
0x22a: {  	v23 =	vmul.f32 v25, v23;
	v25 =	vunpack.i.l.bf16.f32 v24  }
0x22b: {  	v48 =	vor.u32 $0xA, v2;
	[tilespmem:s28+$0xFFFFFF00] =	vst v34;
	v24 =	vunpack.i.u.bf16.f32 v24;
	v25 =	vmul.f32 v25, v26  }
0x22c: {  	v49 =	vunpack.i.l.bf16.f32 v35;
	[tilespmem:s28+$0xFFFFFF10] =	vst v23;
	v23 =	vmul.f32 v24, v26  }
0x22d: {  	v50 =	vmul.f32 v49, v32;
	v24 =	vor.u32 $0xC, v1;
	v26 =	vunpack.i.u.bf16.f32 v35;
	v51 =	vld [tilespmem:s22+$0xFFFFFF90];
	[tilespmem:s28+$0x120] =	vst v25  }
0x22e: {  	v22 =	vld.idx.msk [tilespmem:v22+s24+$0x0], $0xffff;
	v25 =	vmul.f32 v26, v32;
	[tilespmem:s28+$0x130] =	vst v23  }
0x22f: {  	[tilespmem:s4+$0x160] =	vst v50;
	v23 =	vld [tilespmem:s22+$0xA0]  }
0x230: {  	[tilespmem:s4+$0x170] =	vst v25;
	v25 =	vld.idx.msk [tilespmem:v48+s24+$0x0], $0xffff  }
0x231: {  	v26 =	vld [tilespmem:s20+$0xC0]  }
0x232: {  	v24 =	vld.idx.msk [tilespmem:v24+s24+$0x0], $0xffff;
	v52 =	vunpack.i.l.bf16.f32 v51  }
0x233: {  	v53 =	vunpack.i.u.bf16.f32 v51;
	v32 =	vmul.f32 v52, v22  }
0x234: {  	v22 =	vmul.f32 v53, v22;
	v54 =	vunpack.i.l.bf16.f32 v23  }
0x235: {  	v55 =	vor.u32 $0xB, v2;
	[tilespmem:s28+$0xFFFFFF20] =	vst v32;
	v23 =	vunpack.i.u.bf16.f32 v23;
	v34 =	vmul.f32 v54, v25  }
0x236: {  	[tilespmem:s28+$0xFFFFFF30] =	vst v22;
	v22 =	vmul.f32 v23, v25;
	v56 =	vunpack.i.l.bf16.f32 v26  }
0x237: {  	v23 =	vor.u32 $0xD, v1;
	v57 =	vld [tilespmem:s22+$0xFFFFFFA0];
	v25 =	vunpack.i.u.bf16.f32 v26;
	v26 =	vmul.f32 v56, v24;
	[tilespmem:s28+$0x140] =	vst v34  }
0x238: {  	v21 =	vld.idx.msk [tilespmem:v21+s24+$0x0], $0xffff;
	v24 =	vmul.f32 v25, v24;
	[tilespmem:s28+$0x150] =	vst v22  }
0x239: {  	v22 =	vld [tilespmem:s22+$0xB0];
	[tilespmem:s4+$0x180] =	vst v26  }
0x23a: {  	[tilespmem:s4+$0x190] =	vst v24;
	v24 =	vld.idx.msk [tilespmem:v55+s24+$0x0], $0xffff  }
0x23b: {  	v25 =	vmul.f32 v33, v28;
	v26 =	vld [tilespmem:s20+$0xD0]  }
0x23c: {  	v28 =	vmul.f32 v31, v28;
	v23 =	vld.idx.msk [tilespmem:v23+s24+$0x0], $0xffff;
	v31 =	vunpack.i.l.bf16.f32 v57  }
0x23d: {  	[tilespmem:s4+$0xFFFFFF40] =	vst v25;
	v25 =	vunpack.i.u.bf16.f32 v57;
	v31 =	vmul.f32 v31, v21  }
0x23e: {  	[tilespmem:s4+$0xFFFFFF50] =	vst v28;
	v21 =	vmul.f32 v25, v21;
	v25 =	vunpack.i.l.bf16.f32 v22  }
0x23f: {  	v28 =	vld [tilespmem:s20+$0xFFFFFFB0];
	[tilespmem:s28+$0xFFFFFF40] =	vst v31;
	v31 =	vor.u32 $0xC, v2;
	v22 =	vunpack.i.u.bf16.f32 v22;
	v25 =	vmul.f32 v25, v24  }
0x240: {  	v13 =	vld.idx.msk [tilespmem:v13+s24+$0x0], $0xffff;
	[tilespmem:s28+$0xFFFFFF50] =	vst v21;
	v21 =	vmul.f32 v22, v24;
	v58 =	vunpack.i.l.bf16.f32 v26  }
0x241: {  	v22 =	vor.u32 $0xE, v1;
	v59 =	vld [tilespmem:s22+$0xFFFFFFB0];
	v24 =	vunpack.i.u.bf16.f32 v26;
	v26 =	vmul.f32 v58, v23;
	[tilespmem:s28+$0x160] =	vst v25  }
0x242: {  	v18 =	vld.idx.msk [tilespmem:v18+s24+$0x0], $0xffff;
	v23 =	vmul.f32 v24, v23;
	[tilespmem:s28+$0x170] =	vst v21  }
0x243: {  	v21 =	vld [tilespmem:s22+$0xC0];
	[tilespmem:s4+$0x1A0] =	vst v26  }
0x244: {  	v24 =	vunpack.i.l.bf16.f32 v28;
	[tilespmem:s4+$0x1B0] =	vst v23;
	v23 =	vld.idx.msk [tilespmem:v31+s24+$0x0], $0xffff  }
0x245: {  	[tilespmem:s19+$0xFFFFFFD0] =	vst v30;
	v25 =	vunpack.i.u.bf16.f32 v28;
	v24 =	vmul.f32 v24, v13;
	v26 =	vld [tilespmem:s20+$0xE0]  }
0x246: {  	[tilespmem:s10+$0x1E0] =	vst v29;
	v13 =	vmul.f32 v25, v13;
	v22 =	vld.idx.msk [tilespmem:v22+s24+$0x0], $0xffff;
	v25 =	vunpack.i.l.bf16.f32 v59  }
0x247: {  	v28 =	vld [tilespmem:s9+$0xFFFFFFD0];
	[tilespmem:s4+$0xFFFFFF60] =	vst v24;
	v24 =	vunpack.i.u.bf16.f32 v59;
	v25 =	vmul.f32 v25, v18  }
0x248: {  	v8 =	vld.idx.msk [tilespmem:v8+s24+$0x0], $0xffff;
	[tilespmem:s4+$0xFFFFFF70] =	vst v13;
	v18 =	vmul.f32 v24, v18;
	v13 =	vunpack.i.l.bf16.f32 v21  }
0x249: {  	v29 =	vor.u32 $0xD, v2;
	v24 =	vld [tilespmem:s20+$0xFFFFFFC0];
	v21 =	vunpack.i.u.bf16.f32 v21;
	[tilespmem:s28+$0xFFFFFF60] =	vst v25;
	v13 =	vmul.f32 v13, v23  }
0x24a: {  	v1 =	vor.u32 $0xF, v1;
	v11 =	vld.idx.msk [tilespmem:v11+s24+$0x0], $0xffff;
	[tilespmem:s28+$0xFFFFFF70] =	vst v18;
	v21 =	vmul.f32 v21, v23;
	v25 =	vunpack.i.l.bf16.f32 v26  }
0x24b: {  	v18 =	vunpack.i.u.bf16.f32 v26;
	v23 =	vmul.f32 v25, v22;
	[tilespmem:s28+$0x180] =	vst v13;
	v13 =	vld [tilespmem:s22+$0xFFFFFFC0]  }
0x24c: {  	v14 =	vld.idx.msk [tilespmem:v14+s24+$0x0], $0xffff;
	v25 =	vunpack.i.l.bf16.f32 v28;
	v18 =	vmul.f32 v18, v22;
	[tilespmem:s28+$0x190] =	vst v21  }
0x24d: {  	v21 =	vunpack.i.u.bf16.f32 v28;
	v22 =	vmul.f32 v25, v8;
	[tilespmem:s4+$0x1C0] =	vst v23;
	v23 =	vld [tilespmem:s22+$0xD0]  }
0x24e: {  	v8 =	vmul.f32 v21, v8;
	v21 =	vld.idx.msk [tilespmem:v29+s24+$0x0], $0xffff;
	[tilespmem:s4+$0x1D0] =	vst v18;
	v18 =	vunpack.i.l.bf16.f32 v24  }
0x24f: {  	v24 =	vunpack.i.u.bf16.f32 v24;
	v1 =	vld.idx.msk [tilespmem:v1+s24+$0x0], $0xffff;
	[tilespmem:s10+$0xFFFFFFA0] =	vst v22;
	v18 =	vmul.f32 v18, v11  }
0x250: {  	v22 =	vld [tilespmem:s20+$0xF0];
	[tilespmem:s10+$0xFFFFFFB0] =	vst v8;
	v8 =	vmul.f32 v24, v11;
	v11 =	vunpack.i.l.bf16.f32 v13  }
0x251: {  	v24 =	vld [tilespmem:s9+$0xFFFFFFE0];
	[tilespmem:s4+$0xFFFFFF80] =	vst v18;
	v13 =	vunpack.i.u.bf16.f32 v13;
	v11 =	vmul.f32 v11, v14  }
0x252: {  	v6 =	vld.idx.msk [tilespmem:v6+s24+$0x0], $0xffff;
	[tilespmem:s4+$0xFFFFFF90] =	vst v8;
	v13 =	vmul.f32 v13, v14;
	v8 =	vunpack.i.l.bf16.f32 v23  }
0x253: {  	v18 =	vor.u32 $0xE, v2;
	v14 =	vld [tilespmem:s20+$0xFFFFFFD0];
	v23 =	vunpack.i.u.bf16.f32 v23;
	v8 =	vmul.f32 v8, v21;
	[tilespmem:s28+$0xFFFFFF80] =	vst v11  }
0x254: {  	v9 =	vld.idx.msk [tilespmem:v9+s24+$0x0], $0xffff;
	v11 =	vmul.f32 v23, v21;
	[tilespmem:s28+$0xFFFFFF90] =	vst v13  }
0x255: {  	[tilespmem:s28+$0x1A0] =	vst v8;
	v8 =	vld [tilespmem:s22+$0xFFFFFFD0]  }
0x256: {  	v13 =	vunpack.i.u.bf16.f32 v22;
	[tilespmem:s28+$0x1B0] =	vst v11;
	v11 =	vld.idx.msk [tilespmem:v16+s24+$0x0], $0xffff  }
0x257: {  	[tilespmem:s14+$0xFFFFFFE0] =	vst v20;
	v13 =	vmul.f32 v13, v1;
	v16 =	vunpack.i.l.bf16.f32 v24;
	v20 =	vld [tilespmem:s22+$0xE0]  }
0x258: {  	[tilespmem:s14+$0xFFFFFFF0] =	vst v19;
	v16 =	vmul.f32 v16, v6;
	v19 =	vunpack.i.l.bf16.f32 v14;
	v18 =	vld.idx.msk [tilespmem:v18+s24+$0x0], $0xffff  }
0x259: {  	[tilespmem:s4+$0x1F0] =	vst v13;
	v13 =	vunpack.i.u.bf16.f32 v14;
	v14 =	vmul.f32 v19, v9  }
0x25a: {  	v9 =	vmul.f32 v13, v9;
	[tilespmem:s10+$0xFFFFFFC0] =	vst v16;
	v13 =	vunpack.i.l.bf16.f32 v8  }
0x25b: {  	[tilespmem:s4+$0xFFFFFFA0] =	vst v14;
	v8 =	vunpack.i.u.bf16.f32 v8;
	v13 =	vmul.f32 v13, v11  }
0x25c: {  	[tilespmem:s4+$0xFFFFFFB0] =	vst v9;
	v14 =	vunpack.i.l.bf16.f32 v20;
	v8 =	vmul.f32 v8, v11  }
0x25d: {  	v2 =	vor.u32 $0xF, v2;
	v9 =	vunpack.i.u.bf16.f32 v20;
	v11 =	vmul.f32 v14, v18;
	v14 =	vld [tilespmem:s20+$0xFFFFFFE0];
	[tilespmem:s28+$0xFFFFFFA0] =	vst v13  }
0x25e: {  	v7 =	vld.idx.msk [tilespmem:v7+s24+$0x0], $0xffff;
	v9 =	vmul.f32 v9, v18;
	v13 =	vunpack.i.u.bf16.f32 v24;
	[tilespmem:s28+$0xFFFFFFB0] =	vst v8  }
0x25f: {  	v8 =	vunpack.i.l.bf16.f32 v22;
	v6 =	vmul.f32 v13, v6;
	[tilespmem:s28+$0x1C0] =	vst v11;
	v11 =	vld [tilespmem:s22+$0xFFFFFFE0]  }
0x260: {  	v1 =	vmul.f32 v8, v1;
	[tilespmem:s28+$0x1D0] =	vst v9;
	v8 =	vld.idx.msk [tilespmem:v12+s24+$0x0], $0xffff  }
0x261: {  	v9 =	vmul.f32 v17, v27;
	[tilespmem:s10+$0xFFFFFFD0] =	vst v6;
	v6 =	vld [tilespmem:s22+$0xF0]  }
0x262: {  	v12 =	vmul.f32 v15, v27;
	[tilespmem:s4+$0x1E0] =	vst v1;
	v1 =	vld.idx.msk [tilespmem:v2+s24+$0x0], $0xffff;
	v2 =	vunpack.i.l.bf16.f32 v14  }
0x263: {  	v13 =	vld [tilespmem:s18+$0xFFFFFFF0];
	[tilespmem:s17+$0xFFFFFFE0] =	vst v9;
	v9 =	vunpack.i.u.bf16.f32 v14;
	v2 =	vmul.f32 v2, v7  }
0x264: {  	v3 =	vld.idx.msk [tilespmem:v3+s24+$0x0], $0xffff;
	[tilespmem:s17+$0xFFFFFFF0] =	vst v12;
	v7 =	vmul.f32 v9, v7;
	v9 =	vunpack.i.l.bf16.f32 v11  }
0x265: {  	v12 =	vld [tilespmem:s9+$0xFFFFFFF0];
	[tilespmem:s4+$0xFFFFFFC0] =	vst v2;
	v2 =	vunpack.i.u.bf16.f32 v11;
	v9 =	vmul.f32 v9, v8  }
0x266: {  	v4 =	vld.idx.msk [tilespmem:v4+s24+$0x0], $0xffff;
	[tilespmem:s4+$0xFFFFFFD0] =	vst v7;
	v11 =	vunpack.i.u.bf16.f32 v6;
	v2 =	vmul.f32 v2, v8  }
0x267: {  	v6 =	vunpack.i.l.bf16.f32 v6;
	v8 =	vld [tilespmem:s20+$0xFFFFFFF0];
	v7 =	vmul.f32 v11, v1;
	[tilespmem:s28+$0xFFFFFFC0] =	vst v9  }
0x268: {  	v5 =	vld.idx.msk [tilespmem:v5+s24+$0x0], $0xffff;
	v9 =	vunpack.i.l.bf16.f32 v13;
	v1 =	vmul.f32 v6, v1;
	[tilespmem:s28+$0xFFFFFFD0] =	vst v2  }
0x269: {  	v2 =	vunpack.i.u.bf16.f32 v13;
	v6 =	vmul.f32 v9, v3;
	[tilespmem:s28+$0x1F0] =	vst v7;
	v7 =	vld [tilespmem:s22+$0xFFFFFFF0]  }
0x26a: {  	v2 =	vmul.f32 v2, v3;
	v3 =	vunpack.i.l.bf16.f32 v12;
	[tilespmem:s28+$0x1E0] =	vst v1;
	v1 =	vld.idx.msk [tilespmem:v10+s24+$0x0], $0xffff  }
0x26b: {  	v9 =	vunpack.i.u.bf16.f32 v12;
	[tilespmem:s19+$0xFFFFFFE0] =	vst v6;
	v3 =	vmul.f32 v3, v4  }
0x26c: {  	[tilespmem:s19+$0xFFFFFFF0] =	vst v2;
	v2 =	vmul.f32 v9, v4;
	v4 =	vunpack.i.l.bf16.f32 v8  }
0x26d: {  	v6 =	vunpack.i.u.bf16.f32 v8;
	[tilespmem:s10+$0xFFFFFFE0] =	vst v3;
	v3 =	vmul.f32 v4, v5  }
0x26e: {  	[tilespmem:s10+$0xFFFFFFF0] =	vst v2;
	v2 =	vmul.f32 v6, v5;
	v4 =	vunpack.i.l.bf16.f32 v7  }
0x26f: {  	v5 =	vunpack.i.u.bf16.f32 v7;
	[tilespmem:s4+$0xFFFFFFE0] =	vst v3;
	v3 =	vmul.f32 v4, v1  }
0x270: {  	[tilespmem:s4+$0xFFFFFFF0] =	vst v2;
	v1 =	vmul.f32 v5, v1  }
0x271: {  	[tilespmem:s28+$0xFFFFFFE0] =	vst v3  }
0x272: {  	s19 =	simm.s32 $0x14400;
	[tilespmem:s28+$0xFFFFFFF0] =	vst v1  }
0x273: {  	[spmem:s29] =	stream.indirect.scatter.add.f32 [tilespmem:s21], [sflag:$0x2], $0x20, s19, s26, $0xb8;
	[tilespmem:$0x14C00] =	vst v63  }
0x274: {  	_ =	swait.ge [sflag:s25], $0x200  }
0x275: {  	[sflag:s25] =	ssyncset.done $0x0  }
0x276: {  	[sflag:s25] =	ssyncadd.s32 $0xFFFFFE00  }
0x277: {  	_ =	swait.ge [sflag:s25], $0x200  }
0x278: {  	[sflag:s25] =	ssyncset.done $0x0  }
0x279: {  	[sflag:s25] =	ssyncadd.s32 $0xFFFFFE00  }
0x27a: {  	_ =	swait.ge [sflag:s25], $0x200  }
0x27b: {  	[sflag:s25] =	ssyncset.done $0x0  }
0x27c: {  	s2 =	simm.s32 $0xE000;
	s20 =	simm.s32 $0x14200;
	[sflag:s25] =	ssyncadd.s32 $0xFFFFFE00  }
0x27d: {  	[tilespmem:s2], [sflag:$0x1] =	stream.indirect.gather [spmem:s16], $0x10, s20, s26, $0xb8;
	[tilespmem:$0x14C00] =	vst v63  }
0x27e: {  	_ =	swait.ge [sflag:s8], $0x4000  }
0x27f: {  	p0 =	seq.s32 s12, $0xA3;
	s1 =	rddreg [dreg:$0xe]  }
0x280: {  	s1 =	sadd.s32 @!p0 s13, s1  }
0x281: {  	s3 =	simm.s32 @!p0 $0x0;
	[sflag:s8] =	ssyncset.done $0x0;
	s1 =	sshrl.u32 @!p0 s1, $0x3  }
0x282: {  	s4 =	simm.s32 @!p0 $0x14000;
	[sflag:s8] =	ssyncadd.s32 $0xFFFFC000;
	s2 =	sadd.s32 @!p0 s5, s1  }
0x283: {  	[tilespmem:s4], [sflag:$0x3] =	stream.linear.gather @!p0 [hbm4b:s2+s3], $0x200, $0x38;
	[tilespmem:$0x14C00] =	vst v63  }
0x284: {  	s2 =	sadd.s32 @!p0 s6, s1;
	s4 =	simm.s32 @!p0 $0x14400  }
0x285: {  	[tilespmem:s4], [sflag:$0x3] =	stream.linear.gather @!p0 [hbm4b:s2+s3], $0x200, $0x38;
	[tilespmem:$0x14C00] =	vst v63  }
0x286: {  	s22 =	simm.s32 $0x10;
	s1 =	sadd.s32 @!p0 s7, s1;
	s2 =	simm.s32 @!p0 $0x14800  }
0x287: {  	v6 =	vmov s22;
	[tilespmem:s2], [sflag:$0x3] =	stream.linear.gather @!p0 [hbm4b:s1+s3], $0x200, $0x38;
	[tilespmem:$0x14C00] =	vst v63  }
0x288: {  	_ =	swait.ge [sflag:s0], $0x2000  }
0x289: {  	[sflag:s0] =	ssyncset.done $0x0  }
0x28a: {  	s28 =	simm.s32 $0xE100;
	[sflag:s0] =	ssyncadd.s32 $0xFFFFE000  }
0x28b: {  	v1 =	vld [tilespmem:s28+$0x0]  }
0x28c: {  	s23 =	simm.s32 $0x0;
	v3 =	vld.idx.msk [tilespmem:v6+s31+$0x0], $0xffff  }
0x28d: {  	v2 =	vmov s23;
	_ =	sdelay $0x2  }
0x28e: {  	v5 =	vunpack.i.l.bf16.f32 v1  }
0x28f: {  	v7 =	vor.u32 $0x1, v6;
	v4 =	vld [tilespmem:s28+$0xFFFFFF00];
	v1 =	vunpack.i.u.bf16.f32 v1;
	v5 =	vmul.f32 v5, v3  }
0x290: {  	s13 =	simm.s32 $0x10200;
	v8 =	vld.idx.msk [tilespmem:v2+s31+$0x0], $0xffff;
	v1 =	vmul.f32 v1, v3  }
0x291: {  	[tilespmem:s13+$0x0] =	vst v5  }
0x292: {  	[tilespmem:s13+$0x10] =	vst v1  }
0x293: {  	v3 =	vld [tilespmem:s28+$0x10]  }
0x294: {  	v1 =	vunpack.i.l.bf16.f32 v4;
	v7 =	vld.idx.msk [tilespmem:v7+s31+$0x0], $0xffff  }
0x295: {  	v5 =	vor.u32 $0x1, v2;
	v4 =	vunpack.i.u.bf16.f32 v4;
	v1 =	vmul.f32 v1, v8  }
0x296: {  	v4 =	vmul.f32 v4, v8  }
0x297: {  	[tilespmem:s13+$0xFFFFFE00] =	vst v1  }
0x298: {  	[tilespmem:s13+$0xFFFFFE10] =	vst v4;
	v4 =	vunpack.i.l.bf16.f32 v3  }
0x299: {  	v8 =	vor.u32 $0x2, v6;
	v1 =	vld [tilespmem:s28+$0xFFFFFF10];
	v3 =	vunpack.i.u.bf16.f32 v3;
	v4 =	vmul.f32 v4, v7  }
0x29a: {  	v5 =	vld.idx.msk [tilespmem:v5+s31+$0x0], $0xffff;
	v3 =	vmul.f32 v3, v7  }
0x29b: {  	[tilespmem:s13+$0x20] =	vst v4  }
0x29c: {  	[tilespmem:s13+$0x30] =	vst v3  }
0x29d: {  	v4 =	vld [tilespmem:s28+$0x20]  }
0x29e: {  	v3 =	vunpack.i.l.bf16.f32 v1;
	v8 =	vld.idx.msk [tilespmem:v8+s31+$0x0], $0xffff  }
0x29f: {  	v7 =	vor.u32 $0x2, v2;
	v1 =	vunpack.i.u.bf16.f32 v1;
	v3 =	vmul.f32 v3, v5  }
0x2a0: {  	v1 =	vmul.f32 v1, v5  }
0x2a1: {  	[tilespmem:s13+$0xFFFFFE20] =	vst v3  }
0x2a2: {  	[tilespmem:s13+$0xFFFFFE30] =	vst v1;
	v3 =	vunpack.i.l.bf16.f32 v4  }
0x2a3: {  	v5 =	vor.u32 $0x3, v6;
	v1 =	vld [tilespmem:s28+$0xFFFFFF20];
	v4 =	vunpack.i.u.bf16.f32 v4;
	v3 =	vmul.f32 v3, v8  }
0x2a4: {  	v7 =	vld.idx.msk [tilespmem:v7+s31+$0x0], $0xffff;
	v4 =	vmul.f32 v4, v8  }
0x2a5: {  	[tilespmem:s13+$0x40] =	vst v3  }
0x2a6: {  	[tilespmem:s13+$0x50] =	vst v4  }
0x2a7: {  	v4 =	vld [tilespmem:s28+$0x30]  }
0x2a8: {  	v3 =	vunpack.i.l.bf16.f32 v1;
	v5 =	vld.idx.msk [tilespmem:v5+s31+$0x0], $0xffff  }
0x2a9: {  	v8 =	vor.u32 $0x3, v2;
	v1 =	vunpack.i.u.bf16.f32 v1;
	v3 =	vmul.f32 v3, v7  }
0x2aa: {  	v1 =	vmul.f32 v1, v7  }
0x2ab: {  	[tilespmem:s13+$0xFFFFFE40] =	vst v3  }
0x2ac: {  	[tilespmem:s13+$0xFFFFFE50] =	vst v1;
	v3 =	vunpack.i.l.bf16.f32 v4  }
0x2ad: {  	v7 =	vor.u32 $0x4, v6;
	v1 =	vld [tilespmem:s28+$0xFFFFFF30];
	v4 =	vunpack.i.u.bf16.f32 v4;
	v3 =	vmul.f32 v3, v5  }
0x2ae: {  	v8 =	vld.idx.msk [tilespmem:v8+s31+$0x0], $0xffff;
	v4 =	vmul.f32 v4, v5  }
0x2af: {  	[tilespmem:s13+$0x60] =	vst v3  }
0x2b0: {  	[tilespmem:s13+$0x70] =	vst v4  }
0x2b1: {  	v4 =	vld [tilespmem:s28+$0x40]  }
0x2b2: {  	v3 =	vunpack.i.l.bf16.f32 v1;
	v7 =	vld.idx.msk [tilespmem:v7+s31+$0x0], $0xffff  }
0x2b3: {  	v5 =	vor.u32 $0x4, v2;
	v1 =	vunpack.i.u.bf16.f32 v1;
	v3 =	vmul.f32 v3, v8  }
0x2b4: {  	v1 =	vmul.f32 v1, v8  }
0x2b5: {  	[tilespmem:s13+$0xFFFFFE60] =	vst v3  }
0x2b6: {  	[tilespmem:s13+$0xFFFFFE70] =	vst v1;
	v3 =	vunpack.i.l.bf16.f32 v4  }
0x2b7: {  	v8 =	vor.u32 $0x5, v6;
	v1 =	vld [tilespmem:s28+$0xFFFFFF40];
	v4 =	vunpack.i.u.bf16.f32 v4;
	v3 =	vmul.f32 v3, v7  }
0x2b8: {  	v5 =	vld.idx.msk [tilespmem:v5+s31+$0x0], $0xffff;
	v4 =	vmul.f32 v4, v7  }
0x2b9: {  	[tilespmem:s13+$0x80] =	vst v3  }
0x2ba: {  	[tilespmem:s13+$0x90] =	vst v4  }
0x2bb: {  	v4 =	vld [tilespmem:s28+$0x50]  }
0x2bc: {  	v3 =	vunpack.i.l.bf16.f32 v1;
	v8 =	vld.idx.msk [tilespmem:v8+s31+$0x0], $0xffff  }
0x2bd: {  	v7 =	vor.u32 $0x5, v2;
	v1 =	vunpack.i.u.bf16.f32 v1;
	v3 =	vmul.f32 v3, v5  }
0x2be: {  	s2 =	simm.s32 $0x30;
	v5 =	vmul.f32 v1, v5  }
0x2bf: {  	v1 =	vmov s2;
	[tilespmem:s13+$0xFFFFFE80] =	vst v3  }
0x2c0: {  	[tilespmem:s13+$0xFFFFFE90] =	vst v5;
	v3 =	vunpack.i.l.bf16.f32 v4  }
0x2c1: {  	v9 =	vor.u32 $0x6, v6;
	v5 =	vld [tilespmem:s28+$0xFFFFFF50];
	v4 =	vunpack.i.u.bf16.f32 v4;
	v3 =	vmul.f32 v3, v8  }
0x2c2: {  	s20 =	simm.s32 $0xE300;
	v7 =	vld.idx.msk [tilespmem:v7+s31+$0x0], $0xffff;
	v4 =	vmul.f32 v4, v8  }
0x2c3: {  	v8 =	vld [tilespmem:s20+$0x0];
	[tilespmem:s13+$0xA0] =	vst v3  }
0x2c4: {  	s3 =	simm.s32 $0x20;
	v10 =	vld.idx.msk [tilespmem:v1+s31+$0x0], $0xffff;
	[tilespmem:s13+$0xB0] =	vst v4  }
0x2c5: {  	v3 =	vmov s3;
	v11 =	vld [tilespmem:s28+$0x60]  }
0x2c6: {  	v4 =	vunpack.i.l.bf16.f32 v5;
	v9 =	vld.idx.msk [tilespmem:v9+s31+$0x0], $0xffff  }
0x2c7: {  	v12 =	vor.u32 $0x6, v2;
	v5 =	vunpack.i.u.bf16.f32 v5;
	v4 =	vmul.f32 v4, v7  }
0x2c8: {  	v5 =	vmul.f32 v5, v7;
	v13 =	vunpack.i.l.bf16.f32 v8  }
0x2c9: {  	v7 =	vld [tilespmem:s20+$0xFFFFFF00];
	[tilespmem:s13+$0xFFFFFEA0] =	vst v4;
	v4 =	vor.u32 $0x1, v1;
	v8 =	vunpack.i.u.bf16.f32 v8;
	v13 =	vmul.f32 v13, v10  }
0x2ca: {  	s14 =	simm.s32 $0x10600;
	[tilespmem:s13+$0xFFFFFEB0] =	vst v5;
	v5 =	vmul.f32 v8, v10;
	v14 =	vld.idx.msk [tilespmem:v3+s31+$0x0], $0xffff;
	v10 =	vunpack.i.l.bf16.f32 v11  }
0x2cb: {  	v15 =	vor.u32 $0x7, v6;
	v8 =	vld [tilespmem:s28+$0xFFFFFF60];
	[tilespmem:s14+$0x0] =	vst v13;
	v11 =	vunpack.i.u.bf16.f32 v11;
	v10 =	vmul.f32 v10, v9  }
0x2cc: {  	v12 =	vld.idx.msk [tilespmem:v12+s31+$0x0], $0xffff;
	[tilespmem:s14+$0x10] =	vst v5;
	v5 =	vmul.f32 v11, v9  }
0x2cd: {  	[tilespmem:s13+$0xC0] =	vst v10;
	v10 =	vld [tilespmem:s20+$0x10]  }
0x2ce: {  	v9 =	vunpack.i.l.bf16.f32 v7;
	v4 =	vld.idx.msk [tilespmem:v4+s31+$0x0], $0xffff;
	[tilespmem:s13+$0xD0] =	vst v5  }
0x2cf: {  	v11 =	vor.u32 $0x1, v3;
	v7 =	vunpack.i.u.bf16.f32 v7;
	v5 =	vmul.f32 v9, v14;
	v13 =	vld [tilespmem:s28+$0x70]  }
0x2d0: {  	v7 =	vmul.f32 v7, v14;
	v9 =	vunpack.i.l.bf16.f32 v8;
	v15 =	vld.idx.msk [tilespmem:v15+s31+$0x0], $0xffff  }
0x2d1: {  	v14 =	vor.u32 $0x7, v2;
	v8 =	vunpack.i.u.bf16.f32 v8;
	[tilespmem:s14+$0xFFFFFE00] =	vst v5;
	v5 =	vmul.f32 v9, v12  }
0x2d2: {  	v8 =	vmul.f32 v8, v12;
	[tilespmem:s14+$0xFFFFFE10] =	vst v7;
	v9 =	vunpack.i.l.bf16.f32 v10  }
0x2d3: {  	v7 =	vld [tilespmem:s20+$0xFFFFFF10];
	[tilespmem:s13+$0xFFFFFEC0] =	vst v5;
	v5 =	vor.u32 $0x2, v1;
	v10 =	vunpack.i.u.bf16.f32 v10;
	v9 =	vmul.f32 v9, v4  }
0x2d4: {  	v11 =	vld.idx.msk [tilespmem:v11+s31+$0x0], $0xffff;
	[tilespmem:s13+$0xFFFFFED0] =	vst v8;
	v4 =	vmul.f32 v10, v4;
	v10 =	vunpack.i.l.bf16.f32 v13  }
0x2d5: {  	v12 =	vor.u32 $0x8, v6;
	v8 =	vld [tilespmem:s28+$0xFFFFFF70];
	v13 =	vunpack.i.u.bf16.f32 v13;
	v10 =	vmul.f32 v10, v15;
	[tilespmem:s14+$0x20] =	vst v9  }
0x2d6: {  	v9 =	vld.idx.msk [tilespmem:v14+s31+$0x0], $0xffff;
	[tilespmem:s14+$0x30] =	vst v4;
	v4 =	vmul.f32 v13, v15  }
0x2d7: {  	[tilespmem:s13+$0xE0] =	vst v10;
	v13 =	vld [tilespmem:s20+$0x20]  }
0x2d8: {  	v10 =	vunpack.i.l.bf16.f32 v7;
	v7 =	vunpack.i.u.bf16.f32 v7;
	v5 =	vld.idx.msk [tilespmem:v5+s31+$0x0], $0xffff;
	[tilespmem:s13+$0xF0] =	vst v4  }
0x2d9: {  	v14 =	vor.u32 $0x2, v3;
	v4 =	vmul.f32 v10, v11;
	v7 =	vmul.f32 v7, v11;
	v11 =	vld [tilespmem:s28+$0x80]  }
0x2da: {  	v10 =	vunpack.i.l.bf16.f32 v8;
	v12 =	vld.idx.msk [tilespmem:v12+s31+$0x0], $0xffff  }
0x2db: {  	v15 =	vor.u32 $0x8, v2;
	v8 =	vunpack.i.u.bf16.f32 v8;
	[tilespmem:s14+$0xFFFFFE20] =	vst v4;
	v4 =	vmul.f32 v10, v9  }
0x2dc: {  	[tilespmem:s14+$0xFFFFFE30] =	vst v7;
	v8 =	vmul.f32 v8, v9;
	v9 =	vunpack.i.l.bf16.f32 v13  }
0x2dd: {  	v7 =	vld [tilespmem:s20+$0xFFFFFF20];
	v13 =	vunpack.i.u.bf16.f32 v13;
	[tilespmem:s13+$0xFFFFFEE0] =	vst v4;
	v4 =	vor.u32 $0x3, v1;
	v9 =	vmul.f32 v9, v5  }
0x2de: {  	v10 =	vld.idx.msk [tilespmem:v14+s31+$0x0], $0xffff;
	[tilespmem:s13+$0xFFFFFEF0] =	vst v8;
	v5 =	vmul.f32 v13, v5;
	v13 =	vunpack.i.l.bf16.f32 v11  }
0x2df: {  	v14 =	vor.u32 $0x9, v6;
	v8 =	vld [tilespmem:s28+$0xFFFFFF80];
	v11 =	vunpack.i.u.bf16.f32 v11;
	[tilespmem:s14+$0x40] =	vst v9;
	v13 =	vmul.f32 v13, v12  }
0x2e0: {  	v9 =	vld.idx.msk [tilespmem:v15+s31+$0x0], $0xffff;
	[tilespmem:s14+$0x50] =	vst v5;
	v5 =	vmul.f32 v11, v12  }
0x2e1: {  	v12 =	vld [tilespmem:s20+$0x30];
	[tilespmem:s13+$0x100] =	vst v13  }
0x2e2: {  	v11 =	vunpack.i.l.bf16.f32 v7;
	[tilespmem:s13+$0x110] =	vst v5;
	v4 =	vld.idx.msk [tilespmem:v4+s31+$0x0], $0xffff  }
0x2e3: {  	v7 =	vunpack.i.u.bf16.f32 v7;
	v13 =	vor.u32 $0x3, v3;
	v5 =	vmul.f32 v11, v10;
	v11 =	vld [tilespmem:s28+$0x90]  }
0x2e4: {  	v7 =	vmul.f32 v7, v10;
	v14 =	vld.idx.msk [tilespmem:v14+s31+$0x0], $0xffff;
	v10 =	vunpack.i.l.bf16.f32 v8  }
0x2e5: {  	v15 =	vor.u32 $0x9, v2;
	v8 =	vunpack.i.u.bf16.f32 v8;
	[tilespmem:s14+$0xFFFFFE40] =	vst v5;
	v5 =	vmul.f32 v10, v9  }
0x2e6: {  	[tilespmem:s14+$0xFFFFFE50] =	vst v7;
	v8 =	vmul.f32 v8, v9;
	v9 =	vunpack.i.l.bf16.f32 v12  }
0x2e7: {  	v7 =	vld [tilespmem:s20+$0xFFFFFF30];
	v12 =	vunpack.i.u.bf16.f32 v12;
	[tilespmem:s13+$0xFFFFFF00] =	vst v5;
	v5 =	vor.u32 $0x4, v1;
	v9 =	vmul.f32 v9, v4  }
0x2e8: {  	v10 =	vld.idx.msk [tilespmem:v13+s31+$0x0], $0xffff;
	[tilespmem:s13+$0xFFFFFF10] =	vst v8;
	v4 =	vmul.f32 v12, v4;
	v12 =	vunpack.i.l.bf16.f32 v11  }
0x2e9: {  	v13 =	vor.u32 $0xA, v6;
	v8 =	vld [tilespmem:s28+$0xFFFFFF90];
	v11 =	vunpack.i.u.bf16.f32 v11;
	v12 =	vmul.f32 v12, v14;
	[tilespmem:s14+$0x60] =	vst v9  }
0x2ea: {  	v9 =	vld.idx.msk [tilespmem:v15+s31+$0x0], $0xffff;
	[tilespmem:s14+$0x70] =	vst v4;
	v4 =	vmul.f32 v11, v14  }
0x2eb: {  	[tilespmem:s13+$0x120] =	vst v12;
	v12 =	vld [tilespmem:s20+$0x40]  }
0x2ec: {  	v11 =	vunpack.i.l.bf16.f32 v7;
	v5 =	vld.idx.msk [tilespmem:v5+s31+$0x0], $0xffff;
	[tilespmem:s13+$0x130] =	vst v4  }
0x2ed: {  	v14 =	vor.u32 $0x4, v3;
	v7 =	vunpack.i.u.bf16.f32 v7;
	v4 =	vmul.f32 v11, v10;
	v11 =	vld [tilespmem:s28+$0xA0]  }
0x2ee: {  	v7 =	vmul.f32 v7, v10;
	v10 =	vunpack.i.l.bf16.f32 v8;
	v13 =	vld.idx.msk [tilespmem:v13+s31+$0x0], $0xffff  }
0x2ef: {  	v15 =	vor.u32 $0xA, v2;
	v8 =	vunpack.i.u.bf16.f32 v8;
	[tilespmem:s14+$0xFFFFFE60] =	vst v4;
	v4 =	vmul.f32 v10, v9  }
0x2f0: {  	[tilespmem:s14+$0xFFFFFE70] =	vst v7;
	v8 =	vmul.f32 v8, v9;
	v9 =	vunpack.i.l.bf16.f32 v12  }
0x2f1: {  	v7 =	vld [tilespmem:s20+$0xFFFFFF40];
	v12 =	vunpack.i.u.bf16.f32 v12;
	[tilespmem:s13+$0xFFFFFF20] =	vst v4;
	v4 =	vor.u32 $0x5, v1;
	v9 =	vmul.f32 v9, v5  }
0x2f2: {  	v10 =	vld.idx.msk [tilespmem:v14+s31+$0x0], $0xffff;
	[tilespmem:s13+$0xFFFFFF30] =	vst v8;
	v5 =	vmul.f32 v12, v5;
	v12 =	vunpack.i.l.bf16.f32 v11  }
0x2f3: {  	v14 =	vor.u32 $0xB, v6;
	v8 =	vld [tilespmem:s28+$0xFFFFFFA0];
	v11 =	vunpack.i.u.bf16.f32 v11;
	[tilespmem:s14+$0x80] =	vst v9;
	v12 =	vmul.f32 v12, v13  }
0x2f4: {  	v9 =	vld.idx.msk [tilespmem:v15+s31+$0x0], $0xffff;
	[tilespmem:s14+$0x90] =	vst v5;
	v5 =	vmul.f32 v11, v13  }
0x2f5: {  	[tilespmem:s13+$0x140] =	vst v12;
	v12 =	vld [tilespmem:s20+$0x50]  }
0x2f6: {  	v11 =	vunpack.i.l.bf16.f32 v7;
	[tilespmem:s13+$0x150] =	vst v5;
	v4 =	vld.idx.msk [tilespmem:v4+s31+$0x0], $0xffff  }
0x2f7: {  	v13 =	vor.u32 $0x5, v3;
	v7 =	vunpack.i.u.bf16.f32 v7;
	v5 =	vmul.f32 v11, v10;
	v11 =	vld [tilespmem:s28+$0xB0]  }
0x2f8: {  	s4 =	simm.s32 $0x50;
	v7 =	vmul.f32 v7, v10;
	v14 =	vld.idx.msk [tilespmem:v14+s31+$0x0], $0xffff;
	v10 =	vunpack.i.l.bf16.f32 v8  }
0x2f9: {  	s17 =	simm.s32 $0xE500;
	v8 =	vunpack.i.u.bf16.f32 v8;
	[tilespmem:s14+$0xFFFFFE80] =	vst v5;
	v5 =	vmov s4;
	v10 =	vmul.f32 v10, v9  }
0x2fa: {  	v16 =	vld [tilespmem:s17+$0x0];
	[tilespmem:s14+$0xFFFFFE90] =	vst v7;
	v8 =	vmul.f32 v8, v9;
	v9 =	vunpack.i.l.bf16.f32 v12  }
0x2fb: {  	v7 =	vld [tilespmem:s20+$0xFFFFFF50];
	[tilespmem:s13+$0xFFFFFF40] =	vst v10;
	v10 =	vor.u32 $0x6, v1;
	v12 =	vunpack.i.u.bf16.f32 v12;
	v9 =	vmul.f32 v9, v4  }
0x2fc: {  	v13 =	vld.idx.msk [tilespmem:v13+s31+$0x0], $0xffff;
	v4 =	vmul.f32 v12, v4;
	v12 =	vunpack.i.l.bf16.f32 v11  }
0x2fd: {  	v19 =	vld [tilespmem:s17+$0xFFFFFF00];
	v15 =	vor.u32 $0xC, v6;
	[tilespmem:s14+$0xA0] =	vst v9;
	v9 =	vunpack.i.u.bf16.f32 v11;
	v11 =	vmul.f32 v12, v14  }
0x2fe: {  	s9 =	simm.s32 $0x40;
	v12 =	vld.idx.msk [tilespmem:v5+s31+$0x0], $0xffff;
	[tilespmem:s14+$0xB0] =	vst v4;
	v9 =	vmul.f32 v9, v14  }
0x2ff: {  	v4 =	vmov s9;
	[tilespmem:s13+$0x160] =	vst v11;
	v11 =	vld [tilespmem:s20+$0x60]  }
0x300: {  	v14 =	vunpack.i.l.bf16.f32 v7;
	v10 =	vld.idx.msk [tilespmem:v10+s31+$0x0], $0xffff;
	[tilespmem:s13+$0x170] =	vst v9  }
0x301: {  	v7 =	vunpack.i.u.bf16.f32 v7;
	v14 =	vmul.f32 v14, v13;
	v9 =	vor.u32 $0x6, v3;
	v17 =	vld [tilespmem:s28+$0xC0]  }
0x302: {  	v18 =	vor.u32 $0xB, v2;
	[tilespmem:s13+$0xFFFFFF50] =	vst v8;
	v7 =	vmul.f32 v7, v13;
	v13 =	vld.idx.msk [tilespmem:v15+s31+$0x0], $0xffff;
	v15 =	vunpack.i.l.bf16.f32 v16  }
0x303: {  	v8 =	vld [tilespmem:s28+$0xFFFFFFB0];
	[tilespmem:s14+$0xFFFFFEA0] =	vst v14;
	v14 =	vunpack.i.u.bf16.f32 v16;
	v15 =	vmul.f32 v15, v12  }
0x304: {  	s18 =	simm.s32 $0x10A00;
	v16 =	vor.u32 $0x1, v5;
	[tilespmem:s14+$0xFFFFFEB0] =	vst v7;
	v20 =	vld.idx.msk [tilespmem:v4+s31+$0x0], $0xffff;
	v7 =	vmul.f32 v14, v12;
	v12 =	vunpack.i.l.bf16.f32 v11  }
0x305: {  	v14 =	vld [tilespmem:s20+$0xFFFFFF60];
	[tilespmem:s18+$0x0] =	vst v15;
	v11 =	vunpack.i.u.bf16.f32 v11;
	v12 =	vmul.f32 v12, v10  }
0x306: {  	v15 =	vor.u32 $0x7, v1;
	[tilespmem:s18+$0x10] =	vst v7;
	v9 =	vld.idx.msk [tilespmem:v9+s31+$0x0], $0xffff;
	v7 =	vmul.f32 v11, v10;
	v10 =	vunpack.i.l.bf16.f32 v17  }
0x307: {  	v11 =	vld.idx.msk [tilespmem:v18+s31+$0x0], $0xffff;
	[tilespmem:s14+$0xC0] =	vst v12;
	v12 =	vunpack.i.u.bf16.f32 v17;
	v10 =	vmul.f32 v10, v13  }
0x308: {  	v18 =	vunpack.i.l.bf16.f32 v19;
	v21 =	vld [tilespmem:s17+$0x10];
	v17 =	vor.u32 $0xD, v6;
	[tilespmem:s14+$0xD0] =	vst v7;
	v7 =	vmul.f32 v12, v13  }
0x309: {  	v12 =	vunpack.i.u.bf16.f32 v19;
	v13 =	vld.idx.msk [tilespmem:v16+s31+$0x0], $0xffff;
	v16 =	vmul.f32 v18, v20;
	[tilespmem:s13+$0x180] =	vst v10  }
0x30a: {  	v18 =	vunpack.i.l.bf16.f32 v14;
	v19 =	vld [tilespmem:s20+$0x70];
	v10 =	vor.u32 $0x1, v4;
	v12 =	vmul.f32 v12, v20;
	[tilespmem:s13+$0x190] =	vst v7  }
0x30b: {  	v7 =	vunpack.i.u.bf16.f32 v14;
	v14 =	vld.idx.msk [tilespmem:v15+s31+$0x0], $0xffff;
	[tilespmem:s18+$0xFFFFFE00] =	vst v16;
	v15 =	vmul.f32 v18, v9  }
0x30c: {  	v18 =	vunpack.i.l.bf16.f32 v8;
	v7 =	vmul.f32 v7, v9;
	[tilespmem:s18+$0xFFFFFE10] =	vst v12;
	v9 =	vld [tilespmem:s28+$0xD0]  }
0x30d: {  	v16 =	vor.u32 $0x7, v3;
	v12 =	vld.idx.msk [tilespmem:v17+s31+$0x0], $0xffff;
	v17 =	vmul.f32 v18, v11;
	v18 =	vunpack.i.l.bf16.f32 v21;
	[tilespmem:s14+$0xFFFFFEC0] =	vst v15  }
0x30e: {  	v20 =	vunpack.i.u.bf16.f32 v21;
	v15 =	vld [tilespmem:s17+$0xFFFFFF10];
	v18 =	vmul.f32 v18, v13;
	[tilespmem:s14+$0xFFFFFED0] =	vst v7  }
0x30f: {  	v7 =	vor.u32 $0x2, v5;
	v13 =	vmul.f32 v20, v13;
	v20 =	vunpack.i.l.bf16.f32 v19;
	v10 =	vld.idx.msk [tilespmem:v10+s31+$0x0], $0xffff;
	[tilespmem:s13+$0xFFFFFF60] =	vst v17  }
0x310: {  	[tilespmem:s18+$0x20] =	vst v18;
	v18 =	vunpack.i.u.bf16.f32 v19;
	v19 =	vmul.f32 v20, v14  }
0x311: {  	v17 =	vld [tilespmem:s20+$0xFFFFFF70];
	v20 =	vor.u32 $0x8, v1;
	[tilespmem:s18+$0x30] =	vst v13;
	v13 =	vmul.f32 v18, v14;
	v14 =	vunpack.i.l.bf16.f32 v9  }
0x312: {  	v16 =	vld.idx.msk [tilespmem:v16+s31+$0x0], $0xffff;
	v9 =	vunpack.i.u.bf16.f32 v9;
	[tilespmem:s14+$0xE0] =	vst v19;
	v14 =	vmul.f32 v14, v12  }
0x313: {  	v18 =	vor.u32 $0xE, v6;
	v21 =	vld [tilespmem:s17+$0x20];
	v19 =	vunpack.i.l.bf16.f32 v15;
	v9 =	vmul.f32 v9, v12;
	[tilespmem:s14+$0xF0] =	vst v13  }
0x314: {  	v12 =	vunpack.i.u.bf16.f32 v15;
	v7 =	vld.idx.msk [tilespmem:v7+s31+$0x0], $0xffff;
	v13 =	vmul.f32 v19, v10;
	[tilespmem:s13+$0x1A0] =	vst v14  }
0x315: {  	v8 =	vunpack.i.u.bf16.f32 v8;
	v14 =	vor.u32 $0x2, v4;
	v10 =	vmul.f32 v12, v10;
	v15 =	vld [tilespmem:s20+$0x80];
	[tilespmem:s13+$0x1B0] =	vst v9  }
0x316: {  	v8 =	vmul.f32 v8, v11;
	v12 =	vunpack.i.l.bf16.f32 v17;
	v9 =	vunpack.i.u.bf16.f32 v17;
	v17 =	vld.idx.msk [tilespmem:v20+s31+$0x0], $0xffff;
	[tilespmem:s18+$0xFFFFFE20] =	vst v13  }
0x317: {  	v12 =	vmul.f32 v12, v16;
	v13 =	vor.u32 $0x8, v3;
	[tilespmem:s18+$0xFFFFFE30] =	vst v10;
	v10 =	vld [tilespmem:s28+$0xE0]  }
0x318: {  	[tilespmem:s13+$0xFFFFFF70] =	vst v8;
	v9 =	vmul.f32 v9, v16;
	v11 =	vld.idx.msk [tilespmem:v18+s31+$0x0], $0xffff;
	v16 =	vunpack.i.l.bf16.f32 v21  }
0x319: {  	v18 =	vor.u32 $0x3, v5;
	v19 =	vunpack.i.u.bf16.f32 v21;
	[tilespmem:s14+$0xFFFFFEE0] =	vst v12;
	v12 =	vld [tilespmem:s17+$0xFFFFFF20];
	v16 =	vmul.f32 v16, v7  }
0x31a: {  	[tilespmem:s14+$0xFFFFFEF0] =	vst v9;
	v7 =	vmul.f32 v19, v7;
	v9 =	vld.idx.msk [tilespmem:v14+s31+$0x0], $0xffff;
	v14 =	vunpack.i.l.bf16.f32 v15  }
0x31b: {  	v8 =	vld [tilespmem:s20+$0xFFFFFF80];
	v19 =	vor.u32 $0x9, v1;
	v15 =	vunpack.i.u.bf16.f32 v15;
	[tilespmem:s18+$0x40] =	vst v16;
	v14 =	vmul.f32 v14, v17  }
0x31c: {  	[tilespmem:s18+$0x50] =	vst v7;
	v7 =	vmul.f32 v15, v17;
	v13 =	vld.idx.msk [tilespmem:v13+s31+$0x0], $0xffff;
	v15 =	vunpack.i.l.bf16.f32 v10  }
0x31d: {  	v10 =	vunpack.i.u.bf16.f32 v10;
	[tilespmem:s14+$0x100] =	vst v14;
	v14 =	vmul.f32 v15, v11;
	v15 =	vld [tilespmem:s17+$0x30]  }
0x31e: {  	v16 =	vld.idx.msk [tilespmem:v18+s31+$0x0], $0xffff;
	v17 =	vunpack.i.l.bf16.f32 v12;
	[tilespmem:s14+$0x110] =	vst v7;
	v7 =	vmul.f32 v10, v11  }
0x31f: {  	v10 =	vor.u32 $0x3, v4;
	v11 =	vunpack.i.u.bf16.f32 v12;
	v12 =	vmul.f32 v17, v9;
	[tilespmem:s13+$0x1C0] =	vst v14;
	v14 =	vld [tilespmem:s20+$0x90]  }
0x320: {  	s1 =	simm.s32 $0xEB00;
	v9 =	vmul.f32 v11, v9;
	v11 =	vld.idx.msk [tilespmem:v19+s31+$0x0], $0xffff;
	v17 =	vunpack.i.l.bf16.f32 v8;
	[tilespmem:s13+$0x1D0] =	vst v7  }
0x321: {  	v29 =	vld [tilespmem:s1+$0xFFFFFF00];
	s9 =	simm.s32 $0xE700;
	v7 =	vor.u32 $0x9, v3;
	v8 =	vunpack.i.u.bf16.f32 v8;
	[tilespmem:s18+$0xFFFFFE40] =	vst v12;
	v12 =	vmul.f32 v17, v13  }
0x322: {  	v24 =	vld [tilespmem:s9+$0xFFFFFF00];
	v8 =	vmul.f32 v8, v13;
	[tilespmem:s18+$0xFFFFFE50] =	vst v9;
	v9 =	vunpack.i.l.bf16.f32 v15  }
0x323: {  	v17 =	vor.u32 $0x4, v5;
	v13 =	vld [tilespmem:s17+$0xFFFFFF30];
	[tilespmem:s14+$0xFFFFFF00] =	vst v12;
	v12 =	vunpack.i.u.bf16.f32 v15;
	v9 =	vmul.f32 v9, v16  }
0x324: {  	v10 =	vld.idx.msk [tilespmem:v10+s31+$0x0], $0xffff;
	[tilespmem:s14+$0xFFFFFF10] =	vst v8;
	v8 =	vmul.f32 v12, v16;
	v12 =	vunpack.i.l.bf16.f32 v14  }
0x325: {  	v15 =	vld [tilespmem:s20+$0xFFFFFF90];
	v16 =	vor.u32 $0xA, v1;
	[tilespmem:s18+$0x60] =	vst v9;
	v9 =	vunpack.i.u.bf16.f32 v14;
	v12 =	vmul.f32 v12, v11  }
0x326: {  	v7 =	vld.idx.msk [tilespmem:v7+s31+$0x0], $0xffff;
	[tilespmem:s18+$0x70] =	vst v8;
	v8 =	vmul.f32 v9, v11  }
0x327: {  	v9 =	vor.u32 $0xC, v2;
	[tilespmem:s14+$0x120] =	vst v12;
	v11 =	vld [tilespmem:s17+$0x40]  }
0x328: {  	v12 =	vunpack.i.l.bf16.f32 v13;
	v14 =	vld.idx.msk [tilespmem:v17+s31+$0x0], $0xffff;
	[tilespmem:s14+$0x130] =	vst v8  }
0x329: {  	v17 =	vor.u32 $0x4, v4;
	v8 =	vunpack.i.u.bf16.f32 v13;
	v12 =	vmul.f32 v12, v10;
	v13 =	vld [tilespmem:s20+$0xA0]  }
0x32a: {  	v10 =	vmul.f32 v8, v10;
	v16 =	vld.idx.msk [tilespmem:v16+s31+$0x0], $0xffff;
	v19 =	vunpack.i.l.bf16.f32 v15  }
0x32b: {  	v18 =	vld [tilespmem:s28+$0xFFFFFFC0];
	v15 =	vunpack.i.u.bf16.f32 v15;
	[tilespmem:s18+$0xFFFFFE60] =	vst v12;
	v12 =	vmul.f32 v19, v7  }
0x32c: {  	v20 =	vor.u32 $0xA, v3;
	v7 =	vmul.f32 v15, v7;
	v9 =	vld.idx.msk [tilespmem:v9+s31+$0x0], $0xffff;
	[tilespmem:s18+$0xFFFFFE70] =	vst v10;
	v10 =	vunpack.i.l.bf16.f32 v11  }
0x32d: {  	v19 =	vld [tilespmem:s17+$0xFFFFFF40];
	[tilespmem:s14+$0xFFFFFF20] =	vst v12;
	v11 =	vunpack.i.u.bf16.f32 v11;
	v10 =	vmul.f32 v10, v14  }
0x32e: {  	v15 =	vor.u32 $0x5, v5;
	v12 =	vld.idx.msk [tilespmem:v17+s31+$0x0], $0xffff;
	[tilespmem:s14+$0xFFFFFF30] =	vst v7;
	v7 =	vmul.f32 v11, v14;
	v11 =	vunpack.i.l.bf16.f32 v13  }
0x32f: {  	v21 =	vld [tilespmem:s9+$0x0];
	[tilespmem:s18+$0x80] =	vst v10;
	v10 =	vunpack.i.u.bf16.f32 v13;
	v11 =	vmul.f32 v11, v16  }
0x330: {  	v14 =	vor.u32 $0xB, v1;
	v17 =	vld [tilespmem:s20+$0xFFFFFFA0];
	v13 =	vunpack.i.l.bf16.f32 v18;
	[tilespmem:s18+$0x90] =	vst v7;
	v7 =	vmul.f32 v10, v16  }
0x331: {  	v20 =	vld.idx.msk [tilespmem:v20+s31+$0x0], $0xffff;
	v16 =	vor.u32 $0xD, v2;
	v10 =	vunpack.i.u.bf16.f32 v18;
	v13 =	vmul.f32 v13, v9;
	[tilespmem:s14+$0x140] =	vst v11  }
0x332: {  	v9 =	vmul.f32 v10, v9;
	v10 =	vunpack.i.l.bf16.f32 v19;
	v11 =	vld [tilespmem:s17+$0x50];
	[tilespmem:s14+$0x150] =	vst v7  }
0x333: {  	v15 =	vld.idx.msk [tilespmem:v15+s31+$0x0], $0xffff;
	v7 =	vor.u32 $0x5, v4;
	[tilespmem:s13+$0xFFFFFF80] =	vst v13;
	v13 =	vunpack.i.u.bf16.f32 v19;
	v10 =	vmul.f32 v10, v12  }
0x334: {  	v6 =	vor.u32 $0xF, v6;
	v13 =	vmul.f32 v13, v12;
	[tilespmem:s13+$0xFFFFFF90] =	vst v9;
	v18 =	vld [tilespmem:s20+$0xB0]  }
0x335: {  	s10 =	simm.s32 $0x70;
	v14 =	vld.idx.msk [tilespmem:v14+s31+$0x0], $0xffff;
	v9 =	vunpack.i.l.bf16.f32 v17;
	[tilespmem:s18+$0xFFFFFE80] =	vst v10  }
0x336: {  	v17 =	vunpack.i.u.bf16.f32 v17;
	v9 =	vmul.f32 v9, v20;
	v10 =	vmov s10;
	[tilespmem:s18+$0xFFFFFE90] =	vst v13;
	v13 =	vld.idx.msk [tilespmem:v16+s31+$0x0], $0xffff  }
0x337: {  	v17 =	vmul.f32 v17, v20;
	v16 =	vld [tilespmem:s17+$0xFFFFFF50];
	v19 =	vunpack.i.l.bf16.f32 v11  }
0x338: {  	[tilespmem:s14+$0xFFFFFF40] =	vst v9;
	v9 =	vor.u32 $0x6, v5;
	v20 =	vld.idx.msk [tilespmem:v7+s31+$0x0], $0xffff;
	v7 =	vunpack.i.u.bf16.f32 v11;
	v11 =	vmul.f32 v19, v15  }
0x339: {  	v6 =	vld.idx.msk [tilespmem:v6+s31+$0x0], $0xffff;
	[tilespmem:s14+$0xFFFFFF50] =	vst v17;
	v7 =	vmul.f32 v7, v15;
	v17 =	vunpack.i.l.bf16.f32 v18  }
0x33a: {  	v8 =	vld [tilespmem:s28+$0xF0];
	v19 =	vor.u32 $0xC, v1;
	[tilespmem:s18+$0xA0] =	vst v11;
	v11 =	vunpack.i.u.bf16.f32 v18;
	v17 =	vmul.f32 v17, v14  }
0x33b: {  	s15 =	simm.s32 $0x60;
	v18 =	vld.idx.msk [tilespmem:v10+s31+$0x0], $0xffff;
	[tilespmem:s18+$0xB0] =	vst v7;
	v11 =	vmul.f32 v11, v14  }
0x33c: {  	v7 =	vmov s15;
	[tilespmem:s14+$0x160] =	vst v17;
	v14 =	vld [tilespmem:s17+$0x60]  }
0x33d: {  	v17 =	vunpack.i.l.bf16.f32 v16;
	v9 =	vld.idx.msk [tilespmem:v9+s31+$0x0], $0xffff;
	[tilespmem:s14+$0x170] =	vst v11  }
0x33e: {  	v16 =	vunpack.i.u.bf16.f32 v16;
	v11 =	vor.u32 $0x6, v4;
	v17 =	vmul.f32 v17, v20;
	v22 =	vld [tilespmem:s20+$0xC0]  }
0x33f: {  	v23 =	vor.u32 $0xB, v3;
	v16 =	vmul.f32 v16, v20;
	v20 =	vunpack.i.l.bf16.f32 v21;
	v19 =	vld.idx.msk [tilespmem:v19+s31+$0x0], $0xffff  }
0x340: {  	v15 =	vld [tilespmem:s20+$0xFFFFFFB0];
	[tilespmem:s18+$0xFFFFFEA0] =	vst v17;
	v17 =	vunpack.i.u.bf16.f32 v21;
	v20 =	vmul.f32 v20, v18  }
0x341: {  	s10 =	simm.s32 $0x10E00;
	v21 =	vor.u32 $0x1, v10;
	[tilespmem:s18+$0xFFFFFEB0] =	vst v16;
	v25 =	vld.idx.msk [tilespmem:v7+s31+$0x0], $0xffff;
	v16 =	vmul.f32 v17, v18;
	v17 =	vunpack.i.l.bf16.f32 v14  }
0x342: {  	v18 =	vld [tilespmem:s17+$0xFFFFFF60];
	[tilespmem:s10+$0x0] =	vst v20;
	v14 =	vunpack.i.u.bf16.f32 v14;
	v17 =	vmul.f32 v17, v9  }
0x343: {  	v20 =	vor.u32 $0x7, v5;
	v11 =	vld.idx.msk [tilespmem:v11+s31+$0x0], $0xffff;
	[tilespmem:s10+$0x10] =	vst v16;
	v9 =	vmul.f32 v14, v9;
	v14 =	vunpack.i.l.bf16.f32 v22  }
0x344: {  	v16 =	vld.idx.msk [tilespmem:v23+s31+$0x0], $0xffff;
	[tilespmem:s18+$0xC0] =	vst v17;
	v17 =	vunpack.i.u.bf16.f32 v22;
	v14 =	vmul.f32 v14, v19  }
0x345: {  	v23 =	vunpack.i.l.bf16.f32 v24;
	v26 =	vld [tilespmem:s9+$0x10];
	v22 =	vor.u32 $0xD, v1;
	[tilespmem:s18+$0xD0] =	vst v9;
	v9 =	vmul.f32 v17, v19  }
0x346: {  	v17 =	vunpack.i.u.bf16.f32 v24;
	v19 =	vld.idx.msk [tilespmem:v21+s31+$0x0], $0xffff;
	v21 =	vmul.f32 v23, v25;
	[tilespmem:s14+$0x180] =	vst v14  }
0x347: {  	v23 =	vunpack.i.l.bf16.f32 v18;
	v24 =	vld [tilespmem:s17+$0x70];
	v14 =	vor.u32 $0x1, v7;
	v17 =	vmul.f32 v17, v25;
	[tilespmem:s14+$0x190] =	vst v9  }
0x348: {  	v9 =	vunpack.i.u.bf16.f32 v18;
	v18 =	vld.idx.msk [tilespmem:v20+s31+$0x0], $0xffff;
	[tilespmem:s10+$0xFFFFFE00] =	vst v21;
	v20 =	vmul.f32 v23, v11  }
0x349: {  	v21 =	vor.u32 $0x7, v4;
	v23 =	vunpack.i.l.bf16.f32 v15;
	v9 =	vmul.f32 v9, v11;
	[tilespmem:s10+$0xFFFFFE10] =	vst v17;
	v11 =	vld [tilespmem:s20+$0xD0]  }
0x34a: {  	v25 =	vor.u32 $0x2, v10;
	v17 =	vld.idx.msk [tilespmem:v22+s31+$0x0], $0xffff;
	v22 =	vmul.f32 v23, v16;
	v23 =	vunpack.i.l.bf16.f32 v26;
	[tilespmem:s18+$0xFFFFFEC0] =	vst v20  }
0x34b: {  	v20 =	vld [tilespmem:s9+$0xFFFFFF10];
	v26 =	vunpack.i.u.bf16.f32 v26;
	v23 =	vmul.f32 v23, v19;
	[tilespmem:s18+$0xFFFFFED0] =	vst v9  }
0x34c: {  	v15 =	vunpack.i.u.bf16.f32 v15;
	v9 =	vld.idx.msk [tilespmem:v14+s31+$0x0], $0xffff;
	v14 =	vmul.f32 v26, v19;
	[tilespmem:s14+$0xFFFFFF60] =	vst v22  }
0x34d: {  	v15 =	vmul.f32 v15, v16;
	v19 =	vunpack.i.l.bf16.f32 v24;
	v26 =	vor.u32 $0x8, v5;
	v22 =	vld [tilespmem:s17+$0xFFFFFF70];
	[tilespmem:s10+$0x20] =	vst v23  }
0x34e: {  	v23 =	vunpack.i.u.bf16.f32 v24;
	v19 =	vmul.f32 v19, v18;
	v21 =	vld.idx.msk [tilespmem:v21+s31+$0x0], $0xffff;
	[tilespmem:s10+$0x30] =	vst v14  }
0x34f: {  	[tilespmem:s14+$0xFFFFFF70] =	vst v15;
	v14 =	vmul.f32 v23, v18;
	v18 =	vunpack.i.l.bf16.f32 v11;
	v23 =	vor.u32 $0xE, v1;
	v24 =	vld.idx.msk [tilespmem:v25+s31+$0x0], $0xffff  }
0x350: {  	v11 =	vunpack.i.u.bf16.f32 v11;
	[tilespmem:s18+$0xE0] =	vst v19;
	v18 =	vmul.f32 v18, v17;
	v25 =	vld [tilespmem:s9+$0x20]  }
0x351: {  	v12 =	vld [tilespmem:s28+$0xFFFFFFD0];
	v19 =	vunpack.i.l.bf16.f32 v20;
	v11 =	vmul.f32 v11, v17;
	[tilespmem:s18+$0xF0] =	vst v14  }
0x352: {  	v17 =	vunpack.i.u.bf16.f32 v20;
	v14 =	vor.u32 $0x2, v7;
	v19 =	vmul.f32 v19, v9;
	v20 =	vld.idx.msk [tilespmem:v26+s31+$0x0], $0xffff;
	[tilespmem:s14+$0x1A0] =	vst v18  }
0x353: {  	v9 =	vmul.f32 v17, v9;
	v17 =	vunpack.i.l.bf16.f32 v22;
	v18 =	vld [tilespmem:s17+$0x80];
	[tilespmem:s14+$0x1B0] =	vst v11  }
0x354: {  	v11 =	vor.u32 $0x8, v4;
	v22 =	vunpack.i.u.bf16.f32 v22;
	v17 =	vmul.f32 v17, v21;
	[tilespmem:s10+$0xFFFFFE20] =	vst v19;
	v19 =	vld.idx.msk [tilespmem:v23+s31+$0x0], $0xffff  }
0x355: {  	v21 =	vmul.f32 v22, v21;
	[tilespmem:s10+$0xFFFFFE30] =	vst v9;
	v9 =	vld [tilespmem:s20+$0xE0];
	v23 =	vor.u32 $0x3, v10;
	v22 =	vunpack.i.l.bf16.f32 v25  }
0x356: {  	v16 =	vld [tilespmem:s9+$0xFFFFFF20];
	[tilespmem:s18+$0xFFFFFEE0] =	vst v17;
	v17 =	vunpack.i.u.bf16.f32 v25;
	v22 =	vmul.f32 v22, v24  }
0x357: {  	[tilespmem:s18+$0xFFFFFEF0] =	vst v21;
	v14 =	vld.idx.msk [tilespmem:v14+s31+$0x0], $0xffff;
	v17 =	vmul.f32 v17, v24  }
0x358: {  	v21 =	vld [tilespmem:s17+$0xFFFFFF80];
	v24 =	vunpack.i.l.bf16.f32 v18;
	[tilespmem:s10+$0x40] =	vst v22  }
0x359: {  	v25 =	vor.u32 $0x9, v5;
	v11 =	vld.idx.msk [tilespmem:v11+s31+$0x0], $0xffff;
	v15 =	vunpack.i.u.bf16.f32 v18;
	v18 =	vmul.f32 v24, v20;
	[tilespmem:s10+$0x50] =	vst v17  }
0x35a: {  	v1 =	vor.u32 $0xF, v1;
	v15 =	vmul.f32 v15, v20;
	v20 =	vunpack.i.l.bf16.f32 v9;
	v22 =	vld.idx.msk [tilespmem:v23+s31+$0x0], $0xffff  }
0x35b: {  	v9 =	vunpack.i.u.bf16.f32 v9;
	v23 =	vld [tilespmem:s9+$0x30];
	[tilespmem:s18+$0x100] =	vst v18;
	v18 =	vmul.f32 v20, v19  }
0x35c: {  	v17 =	vld [tilespmem:s20+$0xFFFFFFC0];
	v20 =	vunpack.i.l.bf16.f32 v16;
	[tilespmem:s18+$0x110] =	vst v15;
	v9 =	vmul.f32 v9, v19  }
0x35d: {  	v15 =	vor.u32 $0x3, v7;
	v16 =	vunpack.i.u.bf16.f32 v16;
	v19 =	vmul.f32 v20, v14;
	[tilespmem:s14+$0x1C0] =	vst v18;
	v18 =	vld [tilespmem:s17+$0x90]  }
0x35e: {  	v20 =	vld.idx.msk [tilespmem:v25+s31+$0x0], $0xffff;
	v14 =	vmul.f32 v16, v14;
	v16 =	vunpack.i.l.bf16.f32 v21;
	[tilespmem:s14+$0x1D0] =	vst v9  }
0x35f: {  	v24 =	vor.u32 $0x9, v4;
	v21 =	vunpack.i.u.bf16.f32 v21;
	v16 =	vmul.f32 v16, v11;
	[tilespmem:s10+$0xFFFFFE40] =	vst v19;
	v9 =	vld.idx.msk [tilespmem:v1+s31+$0x0], $0xffff  }
0x360: {  	v19 =	vmul.f32 v21, v11;
	[tilespmem:s10+$0xFFFFFE50] =	vst v14;
	v11 =	vld [tilespmem:s20+$0xF0];
	v21 =	vunpack.i.l.bf16.f32 v23  }
0x361: {  	v14 =	vld [tilespmem:s9+$0xFFFFFF30];
	[tilespmem:s18+$0xFFFFFF00] =	vst v16;
	v16 =	vor.u32 $0x4, v10;
	v23 =	vunpack.i.u.bf16.f32 v23;
	v21 =	vmul.f32 v21, v22  }
0x362: {  	v15 =	vld.idx.msk [tilespmem:v15+s31+$0x0], $0xffff;
	[tilespmem:s18+$0xFFFFFF10] =	vst v19;
	v19 =	vmul.f32 v23, v22;
	v23 =	vunpack.i.l.bf16.f32 v18  }
0x363: {  	v25 =	vor.u32 $0xA, v5;
	v22 =	vld [tilespmem:s17+$0xFFFFFF90];
	[tilespmem:s10+$0x60] =	vst v21;
	v18 =	vunpack.i.u.bf16.f32 v18;
	v23 =	vmul.f32 v23, v20  }
0x364: {  	v1 =	vor.u32 $0xC, v3;
	v21 =	vld.idx.msk [tilespmem:v24+s31+$0x0], $0xffff;
	v24 =	vunpack.i.l.bf16.f32 v12;
	[tilespmem:s10+$0x70] =	vst v19;
	v18 =	vmul.f32 v18, v20  }
0x365: {  	v19 =	vor.u32 $0xE, v2;
	v12 =	vunpack.i.u.bf16.f32 v12;
	v20 =	vmul.f32 v24, v13;
	[tilespmem:s18+$0x120] =	vst v23;
	v23 =	vld [tilespmem:s9+$0x40]  }
0x366: {  	v12 =	vmul.f32 v12, v13;
	v13 =	vunpack.i.l.bf16.f32 v14;
	v16 =	vld.idx.msk [tilespmem:v16+s31+$0x0], $0xffff;
	[tilespmem:s18+$0x130] =	vst v18  }
0x367: {  	v14 =	vunpack.i.u.bf16.f32 v14;
	v18 =	vor.u32 $0x4, v7;
	[tilespmem:s13+$0xFFFFFFA0] =	vst v20;
	v13 =	vmul.f32 v13, v15;
	v20 =	vld [tilespmem:s17+$0xA0]  }
0x368: {  	v14 =	vmul.f32 v14, v15;
	[tilespmem:s13+$0xFFFFFFB0] =	vst v12;
	v15 =	vld.idx.msk [tilespmem:v25+s31+$0x0], $0xffff;
	v24 =	vunpack.i.l.bf16.f32 v22  }
0x369: {  	v1 =	vld.idx.msk [tilespmem:v1+s31+$0x0], $0xffff;
	v12 =	vor.u32 $0xA, v4;
	v22 =	vunpack.i.u.bf16.f32 v22;
	[tilespmem:s10+$0xFFFFFE60] =	vst v13;
	v13 =	vmul.f32 v24, v21  }
0x36a: {  	v21 =	vmul.f32 v22, v21;
	[tilespmem:s10+$0xFFFFFE70] =	vst v14;
	v14 =	vld.idx.msk [tilespmem:v19+s31+$0x0], $0xffff;
	v22 =	vor.u32 $0x5, v10;
	v19 =	vunpack.i.l.bf16.f32 v23  }
0x36b: {  	v25 =	vld [tilespmem:s9+$0xFFFFFF40];
	[tilespmem:s18+$0xFFFFFF20] =	vst v13;
	v13 =	vunpack.i.u.bf16.f32 v23;
	v19 =	vmul.f32 v19, v16  }
0x36c: {  	[tilespmem:s18+$0xFFFFFF30] =	vst v21;
	v21 =	vor.u32 $0xB, v5;
	v18 =	vld.idx.msk [tilespmem:v18+s31+$0x0], $0xffff;
	v13 =	vmul.f32 v13, v16;
	v16 =	vunpack.i.l.bf16.f32 v20  }
0x36d: {  	v23 =	vld [tilespmem:s17+$0xFFFFFFA0];
	v16 =	vmul.f32 v16, v15;
	[tilespmem:s10+$0x80] =	vst v19;
	v19 =	vunpack.i.u.bf16.f32 v20  }
0x36e: {  	v12 =	vld.idx.msk [tilespmem:v12+s31+$0x0], $0xffff;
	v20 =	vunpack.i.l.bf16.f32 v17;
	[tilespmem:s10+$0x90] =	vst v13;
	v13 =	vmul.f32 v19, v15  }
0x36f: {  	v17 =	vunpack.i.u.bf16.f32 v17;
	v19 =	vmul.f32 v20, v1;
	v20 =	vld.idx.msk [tilespmem:v22+s31+$0x0], $0xffff;
	[tilespmem:s18+$0x140] =	vst v16  }
0x370: {  	v1 =	vmul.f32 v17, v1;
	v16 =	vunpack.i.l.bf16.f32 v25;
	v17 =	vld [tilespmem:s9+$0x50];
	[tilespmem:s18+$0x150] =	vst v13  }
0x371: {  	v22 =	vor.u32 $0x5, v7;
	v16 =	vmul.f32 v16, v18;
	[tilespmem:s14+$0xFFFFFF80] =	vst v19;
	v13 =	vunpack.i.u.bf16.f32 v25;
	v19 =	vld.idx.msk [tilespmem:v21+s31+$0x0], $0xffff  }
0x372: {  	[tilespmem:s14+$0xFFFFFF90] =	vst v1;
	v1 =	vunpack.i.l.bf16.f32 v23;
	v18 =	vmul.f32 v13, v18;
	v21 =	vld [tilespmem:s17+$0xB0]  }
0x373: {  	s19 =	simm.s32 $0x90;
	v24 =	vld [tilespmem:s28+$0xFFFFFFE0];
	v23 =	vunpack.i.u.bf16.f32 v23;
	[tilespmem:s10+$0xFFFFFE80] =	vst v16;
	v16 =	vmul.f32 v1, v12  }
0x374: {  	v25 =	vunpack.i.u.bf16.f32 v8;
	v13 =	vld [tilespmem:s20+$0xFFFFFFD0];
	v12 =	vmul.f32 v23, v12;
	v1 =	vmov s19;
	[tilespmem:s10+$0xFFFFFE90] =	vst v18  }
0x375: {  	v26 =	vor.u32 $0x6, v10;
	v18 =	vmul.f32 v25, v6;
	v25 =	vunpack.i.l.bf16.f32 v17;
	[tilespmem:s18+$0xFFFFFF40] =	vst v16;
	v23 =	vld [tilespmem:s9+$0xFFFFFF50]  }
0x376: {  	v17 =	vunpack.i.u.bf16.f32 v17;
	[tilespmem:s18+$0xFFFFFF50] =	vst v12;
	v16 =	vld.idx.msk [tilespmem:v22+s31+$0x0], $0xffff;
	v22 =	vmul.f32 v25, v20  }
0x377: {  	s19 =	simm.s32 $0xE900;
	v12 =	vmul.f32 v17, v20;
	v17 =	vld [tilespmem:s17+$0xFFFFFFB0];
	v20 =	vor.u32 $0xC, v5;
	[tilespmem:s13+$0x1F0] =	vst v18;
	v18 =	vunpack.i.l.bf16.f32 v21  }
0x378: {  	v25 =	vld [tilespmem:s19+$0x0];
	[tilespmem:s10+$0xA0] =	vst v22;
	v21 =	vunpack.i.u.bf16.f32 v21;
	v18 =	vmul.f32 v18, v19  }
0x379: {  	s22 =	simm.s32 $0x80;
	v8 =	vunpack.i.l.bf16.f32 v8;
	v22 =	vld.idx.msk [tilespmem:v1+s31+$0x0], $0xffff;
	[tilespmem:s10+$0xB0] =	vst v12;
	v19 =	vmul.f32 v21, v19  }
0x37a: {  	v6 =	vmul.f32 v8, v6;
	v8 =	vunpack.i.l.bf16.f32 v24;
	v12 =	vmov s22;
	v21 =	vld.idx.msk [tilespmem:v26+s31+$0x0], $0xffff;
	[tilespmem:s18+$0x160] =	vst v18  }
0x37b: {  	v8 =	vmul.f32 v8, v14;
	v26 =	vld [tilespmem:s9+$0x60];
	v18 =	vunpack.i.l.bf16.f32 v23;
	[tilespmem:s18+$0x170] =	vst v19  }
0x37c: {  	[tilespmem:s13+$0x1E0] =	vst v6;
	v19 =	vor.u32 $0x6, v7;
	v6 =	vunpack.i.u.bf16.f32 v23;
	v18 =	vmul.f32 v18, v16;
	v20 =	vld.idx.msk [tilespmem:v20+s31+$0x0], $0xffff  }
0x37d: {  	v24 =	vunpack.i.u.bf16.f32 v24;
	[tilespmem:s13+$0xFFFFFFC0] =	vst v8;
	v23 =	vor.u32 $0xB, v4;
	v6 =	vmul.f32 v6, v16;
	v8 =	vld [tilespmem:s17+$0xC0]  }
0x37e: {  	v27 =	vor.u32 $0x1, v1;
	v14 =	vmul.f32 v24, v14;
	v24 =	vunpack.i.l.bf16.f32 v25;
	v16 =	vld [tilespmem:s19+$0xFFFFFF00];
	[tilespmem:s10+$0xFFFFFEA0] =	vst v18  }
0x37f: {  	v25 =	vunpack.i.u.bf16.f32 v25;
	v24 =	vmul.f32 v24, v22;
	v18 =	vld.idx.msk [tilespmem:v12+s31+$0x0], $0xffff;
	[tilespmem:s10+$0xFFFFFEB0] =	vst v6  }
0x380: {  	s4 =	simm.s32 $0x11200;
	v15 =	vor.u32 $0xD, v3;
	[tilespmem:s13+$0xFFFFFFD0] =	vst v14;
	v6 =	vmul.f32 v25, v22;
	v22 =	vunpack.i.l.bf16.f32 v26;
	v14 =	vld [tilespmem:s9+$0xFFFFFF60]  }
0x381: {  	v25 =	vor.u32 $0x7, v10;
	[tilespmem:s4+$0x0] =	vst v24;
	v24 =	vunpack.i.u.bf16.f32 v26;
	v22 =	vmul.f32 v22, v21;
	v19 =	vld.idx.msk [tilespmem:v19+s31+$0x0], $0xffff  }
0x382: {  	[tilespmem:s4+$0x10] =	vst v6;
	v6 =	vmul.f32 v24, v21;
	v21 =	vld.idx.msk [tilespmem:v23+s31+$0x0], $0xffff;
	v23 =	vunpack.i.l.bf16.f32 v8  }
0x383: {  	v24 =	vor.u32 $0xD, v5;
	v26 =	vld.idx.msk [tilespmem:v27+s31+$0x0], $0xffff;
	[tilespmem:s10+$0xC0] =	vst v22;
	v8 =	vunpack.i.u.bf16.f32 v8;
	v22 =	vmul.f32 v23, v20  }
0x384: {  	v27 =	vld [tilespmem:s19+$0x10];
	v23 =	vunpack.i.l.bf16.f32 v16;
	[tilespmem:s10+$0xD0] =	vst v6;
	v6 =	vmul.f32 v8, v20  }
0x385: {  	v15 =	vld.idx.msk [tilespmem:v15+s31+$0x0], $0xffff;
	v16 =	vunpack.i.u.bf16.f32 v16;
	v20 =	vmul.f32 v23, v18;
	[tilespmem:s18+$0x180] =	vst v22  }
0x386: {  	v8 =	vor.u32 $0x1, v12;
	v23 =	vld.idx.msk [tilespmem:v25+s31+$0x0], $0xffff;
	v16 =	vmul.f32 v16, v18;
	v18 =	vunpack.i.l.bf16.f32 v14;
	[tilespmem:s18+$0x190] =	vst v6  }
0x387: {  	v22 =	vld [tilespmem:s9+$0x70];
	v14 =	vunpack.i.u.bf16.f32 v14;
	[tilespmem:s4+$0xFFFFFE00] =	vst v20;
	v18 =	vmul.f32 v18, v19  }
0x388: {  	v6 =	vor.u32 $0x7, v7;
	v20 =	vld.idx.msk [tilespmem:v24+s31+$0x0], $0xffff;
	v24 =	vunpack.i.l.bf16.f32 v17;
	v14 =	vmul.f32 v14, v19;
	[tilespmem:s4+$0xFFFFFE10] =	vst v16  }
0x389: {  	v28 =	vor.u32 $0x2, v1;
	v16 =	vld [tilespmem:s17+$0xD0];
	v19 =	vmul.f32 v24, v21;
	v25 =	vunpack.i.l.bf16.f32 v27;
	[tilespmem:s10+$0xFFFFFEC0] =	vst v18  }
0x38a: {  	v24 =	vld [tilespmem:s19+$0xFFFFFF10];
	v18 =	vunpack.i.u.bf16.f32 v27;
	v25 =	vmul.f32 v25, v26;
	[tilespmem:s10+$0xFFFFFED0] =	vst v14  }
0x38b: {  	v17 =	vunpack.i.u.bf16.f32 v17;
	v8 =	vld.idx.msk [tilespmem:v8+s31+$0x0], $0xffff;
	v14 =	vmul.f32 v18, v26;
	[tilespmem:s18+$0xFFFFFF60] =	vst v19  }
0x38c: {  	v17 =	vmul.f32 v17, v21;
	v18 =	vld [tilespmem:s9+$0xFFFFFF70];
	v26 =	vunpack.i.l.bf16.f32 v22;
	[tilespmem:s4+$0x20] =	vst v25  }
0x38d: {  	v27 =	vor.u32 $0x8, v10;
	v6 =	vld.idx.msk [tilespmem:v6+s31+$0x0], $0xffff;
	v19 =	vunpack.i.u.bf16.f32 v22;
	v22 =	vmul.f32 v26, v23;
	[tilespmem:s4+$0x30] =	vst v14  }
0x38e: {  	[tilespmem:s18+$0xFFFFFF70] =	vst v17;
	v19 =	vmul.f32 v19, v23;
	v23 =	vunpack.i.l.bf16.f32 v16;
	v26 =	vld.idx.msk [tilespmem:v28+s31+$0x0], $0xffff  }
0x38f: {  	v25 =	vor.u32 $0xE, v5;
	v16 =	vunpack.i.u.bf16.f32 v16;
	v28 =	vld [tilespmem:s19+$0x20];
	[tilespmem:s10+$0xE0] =	vst v22;
	v22 =	vmul.f32 v23, v20  }
0x390: {  	v14 =	vld [tilespmem:s28+$0xFFFFFFF0];
	v16 =	vmul.f32 v16, v20;
	v23 =	vunpack.i.l.bf16.f32 v24;
	[tilespmem:s10+$0xF0] =	vst v19;
	v20 =	vunpack.i.u.bf16.f32 v24  }
0x391: {  	v19 =	vor.u32 $0x2, v12;
	v23 =	vmul.f32 v23, v8;
	v8 =	vmul.f32 v20, v8;
	[tilespmem:s18+$0x1A0] =	vst v22;
	v22 =	vld [tilespmem:s9+$0x80]  }
0x392: {  	v24 =	vld.idx.msk [tilespmem:v27+s31+$0x0], $0xffff;
	v20 =	vunpack.i.l.bf16.f32 v18;
	[tilespmem:s18+$0x1B0] =	vst v16  }
0x393: {  	v16 =	vor.u32 $0x8, v7;
	v18 =	vunpack.i.u.bf16.f32 v18;
	v20 =	vmul.f32 v20, v6;
	[tilespmem:s4+$0xFFFFFE30] =	vst v8;
	v8 =	vld [tilespmem:s17+$0xE0]  }
0x394: {  	v6 =	vmul.f32 v18, v6;
	[tilespmem:s4+$0xFFFFFE20] =	vst v23;
	v23 =	vld.idx.msk [tilespmem:v25+s31+$0x0], $0xffff;
	v25 =	vor.u32 $0x3, v1;
	v21 =	vunpack.i.l.bf16.f32 v28  }
0x395: {  	v18 =	vld [tilespmem:s19+$0xFFFFFF20];
	[tilespmem:s10+$0xFFFFFEE0] =	vst v20;
	v20 =	vunpack.i.u.bf16.f32 v28;
	v21 =	vmul.f32 v21, v26  }
0x396: {  	[tilespmem:s10+$0xFFFFFEF0] =	vst v6;
	v19 =	vld.idx.msk [tilespmem:v19+s31+$0x0], $0xffff;
	v6 =	vmul.f32 v20, v26;
	v26 =	vunpack.i.l.bf16.f32 v22  }
0x397: {  	v20 =	vld [tilespmem:s9+$0xFFFFFF80];
	[tilespmem:s4+$0x40] =	vst v21;
	v17 =	vunpack.i.u.bf16.f32 v22;
	v21 =	vmul.f32 v26, v24  }
0x398: {  	v27 =	vor.u32 $0x9, v10;
	v16 =	vld.idx.msk [tilespmem:v16+s31+$0x0], $0xffff;
	[tilespmem:s4+$0x50] =	vst v6;
	v6 =	vmul.f32 v17, v24;
	v22 =	vunpack.i.l.bf16.f32 v8  }
0x399: {  	v5 =	vor.u32 $0xF, v5;
	v24 =	vld.idx.msk [tilespmem:v25+s31+$0x0], $0xffff;
	v8 =	vunpack.i.u.bf16.f32 v8;
	[tilespmem:s10+$0x100] =	vst v21;
	v21 =	vmul.f32 v22, v23  }
0x39a: {  	v25 =	vld [tilespmem:s19+$0x30];
	v22 =	vunpack.i.l.bf16.f32 v18;
	[tilespmem:s10+$0x110] =	vst v6;
	v6 =	vmul.f32 v8, v23  }
0x39b: {  	v17 =	vld [tilespmem:s17+$0xFFFFFFC0];
	v18 =	vunpack.i.u.bf16.f32 v18;
	v22 =	vmul.f32 v22, v19;
	[tilespmem:s18+$0x1C0] =	vst v21  }
0x39c: {  	v8 =	vor.u32 $0x3, v12;
	v18 =	vmul.f32 v18, v19;
	v19 =	vunpack.i.l.bf16.f32 v20;
	v21 =	vld [tilespmem:s9+$0x90];
	[tilespmem:s18+$0x1D0] =	vst v6  }
0x39d: {  	v23 =	vld.idx.msk [tilespmem:v27+s31+$0x0], $0xffff;
	v6 =	vunpack.i.u.bf16.f32 v20;
	v19 =	vmul.f32 v19, v16;
	[tilespmem:s4+$0xFFFFFE40] =	vst v22  }
0x39e: {  	v26 =	vor.u32 $0x9, v7;
	v5 =	vld.idx.msk [tilespmem:v5+s31+$0x0], $0xffff;
	v22 =	vunpack.i.u.bf16.f32 v11;
	v16 =	vmul.f32 v6, v16;
	[tilespmem:s4+$0xFFFFFE50] =	vst v18  }
0x39f: {  	v28 =	vor.u32 $0x4, v1;
	v6 =	vld [tilespmem:s17+$0xF0];
	v27 =	vunpack.i.l.bf16.f32 v25;
	v18 =	vmul.f32 v22, v9;
	[tilespmem:s10+$0xFFFFFF00] =	vst v19  }
0x3a0: {  	v22 =	vld [tilespmem:s19+$0xFFFFFF30];
	v19 =	vunpack.i.u.bf16.f32 v25;
	v25 =	vmul.f32 v27, v24;
	[tilespmem:s10+$0xFFFFFF10] =	vst v16  }
0x3a1: {  	v8 =	vld.idx.msk [tilespmem:v8+s31+$0x0], $0xffff;
	v16 =	vmul.f32 v19, v24;
	v24 =	vor.u32 $0xA, v10;
	[tilespmem:s14+$0x1F0] =	vst v18;
	v19 =	vunpack.i.l.bf16.f32 v21  }
0x3a2: {  	v18 =	vld [tilespmem:s9+$0xFFFFFF90];
	[tilespmem:s4+$0x60] =	vst v25;
	v21 =	vunpack.i.u.bf16.f32 v21;
	v19 =	vmul.f32 v19, v23  }
0x3a3: {  	v20 =	vor.u32 $0xC, v4;
	v25 =	vld.idx.msk [tilespmem:v26+s31+$0x0], $0xffff;
	v26 =	vunpack.i.l.bf16.f32 v13;
	[tilespmem:s4+$0x70] =	vst v16;
	v16 =	vmul.f32 v21, v23  }
0x3a4: {  	v11 =	vunpack.i.l.bf16.f32 v11;
	v23 =	vmul.f32 v26, v15;
	v26 =	vld.idx.msk [tilespmem:v28+s31+$0x0], $0xffff;
	[tilespmem:s10+$0x120] =	vst v19  }
0x3a5: {  	v9 =	vmul.f32 v11, v9;
	v13 =	vunpack.i.u.bf16.f32 v13;
	v21 =	vor.u32 $0xE, v3;
	v19 =	vld [tilespmem:s19+$0x40];
	[tilespmem:s10+$0x130] =	vst v16  }
0x3a6: {  	v13 =	vmul.f32 v13, v15;
	v15 =	vunpack.i.l.bf16.f32 v22;
	[tilespmem:s14+$0xFFFFFFA0] =	vst v23;
	v23 =	vld.idx.msk [tilespmem:v24+s31+$0x0], $0xffff  }
0x3a7: {  	[tilespmem:s14+$0x1E0] =	vst v9;
	v22 =	vunpack.i.u.bf16.f32 v22;
	v16 =	vor.u32 $0x4, v12;
	v15 =	vmul.f32 v15, v8;
	v24 =	vld [tilespmem:s9+$0xA0]  }
0x3a8: {  	v20 =	vld.idx.msk [tilespmem:v20+s31+$0x0], $0xffff;
	[tilespmem:s14+$0xFFFFFFB0] =	vst v13;
	v8 =	vmul.f32 v22, v8;
	v22 =	vunpack.i.l.bf16.f32 v18  }
0x3a9: {  	v2 =	vor.u32 $0xF, v2;
	v18 =	vunpack.i.u.bf16.f32 v18;
	[tilespmem:s4+$0xFFFFFE60] =	vst v15;
	v15 =	vmul.f32 v22, v25;
	v22 =	vld [tilespmem:s20+$0xFFFFFFE0]  }
0x3aa: {  	v13 =	vor.u32 $0xA, v7;
	v18 =	vmul.f32 v18, v25;
	[tilespmem:s4+$0xFFFFFE70] =	vst v8;
	v8 =	vld.idx.msk [tilespmem:v21+s31+$0x0], $0xffff;
	v21 =	vunpack.i.l.bf16.f32 v19  }
0x3ab: {  	v25 =	vor.u32 $0x5, v1;
	v11 =	vld [tilespmem:s19+$0xFFFFFF40];
	[tilespmem:s10+$0xFFFFFF20] =	vst v15;
	v15 =	vunpack.i.u.bf16.f32 v19;
	v19 =	vmul.f32 v21, v26  }
0x3ac: {  	[tilespmem:s10+$0xFFFFFF30] =	vst v18;
	v16 =	vld.idx.msk [tilespmem:v16+s31+$0x0], $0xffff;
	v9 =	vmul.f32 v15, v26;
	v15 =	vunpack.i.l.bf16.f32 v24;
	v21 =	vor.u32 $0xB, v10  }
0x3ad: {  	v18 =	vld [tilespmem:s9+$0xFFFFFFA0];
	v26 =	vunpack.i.l.bf16.f32 v17;
	[tilespmem:s4+$0x80] =	vst v19;
	v19 =	vunpack.i.u.bf16.f32 v24;
	v24 =	vmul.f32 v15, v23  }
0x3ae: {  	[tilespmem:s4+$0x90] =	vst v9;
	v15 =	vld.idx.msk [tilespmem:v2+s31+$0x0], $0xffff;
	v2 =	vunpack.i.u.bf16.f32 v17;
	v17 =	vmul.f32 v26, v20  }
0x3af: {  	v13 =	vld.idx.msk [tilespmem:v13+s31+$0x0], $0xffff;
	v9 =	vmul.f32 v19, v23;
	[tilespmem:s10+$0x140] =	vst v24  }
0x3b0: {  	v27 =	vor.u32 $0xF, v3;
	v23 =	vld.idx.msk [tilespmem:v25+s31+$0x0], $0xffff;
	v2 =	vmul.f32 v2, v20;
	v20 =	vunpack.i.l.bf16.f32 v11;
	[tilespmem:s18+$0xFFFFFF80] =	vst v17  }
0x3b1: {  	v19 =	vor.u32 $0xD, v4;
	v11 =	vunpack.i.u.bf16.f32 v11;
	v24 =	vld [tilespmem:s19+$0x50];
	v17 =	vmul.f32 v20, v16;
	[tilespmem:s10+$0x150] =	vst v9  }
0x3b2: {  	v3 =	vunpack.i.l.bf16.f32 v22;
	v11 =	vmul.f32 v11, v16;
	v9 =	vor.u32 $0x5, v12;
	[tilespmem:s18+$0xFFFFFF90] =	vst v2;
	v20 =	vld.idx.msk [tilespmem:v21+s31+$0x0], $0xffff  }
0x3b3: {  	v3 =	vmul.f32 v3, v8;
	v2 =	vunpack.i.l.bf16.f32 v18;
	v21 =	vld [tilespmem:s9+$0xB0];
	[tilespmem:s4+$0xFFFFFE80] =	vst v17  }
0x3b4: {  	s23 =	simm.s32 $0xB0;
	v26 =	vunpack.i.u.bf16.f32 v6;
	v18 =	vunpack.i.u.bf16.f32 v18;
	v25 =	vmul.f32 v2, v13;
	v16 =	vld [tilespmem:s17+$0xFFFFFFD0];
	[tilespmem:s4+$0xFFFFFE90] =	vst v11  }
0x3b5: {  	[tilespmem:s14+$0xFFFFFFC0] =	vst v3;
	v13 =	vmul.f32 v18, v13;
	v2 =	vmov s23;
	v11 =	vmul.f32 v26, v5;
	v26 =	vld [tilespmem:s19+$0xFFFFFF50]  }
0x3b6: {  	v17 =	vld.idx.msk [tilespmem:v19+s31+$0x0], $0xffff;
	[tilespmem:s10+$0xFFFFFF40] =	vst v25;
	v18 =	vunpack.i.l.bf16.f32 v24  }
0x3b7: {  	v28 =	vor.u32 $0x6, v1;
	[tilespmem:s10+$0xFFFFFF50] =	vst v13;
	v19 =	vunpack.i.u.bf16.f32 v24;
	v9 =	vld.idx.msk [tilespmem:v9+s31+$0x0], $0xffff;
	v24 =	vmul.f32 v18, v23  }
0x3b8: {  	[tilespmem:s18+$0x1F0] =	vst v11;
	v25 =	vld [tilespmem:s1+$0x0];
	v11 =	vmul.f32 v19, v23;
	v13 =	vunpack.i.l.bf16.f32 v21  }
0x3b9: {  	s28 =	simm.s32 $0xA0;
	v18 =	vld [tilespmem:s9+$0xFFFFFFB0];
	v23 =	vor.u32 $0xC, v10;
	v19 =	vunpack.i.u.bf16.f32 v21;
	[tilespmem:s4+$0xA0] =	vst v24;
	v13 =	vmul.f32 v13, v20  }
0x3ba: {  	v21 =	vld.idx.msk [tilespmem:v2+s31+$0x0], $0xffff;
	[tilespmem:s4+$0xB0] =	vst v11;
	v11 =	vmul.f32 v19, v20;
	v20 =	vunpack.i.u.bf16.f32 v22;
	v19 =	vmov s28  }
0x3bb: {  	v6 =	vunpack.i.l.bf16.f32 v6;
	v8 =	vmul.f32 v20, v8;
	v24 =	vld [tilespmem:s19+$0x60];
	[tilespmem:s10+$0x160] =	vst v13;
	v13 =	vunpack.i.l.bf16.f32 v26  }
0x3bc: {  	v3 =	vunpack.i.u.bf16.f32 v26;
	v22 =	vld.idx.msk [tilespmem:v28+s31+$0x0], $0xffff;
	[tilespmem:s10+$0x170] =	vst v11;
	v11 =	vor.u32 $0x6, v12;
	v13 =	vmul.f32 v13, v9  }
0x3bd: {  	v5 =	vmul.f32 v6, v5;
	v26 =	vor.u32 $0xB, v7;
	[tilespmem:s14+$0xFFFFFFD0] =	vst v8;
	v8 =	vmul.f32 v3, v9;
	v9 =	vld [tilespmem:s9+$0xC0]  }
0x3be: {  	v30 =	vor.u32 $0x1, v2;
	v28 =	vor.u32 $0xE, v4;
	v6 =	vunpack.i.l.bf16.f32 v25;
	v23 =	vld.idx.msk [tilespmem:v23+s31+$0x0], $0xffff;
	[tilespmem:s4+$0xFFFFFEA0] =	vst v13  }
0x3bf: {  	v3 =	vor.u32 $0xF, v4;
	v4 =	vunpack.i.u.bf16.f32 v25;
	v6 =	vmul.f32 v6, v21;
	v13 =	vld.idx.msk [tilespmem:v19+s31+$0x0], $0xffff;
	[tilespmem:s4+$0xFFFFFEB0] =	vst v8  }
0x3c0: {  	s23 =	simm.s32 $0x11600;
	[tilespmem:s18+$0x1E0] =	vst v5;
	v4 =	vmul.f32 v4, v21;
	v21 =	vor.u32 $0x7, v1;
	v5 =	vld [tilespmem:s19+$0xFFFFFF60];
	v8 =	vunpack.i.l.bf16.f32 v24  }
0x3c1: {  	v20 =	vor.u32 $0xC, v7;
	[tilespmem:s23+$0x0] =	vst v6;
	v6 =	vunpack.i.u.bf16.f32 v24;
	v11 =	vld.idx.msk [tilespmem:v11+s31+$0x0], $0xffff;
	v24 =	vmul.f32 v8, v22  }
0x3c2: {  	v25 =	vor.u32 $0xD, v10;
	[tilespmem:s23+$0x10] =	vst v4;
	v4 =	vmul.f32 v6, v22;
	v22 =	vld.idx.msk [tilespmem:v26+s31+$0x0], $0xffff;
	v6 =	vunpack.i.l.bf16.f32 v9  }
0x3c3: {  	v8 =	vor.u32 $0xD, v7;
	v26 =	vld.idx.msk [tilespmem:v30+s31+$0x0], $0xffff;
	v9 =	vunpack.i.u.bf16.f32 v9;
	[tilespmem:s4+$0xC0] =	vst v24;
	v24 =	vmul.f32 v6, v23  }
0x3c4: {  	v30 =	vunpack.i.l.bf16.f32 v29;
	v31 =	vld [tilespmem:s1+$0x10];
	v29 =	vunpack.i.u.bf16.f32 v29;
	[tilespmem:s4+$0xD0] =	vst v4;
	v9 =	vmul.f32 v9, v23  }
0x3c5: {  	v6 =	vor.u32 $0xE, v7;
	v23 =	vor.u32 $0x1, v19;
	v30 =	vmul.f32 v30, v13;
	v21 =	vld.idx.msk [tilespmem:v21+s31+$0x0], $0xffff;
	[tilespmem:s10+$0x180] =	vst v24  }
0x3c6: {  	v4 =	vor.u32 $0xF, v7;
	v7 =	vmul.f32 v29, v13;
	v13 =	vunpack.i.l.bf16.f32 v5;
	v24 =	vld [tilespmem:s19+$0x70];
	[tilespmem:s10+$0x190] =	vst v9  }
0x3c7: {  	v9 =	vor.u32 $0x7, v12;
	v5 =	vunpack.i.u.bf16.f32 v5;
	[tilespmem:s23+$0xFFFFFE00] =	vst v30;
	v13 =	vmul.f32 v13, v11;
	v25 =	vld.idx.msk [tilespmem:v25+s31+$0x0], $0xffff  }
0x3c8: {  	v60 =	vor.u32 $0x8, v12;
	v29 =	vunpack.i.l.bf16.f32 v18;
	v5 =	vmul.f32 v5, v11;
	[tilespmem:s23+$0xFFFFFE10] =	vst v7;
	v7 =	vld [tilespmem:s9+$0xD0]  }
0x3c9: {  	v62 =	vor.u32 $0x2, v2;
	v11 =	vmul.f32 v29, v22;
	v29 =	vunpack.i.l.bf16.f32 v31;
	v61 =	vld [tilespmem:s1+$0xFFFFFF10];
	[tilespmem:s4+$0xFFFFFEC0] =	vst v13  }
0x3ca: {  	v63 =	vor.u32 $0x9, v12;
	v30 =	vmul.f32 v29, v26;
	v23 =	vld.idx.msk [tilespmem:v23+s31+$0x0], $0xffff;
	v13 =	vunpack.i.u.bf16.f32 v31;
	[tilespmem:s4+$0xFFFFFED0] =	vst v5  }
0x3cb: {  	v31 =	vor.u32 $0x8, v1;
	[tilespmem:s10+$0xFFFFFF60] =	vst v11;
	v5 =	vmul.f32 v13, v26;
	v26 =	vld [tilespmem:s19+$0xFFFFFF70];
	v13 =	vunpack.i.l.bf16.f32 v24  }
0x3cc: {  	v29 =	vor.u32 $0xA, v12;
	[tilespmem:s23+$0x20] =	vst v30;
	v44 =	vld.idx.msk [tilespmem:v9+s31+$0x0], $0xffff;
	v9 =	vunpack.i.u.bf16.f32 v24;
	v11 =	vmul.f32 v13, v21  }
0x3cd: {  	v30 =	vld [tilespmem:s20+$0xFFFFFFF0];
	[tilespmem:s23+$0x30] =	vst v5;
	v5 =	vmul.f32 v9, v21;
	v9 =	vunpack.i.l.bf16.f32 v7;
	v21 =	vor.u32 $0xE, v10  }
0x3ce: {  	v13 =	vor.u32 $0xB, v12;
	v7 =	vunpack.i.u.bf16.f32 v7;
	v24 =	vld.idx.msk [tilespmem:v62+s31+$0x0], $0xffff;
	v9 =	vmul.f32 v9, v25;
	[tilespmem:s4+$0xE0] =	vst v11  }
0x3cf: {  	v45 =	vunpack.i.l.bf16.f32 v61;
	v46 =	vld [tilespmem:s1+$0x20];
	v11 =	vor.u32 $0xC, v12;
	[tilespmem:s4+$0xF0] =	vst v5;
	v5 =	vmul.f32 v7, v25  }
0x3d0: {  	v25 =	vor.u32 $0x2, v19;
	v7 =	vunpack.i.u.bf16.f32 v61;
	v47 =	vmul.f32 v45, v23;
	v31 =	vld.idx.msk [tilespmem:v31+s31+$0x0], $0xffff;
	[tilespmem:s10+$0x1A0] =	vst v9  }
0x3d1: {  	v9 =	vor.u32 $0xD, v12;
	v23 =	vmul.f32 v7, v23;
	v48 =	vunpack.i.l.bf16.f32 v26;
	v49 =	vld [tilespmem:s19+$0x80];
	[tilespmem:s10+$0x1B0] =	vst v5  }
0x3d2: {  	v7 =	vor.u32 $0xE, v12;
	v26 =	vunpack.i.u.bf16.f32 v26;
	[tilespmem:s23+$0xFFFFFE20] =	vst v47;
	v50 =	vmul.f32 v48, v44;
	v21 =	vld.idx.msk [tilespmem:v21+s31+$0x0], $0xffff  }
0x3d3: {  	v5 =	vor.u32 $0xF, v12;
	v12 =	vunpack.i.u.bf16.f32 v18;
	v18 =	vmul.f32 v26, v44;
	[tilespmem:s23+$0xFFFFFE30] =	vst v23;
	v23 =	vld [tilespmem:s9+$0xE0]  }
0x3d4: {  	v52 =	vunpack.i.u.bf16.f32 v14;
	v12 =	vmul.f32 v12, v22;
	v22 =	vld [tilespmem:s1+$0xFFFFFF20];
	v26 =	vunpack.i.l.bf16.f32 v46;
	[tilespmem:s4+$0xFFFFFEE0] =	vst v50  }
0x3d5: {  	v51 =	vor.u32 $0x3, v2;
	[tilespmem:s4+$0xFFFFFEF0] =	vst v18;
	v53 =	vld.idx.msk [tilespmem:v25+s31+$0x0], $0xffff;
	v25 =	vunpack.i.u.bf16.f32 v46;
	v26 =	vmul.f32 v26, v24  }
0x3d6: {  	v55 =	vunpack.i.l.bf16.f32 v14;
	v54 =	vld [tilespmem:s19+$0xFFFFFF80];
	[tilespmem:s10+$0xFFFFFF70] =	vst v12;
	v18 =	vmul.f32 v25, v24;
	v24 =	vunpack.i.l.bf16.f32 v49  }
0x3d7: {  	v56 =	vor.u32 $0x3, v19;
	v12 =	vld.idx.msk [tilespmem:v60+s31+$0x0], $0xffff;
	v14 =	vunpack.i.u.bf16.f32 v49;
	[tilespmem:s23+$0x40] =	vst v26;
	v24 =	vmul.f32 v24, v31  }
0x3d8: {  	v25 =	vor.u32 $0x9, v1;
	v62 =	vld.idx.msk [tilespmem:v20+s31+$0x0], $0xffff;
	v14 =	vmul.f32 v14, v31;
	[tilespmem:s23+$0x50] =	vst v18;
	v18 =	vunpack.i.l.bf16.f32 v23  }
0x3d9: {  	v10 =	vor.u32 $0xF, v10;
	v31 =	vld [tilespmem:s9+$0xFFFFFFC0];
	v23 =	vunpack.i.u.bf16.f32 v23;
	[tilespmem:s4+$0x100] =	vst v24;
	v18 =	vmul.f32 v18, v21  }
0x3da: {  	v57 =	vor.u32 $0x4, v19;
	v34 =	vld.idx.msk [tilespmem:v51+s31+$0x0], $0xffff;
	v24 =	vunpack.i.l.bf16.f32 v22;
	[tilespmem:s4+$0x110] =	vst v14;
	v14 =	vmul.f32 v23, v21  }
0x3db: {  	v44 =	vor.u32 $0x4, v2;
	v40 =	vld [tilespmem:s1+$0x30];
	v21 =	vunpack.i.u.bf16.f32 v22;
	v22 =	vmul.f32 v24, v53;
	[tilespmem:s10+$0x1C0] =	vst v18  }
0x3dc: {  	v60 =	vor.u32 $0xA, v1;
	v58 =	vld [tilespmem:s19+$0x90];
	v18 =	vmul.f32 v21, v53;
	v21 =	vunpack.i.l.bf16.f32 v54;
	[tilespmem:s10+$0x1D0] =	vst v14  }
0x3dd: {  	v20 =	vunpack.i.u.bf16.f32 v16;
	v41 =	vld.idx.msk [tilespmem:v25+s31+$0x0], $0xffff;
	v14 =	vunpack.i.u.bf16.f32 v54;
	[tilespmem:s23+$0xFFFFFE40] =	vst v22;
	v21 =	vmul.f32 v21, v12  }
0x3de: {  	v26 =	vor.u32 $0x5, v19;
	v37 =	vld.idx.msk [tilespmem:v10+s31+$0x0], $0xffff;
	v10 =	vunpack.i.l.bf16.f32 v16;
	v12 =	vmul.f32 v14, v12;
	[tilespmem:s23+$0xFFFFFE50] =	vst v18  }
0x3df: {  	v23 =	vor.u32 $0x8, v19;
	v24 =	vor.u32 $0x7, v19;
	v42 =	vld [tilespmem:s9+$0xF0];
	v10 =	vmul.f32 v10, v17;
	[tilespmem:s4+$0xFFFFFF00] =	vst v21  }
0x3e0: {  	v25 =	vor.u32 $0x6, v19;
	v17 =	vmul.f32 v20, v17;
	v43 =	vld [tilespmem:s1+$0xFFFFFF30];
	v14 =	vunpack.i.l.bf16.f32 v40;
	[tilespmem:s4+$0xFFFFFF10] =	vst v12  }
0x3e1: {  	v22 =	vor.u32 $0x9, v19;
	v32 =	vld.idx.msk [tilespmem:v56+s31+$0x0], $0xffff;
	v18 =	vunpack.i.u.bf16.f32 v40;
	v14 =	vmul.f32 v14, v34;
	[tilespmem:s18+$0xFFFFFFA0] =	vst v10  }
0x3e2: {  	v16 =	vor.u32 $0xD, v19;
	v12 =	vmul.f32 v18, v34;
	v59 =	vld [tilespmem:s19+$0xFFFFFF90];
	v18 =	vunpack.i.l.bf16.f32 v58;
	[tilespmem:s18+$0xFFFFFFB0] =	vst v17  }
0x3e3: {  	v21 =	vor.u32 $0xA, v19;
	v35 =	vld.idx.msk [tilespmem:v63+s31+$0x0], $0xffff;
	v10 =	vunpack.i.u.bf16.f32 v58;
	v61 =	vmul.f32 v18, v41;
	[tilespmem:s23+$0x60] =	vst v14  }
0x3e4: {  	v18 =	vor.u32 $0xB, v19;
	v10 =	vmul.f32 v10, v41;
	v50 =	vld [tilespmem:s17+$0xFFFFFFE0];
	[tilespmem:s23+$0x70] =	vst v12;
	v12 =	vunpack.i.u.bf16.f32 v42  }
0x3e5: {  	v14 =	vor.u32 $0xC, v19;
	[tilespmem:s4+$0x120] =	vst v61;
	v63 =	vmul.f32 v12, v37;
	v45 =	vld [tilespmem:s1+$0x40];
	v20 =	vunpack.i.l.bf16.f32 v43  }
0x3e6: {  	v44 =	vld.idx.msk [tilespmem:v44+s31+$0x0], $0xffff;
	[tilespmem:s4+$0x130] =	vst v10;
	v12 =	vor.u32 $0xE, v19;
	v43 =	vunpack.i.u.bf16.f32 v43;
	v46 =	vmul.f32 v20, v32  }
0x3e7: {  	v10 =	vor.u32 $0xF, v19;
	v48 =	vld [tilespmem:s19+$0xA0];
	[tilespmem:s10+$0x1F0] =	vst v63;
	v32 =	vmul.f32 v43, v32;
	v19 =	vunpack.i.l.bf16.f32 v59  }
0x3e8: {  	v40 =	vld.idx.msk [tilespmem:v60+s31+$0x0], $0xffff;
	v20 =	vmul.f32 v55, v15;
	v17 =	vunpack.i.u.bf16.f32 v59;
	v49 =	vmul.f32 v19, v35;
	[tilespmem:s23+$0xFFFFFE60] =	vst v46  }
0x3e9: {  	v51 =	vld.idx.msk [tilespmem:v28+s31+$0x0], $0xffff;
	v19 =	vmul.f32 v52, v15;
	v15 =	vunpack.i.l.bf16.f32 v31;
	v17 =	vmul.f32 v17, v35;
	[tilespmem:s23+$0xFFFFFE70] =	vst v32  }
0x3ea: {  	v54 =	vor.u32 $0x5, v2;
	v28 =	vmul.f32 v15, v62;
	v52 =	vld [tilespmem:s1+$0xFFFFFF40];
	v53 =	vunpack.i.l.bf16.f32 v45;
	[tilespmem:s4+$0xFFFFFF20] =	vst v49  }
0x3eb: {  	v58 =	vor.u32 $0xB, v1;
	v46 =	vld.idx.msk [tilespmem:v57+s31+$0x0], $0xffff;
	v55 =	vunpack.i.u.bf16.f32 v45;
	[tilespmem:s4+$0xFFFFFF30] =	vst v17;
	v35 =	vmul.f32 v53, v44  }
0x3ec: {  	v15 =	vunpack.i.u.bf16.f32 v30;
	v34 =	vmul.f32 v55, v44;
	v56 =	vld [tilespmem:s19+$0xFFFFFFA0];
	v57 =	vunpack.i.l.bf16.f32 v48;
	[tilespmem:s10+$0xFFFFFF80] =	vst v28  }
0x3ed: {  	v17 =	vunpack.i.l.bf16.f32 v30;
	v28 =	vld.idx.msk [tilespmem:v29+s31+$0x0], $0xffff;
	v29 =	vunpack.i.u.bf16.f32 v48;
	v30 =	vmul.f32 v57, v40;
	[tilespmem:s23+$0x80] =	vst v35  }
0x3ee: {  	v27 =	vld.idx.msk [tilespmem:v27+s31+$0x0], $0xffff;
	v59 =	vunpack.i.l.bf16.f32 v42;
	v31 =	vunpack.i.u.bf16.f32 v31;
	v60 =	vmul.f32 v29, v40;
	[tilespmem:s23+$0x90] =	vst v34  }
0x3ef: {  	v61 =	vunpack.i.l.bf16.f32 v50;
	v31 =	vmul.f32 v31, v62;
	v29 =	vmul.f32 v59, v37;
	v37 =	vld.idx.msk [tilespmem:v54+s31+$0x0], $0xffff;
	[tilespmem:s4+$0x140] =	vst v30  }
0x3f0: {  	v63 =	vmul.f32 v61, v51;
	v30 =	vunpack.i.u.bf16.f32 v50;
	v38 =	vld [tilespmem:s1+$0x50];
	[tilespmem:s4+$0x150] =	vst v60;
	v62 =	vunpack.i.l.bf16.f32 v52  }
0x3f1: {  	s2 =	simm.s32 $0xA;
	[tilespmem:s10+$0xFFFFFF90] =	vst v31;
	v33 =	vunpack.i.u.bf16.f32 v52;
	v30 =	vmul.f32 v30, v51;
	v32 =	vld.idx.msk [tilespmem:v58+s31+$0x0], $0xffff;
	v34 =	vmul.f32 v62, v46  }
0x3f2: {  	s3 =	simm.s32 $0xC0;
	s22 =	simm.s32 $0xEB00;
	s20 =	simm.s32 $0x11600;
	[tilespmem:s18+$0xFFFFFFC0] =	vst v63;
	v35 =	vld [tilespmem:s19+$0xB0];
	v39 =	vmul.f32 v33, v46;
	v31 =	vunpack.i.u.bf16.f32 v56;
	v33 =	vunpack.i.l.bf16.f32 v56  }
.LBB2_7:
0x3f3: {  	v41 =	vmov s3;
	s15 =	sadd.s32 $0x10, s3;
	[tilespmem:s23+$0xFFFFFE80] =	vst v34;
	v33 =	vmul.f32 v33, v28;
	v42 =	vmul.f32 v31, v28;
	v43 =	vld [tilespmem:s9+$0xFFFFFFD0]  }
0x3f4: {  	v40 =	vor.u32 $0x1, v41;
	v36 =	vor.u32 $0x2, v41;
	v34 =	vmov s15;
	[tilespmem:s23+$0xFFFFFE90] =	vst v39;
	v44 =	vld.idx.msk [tilespmem:v8+s31+$0x0], $0xffff;
	v8 =	vmovc v9;
	v9 =	vmovc v16  }
0x3f5: {  	v45 =	vor.u32 $0x6, v2;
	v31 =	vor.u32 $0x3, v41;
	v16 =	vld [tilespmem:s1+$0xFFFFFF50];
	v39 =	vunpack.i.l.bf16.f32 v38;
	[tilespmem:s4+$0xFFFFFF40] =	vst v33  }
0x3f6: {  	v28 =	vor.u32 $0x4, v41;
	v46 =	vld.idx.msk [tilespmem:v26+s31+$0x0], $0xffff;
	v26 =	vunpack.i.u.bf16.f32 v38;
	v33 =	vmul.f32 v39, v37;
	[tilespmem:s4+$0xFFFFFF50] =	vst v42  }
0x3f7: {  	s1 =	sadd.s32 $0x200, s1;
	v42 =	vor.u32 $0xC, v1;
	v37 =	vmul.f32 v26, v37;
	v38 =	vld [tilespmem:s19+$0xFFFFFFB0];
	v39 =	vunpack.i.l.bf16.f32 v35;
	[tilespmem:s18+$0xFFFFFFD0] =	vst v30  }
0x3f8: {  	v26 =	vor.u32 $0x5, v41;
	v30 =	vunpack.i.u.bf16.f32 v35;
	v47 =	vld [tilespmem:s1+$0x0];
	[tilespmem:s23+$0xA0] =	vst v33;
	v33 =	vmul.f32 v39, v32  }
0x3f9: {  	v48 =	vor.u32 $0x7, v41;
	v35 =	vor.u32 $0x6, v41;
	v32 =	vmul.f32 v30, v32;
	v49 =	vld.idx.msk [tilespmem:v34+s31+$0x0], $0xffff;
	[tilespmem:s23+$0xB0] =	vst v37  }
0x3fa: {  	v39 =	vor.u32 $0x8, v41;
	v37 =	vunpack.i.u.bf16.f32 v16;
	v16 =	vunpack.i.l.bf16.f32 v16;
	v45 =	vld.idx.msk [tilespmem:v45+s31+$0x0], $0xffff;
	[tilespmem:s4+$0x160] =	vst v33  }
0x3fb: {  	v50 =	vor.u32 $0xB, v41;
	v30 =	vor.u32 $0xA, v41;
	v33 =	vor.u32 $0x9, v41;
	v51 =	vld [tilespmem:s22+$0x60];
	[tilespmem:s4+$0x170] =	vst v32  }
0x3fc: {  	v32 =	vmul.f32 v16, v46;
	v37 =	vmul.f32 v37, v46;
	v46 =	vunpack.i.u.bf16.f32 v38;
	v42 =	vld.idx.msk [tilespmem:v42+s31+$0x0], $0xffff;
	[tilespmem:s10+$0x1E0] =	vst v29  }
0x3fd: {  	v16 =	vor.u32 $0xD, v41;
	v29 =	vor.u32 $0xC, v41;
	v52 =	vunpack.i.l.bf16.f32 v38;
	v53 =	vld [tilespmem:s19+$0xC0];
	[tilespmem:s13+$0xFFFFFFE0] =	vst v20  }
0x3fe: {  	v54 =	vor.u32 $0x1, v34;
	v38 =	vunpack.i.l.bf16.f32 v47;
	v20 =	vld [tilespmem:s1+$0xFFFFFF00];
	[tilespmem:s23+$0xFFFFFEA0] =	vst v32;
	v32 =	vunpack.i.u.bf16.f32 v43  }
0x3ff: {  	v47 =	vunpack.i.u.bf16.f32 v47;
	v38 =	vmul.f32 v38, v49;
	v55 =	vld.idx.msk [tilespmem:v41+s31+$0x0], $0xffff;
	[tilespmem:s23+$0xFFFFFEB0] =	vst v37;
	v37 =	vunpack.i.l.bf16.f32 v43  }
0x400: {  	v56 =	vor.u32 $0x7, v2;
	v43 =	vmul.f32 v47, v49;
	s23 =	sadd.s32 $0x400, s23;
	v47 =	vld [tilespmem:s22+$0xFFFFFF60];
	v49 =	vunpack.i.l.bf16.f32 v51;
	[tilespmem:s13+$0xFFFFFFF0] =	vst v19;
	s13 =	smov.u32 s14;
	s14 =	smov.u32 s18  }
0x401: {  	v51 =	vunpack.i.u.bf16.f32 v51;
	s18 =	smov.u32 s10;
	s10 =	smov.u32 s4;
	s4 =	smov.u32 s20;
	[tilespmem:s23+$0x0] =	vst v38;
	v19 =	vld.idx.msk [tilespmem:v25+s31+$0x0], $0xffff;
	v49 =	vmul.f32 v49, v45;
	v38 =	vmul.f32 v37, v44  }
0x402: {  	s20 =	smov.u32 s23;
	v37 =	vmul.f32 v51, v45;
	v45 =	vor.u32 $0xD, v1;
	v25 =	vmovc v35;
	[tilespmem:s23+$0x10] =	vst v43;
	v43 =	vld.idx.msk [tilespmem:v13+s31+$0x0], $0xffff;
	v57 =	vunpack.i.l.bf16.f32 v53  }
0x403: {  	v13 =	vmovc v18;
	v35 =	vunpack.i.u.bf16.f32 v20;
	v51 =	vld.idx.msk [tilespmem:v54+s31+$0x0], $0xffff;
	[tilespmem:s4+$0xC0] =	vst v49;
	v49 =	vunpack.i.u.bf16.f32 v53;
	v53 =	vmul.f32 v57, v42  }
0x404: {  	v18 =	vmovc v50;
	v20 =	vunpack.i.l.bf16.f32 v20;
	v54 =	vld [tilespmem:s1+$0x10];
	[tilespmem:s4+$0xD0] =	vst v37;
	v42 =	vmul.f32 v49, v42;
	v37 =	vmul.f32 v32, v44  }
0x405: {  	v20 =	vmul.f32 v20, v55;
	v44 =	vmul.f32 v35, v55;
	v49 =	vunpack.i.u.bf16.f32 v47;
	v50 =	vld.idx.msk [tilespmem:v56+s31+$0x0], $0xffff;
	[tilespmem:s10+$0x180] =	vst v53  }
0x406: {  	v35 =	vor.u32 $0xE, v41;
	v32 =	vor.u32 $0xF, v41;
	v41 =	vunpack.i.l.bf16.f32 v47;
	v47 =	vld [tilespmem:s22+$0x70];
	[tilespmem:s10+$0x190] =	vst v42  }
0x407: {  	[tilespmem:s23+$0xFFFFFE00] =	vst v20;
	v20 =	vmul.f32 v41, v19;
	v19 =	vmul.f32 v49, v19;
	v41 =	vld.idx.msk [tilespmem:v45+s31+$0x0], $0xffff  }
0x408: {  	v42 =	vmul.f32 v52, v43;
	v43 =	vmul.f32 v46, v43;
	[tilespmem:s23+$0xFFFFFE10] =	vst v44;
	v44 =	vld [tilespmem:s19+$0xD0]  }
0x409: {  	v49 =	vor.u32 $0x2, v34;
	v45 =	vld [tilespmem:s1+$0xFFFFFF10];
	v46 =	vunpack.i.l.bf16.f32 v54;
	[tilespmem:s4+$0xFFFFFEC0] =	vst v20;
	v20 =	vmul.f32 v17, v27  }
0x40a: {  	v17 =	vld.idx.msk [tilespmem:v40+s31+$0x0], $0xffff;
	v40 =	vunpack.i.u.bf16.f32 v54;
	v46 =	vmul.f32 v46, v51;
	[tilespmem:s4+$0xFFFFFED0] =	vst v19;
	v19 =	vmul.f32 v15, v27  }
0x40b: {  	v15 =	vmul.f32 v40, v51;
	v27 =	vld [tilespmem:s22+$0xFFFFFF70];
	v40 =	vunpack.i.l.bf16.f32 v47;
	v51 =	vor.u32 $0x8, v2;
	[tilespmem:s10+$0xFFFFFF60] =	vst v42  }
0x40c: {  	[tilespmem:s23+$0x20] =	vst v46;
	v42 =	vld.idx.msk [tilespmem:v24+s31+$0x0], $0xffff;
	v46 =	vunpack.i.u.bf16.f32 v47;
	v40 =	vmul.f32 v40, v50;
	v24 =	vmov v48  }
0x40d: {  	v47 =	vor.u32 $0xE, v1;
	[tilespmem:s23+$0x30] =	vst v15;
	v15 =	vmul.f32 v46, v50;
	v46 =	vunpack.i.l.bf16.f32 v44;
	v48 =	vld [tilespmem:s17+$0xFFFFFFF0];
	s17 =	smov.u32 s9;
	s9 =	smov.u32 s19;
	s19 =	smov.u32 s22  }
0x40e: {  	s22 =	smov.u32 s1;
	v50 =	vunpack.i.u.bf16.f32 v45;
	v49 =	vld.idx.msk [tilespmem:v49+s31+$0x0], $0xffff;
	[tilespmem:s4+$0xE0] =	vst v40;
	v40 =	vunpack.i.u.bf16.f32 v44;
	v44 =	vmul.f32 v46, v41  }
0x40f: {  	v45 =	vunpack.i.l.bf16.f32 v45;
	v46 =	vld [tilespmem:s1+$0x20];
	[tilespmem:s4+$0xF0] =	vst v15;
	v15 =	vmul.f32 v40, v41  }
0x410: {  	v40 =	vmul.f32 v45, v17;
	v17 =	vmul.f32 v50, v17;
	v41 =	vunpack.i.u.bf16.f32 v27;
	v45 =	vld.idx.msk [tilespmem:v51+s31+$0x0], $0xffff;
	[tilespmem:s10+$0x1A0] =	vst v44  }
0x411: {  	s2 =	sadd.s32 $0x2, s2;
	v27 =	vunpack.i.l.bf16.f32 v27;
	v44 =	vld [tilespmem:s19+$0x80];
	[tilespmem:s10+$0x1B0] =	vst v15  }
0x412: {  	p1 =	slt.u32 s2, $0x1E;
	v27 =	vmul.f32 v27, v42;
	[tilespmem:s23+$0xFFFFFE20] =	vst v40;
	v40 =	vmul.f32 v41, v42;
	v41 =	vld.idx.msk [tilespmem:v47+s31+$0x0], $0xffff;
	v15 =	vunpack.i.u.bf16.f32 v48  }
0x413: {  	[tilespmem:s23+$0xFFFFFE30] =	vst v17;
	v42 =	vld [tilespmem:s9+$0xE0];
	v17 =	vunpack.i.l.bf16.f32 v48  }
0x414: {  	v50 =	vor.u32 $0x3, v34;
	v47 =	vld [tilespmem:s1+$0xFFFFFF20];
	v48 =	vunpack.i.l.bf16.f32 v46;
	[tilespmem:s4+$0xFFFFFEE0] =	vst v27  }
0x415: {  	v27 =	vld.idx.msk [tilespmem:v36+s31+$0x0], $0xffff;
	v36 =	vunpack.i.u.bf16.f32 v46;
	v46 =	vmul.f32 v48, v49;
	[tilespmem:s4+$0xFFFFFEF0] =	vst v40  }
0x416: {  	v36 =	vmul.f32 v36, v49;
	v40 =	vld [tilespmem:s19+$0xFFFFFF80];
	v48 =	vunpack.i.l.bf16.f32 v44;
	v49 =	vor.u32 $0x9, v2;
	[tilespmem:s10+$0xFFFFFF70] =	vst v43  }
0x417: {  	v44 =	vunpack.i.u.bf16.f32 v44;
	[tilespmem:s23+$0x40] =	vst v46;
	v43 =	vld.idx.msk [tilespmem:v23+s31+$0x0], $0xffff;
	v46 =	vmul.f32 v48, v45;
	v23 =	vmov v39  }
0x418: {  	[tilespmem:s23+$0x50] =	vst v36;
	v36 =	vmul.f32 v44, v45;
	v39 =	vld [tilespmem:s9+$0xFFFFFFC0];
	v44 =	vunpack.i.l.bf16.f32 v42;
	v45 =	vor.u32 $0xF, v1;
	v1 =	vmovc v2;
	v2 =	vmovc v34  }
0x419: {  	v42 =	vunpack.i.u.bf16.f32 v42;
	v34 =	vunpack.i.u.bf16.f32 v47;
	v48 =	vld.idx.msk [tilespmem:v50+s31+$0x0], $0xffff;
	[tilespmem:s4+$0x100] =	vst v46;
	v44 =	vmul.f32 v44, v41  }
0x41a: {  	v46 =	vunpack.i.l.bf16.f32 v47;
	v47 =	vld [tilespmem:s1+$0x30];
	[tilespmem:s4+$0x110] =	vst v36;
	v36 =	vmul.f32 v42, v41  }
0x41b: {  	v41 =	vmul.f32 v46, v27;
	v27 =	vmul.f32 v34, v27;
	v34 =	vunpack.i.u.bf16.f32 v40;
	v42 =	vld.idx.msk [tilespmem:v49+s31+$0x0], $0xffff;
	[tilespmem:s10+$0x1C0] =	vst v44  }
0x41c: {  	v40 =	vunpack.i.l.bf16.f32 v40;
	v44 =	vld [tilespmem:s19+$0x90];
	[tilespmem:s10+$0x1D0] =	vst v36  }
0x41d: {  	v36 =	vmul.f32 v40, v43;
	v34 =	vmul.f32 v34, v43;
	[tilespmem:s23+$0xFFFFFE40] =	vst v41;
	v40 =	vunpack.i.u.bf16.f32 v39;
	v41 =	vld.idx.msk [tilespmem:v45+s31+$0x0], $0xffff  }
0x41e: {  	[tilespmem:s23+$0xFFFFFE50] =	vst v27;
	v27 =	vunpack.i.l.bf16.f32 v39;
	v39 =	vld [tilespmem:s9+$0xF0]  }
0x41f: {  	v46 =	vor.u32 $0x4, v2;
	v43 =	vld [tilespmem:s1+$0xFFFFFF30];
	v45 =	vunpack.i.l.bf16.f32 v47;
	[tilespmem:s4+$0xFFFFFF00] =	vst v36  }
0x420: {  	v36 =	vunpack.i.u.bf16.f32 v47;
	v31 =	vld.idx.msk [tilespmem:v31+s31+$0x0], $0xffff;
	v45 =	vmul.f32 v45, v48;
	[tilespmem:s4+$0xFFFFFF10] =	vst v34  }
0x421: {  	v34 =	vmul.f32 v36, v48;
	v48 =	vor.u32 $0xA, v1;
	v36 =	vld [tilespmem:s19+$0xFFFFFF90];
	v47 =	vunpack.i.l.bf16.f32 v44;
	[tilespmem:s18+$0xFFFFFFA0] =	vst v38  }
0x422: {  	v44 =	vunpack.i.u.bf16.f32 v44;
	[tilespmem:s23+$0x60] =	vst v45;
	v38 =	vld.idx.msk [tilespmem:v22+s31+$0x0], $0xffff;
	v45 =	vmul.f32 v47, v42;
	v22 =	vmov v33  }
0x423: {  	v33 =	vmul.f32 v44, v42;
	[tilespmem:s23+$0x70] =	vst v34;
	v34 =	vld.idx.msk [tilespmem:v11+s31+$0x0], $0xffff;
	v42 =	vunpack.i.u.bf16.f32 v39;
	v39 =	vunpack.i.l.bf16.f32 v39;
	v11 =	vmovc v14  }
0x424: {  	v14 =	vmovc v29;
	v44 =	vunpack.i.u.bf16.f32 v43;
	v43 =	vunpack.i.l.bf16.f32 v43;
	v46 =	vld.idx.msk [tilespmem:v46+s31+$0x0], $0xffff;
	[tilespmem:s4+$0x120] =	vst v45;
	v42 =	vmul.f32 v42, v41  }
0x425: {  	v29 =	vmul.f32 v39, v41;
	v45 =	vld [tilespmem:s1+$0x40];
	[tilespmem:s4+$0x130] =	vst v33  }
0x426: {  	v33 =	vmul.f32 v43, v31;
	v31 =	vmul.f32 v44, v31;
	v39 =	vunpack.i.u.bf16.f32 v36;
	v41 =	vld.idx.msk [tilespmem:v48+s31+$0x0], $0xffff;
	[tilespmem:s10+$0x1F0] =	vst v42  }
0x427: {  	v36 =	vunpack.i.l.bf16.f32 v36;
	v42 =	vld [tilespmem:s19+$0xA0];
	[tilespmem:s18+$0xFFFFFFB0] =	vst v37  }
0x428: {  	[tilespmem:s23+$0xFFFFFE60] =	vst v33;
	v33 =	vmul.f32 v36, v38;
	v36 =	vmul.f32 v39, v38;
	v37 =	vld [tilespmem:s17+$0xFFFFFFE0]  }
0x429: {  	v27 =	vmul.f32 v27, v34;
	v40 =	vmul.f32 v40, v34;
	[tilespmem:s23+$0xFFFFFE70] =	vst v31;
	v31 =	vld.idx.msk [tilespmem:v6+s31+$0x0], $0xffff;
	v6 =	vmov v7  }
0x42a: {  	v39 =	vor.u32 $0x5, v2;
	v7 =	vmovc v12;
	v12 =	vmov v35;
	v34 =	vld [tilespmem:s1+$0xFFFFFF40];
	v38 =	vunpack.i.l.bf16.f32 v45;
	[tilespmem:s4+$0xFFFFFF20] =	vst v33  }
0x42b: {  	v33 =	vld.idx.msk [tilespmem:v28+s31+$0x0], $0xffff;
	v28 =	vunpack.i.u.bf16.f32 v45;
	v35 =	vmul.f32 v38, v46;
	[tilespmem:s4+$0xFFFFFF30] =	vst v36  }
0x42c: {  	v44 =	vor.u32 $0xB, v1;
	v36 =	vmul.f32 v28, v46;
	v43 =	vld [tilespmem:s19+$0xFFFFFFA0];
	v38 =	vunpack.i.l.bf16.f32 v42;
	[tilespmem:s10+$0xFFFFFF80] =	vst v27  }
0x42d: {  	v27 =	vunpack.i.u.bf16.f32 v42;
	[tilespmem:s23+$0x80] =	vst v35;
	v28 =	vld.idx.msk [tilespmem:v21+s31+$0x0], $0xffff;
	v35 =	vmul.f32 v38, v41;
	v42 =	vunpack.i.u.bf16.f32 v37;
	v21 =	vmovc v30  }
.Ltmp4:
0x42e: {  	v30 =	vmul.f32 v27, v41;
	[tilespmem:s23+$0x90] =	vst v36;
	v36 =	vunpack.i.l.bf16.f32 v37;
	v27 =	vld.idx.msk [tilespmem:v3+s31+$0x0], $0xffff;
	v3 =	vmovc v4;
	v4 =	vmov v5;
	(pc) =	sbr.rel @p1 .LBB2_7-.Ltmp4, $4  }
0x42f: {  	v5 =	vmovc v10;
	v41 =	vunpack.i.u.bf16.f32 v34;
	v34 =	vunpack.i.l.bf16.f32 v34;
	v37 =	vld.idx.msk [tilespmem:v39+s31+$0x0], $0xffff;
	[tilespmem:s4+$0x140] =	vst v35;
	v36 =	vmul.f32 v36, v31  }
0x430: {  	v10 =	vmov v32;
	v38 =	vld [tilespmem:s1+$0x50];
	[tilespmem:s4+$0x150] =	vst v30;
	v30 =	vmul.f32 v42, v31  }
0x431: {  	v34 =	vmul.f32 v34, v33;
	v39 =	vmul.f32 v41, v33;
	v31 =	vunpack.i.u.bf16.f32 v43;
	v32 =	vld.idx.msk [tilespmem:v44+s31+$0x0], $0xffff;
	[tilespmem:s10+$0xFFFFFF90] =	vst v40  }
0x432: {  	s3 =	sadd.s32 $0x20, s3;
	v33 =	vunpack.i.l.bf16.f32 v43;
	v35 =	vld [tilespmem:s19+$0xB0];
	[tilespmem:s18+$0xFFFFFFC0] =	vst v36  }
0x433: {  	_ =	sdelay $0x1  }
0x434: {  	v36 =	vunpack.i.l.bf16.f32 v38  }
0x435: {  	[tilespmem:s23+$0xFFFFFE80] =	vst v34;
	v61 =	vor.u32 $0x6, v2;
	v62 =	vunpack.i.u.bf16.f32 v38;
	v36 =	vmul.f32 v36, v37  }
0x436: {  	[tilespmem:s23+$0xFFFFFE90] =	vst v39;
	v63 =	vmul.f32 v62, v37  }
0x437: {  	v40 =	vld [tilespmem:s1+$0xFFFFFF50];
	[tilespmem:s23+$0xA0] =	vst v36  }
0x438: {  	v26 =	vld.idx.msk [tilespmem:v26+s31+$0x0], $0xffff;
	[tilespmem:s23+$0xB0] =	vst v63  }
0x439: {  	v36 =	vld [tilespmem:s22+$0x60]  }
0x43a: {  	v34 =	vld.idx.msk [tilespmem:v61+s31+$0x0], $0xffff;
	_ =	sdelay $0x1  }
0x43b: {  	v41 =	vunpack.i.l.bf16.f32 v40  }
0x43c: {  	v38 =	vunpack.i.u.bf16.f32 v40;
	v37 =	vmul.f32 v41, v26  }
0x43d: {  	v26 =	vmul.f32 v38, v26;
	v42 =	vunpack.i.l.bf16.f32 v36  }
0x43e: {  	v43 =	vor.u32 $0x7, v2;
	[tilespmem:s23+$0xFFFFFEA0] =	vst v37;
	v36 =	vunpack.i.u.bf16.f32 v36;
	v38 =	vmul.f32 v42, v34  }
0x43f: {  	[tilespmem:s23+$0xFFFFFEB0] =	vst v26;
	v44 =	vmul.f32 v36, v34  }
0x440: {  	v45 =	vld [tilespmem:s22+$0xFFFFFF60];
	[tilespmem:s20+$0xC0] =	vst v38  }
0x441: {  	v25 =	vld.idx.msk [tilespmem:v25+s31+$0x0], $0xffff;
	[tilespmem:s20+$0xD0] =	vst v44  }
0x442: {  	v26 =	vld [tilespmem:s22+$0x70]  }
0x443: {  	v46 =	vld.idx.msk [tilespmem:v43+s31+$0x0], $0xffff;
	_ =	sdelay $0x1  }
0x444: {  	v47 =	vunpack.i.l.bf16.f32 v45  }
0x445: {  	v34 =	vunpack.i.u.bf16.f32 v45;
	v37 =	vmul.f32 v47, v25  }
0x446: {  	v25 =	vmul.f32 v34, v25;
	v48 =	vunpack.i.l.bf16.f32 v26  }
0x447: {  	v49 =	vor.u32 $0x8, v2;
	[tilespmem:s20+$0xFFFFFEC0] =	vst v37;
	v26 =	vunpack.i.u.bf16.f32 v26;
	v34 =	vmul.f32 v48, v46  }
0x448: {  	[tilespmem:s20+$0xFFFFFED0] =	vst v25;
	v50 =	vmul.f32 v26, v46  }
0x449: {  	v51 =	vld [tilespmem:s22+$0xFFFFFF70];
	[tilespmem:s20+$0xE0] =	vst v34  }
0x44a: {  	v24 =	vld.idx.msk [tilespmem:v24+s31+$0x0], $0xffff;
	[tilespmem:s20+$0xF0] =	vst v50  }
0x44b: {  	v25 =	vld [tilespmem:s22+$0x80]  }
0x44c: {  	v34 =	vld.idx.msk [tilespmem:v49+s31+$0x0], $0xffff;
	_ =	sdelay $0x1  }
0x44d: {  	v52 =	vunpack.i.l.bf16.f32 v51  }
0x44e: {  	v26 =	vunpack.i.u.bf16.f32 v51;
	v36 =	vmul.f32 v52, v24  }
0x44f: {  	v24 =	vmul.f32 v26, v24;
	v53 =	vunpack.i.l.bf16.f32 v25  }
0x450: {  	v54 =	vor.u32 $0x9, v2;
	[tilespmem:s20+$0xFFFFFEE0] =	vst v36;
	v25 =	vunpack.i.u.bf16.f32 v25;
	v26 =	vmul.f32 v53, v34  }
0x451: {  	[tilespmem:s20+$0xFFFFFEF0] =	vst v24;
	v55 =	vmul.f32 v25, v34  }
0x452: {  	v56 =	vld [tilespmem:s22+$0xFFFFFF80];
	[tilespmem:s20+$0x100] =	vst v26  }
0x453: {  	v23 =	vld.idx.msk [tilespmem:v23+s31+$0x0], $0xffff;
	[tilespmem:s20+$0x110] =	vst v55  }
0x454: {  	v24 =	vld [tilespmem:s22+$0x90]  }
0x455: {  	v26 =	vld.idx.msk [tilespmem:v54+s31+$0x0], $0xffff;
	_ =	sdelay $0x1  }
0x456: {  	v57 =	vunpack.i.l.bf16.f32 v56  }
0x457: {  	v25 =	vunpack.i.u.bf16.f32 v56;
	v34 =	vmul.f32 v57, v23  }
0x458: {  	v23 =	vmul.f32 v25, v23;
	v58 =	vunpack.i.l.bf16.f32 v24  }
0x459: {  	v59 =	vor.u32 $0xA, v2;
	[tilespmem:s20+$0xFFFFFF00] =	vst v34;
	v24 =	vunpack.i.u.bf16.f32 v24;
	v25 =	vmul.f32 v58, v26  }
0x45a: {  	[tilespmem:s20+$0xFFFFFF10] =	vst v23;
	v61 =	vmul.f32 v24, v26  }
0x45b: {  	v41 =	vld [tilespmem:s22+$0xFFFFFF90];
	[tilespmem:s20+$0x120] =	vst v25  }
0x45c: {  	v60 =	vunpack.i.l.bf16.f32 v35;
	v22 =	vld.idx.msk [tilespmem:v22+s31+$0x0], $0xffff;
	[tilespmem:s20+$0x130] =	vst v61  }
0x45d: {  	v62 =	vor.u32 $0xC, v1;
	v63 =	vunpack.i.u.bf16.f32 v35;
	v40 =	vmul.f32 v60, v32;
	v23 =	vld [tilespmem:s22+$0xA0]  }
0x45e: {  	v42 =	vmul.f32 v63, v32;
	v43 =	vld.idx.msk [tilespmem:v59+s31+$0x0], $0xffff  }
0x45f: {  	[tilespmem:s4+$0x160] =	vst v40  }
0x460: {  	[tilespmem:s4+$0x170] =	vst v42;
	v45 =	vunpack.i.l.bf16.f32 v41  }
0x461: {  	v44 =	vld [tilespmem:s19+$0xC0];
	v46 =	vunpack.i.u.bf16.f32 v41;
	v32 =	vmul.f32 v45, v22  }
0x462: {  	v24 =	vld.idx.msk [tilespmem:v62+s31+$0x0], $0xffff;
	v22 =	vmul.f32 v46, v22;
	v47 =	vunpack.i.l.bf16.f32 v23  }
0x463: {  	v48 =	vor.u32 $0xB, v2;
	[tilespmem:s20+$0xFFFFFF20] =	vst v32;
	v23 =	vunpack.i.u.bf16.f32 v23;
	v34 =	vmul.f32 v47, v43  }
0x464: {  	[tilespmem:s20+$0xFFFFFF30] =	vst v22;
	v50 =	vmul.f32 v23, v43  }
0x465: {  	v54 =	vld [tilespmem:s22+$0xFFFFFFA0];
	[tilespmem:s20+$0x140] =	vst v34  }
0x466: {  	v49 =	vunpack.i.l.bf16.f32 v44;
	v21 =	vld.idx.msk [tilespmem:v21+s31+$0x0], $0xffff;
	[tilespmem:s20+$0x150] =	vst v50  }
0x467: {  	v51 =	vor.u32 $0xD, v1;
	v52 =	vunpack.i.u.bf16.f32 v44;
	v53 =	vmul.f32 v49, v24;
	v22 =	vld [tilespmem:s22+$0xB0]  }
0x468: {  	v24 =	vmul.f32 v52, v24;
	v55 =	vld.idx.msk [tilespmem:v48+s31+$0x0], $0xffff  }
0x469: {  	v56 =	vmul.f32 v33, v28;
	[tilespmem:s4+$0x180] =	vst v53  }
0x46a: {  	v57 =	vmul.f32 v31, v28;
	[tilespmem:s4+$0x190] =	vst v24;
	v58 =	vunpack.i.l.bf16.f32 v54  }
0x46b: {  	[tilespmem:s4+$0xFFFFFF40] =	vst v56;
	v26 =	vld [tilespmem:s19+$0xD0];
	v59 =	vunpack.i.u.bf16.f32 v54;
	v31 =	vmul.f32 v58, v21  }
0x46c: {  	[tilespmem:s4+$0xFFFFFF50] =	vst v57;
	v23 =	vld.idx.msk [tilespmem:v51+s31+$0x0], $0xffff;
	v21 =	vmul.f32 v59, v21;
	v60 =	vunpack.i.l.bf16.f32 v22  }
0x46d: {  	v28 =	vld [tilespmem:s19+$0xFFFFFFB0];
	v61 =	vor.u32 $0xC, v2;
	[tilespmem:s20+$0xFFFFFF40] =	vst v31;
	v22 =	vunpack.i.u.bf16.f32 v22;
	v25 =	vmul.f32 v60, v55  }
0x46e: {  	v13 =	vld.idx.msk [tilespmem:v13+s31+$0x0], $0xffff;
	[tilespmem:s20+$0xFFFFFF50] =	vst v21;
	v63 =	vmul.f32 v22, v55  }
0x46f: {  	v39 =	vld [tilespmem:s22+$0xFFFFFFB0];
	[tilespmem:s20+$0x160] =	vst v25  }
0x470: {  	v62 =	vunpack.i.l.bf16.f32 v26;
	v18 =	vld.idx.msk [tilespmem:v18+s31+$0x0], $0xffff;
	[tilespmem:s20+$0x170] =	vst v63  }
0x471: {  	[tilespmem:s18+$0xFFFFFFD0] =	vst v30;
	v36 =	vor.u32 $0xE, v1;
	v37 =	vunpack.i.u.bf16.f32 v26;
	v38 =	vmul.f32 v62, v23;
	v21 =	vld [tilespmem:s22+$0xC0]  }
0x472: {  	[tilespmem:s10+$0x1E0] =	vst v29;
	v40 =	vunpack.i.l.bf16.f32 v28;
	v23 =	vmul.f32 v37, v23;
	v41 =	vld.idx.msk [tilespmem:v61+s31+$0x0], $0xffff  }
0x473: {  	v8 =	vld.idx.msk [tilespmem:v8+s31+$0x0], $0xffff;
	v42 =	vunpack.i.u.bf16.f32 v28;
	v24 =	vmul.f32 v40, v13;
	[tilespmem:s4+$0x1A0] =	vst v38  }
0x474: {  	v44 =	vld [tilespmem:s9+$0xFFFFFFD0];
	v13 =	vmul.f32 v42, v13;
	[tilespmem:s4+$0x1B0] =	vst v23;
	v43 =	vunpack.i.l.bf16.f32 v39  }
0x475: {  	[tilespmem:s4+$0xFFFFFF60] =	vst v24;
	v26 =	vld [tilespmem:s19+$0xE0];
	v45 =	vunpack.i.u.bf16.f32 v39;
	v25 =	vmul.f32 v43, v18  }
0x476: {  	[tilespmem:s4+$0xFFFFFF70] =	vst v13;
	v22 =	vld.idx.msk [tilespmem:v36+s31+$0x0], $0xffff;
	v18 =	vmul.f32 v45, v18;
	v46 =	vunpack.i.l.bf16.f32 v21  }
0x477: {  	v47 =	vld [tilespmem:s19+$0xFFFFFFC0];
	v48 =	vor.u32 $0xD, v2;
	[tilespmem:s20+$0xFFFFFF60] =	vst v25;
	v21 =	vunpack.i.u.bf16.f32 v21;
	v13 =	vmul.f32 v46, v41  }
0x478: {  	v11 =	vld.idx.msk [tilespmem:v11+s31+$0x0], $0xffff;
	[tilespmem:s20+$0xFFFFFF70] =	vst v18;
	v21 =	vmul.f32 v21, v41  }
0x479: {  	v1 =	vor.u32 $0xF, v1;
	v53 =	vunpack.i.l.bf16.f32 v44;
	v54 =	vunpack.i.u.bf16.f32 v44;
	v52 =	vld [tilespmem:s22+$0xFFFFFFC0];
	[tilespmem:s20+$0x180] =	vst v13  }
0x47a: {  	v55 =	vmul.f32 v53, v8;
	v8 =	vmul.f32 v54, v8;
	v49 =	vunpack.i.l.bf16.f32 v26;
	v14 =	vld.idx.msk [tilespmem:v14+s31+$0x0], $0xffff;
	[tilespmem:s20+$0x190] =	vst v21  }
0x47b: {  	[tilespmem:s13+$0xFFFFFFE0] =	vst v20;
	v50 =	vunpack.i.u.bf16.f32 v26;
	v51 =	vmul.f32 v49, v22;
	v56 =	vld [tilespmem:s22+$0xD0]  }
0x47c: {  	v24 =	vunpack.i.u.bf16.f32 v47;
	[tilespmem:s10+$0xFFFFFFB0] =	vst v8;
	v18 =	vmul.f32 v50, v22;
	v58 =	vld.idx.msk [tilespmem:v48+s31+$0x0], $0xffff  }
0x47d: {  	v57 =	vunpack.i.l.bf16.f32 v47;
	v60 =	vmul.f32 v24, v11;
	[tilespmem:s4+$0x1C0] =	vst v51  }
0x47e: {  	[tilespmem:s4+$0x1D0] =	vst v18;
	v18 =	vmul.f32 v57, v11;
	v61 =	vunpack.i.l.bf16.f32 v52  }
0x47f: {  	[tilespmem:s4+$0xFFFFFF90] =	vst v60;
	v1 =	vld.idx.msk [tilespmem:v1+s31+$0x0], $0xffff;
	v13 =	vunpack.i.u.bf16.f32 v52;
	v11 =	vmul.f32 v61, v14  }
0x480: {  	v59 =	vld [tilespmem:s19+$0xF0];
	[tilespmem:s4+$0xFFFFFF80] =	vst v18;
	v13 =	vmul.f32 v13, v14;
	v63 =	vunpack.i.l.bf16.f32 v56  }
0x481: {  	v26 =	vor.u32 $0xE, v2;
	v25 =	vld [tilespmem:s19+$0xFFFFFFD0];
	[tilespmem:s20+$0xFFFFFF80] =	vst v11;
	v23 =	vunpack.i.u.bf16.f32 v56;
	v8 =	vmul.f32 v63, v58  }
0x482: {  	v9 =	vld.idx.msk [tilespmem:v9+s31+$0x0], $0xffff;
	[tilespmem:s20+$0xFFFFFF90] =	vst v13;
	v28 =	vmul.f32 v23, v58  }
0x483: {  	v29 =	vld [tilespmem:s22+$0xFFFFFFD0];
	[tilespmem:s20+$0x1A0] =	vst v8  }
0x484: {  	v31 =	vld.idx.msk [tilespmem:v16+s31+$0x0], $0xffff;
	[tilespmem:s20+$0x1B0] =	vst v28  }
0x485: {  	[tilespmem:s13+$0xFFFFFFF0] =	vst v19;
	v46 =	vmul.f32 v17, v27;
	v30 =	vunpack.i.u.bf16.f32 v59;
	v33 =	vld [tilespmem:s22+$0xE0]  }
0x486: {  	[tilespmem:s10+$0xFFFFFFA0] =	vst v55;
	v13 =	vmul.f32 v30, v1;
	v34 =	vunpack.i.l.bf16.f32 v25;
	v18 =	vld.idx.msk [tilespmem:v26+s31+$0x0], $0xffff  }
0x487: {  	v3 =	vld.idx.msk [tilespmem:v3+s31+$0x0], $0xffff;
	[tilespmem:s14+$0xFFFFFFE0] =	vst v46;
	v35 =	vunpack.i.u.bf16.f32 v25;
	v36 =	vmul.f32 v34, v9  }
0x488: {  	v62 =	vld [tilespmem:s9+$0xFFFFFFE0];
	[tilespmem:s4+$0x1F0] =	vst v13;
	v9 =	vmul.f32 v35, v9;
	v37 =	vunpack.i.l.bf16.f32 v29  }
0x489: {  	v6 =	vld.idx.msk [tilespmem:v6+s31+$0x0], $0xffff;
	[tilespmem:s4+$0xFFFFFFA0] =	vst v36;
	v8 =	vunpack.i.u.bf16.f32 v29;
	v13 =	vmul.f32 v37, v31  }
0x48a: {  	v49 =	vld [tilespmem:s17+$0xFFFFFFF0];
	[tilespmem:s4+$0xFFFFFFB0] =	vst v9;
	v8 =	vmul.f32 v8, v31;
	v38 =	vunpack.i.l.bf16.f32 v33  }
0x48b: {  	v2 =	vor.u32 $0xF, v2;
	v41 =	vld [tilespmem:s19+$0xFFFFFFE0];
	[tilespmem:s20+$0xFFFFFFA0] =	vst v13;
	v39 =	vunpack.i.u.bf16.f32 v33;
	v40 =	vmul.f32 v38, v18  }
0x48c: {  	v7 =	vld.idx.msk [tilespmem:v7+s31+$0x0], $0xffff;
	[tilespmem:s20+$0xFFFFFFB0] =	vst v8;
	v9 =	vmul.f32 v39, v18  }
0x48d: {  	v48 =	vmul.f32 v15, v27;
	v43 =	vunpack.i.l.bf16.f32 v59;
	v44 =	vld [tilespmem:s22+$0xFFFFFFE0];
	[tilespmem:s20+$0x1C0] =	vst v40  }
0x48e: {  	v32 =	vunpack.i.l.bf16.f32 v62;
	v1 =	vmul.f32 v43, v1;
	v45 =	vld.idx.msk [tilespmem:v12+s31+$0x0], $0xffff;
	[tilespmem:s20+$0x1D0] =	vst v9  }
0x48f: {  	v42 =	vunpack.i.u.bf16.f32 v62;
	[tilespmem:s14+$0xFFFFFFF0] =	vst v48;
	v16 =	vmul.f32 v32, v6;
	v47 =	vld [tilespmem:s22+$0xF0]  }
0x490: {  	v6 =	vmul.f32 v42, v6;
	[tilespmem:s4+$0x1E0] =	vst v1;
	v1 =	vld.idx.msk [tilespmem:v2+s31+$0x0], $0xffff;
	v2 =	vunpack.i.l.bf16.f32 v41  }
0x491: {  	[tilespmem:s10+$0xFFFFFFC0] =	vst v16;
	v50 =	vunpack.i.u.bf16.f32 v41;
	v2 =	vmul.f32 v2, v7  }
0x492: {  	[tilespmem:s10+$0xFFFFFFD0] =	vst v6;
	v51 =	vunpack.i.l.bf16.f32 v44;
	v7 =	vmul.f32 v50, v7  }
0x493: {  	v52 =	vld [tilespmem:s9+$0xFFFFFFF0];
	v9 =	vmul.f32 v51, v45;
	[tilespmem:s4+$0xFFFFFFC0] =	vst v2;
	v2 =	vunpack.i.u.bf16.f32 v44  }
0x494: {  	v56 =	vunpack.i.l.bf16.f32 v49;
	v4 =	vld.idx.msk [tilespmem:v4+s31+$0x0], $0xffff;
	[tilespmem:s4+$0xFFFFFFD0] =	vst v7;
	v2 =	vmul.f32 v2, v45  }
0x495: {  	v57 =	vmul.f32 v56, v3;
	[tilespmem:s20+$0xFFFFFFC0] =	vst v9;
	v55 =	vld [tilespmem:s19+$0xFFFFFFF0];
	v53 =	vunpack.i.u.bf16.f32 v47;
	v6 =	vunpack.i.l.bf16.f32 v47  }
0x496: {  	v5 =	vld.idx.msk [tilespmem:v5+s31+$0x0], $0xffff;
	v54 =	vmul.f32 v53, v1;
	v1 =	vmul.f32 v6, v1;
	[tilespmem:s20+$0xFFFFFFD0] =	vst v2  }
0x497: {  	[tilespmem:s18+$0xFFFFFFE0] =	vst v57;
	v2 =	vunpack.i.u.bf16.f32 v49;
	v58 =	vld [tilespmem:s22+$0xFFFFFFF0]  }
0x498: {  	v2 =	vmul.f32 v2, v3;
	v3 =	vunpack.i.l.bf16.f32 v52;
	[tilespmem:s20+$0x1E0] =	vst v1;
	v1 =	vld.idx.msk [tilespmem:v10+s31+$0x0], $0xffff  }
0x499: {  	v59 =	vunpack.i.u.bf16.f32 v52;
	[tilespmem:s20+$0x1F0] =	vst v54;
	v3 =	vmul.f32 v3, v4  }
0x49a: {  	[tilespmem:s18+$0xFFFFFFF0] =	vst v2;
	v2 =	vmul.f32 v59, v4;
	v60 =	vunpack.i.l.bf16.f32 v55  }
0x49b: {  	v61 =	vunpack.i.u.bf16.f32 v55;
	[tilespmem:s10+$0xFFFFFFE0] =	vst v3;
	v3 =	vmul.f32 v60, v5  }
0x49c: {  	[tilespmem:s10+$0xFFFFFFF0] =	vst v2;
	v2 =	vmul.f32 v61, v5;
	v62 =	vunpack.i.l.bf16.f32 v58  }
.Ltmp5:
0x49d: {  	v63 =	vunpack.i.u.bf16.f32 v58;
	[tilespmem:s4+$0xFFFFFFE0] =	vst v3;
	v3 =	vmul.f32 v62, v1;
	(pc) =	sbr.rel @p0 .LBB2_10-.Ltmp5, $4  }
0x49e: {  	[tilespmem:s4+$0xFFFFFFF0] =	vst v2;
	v1 =	vmul.f32 v63, v1  }
0x49f: {  	[tilespmem:s20+$0xFFFFFFE0] =	vst v3  }
0x4a0: {  	[tilespmem:s20+$0xFFFFFFF0] =	vst v1  }
0x4a1: {  	[spmem:s29] =	stream.indirect.scatter.add.f32 [tilespmem:s21], [sflag:$0x2], $0x20, s30, s26, $0xb8;
	[tilespmem:$0x14C00] =	vst v63  }
0x4a2: {  	_ =	swait.ge [sflag:s25], $0x200  }
0x4a3: {  	[sflag:s25] =	ssyncset.done $0x0  }
0x4a4: {  	[sflag:s25] =	ssyncadd.s32 $0xFFFFFE00  }
0x4a5: {  	_ =	swait.ge [sflag:s25], $0x200  }
0x4a6: {  	[sflag:s25] =	ssyncset.done $0x0  }
.Ltmp6:
0x4a7: {  	[sflag:s25] =	ssyncadd.s32 $0xFFFFFE00;
	(pc) =	sbr.rel .LBB2_4-.Ltmp6, $4  }
0x4a8: {  	_ =	swait.ge [sflag:s25], $0x200  }
0x4a9: {  	s1 =	simm.s32 $0x14000;
	[sflag:s25] =	ssyncset.done $0x0  }
0x4aa: {  	s2 =	simm.s32 $0xC000;
	s12 =	sadd.s32 $0x1, s12;
	[sflag:s25] =	ssyncadd.s32 $0xFFFFFE00  }
0x4ab: {  	[tilespmem:s2], [sflag:$0x1] =	stream.indirect.gather [spmem:s16], $0x10, s1, s26, $0xb8;
	[tilespmem:$0x14C00] =	vst v63  }
.LBB2_11:
0x4ac: {  	_ =	sfence.sel $0x180000  }
0x4ad: {  	[bflag:$0x0] =	sbarrier.arrive $0xFFFF  }
0x4ae: {  	_ =	strace $0x90000047  }
0x4af: {  	s0 =	stileid.u32;
	[bflag:$0x2] =	sbarrier.arrive $0xFFFF  }
0x4b0: {  	p0 =	sne.s32 s0, $0x0;
	s0 =	rddreg [dreg:$0x4]  }
0x4b1: {  	s0 =	sadd.s32 @!p0 $0x100000, s0  }
0x4b2: {  	[sflag:s0] =	ssyncadd.tile.s32 @!p0 $0x1;
	_ =	shalt  }
.Lfunc_end2:
_tile_overlayer_lowered:
.L_overlay_start_2:
0x4b3: {  	(tag) =	ssettag $0x2  }
0x4b4: {  	s0 =	rddreg [dreg:$0x0];
	s2 =	stileid.u32  }
0x4b5: {  	s1 =	rddreg [dreg:$0x1];
	p0 =	sne.s32 s2, $0x0  }
0x4b6: {  	s3 =	rddreg [dreg:$0x2];
	[bflag:$0x3] =	sbarrier.arrive $0xFFFF;
	s2 =	simm.s32 @!p0 $0x1C04  }
0x4b7: {  	[timem:s3], [sflag:s2] =	dma.local @!p0 [hbm:s0], s1  }
0x4b8: {  	s0 =	simm.s32 @!p0 $0x4  }
0x4b9: {  	_ =	swait.ge @!p0 [sflag:s0], s1  }
0x4ba: {  	s1 =	ssub.s32 @!p0 $0x0, s1;
	[sflag:s0] =	ssyncset.done @!p0 $0x0  }
0x4bb: {  	[sflag:s0] =	ssyncadd.s32 @!p0 s1  }
0x4bc: {  	[bflag:$0x3] =	sbarrier.arrive $0xFFFF  }
0x4bd: {  	_ =	shalt  }

</sc_bundles>
